<compile_context>
chip_gen: v7x
topology: tpu7x:2x2x1
jax: 0.10.2.dev20260603
libtpu: 0.0.44.dev20260713+nightly
codegen_flags: <defaults>
</compile_context>

<pallas_src>
import functools

import jax
import jax.numpy as jnp
from jax import lax
from jax.experimental import pallas as pl
from jax.experimental.pallas import tpu as pltpu
from jax.experimental.pallas import tpu_sc as plsc

NC = 2
NS = 16
L = 16
NW = NC * NS

NA, NB, NR, NCOL = 25, 128, 8, 128
NJ, NT, NE = 200, 128, 4
TT = 32
UNITS = NJ * (NT // TT)
PER_W = UNITS // NW


def _make_embed():
    mesh = plsc.VectorSubcoreMesh(
        core_axis_name="c", subcore_axis_name="s", num_cores=NC, num_subcores=NS
    )

    @functools.partial(
        pl.kernel,
        out_type=jax.ShapeDtypeStruct((NJ, NT, NE, NCOL), jnp.float32),
        mesh=mesh,
        compiler_params=pltpu.CompilerParams(needs_layout_passes=False),
        scratch_types=[
            pltpu.VMEM((TT, NCOL), jnp.int32),
            pltpu.VMEM((TT, NCOL), jnp.int32),
            pltpu.VMEM((TT, NE, NCOL), jnp.float32),
            pltpu.VMEM((TT, NE, NCOL), jnp.float32),
            pltpu.VMEM((32,), jnp.float32),
            pltpu.SemaphoreType.DMA,
            pltpu.SemaphoreType.DMA,
            pltpu.SemaphoreType.DMA,
            pltpu.SemaphoreType.DMA,
        ],
    )
    def _embed(xP, tbl_hbm, oP, idx0, idx1, out0, out1, tbl_v, si0, si1, so0, so1):
        wid = lax.axis_index("s") * NC + lax.axis_index("c")
        pltpu.sync_copy(tbl_hbm, tbl_v)
        u0 = wid * PER_W

        def slabs(u):
            j = u // (NT // TT)
            tc = u % (NT // TT)
            a = j // NR
            r = j % NR
            t0 = tc * TT
            return (
                xP.at[a, pl.ds(t0, TT), r],
                oP.at[j, pl.ds(t0, TT)],
            )

        def start_in(u, ib, sem):
            src, _ = slabs(u)
            pltpu.async_copy(src, ib, sem)

        def wait_in(u, ib, sem):
            src, _ = slabs(u)
            pltpu.make_async_copy(src, ib, sem).wait()

        def start_out(u, ob, sem):
            _, dst = slabs(u)
            pltpu.async_copy(ob, dst, sem)

        def wait_out(u, ob, sem):
            _, dst = slabs(u)
            pltpu.make_async_copy(ob, dst, sem).wait()

        def compute(idx_v, out_v):
            @plsc.parallel_loop(0, TT, unroll=4)
            def tbody(t):
                for ck in range(NCOL // L):
                    iv = idx_v[t, pl.ds(ck * L, L)]
                    for d in range(NE):
                        gi = iv if d == 0 else iv + (8 * d)
                        g = plsc.load_gather(tbl_v, [gi])
                        out_v[t, d, pl.ds(ck * L, L)] = g

        start_in(u0, idx0, si0)

        def pair(g, carry):
            ua = u0 + 2 * g
            start_in(ua + 1, idx1, si1)
            wait_in(ua, idx0, si0)
            pl.when(g > 0)(lambda: wait_out(ua - 2, out0, so0))
            compute(idx0, out0)
            start_out(ua, out0, so0)

            ub = ua + 1
            start_in(ub + 1, idx0, si0)
            wait_in(ub, idx1, si1)
            pl.when(g > 0)(lambda: wait_out(ub - 2, out1, so1))
            compute(idx1, out1)
            start_out(ub, out1, so1)
            return carry

        lax.fori_loop(0, (PER_W - 1) // 2, pair, 0)

        ul = u0 + PER_W - 1
        wait_in(ul, idx0, si0)
        wait_out(ul - 2, out0, so0)
        compute(idx0, out0)
        start_out(ul, out0, so0)
        wait_out(ul - 1, out1, so1)
        wait_out(ul, out0, so0)

    return _embed


_EMBED = None


def kernel(x, table):
    global _EMBED
    assert x.shape == (16384, 200) and table.shape == (7, 4)
    if _EMBED is None:
        _EMBED = _make_embed()
    xP = x.astype(jnp.int32).reshape(NB, NCOL, NA, NR).transpose(2, 0, 3, 1)
    tcol = jnp.pad(table.T, ((0, 0), (0, 1))).reshape(32)
    oP = _EMBED(xP, tcol)
    return oP.transpose(1, 3, 0, 2).reshape(16384, 200, 4)

# --- scband reference (transcript-rebuilt; emitter-appended) ---
"""Pipeline reference for scband-day-embedding-14903536517254 (READ-ONLY COPY).

The authoritative reference and input builder live on the scoring server;
editing this copy changes nothing except your own understanding.
"""

import jax, jax.numpy as jnp
import numpy as np

VOCAB = 7
EMBED = 4

def setup_inputs(seed: int = 0) -> dict:
    key = jax.random.key(seed)
    k1, k2 = jax.random.split(key)
    x = jax.random.randint(k1, (16384, 200), 0, VOCAB, dtype=jnp.int64 if jax.config.jax_enable_x64 else jnp.int32)
    table = jax.random.normal(k2, (VOCAB, EMBED), dtype=jnp.float32)
    return {"x": x, "table": table}

def reference(x, table):
    # nn.Embedding forward: gather rows of the table by index
    return jnp.take(table, x, axis=0)

if __name__ == "__main__":
    import jax
    _d = setup_inputs()
    print(jax.jit(kernel)(*tuple(_d.values())))

</pallas_src>

<mosaic_0001>
#map = affine_map<(d0, d1) -> (0, 0, 0, 0)>
#map1 = affine_map<(d0, d1) -> (0)>
module attributes {stable_mosaic.version = 14 : i64} {
  func.func @_embed(%arg0: i32, %arg1: i32, %arg2: memref<25x128x8x128xi32, #tpu.memory_space<hbm>>, %arg3: memref<32xf32, #tpu.memory_space<hbm>>, %arg4: memref<200x128x4x128xf32, #tpu.memory_space<hbm>>, %arg5: memref<32x128xi32, #tpu.memory_space<vmem>>, %arg6: memref<32x128xi32, #tpu.memory_space<vmem>>, %arg7: memref<32x4x128xf32, #tpu.memory_space<vmem>>, %arg8: memref<32x4x128xf32, #tpu.memory_space<vmem>>, %arg9: memref<32xf32, #tpu.memory_space<vmem>>, %arg10: memref<!tpu.dma_semaphore, #tpu.memory_space<semaphore_mem>>, %arg11: memref<!tpu.dma_semaphore, #tpu.memory_space<semaphore_mem>>, %arg12: memref<!tpu.dma_semaphore, #tpu.memory_space<semaphore_mem>>, %arg13: memref<!tpu.dma_semaphore, #tpu.memory_space<semaphore_mem>>) attributes {dimension_semantics = [#tpu.dimension_semantics<core_parallel>, #tpu.dimension_semantics<subcore_parallel>], iteration_bounds = array<i64: 2, 16>, scalar_prefetch = 0 : i64, scratch_operands = 9 : i64, tpu.core_type = #tpu.core_type<sc_vector_subcore>, window_params = [{transform_indices = #map}, {transform_indices = #map1}, {transform_indices = #map}]} {
    %mul3A = arith.constant 2 : i32
    %mul3A_0 = arith.muli %arg1, %mul3A : i32
    %add3A = arith.addi %mul3A_0, %arg0 : i32
    "tpu.region"() ({
      %run_scoped3A = tpu.sem_alloc : memref<!tpu.dma_semaphore, #tpu.memory_space<semaphore_mem>>
      tpu.enqueue_dma source(%arg3 : memref<32xf32, #tpu.memory_space<hbm>>) target(%arg9 : memref<32xf32, #tpu.memory_space<vmem>>) target_semaphore(%run_scoped3A : memref<!tpu.dma_semaphore, #tpu.memory_space<semaphore_mem>>)
      tpu.wait_dma2 semaphore(%run_scoped3A : memref<!tpu.dma_semaphore, #tpu.memory_space<semaphore_mem>>) src(%arg3 : memref<32xf32, #tpu.memory_space<hbm>>) dst(%arg9 : memref<32xf32, #tpu.memory_space<vmem>>)
      tpu.yield
    }) : () -> ()
    %mul3A_1 = arith.constant 25 : i32
    %mul3A_2 = arith.muli %add3A, %mul3A_1 : i32
    %jit3A = arith.constant 4 : i32
    %div3A = arith.divsi %mul3A_2, %jit3A : i32
    %sign3A = arith.constant 0 : i32
    %sign3A_3 = arith.cmpi sgt, %mul3A_2, %sign3A : i32
    %sign3A_4 = arith.extui %sign3A_3 : i1 to i32
    %sign3A_5 = arith.constant 0 : i32
    %sign3A_6 = arith.cmpi slt, %mul3A_2, %sign3A_5 : i32
    %sign3A_7 = arith.extui %sign3A_6 : i1 to i32
    %sign3A_8 = arith.subi %sign3A_4, %sign3A_7 : i32
    %sign3A_9 = arith.constant 0 : i32
    %sign3A_10 = arith.cmpi sgt, %jit3A, %sign3A_9 : i32
    %sign3A_11 = arith.extui %sign3A_10 : i1 to i32
    %sign3A_12 = arith.constant 0 : i32
    %sign3A_13 = arith.cmpi slt, %jit3A, %sign3A_12 : i32
    %sign3A_14 = arith.extui %sign3A_13 : i1 to i32
    %sign3A_15 = arith.subi %sign3A_11, %sign3A_14 : i32
    %ne3A = arith.cmpi ne, %sign3A_8, %sign3A_15 : i32
    %rem3A = arith.remsi %mul3A_2, %jit3A : i32
    %ne3A_16 = arith.constant 0 : i32
    %ne3A_17 = arith.cmpi ne, %rem3A, %ne3A_16 : i32
    %and3A = arith.andi %ne3A, %ne3A_17 : i1
    %sub3A = arith.constant 1 : i32
    %sub3A_18 = arith.subi %div3A, %sub3A : i32
    %select_n3A = arith.select %and3A, %sub3A_18, %div3A : i32
    %jit3A_19 = arith.constant 4 : i32
    %eq3A = arith.constant 0 : i32
    %eq3A_20 = arith.cmpi eq, %jit3A_19, %eq3A : i32
    %jit3A_21 = arith.constant 1 : i32
    %select_n3A_22 = arith.select %eq3A_20, %jit3A_21, %jit3A_19 : i32
    %rem3A_23 = arith.remsi %mul3A_2, %select_n3A_22 : i32
    %ne3A_24 = arith.constant 0 : i32
    %ne3A_25 = arith.cmpi ne, %rem3A_23, %ne3A_24 : i32
    %lt3A = arith.constant 0 : i32
    %lt3A_26 = arith.cmpi slt, %rem3A_23, %lt3A : i32
    %lt3A_27 = arith.constant 0 : i32
    %lt3A_28 = arith.cmpi slt, %select_n3A_22, %lt3A_27 : i32
    %ne3A_29 = arith.xori %lt3A_26, %lt3A_28 : i1
    %and3A_30 = arith.andi %ne3A_29, %ne3A_25 : i1
    %add3A_31 = arith.addi %rem3A_23, %select_n3A_22 : i32
    %select_n3A_32 = arith.select %and3A_30, %add3A_31, %rem3A_23 : i32
    %jit3A_33 = arith.constant 8 : i32
    %div3A_34 = arith.divsi %select_n3A, %jit3A_33 : i32
    %sign3A_35 = arith.constant 0 : i32
    %sign3A_36 = arith.cmpi sgt, %select_n3A, %sign3A_35 : i32
    %sign3A_37 = arith.extui %sign3A_36 : i1 to i32
    %sign3A_38 = arith.constant 0 : i32
    %sign3A_39 = arith.cmpi slt, %select_n3A, %sign3A_38 : i32
    %sign3A_40 = arith.extui %sign3A_39 : i1 to i32
    %sign3A_41 = arith.subi %sign3A_37, %sign3A_40 : i32
    %sign3A_42 = arith.constant 0 : i32
    %sign3A_43 = arith.cmpi sgt, %jit3A_33, %sign3A_42 : i32
    %sign3A_44 = arith.extui %sign3A_43 : i1 to i32
    %sign3A_45 = arith.constant 0 : i32
    %sign3A_46 = arith.cmpi slt, %jit3A_33, %sign3A_45 : i32
    %sign3A_47 = arith.extui %sign3A_46 : i1 to i32
    %sign3A_48 = arith.subi %sign3A_44, %sign3A_47 : i32
    %ne3A_49 = arith.cmpi ne, %sign3A_41, %sign3A_48 : i32
    %rem3A_50 = arith.remsi %select_n3A, %jit3A_33 : i32
    %ne3A_51 = arith.constant 0 : i32
    %ne3A_52 = arith.cmpi ne, %rem3A_50, %ne3A_51 : i32
    %and3A_53 = arith.andi %ne3A_49, %ne3A_52 : i1
    %sub3A_54 = arith.constant 1 : i32
    %sub3A_55 = arith.subi %div3A_34, %sub3A_54 : i32
    %select_n3A_56 = arith.select %and3A_53, %sub3A_55, %div3A_34 : i32
    %jit3A_57 = arith.constant 8 : i32
    %eq3A_58 = arith.constant 0 : i32
    %eq3A_59 = arith.cmpi eq, %jit3A_57, %eq3A_58 : i32
    %jit3A_60 = arith.constant 1 : i32
    %select_n3A_61 = arith.select %eq3A_59, %jit3A_60, %jit3A_57 : i32
    %rem3A_62 = arith.remsi %select_n3A, %select_n3A_61 : i32
    %ne3A_63 = arith.constant 0 : i32
    %ne3A_64 = arith.cmpi ne, %rem3A_62, %ne3A_63 : i32
    %lt3A_65 = arith.constant 0 : i32
    %lt3A_66 = arith.cmpi slt, %rem3A_62, %lt3A_65 : i32
    %lt3A_67 = arith.constant 0 : i32
    %lt3A_68 = arith.cmpi slt, %select_n3A_61, %lt3A_67 : i32
    %ne3A_69 = arith.xori %lt3A_66, %lt3A_68 : i1
    %and3A_70 = arith.andi %ne3A_69, %ne3A_64 : i1
    %add3A_71 = arith.addi %rem3A_62, %select_n3A_61 : i32
    %select_n3A_72 = arith.select %and3A_70, %add3A_71, %rem3A_62 : i32
    %mul3A_73 = arith.constant 32 : i32
    %mul3A_74 = arith.muli %select_n3A_32, %mul3A_73 : i32
    %dma_start3A = arith.constant 0 : i32
    %dma_start3A_75 = tpu.memref_slice %arg2[%select_n3A_56, %mul3A_74, %select_n3A_72, %dma_start3A] : memref<25x128x8x128xi32, #tpu.memory_space<hbm>> -> memref<1x32x1x128xi32, #tpu.memory_space<hbm>>
    %dma_start3A_76 = tpu.memref_squeeze %dma_start3A_75 : memref<1x32x1x128xi32, #tpu.memory_space<hbm>> -> memref<32x128xi32, #tpu.memory_space<hbm>>
    %dma_start3A_77 = arith.constant 0 : i32
    %dma_start3A_78 = tpu.memref_slice %arg2[%select_n3A_56, %mul3A_74, %select_n3A_72, %dma_start3A_77] : memref<25x128x8x128xi32, #tpu.memory_space<hbm>> -> memref<1x32x1x128xi32, #tpu.memory_space<hbm>>
    %dma_start3A_79 = tpu.memref_squeeze %dma_start3A_78 : memref<1x32x1x128xi32, #tpu.memory_space<hbm>> -> memref<32x128xi32, #tpu.memory_space<hbm>>
    tpu.enqueue_dma source(%dma_start3A_79 : memref<32x128xi32, #tpu.memory_space<hbm>>) target(%arg5 : memref<32x128xi32, #tpu.memory_space<vmem>>) target_semaphore(%arg10 : memref<!tpu.dma_semaphore, #tpu.memory_space<semaphore_mem>>)
    %scan3A = arith.constant 0 : i32
    %scan3A_80 = arith.constant 0 : i32
    %scan3A_81 = arith.constant 12 : i32
    %scan3A_82 = arith.addi %scan3A_80, %scan3A_81 : i32
    %scan3A_83 = arith.constant 1 : i32
    scf.for %scan3A_542 = %scan3A_80 to %scan3A_82 step %scan3A_83  : i32 {
      %mul3A_543 = arith.constant 2 : i32
      %mul3A_544 = arith.muli %mul3A_543, %scan3A_542 : i32
      %add3A_545 = arith.addi %mul3A_2, %mul3A_544 : i32
      %add3A_546 = arith.constant 1 : i32
      %add3A_547 = arith.addi %add3A_545, %add3A_546 : i32
      %jit3A_548 = arith.constant 4 : i32
      %div3A_549 = arith.divsi %add3A_547, %jit3A_548 : i32
      %sign3A_550 = arith.constant 0 : i32
      %sign3A_551 = arith.cmpi sgt, %add3A_547, %sign3A_550 : i32
      %sign3A_552 = arith.extui %sign3A_551 : i1 to i32
      %sign3A_553 = arith.constant 0 : i32
      %sign3A_554 = arith.cmpi slt, %add3A_547, %sign3A_553 : i32
      %sign3A_555 = arith.extui %sign3A_554 : i1 to i32
      %sign3A_556 = arith.subi %sign3A_552, %sign3A_555 : i32
      %sign3A_557 = arith.constant 0 : i32
      %sign3A_558 = arith.cmpi sgt, %jit3A_548, %sign3A_557 : i32
      %sign3A_559 = arith.extui %sign3A_558 : i1 to i32
      %sign3A_560 = arith.constant 0 : i32
      %sign3A_561 = arith.cmpi slt, %jit3A_548, %sign3A_560 : i32
      %sign3A_562 = arith.extui %sign3A_561 : i1 to i32
      %sign3A_563 = arith.subi %sign3A_559, %sign3A_562 : i32
      %ne3A_564 = arith.cmpi ne, %sign3A_556, %sign3A_563 : i32
      %rem3A_565 = arith.remsi %add3A_547, %jit3A_548 : i32
      %ne3A_566 = arith.constant 0 : i32
      %ne3A_567 = arith.cmpi ne, %rem3A_565, %ne3A_566 : i32
      %and3A_568 = arith.andi %ne3A_564, %ne3A_567 : i1
      %sub3A_569 = arith.constant 1 : i32
      %sub3A_570 = arith.subi %div3A_549, %sub3A_569 : i32
      %select_n3A_571 = arith.select %and3A_568, %sub3A_570, %div3A_549 : i32
      %jit3A_572 = arith.constant 4 : i32
      %eq3A_573 = arith.constant 0 : i32
      %eq3A_574 = arith.cmpi eq, %jit3A_572, %eq3A_573 : i32
      %jit3A_575 = arith.constant 1 : i32
      %select_n3A_576 = arith.select %eq3A_574, %jit3A_575, %jit3A_572 : i32
      %rem3A_577 = arith.remsi %add3A_547, %select_n3A_576 : i32
      %ne3A_578 = arith.constant 0 : i32
      %ne3A_579 = arith.cmpi ne, %rem3A_577, %ne3A_578 : i32
      %lt3A_580 = arith.constant 0 : i32
      %lt3A_581 = arith.cmpi slt, %rem3A_577, %lt3A_580 : i32
      %lt3A_582 = arith.constant 0 : i32
      %lt3A_583 = arith.cmpi slt, %select_n3A_576, %lt3A_582 : i32
      %ne3A_584 = arith.xori %lt3A_581, %lt3A_583 : i1
      %and3A_585 = arith.andi %ne3A_584, %ne3A_579 : i1
      %add3A_586 = arith.addi %rem3A_577, %select_n3A_576 : i32
      %select_n3A_587 = arith.select %and3A_585, %add3A_586, %rem3A_577 : i32
      %jit3A_588 = arith.constant 8 : i32
      %div3A_589 = arith.divsi %select_n3A_571, %jit3A_588 : i32
      %sign3A_590 = arith.constant 0 : i32
      %sign3A_591 = arith.cmpi sgt, %select_n3A_571, %sign3A_590 : i32
      %sign3A_592 = arith.extui %sign3A_591 : i1 to i32
      %sign3A_593 = arith.constant 0 : i32
      %sign3A_594 = arith.cmpi slt, %select_n3A_571, %sign3A_593 : i32
      %sign3A_595 = arith.extui %sign3A_594 : i1 to i32
      %sign3A_596 = arith.subi %sign3A_592, %sign3A_595 : i32
      %sign3A_597 = arith.constant 0 : i32
      %sign3A_598 = arith.cmpi sgt, %jit3A_588, %sign3A_597 : i32
      %sign3A_599 = arith.extui %sign3A_598 : i1 to i32
      %sign3A_600 = arith.constant 0 : i32
      %sign3A_601 = arith.cmpi slt, %jit3A_588, %sign3A_600 : i32
      %sign3A_602 = arith.extui %sign3A_601 : i1 to i32
      %sign3A_603 = arith.subi %sign3A_599, %sign3A_602 : i32
      %ne3A_604 = arith.cmpi ne, %sign3A_596, %sign3A_603 : i32
      %rem3A_605 = arith.remsi %select_n3A_571, %jit3A_588 : i32
      %ne3A_606 = arith.constant 0 : i32
      %ne3A_607 = arith.cmpi ne, %rem3A_605, %ne3A_606 : i32
      %and3A_608 = arith.andi %ne3A_604, %ne3A_607 : i1
      %sub3A_609 = arith.constant 1 : i32
      %sub3A_610 = arith.subi %div3A_589, %sub3A_609 : i32
      %select_n3A_611 = arith.select %and3A_608, %sub3A_610, %div3A_589 : i32
      %jit3A_612 = arith.constant 8 : i32
      %eq3A_613 = arith.constant 0 : i32
      %eq3A_614 = arith.cmpi eq, %jit3A_612, %eq3A_613 : i32
      %jit3A_615 = arith.constant 1 : i32
      %select_n3A_616 = arith.select %eq3A_614, %jit3A_615, %jit3A_612 : i32
      %rem3A_617 = arith.remsi %select_n3A_571, %select_n3A_616 : i32
      %ne3A_618 = arith.constant 0 : i32
      %ne3A_619 = arith.cmpi ne, %rem3A_617, %ne3A_618 : i32
      %lt3A_620 = arith.constant 0 : i32
      %lt3A_621 = arith.cmpi slt, %rem3A_617, %lt3A_620 : i32
      %lt3A_622 = arith.constant 0 : i32
      %lt3A_623 = arith.cmpi slt, %select_n3A_616, %lt3A_622 : i32
      %ne3A_624 = arith.xori %lt3A_621, %lt3A_623 : i1
      %and3A_625 = arith.andi %ne3A_624, %ne3A_619 : i1
      %add3A_626 = arith.addi %rem3A_617, %select_n3A_616 : i32
      %select_n3A_627 = arith.select %and3A_625, %add3A_626, %rem3A_617 : i32
      %mul3A_628 = arith.constant 32 : i32
      %mul3A_629 = arith.muli %select_n3A_587, %mul3A_628 : i32
      %dma_start3A_630 = arith.constant 0 : i32
      %dma_start3A_631 = tpu.memref_slice %arg2[%select_n3A_611, %mul3A_629, %select_n3A_627, %dma_start3A_630] : memref<25x128x8x128xi32, #tpu.memory_space<hbm>> -> memref<1x32x1x128xi32, #tpu.memory_space<hbm>>
      %dma_start3A_632 = tpu.memref_squeeze %dma_start3A_631 : memref<1x32x1x128xi32, #tpu.memory_space<hbm>> -> memref<32x128xi32, #tpu.memory_space<hbm>>
      %dma_start3A_633 = arith.constant 0 : i32
      %dma_start3A_634 = tpu.memref_slice %arg2[%select_n3A_611, %mul3A_629, %select_n3A_627, %dma_start3A_633] : memref<25x128x8x128xi32, #tpu.memory_space<hbm>> -> memref<1x32x1x128xi32, #tpu.memory_space<hbm>>
      %dma_start3A_635 = tpu.memref_squeeze %dma_start3A_634 : memref<1x32x1x128xi32, #tpu.memory_space<hbm>> -> memref<32x128xi32, #tpu.memory_space<hbm>>
      tpu.enqueue_dma source(%dma_start3A_635 : memref<32x128xi32, #tpu.memory_space<hbm>>) target(%arg6 : memref<32x128xi32, #tpu.memory_space<vmem>>) target_semaphore(%arg11 : memref<!tpu.dma_semaphore, #tpu.memory_space<semaphore_mem>>)
      %jit3A_636 = arith.constant 4 : i32
      %div3A_637 = arith.divsi %add3A_545, %jit3A_636 : i32
      %sign3A_638 = arith.constant 0 : i32
      %sign3A_639 = arith.cmpi sgt, %add3A_545, %sign3A_638 : i32
      %sign3A_640 = arith.extui %sign3A_639 : i1 to i32
      %sign3A_641 = arith.constant 0 : i32
      %sign3A_642 = arith.cmpi slt, %add3A_545, %sign3A_641 : i32
      %sign3A_643 = arith.extui %sign3A_642 : i1 to i32
      %sign3A_644 = arith.subi %sign3A_640, %sign3A_643 : i32
      %sign3A_645 = arith.constant 0 : i32
      %sign3A_646 = arith.cmpi sgt, %jit3A_636, %sign3A_645 : i32
      %sign3A_647 = arith.extui %sign3A_646 : i1 to i32
      %sign3A_648 = arith.constant 0 : i32
      %sign3A_649 = arith.cmpi slt, %jit3A_636, %sign3A_648 : i32
      %sign3A_650 = arith.extui %sign3A_649 : i1 to i32
      %sign3A_651 = arith.subi %sign3A_647, %sign3A_650 : i32
      %ne3A_652 = arith.cmpi ne, %sign3A_644, %sign3A_651 : i32
      %rem3A_653 = arith.remsi %add3A_545, %jit3A_636 : i32
      %ne3A_654 = arith.constant 0 : i32
      %ne3A_655 = arith.cmpi ne, %rem3A_653, %ne3A_654 : i32
      %and3A_656 = arith.andi %ne3A_652, %ne3A_655 : i1
      %sub3A_657 = arith.constant 1 : i32
      %sub3A_658 = arith.subi %div3A_637, %sub3A_657 : i32
      %select_n3A_659 = arith.select %and3A_656, %sub3A_658, %div3A_637 : i32
      %jit3A_660 = arith.constant 4 : i32
      %eq3A_661 = arith.constant 0 : i32
      %eq3A_662 = arith.cmpi eq, %jit3A_660, %eq3A_661 : i32
      %jit3A_663 = arith.constant 1 : i32
      %select_n3A_664 = arith.select %eq3A_662, %jit3A_663, %jit3A_660 : i32
      %rem3A_665 = arith.remsi %add3A_545, %select_n3A_664 : i32
      %ne3A_666 = arith.constant 0 : i32
      %ne3A_667 = arith.cmpi ne, %rem3A_665, %ne3A_666 : i32
      %lt3A_668 = arith.constant 0 : i32
      %lt3A_669 = arith.cmpi slt, %rem3A_665, %lt3A_668 : i32
      %lt3A_670 = arith.constant 0 : i32
      %lt3A_671 = arith.cmpi slt, %select_n3A_664, %lt3A_670 : i32
      %ne3A_672 = arith.xori %lt3A_669, %lt3A_671 : i1
      %and3A_673 = arith.andi %ne3A_672, %ne3A_667 : i1
      %add3A_674 = arith.addi %rem3A_665, %select_n3A_664 : i32
      %select_n3A_675 = arith.select %and3A_673, %add3A_674, %rem3A_665 : i32
      %jit3A_676 = arith.constant 8 : i32
      %div3A_677 = arith.divsi %select_n3A_659, %jit3A_676 : i32
      %sign3A_678 = arith.constant 0 : i32
      %sign3A_679 = arith.cmpi sgt, %select_n3A_659, %sign3A_678 : i32
      %sign3A_680 = arith.extui %sign3A_679 : i1 to i32
      %sign3A_681 = arith.constant 0 : i32
      %sign3A_682 = arith.cmpi slt, %select_n3A_659, %sign3A_681 : i32
      %sign3A_683 = arith.extui %sign3A_682 : i1 to i32
      %sign3A_684 = arith.subi %sign3A_680, %sign3A_683 : i32
      %sign3A_685 = arith.constant 0 : i32
      %sign3A_686 = arith.cmpi sgt, %jit3A_676, %sign3A_685 : i32
      %sign3A_687 = arith.extui %sign3A_686 : i1 to i32
      %sign3A_688 = arith.constant 0 : i32
      %sign3A_689 = arith.cmpi slt, %jit3A_676, %sign3A_688 : i32
      %sign3A_690 = arith.extui %sign3A_689 : i1 to i32
      %sign3A_691 = arith.subi %sign3A_687, %sign3A_690 : i32
      %ne3A_692 = arith.cmpi ne, %sign3A_684, %sign3A_691 : i32
      %rem3A_693 = arith.remsi %select_n3A_659, %jit3A_676 : i32
      %ne3A_694 = arith.constant 0 : i32
      %ne3A_695 = arith.cmpi ne, %rem3A_693, %ne3A_694 : i32
      %and3A_696 = arith.andi %ne3A_692, %ne3A_695 : i1
      %sub3A_697 = arith.constant 1 : i32
      %sub3A_698 = arith.subi %div3A_677, %sub3A_697 : i32
      %select_n3A_699 = arith.select %and3A_696, %sub3A_698, %div3A_677 : i32
      %jit3A_700 = arith.constant 8 : i32
      %eq3A_701 = arith.constant 0 : i32
      %eq3A_702 = arith.cmpi eq, %jit3A_700, %eq3A_701 : i32
      %jit3A_703 = arith.constant 1 : i32
      %select_n3A_704 = arith.select %eq3A_702, %jit3A_703, %jit3A_700 : i32
      %rem3A_705 = arith.remsi %select_n3A_659, %select_n3A_704 : i32
      %ne3A_706 = arith.constant 0 : i32
      %ne3A_707 = arith.cmpi ne, %rem3A_705, %ne3A_706 : i32
      %lt3A_708 = arith.constant 0 : i32
      %lt3A_709 = arith.cmpi slt, %rem3A_705, %lt3A_708 : i32
      %lt3A_710 = arith.constant 0 : i32
      %lt3A_711 = arith.cmpi slt, %select_n3A_704, %lt3A_710 : i32
      %ne3A_712 = arith.xori %lt3A_709, %lt3A_711 : i1
      %and3A_713 = arith.andi %ne3A_712, %ne3A_707 : i1
      %add3A_714 = arith.addi %rem3A_705, %select_n3A_704 : i32
      %select_n3A_715 = arith.select %and3A_713, %add3A_714, %rem3A_705 : i32
      %mul3A_716 = arith.constant 32 : i32
      %mul3A_717 = arith.muli %select_n3A_675, %mul3A_716 : i32
      %dma_wait3A_718 = arith.constant 0 : i32
      %dma_wait3A_719 = tpu.memref_slice %arg2[%select_n3A_699, %mul3A_717, %select_n3A_715, %dma_wait3A_718] : memref<25x128x8x128xi32, #tpu.memory_space<hbm>> -> memref<1x32x1x128xi32, #tpu.memory_space<hbm>>
      %dma_wait3A_720 = tpu.memref_squeeze %dma_wait3A_719 : memref<1x32x1x128xi32, #tpu.memory_space<hbm>> -> memref<32x128xi32, #tpu.memory_space<hbm>>
      %dma_wait3A_721 = arith.constant 0 : i32
      %dma_wait3A_722 = tpu.memref_slice %arg2[%select_n3A_699, %mul3A_717, %select_n3A_715, %dma_wait3A_721] : memref<25x128x8x128xi32, #tpu.memory_space<hbm>> -> memref<1x32x1x128xi32, #tpu.memory_space<hbm>>
      %dma_wait3A_723 = tpu.memref_squeeze %dma_wait3A_722 : memref<1x32x1x128xi32, #tpu.memory_space<hbm>> -> memref<32x128xi32, #tpu.memory_space<hbm>>
      tpu.wait_dma2 semaphore(%arg10 : memref<!tpu.dma_semaphore, #tpu.memory_space<semaphore_mem>>) src(%dma_wait3A_723 : memref<32x128xi32, #tpu.memory_space<hbm>>) dst(%arg5 : memref<32x128xi32, #tpu.memory_space<vmem>>)
      %gt3A = arith.constant 0 : i32
      %gt3A_724 = arith.cmpi sgt, %scan3A_542, %gt3A : i32
      %convert_element_type3A = arith.extui %gt3A_724 : i1 to i32
      %cond3A = arith.constant 0 : i32
      %cond3A_725 = arith.cmpi ne, %convert_element_type3A, %cond3A : i32
      scf.if %cond3A_725 {
        %sub3A_1097 = arith.constant 2 : i32
        %sub3A_1098 = arith.subi %add3A_545, %sub3A_1097 : i32
        %jit3A_1099 = arith.constant 4 : i32
        %div3A_1100 = arith.divsi %sub3A_1098, %jit3A_1099 : i32
        %sign3A_1101 = arith.constant 0 : i32
        %sign3A_1102 = arith.cmpi sgt, %sub3A_1098, %sign3A_1101 : i32
        %sign3A_1103 = arith.extui %sign3A_1102 : i1 to i32
        %sign3A_1104 = arith.constant 0 : i32
        %sign3A_1105 = arith.cmpi slt, %sub3A_1098, %sign3A_1104 : i32
        %sign3A_1106 = arith.extui %sign3A_1105 : i1 to i32
        %sign3A_1107 = arith.subi %sign3A_1103, %sign3A_1106 : i32
        %sign3A_1108 = arith.constant 0 : i32
        %sign3A_1109 = arith.cmpi sgt, %jit3A_1099, %sign3A_1108 : i32
        %sign3A_1110 = arith.extui %sign3A_1109 : i1 to i32
        %sign3A_1111 = arith.constant 0 : i32
        %sign3A_1112 = arith.cmpi slt, %jit3A_1099, %sign3A_1111 : i32
        %sign3A_1113 = arith.extui %sign3A_1112 : i1 to i32
        %sign3A_1114 = arith.subi %sign3A_1110, %sign3A_1113 : i32
        %ne3A_1115 = arith.cmpi ne, %sign3A_1107, %sign3A_1114 : i32
        %rem3A_1116 = arith.remsi %sub3A_1098, %jit3A_1099 : i32
        %ne3A_1117 = arith.constant 0 : i32
        %ne3A_1118 = arith.cmpi ne, %rem3A_1116, %ne3A_1117 : i32
        %and3A_1119 = arith.andi %ne3A_1115, %ne3A_1118 : i1
        %sub3A_1120 = arith.constant 1 : i32
        %sub3A_1121 = arith.subi %div3A_1100, %sub3A_1120 : i32
        %select_n3A_1122 = arith.select %and3A_1119, %sub3A_1121, %div3A_1100 : i32
        %jit3A_1123 = arith.constant 4 : i32
        %eq3A_1124 = arith.constant 0 : i32
        %eq3A_1125 = arith.cmpi eq, %jit3A_1123, %eq3A_1124 : i32
        %jit3A_1126 = arith.constant 1 : i32
        %select_n3A_1127 = arith.select %eq3A_1125, %jit3A_1126, %jit3A_1123 : i32
        %rem3A_1128 = arith.remsi %sub3A_1098, %select_n3A_1127 : i32
        %ne3A_1129 = arith.constant 0 : i32
        %ne3A_1130 = arith.cmpi ne, %rem3A_1128, %ne3A_1129 : i32
        %lt3A_1131 = arith.constant 0 : i32
        %lt3A_1132 = arith.cmpi slt, %rem3A_1128, %lt3A_1131 : i32
        %lt3A_1133 = arith.constant 0 : i32
        %lt3A_1134 = arith.cmpi slt, %select_n3A_1127, %lt3A_1133 : i32
        %ne3A_1135 = arith.xori %lt3A_1132, %lt3A_1134 : i1
        %and3A_1136 = arith.andi %ne3A_1135, %ne3A_1130 : i1
        %add3A_1137 = arith.addi %rem3A_1128, %select_n3A_1127 : i32
        %select_n3A_1138 = arith.select %and3A_1136, %add3A_1137, %rem3A_1128 : i32
        %jit3A_1139 = arith.constant 8 : i32
        %div3A_1140 = arith.divsi %select_n3A_1122, %jit3A_1139 : i32
        %sign3A_1141 = arith.constant 0 : i32
        %sign3A_1142 = arith.cmpi sgt, %select_n3A_1122, %sign3A_1141 : i32
        %sign3A_1143 = arith.extui %sign3A_1142 : i1 to i32
        %sign3A_1144 = arith.constant 0 : i32
        %sign3A_1145 = arith.cmpi slt, %select_n3A_1122, %sign3A_1144 : i32
        %sign3A_1146 = arith.extui %sign3A_1145 : i1 to i32
        %sign3A_1147 = arith.subi %sign3A_1143, %sign3A_1146 : i32
        %sign3A_1148 = arith.constant 0 : i32
        %sign3A_1149 = arith.cmpi sgt, %jit3A_1139, %sign3A_1148 : i32
        %sign3A_1150 = arith.extui %sign3A_1149 : i1 to i32
        %sign3A_1151 = arith.constant 0 : i32
        %sign3A_1152 = arith.cmpi slt, %jit3A_1139, %sign3A_1151 : i32
        %sign3A_1153 = arith.extui %sign3A_1152 : i1 to i32
        %sign3A_1154 = arith.subi %sign3A_1150, %sign3A_1153 : i32
        %ne3A_1155 = arith.cmpi ne, %sign3A_1147, %sign3A_1154 : i32
        %rem3A_1156 = arith.remsi %select_n3A_1122, %jit3A_1139 : i32
        %ne3A_1157 = arith.constant 0 : i32
        %ne3A_1158 = arith.cmpi ne, %rem3A_1156, %ne3A_1157 : i32
        %and3A_1159 = arith.andi %ne3A_1155, %ne3A_1158 : i1
        %sub3A_1160 = arith.constant 1 : i32
        %sub3A_1161 = arith.subi %div3A_1140, %sub3A_1160 : i32
        %select_n3A_1162 = arith.select %and3A_1159, %sub3A_1161, %div3A_1140 : i32
        %jit3A_1163 = arith.constant 8 : i32
        %eq3A_1164 = arith.constant 0 : i32
        %eq3A_1165 = arith.cmpi eq, %jit3A_1163, %eq3A_1164 : i32
        %jit3A_1166 = arith.constant 1 : i32
        %select_n3A_1167 = arith.select %eq3A_1165, %jit3A_1166, %jit3A_1163 : i32
        %rem3A_1168 = arith.remsi %select_n3A_1122, %select_n3A_1167 : i32
        %ne3A_1169 = arith.constant 0 : i32
        %ne3A_1170 = arith.cmpi ne, %rem3A_1168, %ne3A_1169 : i32
        %lt3A_1171 = arith.constant 0 : i32
        %lt3A_1172 = arith.cmpi slt, %rem3A_1168, %lt3A_1171 : i32
        %lt3A_1173 = arith.constant 0 : i32
        %lt3A_1174 = arith.cmpi slt, %select_n3A_1167, %lt3A_1173 : i32
        %ne3A_1175 = arith.xori %lt3A_1172, %lt3A_1174 : i1
        %and3A_1176 = arith.andi %ne3A_1175, %ne3A_1170 : i1
        %add3A_1177 = arith.addi %rem3A_1168, %select_n3A_1167 : i32
        %select_n3A_1178 = arith.select %and3A_1176, %add3A_1177, %rem3A_1168 : i32
        %mul3A_1179 = arith.constant 32 : i32
        %mul3A_1180 = arith.muli %select_n3A_1138, %mul3A_1179 : i32
        %dma_wait3A_1181 = arith.constant 0 : i32
        %dma_wait3A_1182 = arith.constant 0 : i32
        %dma_wait3A_1183 = tpu.memref_slice %arg4[%select_n3A_1122, %mul3A_1180, %dma_wait3A_1181, %dma_wait3A_1182] : memref<200x128x4x128xf32, #tpu.memory_space<hbm>> -> memref<1x32x4x128xf32, #tpu.memory_space<hbm>>
        %dma_wait3A_1184 = tpu.memref_squeeze %dma_wait3A_1183 : memref<1x32x4x128xf32, #tpu.memory_space<hbm>> -> memref<32x4x128xf32, #tpu.memory_space<hbm>>
        %dma_wait3A_1185 = arith.constant 0 : i32
        %dma_wait3A_1186 = arith.constant 0 : i32
        %dma_wait3A_1187 = tpu.memref_slice %arg4[%select_n3A_1122, %mul3A_1180, %dma_wait3A_1185, %dma_wait3A_1186] : memref<200x128x4x128xf32, #tpu.memory_space<hbm>> -> memref<1x32x4x128xf32, #tpu.memory_space<hbm>>
        %dma_wait3A_1188 = tpu.memref_squeeze %dma_wait3A_1187 : memref<1x32x4x128xf32, #tpu.memory_space<hbm>> -> memref<32x4x128xf32, #tpu.memory_space<hbm>>
        tpu.wait_dma2 semaphore(%arg12 : memref<!tpu.dma_semaphore, #tpu.memory_space<semaphore_mem>>) src(%arg7 : memref<32x4x128xf32, #tpu.memory_space<vmem>>) dst(%dma_wait3A_1188 : memref<32x4x128xf32, #tpu.memory_space<hbm>>)
      } else {
      }
      %parallel_loop3A_726 = arith.constant 0 : i32
      %parallel_loop3A_727 = arith.constant 32 : i32
      %parallel_loop3A_728 = arith.constant 1 : i32
      scf.for %parallel_loop3A_1097 = %parallel_loop3A_726 to %parallel_loop3A_727 step %parallel_loop3A_728  : i32 {
        %parallel_loop3A_1098 = arith.index_cast %parallel_loop3A_1097 : i32 to index
        %parallel_loop3A_1099 = arith.constant 0 : index
        %parallel_loop3A_1100 = tpu.vector_load %arg5[%parallel_loop3A_1098, %parallel_loop3A_1099] {strides = array<i32>} : memref<32x128xi32, #tpu.memory_space<vmem>>, vector<16xi32>,
        %parallel_loop3A_1101 = tpu.vector_load_idx %arg9[%parallel_loop3A_1100] : memref<32xf32, #tpu.memory_space<vmem>>[vector<16xi32>], vector<16xf32>,
        %parallel_loop3A_1102 = arith.constant 0 : i32
        %parallel_loop3A_1103 = arith.index_cast %parallel_loop3A_1097 : i32 to index
        %parallel_loop3A_1104 = arith.index_cast %parallel_loop3A_1102 : i32 to index
        %parallel_loop3A_1105 = arith.constant 0 : index
        %parallel_loop3A_1106 = tpu.vector_load %arg7[%parallel_loop3A_1103, %parallel_loop3A_1104, %parallel_loop3A_1105] {strides = array<i32>} : memref<32x4x128xf32, #tpu.memory_space<vmem>>, vector<16xf32>,
        tpu.vector_store %arg7[%parallel_loop3A_1103, %parallel_loop3A_1104, %parallel_loop3A_1105], %parallel_loop3A_1101 {strides = array<i32>} : memref<32x4x128xf32, #tpu.memory_space<vmem>>, vector<16xf32>,
        %parallel_loop3A_1107 = arith.constant 8 : i32
        %parallel_loop3A_1108 = vector.broadcast %parallel_loop3A_1107 : i32 to vector<16xi32>
        %parallel_loop3A_1109 = arith.addi %parallel_loop3A_1100, %parallel_loop3A_1108 : vector<16xi32>
        %parallel_loop3A_1110 = tpu.vector_load_idx %arg9[%parallel_loop3A_1109] : memref<32xf32, #tpu.memory_space<vmem>>[vector<16xi32>], vector<16xf32>,
        %parallel_loop3A_1111 = arith.constant 1 : i32
        %parallel_loop3A_1112 = arith.index_cast %parallel_loop3A_1097 : i32 to index
        %parallel_loop3A_1113 = arith.index_cast %parallel_loop3A_1111 : i32 to index
        %parallel_loop3A_1114 = arith.constant 0 : index
        %parallel_loop3A_1115 = tpu.vector_load %arg7[%parallel_loop3A_1112, %parallel_loop3A_1113, %parallel_loop3A_1114] {strides = array<i32>} : memref<32x4x128xf32, #tpu.memory_space<vmem>>, vector<16xf32>,
        tpu.vector_store %arg7[%parallel_loop3A_1112, %parallel_loop3A_1113, %parallel_loop3A_1114], %parallel_loop3A_1110 {strides = array<i32>} : memref<32x4x128xf32, #tpu.memory_space<vmem>>, vector<16xf32>,
        %parallel_loop3A_1116 = arith.constant 16 : i32
        %parallel_loop3A_1117 = vector.broadcast %parallel_loop3A_1116 : i32 to vector<16xi32>
        %parallel_loop3A_1118 = arith.addi %parallel_loop3A_1100, %parallel_loop3A_1117 : vector<16xi32>
        %parallel_loop3A_1119 = tpu.vector_load_idx %arg9[%parallel_loop3A_1118] : memref<32xf32, #tpu.memory_space<vmem>>[vector<16xi32>], vector<16xf32>,
        %parallel_loop3A_1120 = arith.constant 2 : i32
        %parallel_loop3A_1121 = arith.index_cast %parallel_loop3A_1097 : i32 to index
        %parallel_loop3A_1122 = arith.index_cast %parallel_loop3A_1120 : i32 to index
        %parallel_loop3A_1123 = arith.constant 0 : index
        %parallel_loop3A_1124 = tpu.vector_load %arg7[%parallel_loop3A_1121, %parallel_loop3A_1122, %parallel_loop3A_1123] {strides = array<i32>} : memref<32x4x128xf32, #tpu.memory_space<vmem>>, vector<16xf32>,
        tpu.vector_store %arg7[%parallel_loop3A_1121, %parallel_loop3A_1122, %parallel_loop3A_1123], %parallel_loop3A_1119 {strides = array<i32>} : memref<32x4x128xf32, #tpu.memory_space<vmem>>, vector<16xf32>,
        %parallel_loop3A_1125 = arith.constant 24 : i32
        %parallel_loop3A_1126 = vector.broadcast %parallel_loop3A_1125 : i32 to vector<16xi32>
        %parallel_loop3A_1127 = arith.addi %parallel_loop3A_1100, %parallel_loop3A_1126 : vector<16xi32>
        %parallel_loop3A_1128 = tpu.vector_load_idx %arg9[%parallel_loop3A_1127] : memref<32xf32, #tpu.memory_space<vmem>>[vector<16xi32>], vector<16xf32>,
        %parallel_loop3A_1129 = arith.constant 3 : i32
        %parallel_loop3A_1130 = arith.index_cast %parallel_loop3A_1097 : i32 to index
        %parallel_loop3A_1131 = arith.index_cast %parallel_loop3A_1129 : i32 to index
        %parallel_loop3A_1132 = arith.constant 0 : index
        %parallel_loop3A_1133 = tpu.vector_load %arg7[%parallel_loop3A_1130, %parallel_loop3A_1131, %parallel_loop3A_1132] {strides = array<i32>} : memref<32x4x128xf32, #tpu.memory_space<vmem>>, vector<16xf32>,
        tpu.vector_store %arg7[%parallel_loop3A_1130, %parallel_loop3A_1131, %parallel_loop3A_1132], %parallel_loop3A_1128 {strides = array<i32>} : memref<32x4x128xf32, #tpu.memory_space<vmem>>, vector<16xf32>,
        %parallel_loop3A_1134 = arith.index_cast %parallel_loop3A_1097 : i32 to index
        %parallel_loop3A_1135 = arith.constant 16 : index
        %parallel_loop3A_1136 = tpu.vector_load %arg5[%parallel_loop3A_1134, %parallel_loop3A_1135] {strides = array<i32>} : memref<32x128xi32, #tpu.memory_space<vmem>>, vector<16xi32>,
        %parallel_loop3A_1137 = tpu.vector_load_idx %arg9[%parallel_loop3A_1136] : memref<32xf32, #tpu.memory_space<vmem>>[vector<16xi32>], vector<16xf32>,
        %parallel_loop3A_1138 = arith.constant 0 : i32
        %parallel_loop3A_1139 = arith.index_cast %parallel_loop3A_1097 : i32 to index
        %parallel_loop3A_1140 = arith.index_cast %parallel_loop3A_1138 : i32 to index
        %parallel_loop3A_1141 = arith.constant 16 : index
        %parallel_loop3A_1142 = tpu.vector_load %arg7[%parallel_loop3A_1139, %parallel_loop3A_1140, %parallel_loop3A_1141] {strides = array<i32>} : memref<32x4x128xf32, #tpu.memory_space<vmem>>, vector<16xf32>,
        tpu.vector_store %arg7[%parallel_loop3A_1139, %parallel_loop3A_1140, %parallel_loop3A_1141], %parallel_loop3A_1137 {strides = array<i32>} : memref<32x4x128xf32, #tpu.memory_space<vmem>>, vector<16xf32>,
        %parallel_loop3A_1143 = arith.constant 8 : i32
        %parallel_loop3A_1144 = vector.broadcast %parallel_loop3A_1143 : i32 to vector<16xi32>
        %parallel_loop3A_1145 = arith.addi %parallel_loop3A_1136, %parallel_loop3A_1144 : vector<16xi32>
        %parallel_loop3A_1146 = tpu.vector_load_idx %arg9[%parallel_loop3A_1145] : memref<32xf32, #tpu.memory_space<vmem>>[vector<16xi32>], vector<16xf32>,
        %parallel_loop3A_1147 = arith.constant 1 : i32
        %parallel_loop3A_1148 = arith.index_cast %parallel_loop3A_1097 : i32 to index
        %parallel_loop3A_1149 = arith.index_cast %parallel_loop3A_1147 : i32 to index
        %parallel_loop3A_1150 = arith.constant 16 : index
        %parallel_loop3A_1151 = tpu.vector_load %arg7[%parallel_loop3A_1148, %parallel_loop3A_1149, %parallel_loop3A_1150] {strides = array<i32>} : memref<32x4x128xf32, #tpu.memory_space<vmem>>, vector<16xf32>,
        tpu.vector_store %arg7[%parallel_loop3A_1148, %parallel_loop3A_1149, %parallel_loop3A_1150], %parallel_loop3A_1146 {strides = array<i32>} : memref<32x4x128xf32, #tpu.memory_space<vmem>>, vector<16xf32>,
        %parallel_loop3A_1152 = arith.constant 16 : i32
        %parallel_loop3A_1153 = vector.broadcast %parallel_loop3A_1152 : i32 to vector<16xi32>
        %parallel_loop3A_1154 = arith.addi %parallel_loop3A_1136, %parallel_loop3A_1153 : vector<16xi32>
        %parallel_loop3A_1155 = tpu.vector_load_idx %arg9[%parallel_loop3A_1154] : memref<32xf32, #tpu.memory_space<vmem>>[vector<16xi32>], vector<16xf32>,
        %parallel_loop3A_1156 = arith.constant 2 : i32
        %parallel_loop3A_1157 = arith.index_cast %parallel_loop3A_1097 : i32 to index
        %parallel_loop3A_1158 = arith.index_cast %parallel_loop3A_1156 : i32 to index
        %parallel_loop3A_1159 = arith.constant 16 : index
        %parallel_loop3A_1160 = tpu.vector_load %arg7[%parallel_loop3A_1157, %parallel_loop3A_1158, %parallel_loop3A_1159] {strides = array<i32>} : memref<32x4x128xf32, #tpu.memory_space<vmem>>, vector<16xf32>,
        tpu.vector_store %arg7[%parallel_loop3A_1157, %parallel_loop3A_1158, %parallel_loop3A_1159], %parallel_loop3A_1155 {strides = array<i32>} : memref<32x4x128xf32, #tpu.memory_space<vmem>>, vector<16xf32>,
        %parallel_loop3A_1161 = arith.constant 24 : i32
        %parallel_loop3A_1162 = vector.broadcast %parallel_loop3A_1161 : i32 to vector<16xi32>
        %parallel_loop3A_1163 = arith.addi %parallel_loop3A_1136, %parallel_loop3A_1162 : vector<16xi32>
        %parallel_loop3A_1164 = tpu.vector_load_idx %arg9[%parallel_loop3A_1163] : memref<32xf32, #tpu.memory_space<vmem>>[vector<16xi32>], vector<16xf32>,
        %parallel_loop3A_1165 = arith.constant 3 : i32
        %parallel_loop3A_1166 = arith.index_cast %parallel_loop3A_1097 : i32 to index
        %parallel_loop3A_1167 = arith.index_cast %parallel_loop3A_1165 : i32 to index
        %parallel_loop3A_1168 = arith.constant 16 : index
        %parallel_loop3A_1169 = tpu.vector_load %arg7[%parallel_loop3A_1166, %parallel_loop3A_1167, %parallel_loop3A_1168] {strides = array<i32>} : memref<32x4x128xf32, #tpu.memory_space<vmem>>, vector<16xf32>,
        tpu.vector_store %arg7[%parallel_loop3A_1166, %parallel_loop3A_1167, %parallel_loop3A_1168], %parallel_loop3A_1164 {strides = array<i32>} : memref<32x4x128xf32, #tpu.memory_space<vmem>>, vector<16xf32>,
        %parallel_loop3A_1170 = arith.index_cast %parallel_loop3A_1097 : i32 to index
        %parallel_loop3A_1171 = arith.constant 32 : index
        %parallel_loop3A_1172 = tpu.vector_load %arg5[%parallel_loop3A_1170, %parallel_loop3A_1171] {strides = array<i32>} : memref<32x128xi32, #tpu.memory_space<vmem>>, vector<16xi32>,
        %parallel_loop3A_1173 = tpu.vector_load_idx %arg9[%parallel_loop3A_1172] : memref<32xf32, #tpu.memory_space<vmem>>[vector<16xi32>], vector<16xf32>,
        %parallel_loop3A_1174 = arith.constant 0 : i32
        %parallel_loop3A_1175 = arith.index_cast %parallel_loop3A_1097 : i32 to index
        %parallel_loop3A_1176 = arith.index_cast %parallel_loop3A_1174 : i32 to index
        %parallel_loop3A_1177 = arith.constant 32 : index
        %parallel_loop3A_1178 = tpu.vector_load %arg7[%parallel_loop3A_1175, %parallel_loop3A_1176, %parallel_loop3A_1177] {strides = array<i32>} : memref<32x4x128xf32, #tpu.memory_space<vmem>>, vector<16xf32>,
        tpu.vector_store %arg7[%parallel_loop3A_1175, %parallel_loop3A_1176, %parallel_loop3A_1177], %parallel_loop3A_1173 {strides = array<i32>} : memref<32x4x128xf32, #tpu.memory_space<vmem>>, vector<16xf32>,
        %parallel_loop3A_1179 = arith.constant 8 : i32
        %parallel_loop3A_1180 = vector.broadcast %parallel_loop3A_1179 : i32 to vector<16xi32>
        %parallel_loop3A_1181 = arith.addi %parallel_loop3A_1172, %parallel_loop3A_1180 : vector<16xi32>
        %parallel_loop3A_1182 = tpu.vector_load_idx %arg9[%parallel_loop3A_1181] : memref<32xf32, #tpu.memory_space<vmem>>[vector<16xi32>], vector<16xf32>,
        %parallel_loop3A_1183 = arith.constant 1 : i32
        %parallel_loop3A_1184 = arith.index_cast %parallel_loop3A_1097 : i32 to index
        %parallel_loop3A_1185 = arith.index_cast %parallel_loop3A_1183 : i32 to index
        %parallel_loop3A_1186 = arith.constant 32 : index
        %parallel_loop3A_1187 = tpu.vector_load %arg7[%parallel_loop3A_1184, %parallel_loop3A_1185, %parallel_loop3A_1186] {strides = array<i32>} : memref<32x4x128xf32, #tpu.memory_space<vmem>>, vector<16xf32>,
        tpu.vector_store %arg7[%parallel_loop3A_1184, %parallel_loop3A_1185, %parallel_loop3A_1186], %parallel_loop3A_1182 {strides = array<i32>} : memref<32x4x128xf32, #tpu.memory_space<vmem>>, vector<16xf32>,
        %parallel_loop3A_1188 = arith.constant 16 : i32
        %parallel_loop3A_1189 = vector.broadcast %parallel_loop3A_1188 : i32 to vector<16xi32>
        %parallel_loop3A_1190 = arith.addi %parallel_loop3A_1172, %parallel_loop3A_1189 : vector<16xi32>
        %parallel_loop3A_1191 = tpu.vector_load_idx %arg9[%parallel_loop3A_1190] : memref<32xf32, #tpu.memory_space<vmem>>[vector<16xi32>], vector<16xf32>,
        %parallel_loop3A_1192 = arith.constant 2 : i32
        %parallel_loop3A_1193 = arith.index_cast %parallel_loop3A_1097 : i32 to index
        %parallel_loop3A_1194 = arith.index_cast %parallel_loop3A_1192 : i32 to index
        %parallel_loop3A_1195 = arith.constant 32 : index
        %parallel_loop3A_1196 = tpu.vector_load %arg7[%parallel_loop3A_1193, %parallel_loop3A_1194, %parallel_loop3A_1195] {strides = array<i32>} : memref<32x4x128xf32, #tpu.memory_space<vmem>>, vector<16xf32>,
        tpu.vector_store %arg7[%parallel_loop3A_1193, %parallel_loop3A_1194, %parallel_loop3A_1195], %parallel_loop3A_1191 {strides = array<i32>} : memref<32x4x128xf32, #tpu.memory_space<vmem>>, vector<16xf32>,
        %parallel_loop3A_1197 = arith.constant 24 : i32
        %parallel_loop3A_1198 = vector.broadcast %parallel_loop3A_1197 : i32 to vector<16xi32>
        %parallel_loop3A_1199 = arith.addi %parallel_loop3A_1172, %parallel_loop3A_1198 : vector<16xi32>
        %parallel_loop3A_1200 = tpu.vector_load_idx %arg9[%parallel_loop3A_1199] : memref<32xf32, #tpu.memory_space<vmem>>[vector<16xi32>], vector<16xf32>,
        %parallel_loop3A_1201 = arith.constant 3 : i32
        %parallel_loop3A_1202 = arith.index_cast %parallel_loop3A_1097 : i32 to index
        %parallel_loop3A_1203 = arith.index_cast %parallel_loop3A_1201 : i32 to index
        %parallel_loop3A_1204 = arith.constant 32 : index
        %parallel_loop3A_1205 = tpu.vector_load %arg7[%parallel_loop3A_1202, %parallel_loop3A_1203, %parallel_loop3A_1204] {strides = array<i32>} : memref<32x4x128xf32, #tpu.memory_space<vmem>>, vector<16xf32>,
        tpu.vector_store %arg7[%parallel_loop3A_1202, %parallel_loop3A_1203, %parallel_loop3A_1204], %parallel_loop3A_1200 {strides = array<i32>} : memref<32x4x128xf32, #tpu.memory_space<vmem>>, vector<16xf32>,
        %parallel_loop3A_1206 = arith.index_cast %parallel_loop3A_1097 : i32 to index
        %parallel_loop3A_1207 = arith.constant 48 : index
        %parallel_loop3A_1208 = tpu.vector_load %arg5[%parallel_loop3A_1206, %parallel_loop3A_1207] {strides = array<i32>} : memref<32x128xi32, #tpu.memory_space<vmem>>, vector<16xi32>,
        %parallel_loop3A_1209 = tpu.vector_load_idx %arg9[%parallel_loop3A_1208] : memref<32xf32, #tpu.memory_space<vmem>>[vector<16xi32>], vector<16xf32>,
        %parallel_loop3A_1210 = arith.constant 0 : i32
        %parallel_loop3A_1211 = arith.index_cast %parallel_loop3A_1097 : i32 to index
        %parallel_loop3A_1212 = arith.index_cast %parallel_loop3A_1210 : i32 to index
        %parallel_loop3A_1213 = arith.constant 48 : index
        %parallel_loop3A_1214 = tpu.vector_load %arg7[%parallel_loop3A_1211, %parallel_loop3A_1212, %parallel_loop3A_1213] {strides = array<i32>} : memref<32x4x128xf32, #tpu.memory_space<vmem>>, vector<16xf32>,
        tpu.vector_store %arg7[%parallel_loop3A_1211, %parallel_loop3A_1212, %parallel_loop3A_1213], %parallel_loop3A_1209 {strides = array<i32>} : memref<32x4x128xf32, #tpu.memory_space<vmem>>, vector<16xf32>,
        %parallel_loop3A_1215 = arith.constant 8 : i32
        %parallel_loop3A_1216 = vector.broadcast %parallel_loop3A_1215 : i32 to vector<16xi32>
        %parallel_loop3A_1217 = arith.addi %parallel_loop3A_1208, %parallel_loop3A_1216 : vector<16xi32>
        %parallel_loop3A_1218 = tpu.vector_load_idx %arg9[%parallel_loop3A_1217] : memref<32xf32, #tpu.memory_space<vmem>>[vector<16xi32>], vector<16xf32>,
        %parallel_loop3A_1219 = arith.constant 1 : i32
        %parallel_loop3A_1220 = arith.index_cast %parallel_loop3A_1097 : i32 to index
        %parallel_loop3A_1221 = arith.index_cast %parallel_loop3A_1219 : i32 to index
        %parallel_loop3A_1222 = arith.constant 48 : index
        %parallel_loop3A_1223 = tpu.vector_load %arg7[%parallel_loop3A_1220, %parallel_loop3A_1221, %parallel_loop3A_1222] {strides = array<i32>} : memref<32x4x128xf32, #tpu.memory_space<vmem>>, vector<16xf32>,
        tpu.vector_store %arg7[%parallel_loop3A_1220, %parallel_loop3A_1221, %parallel_loop3A_1222], %parallel_loop3A_1218 {strides = array<i32>} : memref<32x4x128xf32, #tpu.memory_space<vmem>>, vector<16xf32>,
        %parallel_loop3A_1224 = arith.constant 16 : i32
        %parallel_loop3A_1225 = vector.broadcast %parallel_loop3A_1224 : i32 to vector<16xi32>
        %parallel_loop3A_1226 = arith.addi %parallel_loop3A_1208, %parallel_loop3A_1225 : vector<16xi32>
        %parallel_loop3A_1227 = tpu.vector_load_idx %arg9[%parallel_loop3A_1226] : memref<32xf32, #tpu.memory_space<vmem>>[vector<16xi32>], vector<16xf32>,
        %parallel_loop3A_1228 = arith.constant 2 : i32
        %parallel_loop3A_1229 = arith.index_cast %parallel_loop3A_1097 : i32 to index
        %parallel_loop3A_1230 = arith.index_cast %parallel_loop3A_1228 : i32 to index
        %parallel_loop3A_1231 = arith.constant 48 : index
        %parallel_loop3A_1232 = tpu.vector_load %arg7[%parallel_loop3A_1229, %parallel_loop3A_1230, %parallel_loop3A_1231] {strides = array<i32>} : memref<32x4x128xf32, #tpu.memory_space<vmem>>, vector<16xf32>,
        tpu.vector_store %arg7[%parallel_loop3A_1229, %parallel_loop3A_1230, %parallel_loop3A_1231], %parallel_loop3A_1227 {strides = array<i32>} : memref<32x4x128xf32, #tpu.memory_space<vmem>>, vector<16xf32>,
        %parallel_loop3A_1233 = arith.constant 24 : i32
        %parallel_loop3A_1234 = vector.broadcast %parallel_loop3A_1233 : i32 to vector<16xi32>
        %parallel_loop3A_1235 = arith.addi %parallel_loop3A_1208, %parallel_loop3A_1234 : vector<16xi32>
        %parallel_loop3A_1236 = tpu.vector_load_idx %arg9[%parallel_loop3A_1235] : memref<32xf32, #tpu.memory_space<vmem>>[vector<16xi32>], vector<16xf32>,
        %parallel_loop3A_1237 = arith.constant 3 : i32
        %parallel_loop3A_1238 = arith.index_cast %parallel_loop3A_1097 : i32 to index
        %parallel_loop3A_1239 = arith.index_cast %parallel_loop3A_1237 : i32 to index
        %parallel_loop3A_1240 = arith.constant 48 : index
        %parallel_loop3A_1241 = tpu.vector_load %arg7[%parallel_loop3A_1238, %parallel_loop3A_1239, %parallel_loop3A_1240] {strides = array<i32>} : memref<32x4x128xf32, #tpu.memory_space<vmem>>, vector<16xf32>,
        tpu.vector_store %arg7[%parallel_loop3A_1238, %parallel_loop3A_1239, %parallel_loop3A_1240], %parallel_loop3A_1236 {strides = array<i32>} : memref<32x4x128xf32, #tpu.memory_space<vmem>>, vector<16xf32>,
        %parallel_loop3A_1242 = arith.index_cast %parallel_loop3A_1097 : i32 to index
        %parallel_loop3A_1243 = arith.constant 64 : index
        %parallel_loop3A_1244 = tpu.vector_load %arg5[%parallel_loop3A_1242, %parallel_loop3A_1243] {strides = array<i32>} : memref<32x128xi32, #tpu.memory_space<vmem>>, vector<16xi32>,
        %parallel_loop3A_1245 = tpu.vector_load_idx %arg9[%parallel_loop3A_1244] : memref<32xf32, #tpu.memory_space<vmem>>[vector<16xi32>], vector<16xf32>,
        %parallel_loop3A_1246 = arith.constant 0 : i32
        %parallel_loop3A_1247 = arith.index_cast %parallel_loop3A_1097 : i32 to index
        %parallel_loop3A_1248 = arith.index_cast %parallel_loop3A_1246 : i32 to index
        %parallel_loop3A_1249 = arith.constant 64 : index
        %parallel_loop3A_1250 = tpu.vector_load %arg7[%parallel_loop3A_1247, %parallel_loop3A_1248, %parallel_loop3A_1249] {strides = array<i32>} : memref<32x4x128xf32, #tpu.memory_space<vmem>>, vector<16xf32>,
        tpu.vector_store %arg7[%parallel_loop3A_1247, %parallel_loop3A_1248, %parallel_loop3A_1249], %parallel_loop3A_1245 {strides = array<i32>} : memref<32x4x128xf32, #tpu.memory_space<vmem>>, vector<16xf32>,
        %parallel_loop3A_1251 = arith.constant 8 : i32
        %parallel_loop3A_1252 = vector.broadcast %parallel_loop3A_1251 : i32 to vector<16xi32>
        %parallel_loop3A_1253 = arith.addi %parallel_loop3A_1244, %parallel_loop3A_1252 : vector<16xi32>
        %parallel_loop3A_1254 = tpu.vector_load_idx %arg9[%parallel_loop3A_1253] : memref<32xf32, #tpu.memory_space<vmem>>[vector<16xi32>], vector<16xf32>,
        %parallel_loop3A_1255 = arith.constant 1 : i32
        %parallel_loop3A_1256 = arith.index_cast %parallel_loop3A_1097 : i32 to index
        %parallel_loop3A_1257 = arith.index_cast %parallel_loop3A_1255 : i32 to index
        %parallel_loop3A_1258 = arith.constant 64 : index
        %parallel_loop3A_1259 = tpu.vector_load %arg7[%parallel_loop3A_1256, %parallel_loop3A_1257, %parallel_loop3A_1258] {strides = array<i32>} : memref<32x4x128xf32, #tpu.memory_space<vmem>>, vector<16xf32>,
        tpu.vector_store %arg7[%parallel_loop3A_1256, %parallel_loop3A_1257, %parallel_loop3A_1258], %parallel_loop3A_1254 {strides = array<i32>} : memref<32x4x128xf32, #tpu.memory_space<vmem>>, vector<16xf32>,
        %parallel_loop3A_1260 = arith.constant 16 : i32
        %parallel_loop3A_1261 = vector.broadcast %parallel_loop3A_1260 : i32 to vector<16xi32>
        %parallel_loop3A_1262 = arith.addi %parallel_loop3A_1244, %parallel_loop3A_1261 : vector<16xi32>
        %parallel_loop3A_1263 = tpu.vector_load_idx %arg9[%parallel_loop3A_1262] : memref<32xf32, #tpu.memory_space<vmem>>[vector<16xi32>], vector<16xf32>,
        %parallel_loop3A_1264 = arith.constant 2 : i32
        %parallel_loop3A_1265 = arith.index_cast %parallel_loop3A_1097 : i32 to index
        %parallel_loop3A_1266 = arith.index_cast %parallel_loop3A_1264 : i32 to index
        %parallel_loop3A_1267 = arith.constant 64 : index
        %parallel_loop3A_1268 = tpu.vector_load %arg7[%parallel_loop3A_1265, %parallel_loop3A_1266, %parallel_loop3A_1267] {strides = array<i32>} : memref<32x4x128xf32, #tpu.memory_space<vmem>>, vector<16xf32>,
        tpu.vector_store %arg7[%parallel_loop3A_1265, %parallel_loop3A_1266, %parallel_loop3A_1267], %parallel_loop3A_1263 {strides = array<i32>} : memref<32x4x128xf32, #tpu.memory_space<vmem>>, vector<16xf32>,
        %parallel_loop3A_1269 = arith.constant 24 : i32
        %parallel_loop3A_1270 = vector.broadcast %parallel_loop3A_1269 : i32 to vector<16xi32>
        %parallel_loop3A_1271 = arith.addi %parallel_loop3A_1244, %parallel_loop3A_1270 : vector<16xi32>
        %parallel_loop3A_1272 = tpu.vector_load_idx %arg9[%parallel_loop3A_1271] : memref<32xf32, #tpu.memory_space<vmem>>[vector<16xi32>], vector<16xf32>,
        %parallel_loop3A_1273 = arith.constant 3 : i32
        %parallel_loop3A_1274 = arith.index_cast %parallel_loop3A_1097 : i32 to index
        %parallel_loop3A_1275 = arith.index_cast %parallel_loop3A_1273 : i32 to index
        %parallel_loop3A_1276 = arith.constant 64 : index
        %parallel_loop3A_1277 = tpu.vector_load %arg7[%parallel_loop3A_1274, %parallel_loop3A_1275, %parallel_loop3A_1276] {strides = array<i32>} : memref<32x4x128xf32, #tpu.memory_space<vmem>>, vector<16xf32>,
        tpu.vector_store %arg7[%parallel_loop3A_1274, %parallel_loop3A_1275, %parallel_loop3A_1276], %parallel_loop3A_1272 {strides = array<i32>} : memref<32x4x128xf32, #tpu.memory_space<vmem>>, vector<16xf32>,
        %parallel_loop3A_1278 = arith.index_cast %parallel_loop3A_1097 : i32 to index
        %parallel_loop3A_1279 = arith.constant 80 : index
        %parallel_loop3A_1280 = tpu.vector_load %arg5[%parallel_loop3A_1278, %parallel_loop3A_1279] {strides = array<i32>} : memref<32x128xi32, #tpu.memory_space<vmem>>, vector<16xi32>,
        %parallel_loop3A_1281 = tpu.vector_load_idx %arg9[%parallel_loop3A_1280] : memref<32xf32, #tpu.memory_space<vmem>>[vector<16xi32>], vector<16xf32>,
        %parallel_loop3A_1282 = arith.constant 0 : i32
        %parallel_loop3A_1283 = arith.index_cast %parallel_loop3A_1097 : i32 to index
        %parallel_loop3A_1284 = arith.index_cast %parallel_loop3A_1282 : i32 to index
        %parallel_loop3A_1285 = arith.constant 80 : index
        %parallel_loop3A_1286 = tpu.vector_load %arg7[%parallel_loop3A_1283, %parallel_loop3A_1284, %parallel_loop3A_1285] {strides = array<i32>} : memref<32x4x128xf32, #tpu.memory_space<vmem>>, vector<16xf32>,
        tpu.vector_store %arg7[%parallel_loop3A_1283, %parallel_loop3A_1284, %parallel_loop3A_1285], %parallel_loop3A_1281 {strides = array<i32>} : memref<32x4x128xf32, #tpu.memory_space<vmem>>, vector<16xf32>,
        %parallel_loop3A_1287 = arith.constant 8 : i32
        %parallel_loop3A_1288 = vector.broadcast %parallel_loop3A_1287 : i32 to vector<16xi32>
        %parallel_loop3A_1289 = arith.addi %parallel_loop3A_1280, %parallel_loop3A_1288 : vector<16xi32>
        %parallel_loop3A_1290 = tpu.vector_load_idx %arg9[%parallel_loop3A_1289] : memref<32xf32, #tpu.memory_space<vmem>>[vector<16xi32>], vector<16xf32>,
        %parallel_loop3A_1291 = arith.constant 1 : i32
        %parallel_loop3A_1292 = arith.index_cast %parallel_loop3A_1097 : i32 to index
        %parallel_loop3A_1293 = arith.index_cast %parallel_loop3A_1291 : i32 to index
        %parallel_loop3A_1294 = arith.constant 80 : index
        %parallel_loop3A_1295 = tpu.vector_load %arg7[%parallel_loop3A_1292, %parallel_loop3A_1293, %parallel_loop3A_1294] {strides = array<i32>} : memref<32x4x128xf32, #tpu.memory_space<vmem>>, vector<16xf32>,
        tpu.vector_store %arg7[%parallel_loop3A_1292, %parallel_loop3A_1293, %parallel_loop3A_1294], %parallel_loop3A_1290 {strides = array<i32>} : memref<32x4x128xf32, #tpu.memory_space<vmem>>, vector<16xf32>,
        %parallel_loop3A_1296 = arith.constant 16 : i32
        %parallel_loop3A_1297 = vector.broadcast %parallel_loop3A_1296 : i32 to vector<16xi32>
        %parallel_loop3A_1298 = arith.addi %parallel_loop3A_1280, %parallel_loop3A_1297 : vector<16xi32>
        %parallel_loop3A_1299 = tpu.vector_load_idx %arg9[%parallel_loop3A_1298] : memref<32xf32, #tpu.memory_space<vmem>>[vector<16xi32>], vector<16xf32>,
        %parallel_loop3A_1300 = arith.constant 2 : i32
        %parallel_loop3A_1301 = arith.index_cast %parallel_loop3A_1097 : i32 to index
        %parallel_loop3A_1302 = arith.index_cast %parallel_loop3A_1300 : i32 to index
        %parallel_loop3A_1303 = arith.constant 80 : index
        %parallel_loop3A_1304 = tpu.vector_load %arg7[%parallel_loop3A_1301, %parallel_loop3A_1302, %parallel_loop3A_1303] {strides = array<i32>} : memref<32x4x128xf32, #tpu.memory_space<vmem>>, vector<16xf32>,
        tpu.vector_store %arg7[%parallel_loop3A_1301, %parallel_loop3A_1302, %parallel_loop3A_1303], %parallel_loop3A_1299 {strides = array<i32>} : memref<32x4x128xf32, #tpu.memory_space<vmem>>, vector<16xf32>,
        %parallel_loop3A_1305 = arith.constant 24 : i32
        %parallel_loop3A_1306 = vector.broadcast %parallel_loop3A_1305 : i32 to vector<16xi32>
        %parallel_loop3A_1307 = arith.addi %parallel_loop3A_1280, %parallel_loop3A_1306 : vector<16xi32>
        %parallel_loop3A_1308 = tpu.vector_load_idx %arg9[%parallel_loop3A_1307] : memref<32xf32, #tpu.memory_space<vmem>>[vector<16xi32>], vector<16xf32>,
        %parallel_loop3A_1309 = arith.constant 3 : i32
        %parallel_loop3A_1310 = arith.index_cast %parallel_loop3A_1097 : i32 to index
        %parallel_loop3A_1311 = arith.index_cast %parallel_loop3A_1309 : i32 to index
        %parallel_loop3A_1312 = arith.constant 80 : index
        %parallel_loop3A_1313 = tpu.vector_load %arg7[%parallel_loop3A_1310, %parallel_loop3A_1311, %parallel_loop3A_1312] {strides = array<i32>} : memref<32x4x128xf32, #tpu.memory_space<vmem>>, vector<16xf32>,
        tpu.vector_store %arg7[%parallel_loop3A_1310, %parallel_loop3A_1311, %parallel_loop3A_1312], %parallel_loop3A_1308 {strides = array<i32>} : memref<32x4x128xf32, #tpu.memory_space<vmem>>, vector<16xf32>,
        %parallel_loop3A_1314 = arith.index_cast %parallel_loop3A_1097 : i32 to index
        %parallel_loop3A_1315 = arith.constant 96 : index
        %parallel_loop3A_1316 = tpu.vector_load %arg5[%parallel_loop3A_1314, %parallel_loop3A_1315] {strides = array<i32>} : memref<32x128xi32, #tpu.memory_space<vmem>>, vector<16xi32>,
        %parallel_loop3A_1317 = tpu.vector_load_idx %arg9[%parallel_loop3A_1316] : memref<32xf32, #tpu.memory_space<vmem>>[vector<16xi32>], vector<16xf32>,
        %parallel_loop3A_1318 = arith.constant 0 : i32
        %parallel_loop3A_1319 = arith.index_cast %parallel_loop3A_1097 : i32 to index
        %parallel_loop3A_1320 = arith.index_cast %parallel_loop3A_1318 : i32 to index
        %parallel_loop3A_1321 = arith.constant 96 : index
        %parallel_loop3A_1322 = tpu.vector_load %arg7[%parallel_loop3A_1319, %parallel_loop3A_1320, %parallel_loop3A_1321] {strides = array<i32>} : memref<32x4x128xf32, #tpu.memory_space<vmem>>, vector<16xf32>,
        tpu.vector_store %arg7[%parallel_loop3A_1319, %parallel_loop3A_1320, %parallel_loop3A_1321], %parallel_loop3A_1317 {strides = array<i32>} : memref<32x4x128xf32, #tpu.memory_space<vmem>>, vector<16xf32>,
        %parallel_loop3A_1323 = arith.constant 8 : i32
        %parallel_loop3A_1324 = vector.broadcast %parallel_loop3A_1323 : i32 to vector<16xi32>
        %parallel_loop3A_1325 = arith.addi %parallel_loop3A_1316, %parallel_loop3A_1324 : vector<16xi32>
        %parallel_loop3A_1326 = tpu.vector_load_idx %arg9[%parallel_loop3A_1325] : memref<32xf32, #tpu.memory_space<vmem>>[vector<16xi32>], vector<16xf32>,
        %parallel_loop3A_1327 = arith.constant 1 : i32
        %parallel_loop3A_1328 = arith.index_cast %parallel_loop3A_1097 : i32 to index
        %parallel_loop3A_1329 = arith.index_cast %parallel_loop3A_1327 : i32 to index
        %parallel_loop3A_1330 = arith.constant 96 : index
        %parallel_loop3A_1331 = tpu.vector_load %arg7[%parallel_loop3A_1328, %parallel_loop3A_1329, %parallel_loop3A_1330] {strides = array<i32>} : memref<32x4x128xf32, #tpu.memory_space<vmem>>, vector<16xf32>,
        tpu.vector_store %arg7[%parallel_loop3A_1328, %parallel_loop3A_1329, %parallel_loop3A_1330], %parallel_loop3A_1326 {strides = array<i32>} : memref<32x4x128xf32, #tpu.memory_space<vmem>>, vector<16xf32>,
        %parallel_loop3A_1332 = arith.constant 16 : i32
        %parallel_loop3A_1333 = vector.broadcast %parallel_loop3A_1332 : i32 to vector<16xi32>
        %parallel_loop3A_1334 = arith.addi %parallel_loop3A_1316, %parallel_loop3A_1333 : vector<16xi32>
        %parallel_loop3A_1335 = tpu.vector_load_idx %arg9[%parallel_loop3A_1334] : memref<32xf32, #tpu.memory_space<vmem>>[vector<16xi32>], vector<16xf32>,
        %parallel_loop3A_1336 = arith.constant 2 : i32
        %parallel_loop3A_1337 = arith.index_cast %parallel_loop3A_1097 : i32 to index
        %parallel_loop3A_1338 = arith.index_cast %parallel_loop3A_1336 : i32 to index
        %parallel_loop3A_1339 = arith.constant 96 : index
        %parallel_loop3A_1340 = tpu.vector_load %arg7[%parallel_loop3A_1337, %parallel_loop3A_1338, %parallel_loop3A_1339] {strides = array<i32>} : memref<32x4x128xf32, #tpu.memory_space<vmem>>, vector<16xf32>,
        tpu.vector_store %arg7[%parallel_loop3A_1337, %parallel_loop3A_1338, %parallel_loop3A_1339], %parallel_loop3A_1335 {strides = array<i32>} : memref<32x4x128xf32, #tpu.memory_space<vmem>>, vector<16xf32>,
        %parallel_loop3A_1341 = arith.constant 24 : i32
        %parallel_loop3A_1342 = vector.broadcast %parallel_loop3A_1341 : i32 to vector<16xi32>
        %parallel_loop3A_1343 = arith.addi %parallel_loop3A_1316, %parallel_loop3A_1342 : vector<16xi32>
        %parallel_loop3A_1344 = tpu.vector_load_idx %arg9[%parallel_loop3A_1343] : memref<32xf32, #tpu.memory_space<vmem>>[vector<16xi32>], vector<16xf32>,
        %parallel_loop3A_1345 = arith.constant 3 : i32
        %parallel_loop3A_1346 = arith.index_cast %parallel_loop3A_1097 : i32 to index
        %parallel_loop3A_1347 = arith.index_cast %parallel_loop3A_1345 : i32 to index
        %parallel_loop3A_1348 = arith.constant 96 : index
        %parallel_loop3A_1349 = tpu.vector_load %arg7[%parallel_loop3A_1346, %parallel_loop3A_1347, %parallel_loop3A_1348] {strides = array<i32>} : memref<32x4x128xf32, #tpu.memory_space<vmem>>, vector<16xf32>,
        tpu.vector_store %arg7[%parallel_loop3A_1346, %parallel_loop3A_1347, %parallel_loop3A_1348], %parallel_loop3A_1344 {strides = array<i32>} : memref<32x4x128xf32, #tpu.memory_space<vmem>>, vector<16xf32>,
        %parallel_loop3A_1350 = arith.index_cast %parallel_loop3A_1097 : i32 to index
        %parallel_loop3A_1351 = arith.constant 112 : index
        %parallel_loop3A_1352 = tpu.vector_load %arg5[%parallel_loop3A_1350, %parallel_loop3A_1351] {strides = array<i32>} : memref<32x128xi32, #tpu.memory_space<vmem>>, vector<16xi32>,
        %parallel_loop3A_1353 = tpu.vector_load_idx %arg9[%parallel_loop3A_1352] : memref<32xf32, #tpu.memory_space<vmem>>[vector<16xi32>], vector<16xf32>,
        %parallel_loop3A_1354 = arith.constant 0 : i32
        %parallel_loop3A_1355 = arith.index_cast %parallel_loop3A_1097 : i32 to index
        %parallel_loop3A_1356 = arith.index_cast %parallel_loop3A_1354 : i32 to index
        %parallel_loop3A_1357 = arith.constant 112 : index
        %parallel_loop3A_1358 = tpu.vector_load %arg7[%parallel_loop3A_1355, %parallel_loop3A_1356, %parallel_loop3A_1357] {strides = array<i32>} : memref<32x4x128xf32, #tpu.memory_space<vmem>>, vector<16xf32>,
        tpu.vector_store %arg7[%parallel_loop3A_1355, %parallel_loop3A_1356, %parallel_loop3A_1357], %parallel_loop3A_1353 {strides = array<i32>} : memref<32x4x128xf32, #tpu.memory_space<vmem>>, vector<16xf32>,
        %parallel_loop3A_1359 = arith.constant 8 : i32
        %parallel_loop3A_1360 = vector.broadcast %parallel_loop3A_1359 : i32 to vector<16xi32>
        %parallel_loop3A_1361 = arith.addi %parallel_loop3A_1352, %parallel_loop3A_1360 : vector<16xi32>
        %parallel_loop3A_1362 = tpu.vector_load_idx %arg9[%parallel_loop3A_1361] : memref<32xf32, #tpu.memory_space<vmem>>[vector<16xi32>], vector<16xf32>,
        %parallel_loop3A_1363 = arith.constant 1 : i32
        %parallel_loop3A_1364 = arith.index_cast %parallel_loop3A_1097 : i32 to index
        %parallel_loop3A_1365 = arith.index_cast %parallel_loop3A_1363 : i32 to index
        %parallel_loop3A_1366 = arith.constant 112 : index
        %parallel_loop3A_1367 = tpu.vector_load %arg7[%parallel_loop3A_1364, %parallel_loop3A_1365, %parallel_loop3A_1366] {strides = array<i32>} : memref<32x4x128xf32, #tpu.memory_space<vmem>>, vector<16xf32>,
        tpu.vector_store %arg7[%parallel_loop3A_1364, %parallel_loop3A_1365, %parallel_loop3A_1366], %parallel_loop3A_1362 {strides = array<i32>} : memref<32x4x128xf32, #tpu.memory_space<vmem>>, vector<16xf32>,
        %parallel_loop3A_1368 = arith.constant 16 : i32
        %parallel_loop3A_1369 = vector.broadcast %parallel_loop3A_1368 : i32 to vector<16xi32>
        %parallel_loop3A_1370 = arith.addi %parallel_loop3A_1352, %parallel_loop3A_1369 : vector<16xi32>
        %parallel_loop3A_1371 = tpu.vector_load_idx %arg9[%parallel_loop3A_1370] : memref<32xf32, #tpu.memory_space<vmem>>[vector<16xi32>], vector<16xf32>,
        %parallel_loop3A_1372 = arith.constant 2 : i32
        %parallel_loop3A_1373 = arith.index_cast %parallel_loop3A_1097 : i32 to index
        %parallel_loop3A_1374 = arith.index_cast %parallel_loop3A_1372 : i32 to index
        %parallel_loop3A_1375 = arith.constant 112 : index
        %parallel_loop3A_1376 = tpu.vector_load %arg7[%parallel_loop3A_1373, %parallel_loop3A_1374, %parallel_loop3A_1375] {strides = array<i32>} : memref<32x4x128xf32, #tpu.memory_space<vmem>>, vector<16xf32>,
        tpu.vector_store %arg7[%parallel_loop3A_1373, %parallel_loop3A_1374, %parallel_loop3A_1375], %parallel_loop3A_1371 {strides = array<i32>} : memref<32x4x128xf32, #tpu.memory_space<vmem>>, vector<16xf32>,
        %parallel_loop3A_1377 = arith.constant 24 : i32
        %parallel_loop3A_1378 = vector.broadcast %parallel_loop3A_1377 : i32 to vector<16xi32>
        %parallel_loop3A_1379 = arith.addi %parallel_loop3A_1352, %parallel_loop3A_1378 : vector<16xi32>
        %parallel_loop3A_1380 = tpu.vector_load_idx %arg9[%parallel_loop3A_1379] : memref<32xf32, #tpu.memory_space<vmem>>[vector<16xi32>], vector<16xf32>,
        %parallel_loop3A_1381 = arith.constant 3 : i32
        %parallel_loop3A_1382 = arith.index_cast %parallel_loop3A_1097 : i32 to index
        %parallel_loop3A_1383 = arith.index_cast %parallel_loop3A_1381 : i32 to index
        %parallel_loop3A_1384 = arith.constant 112 : index
        %parallel_loop3A_1385 = tpu.vector_load %arg7[%parallel_loop3A_1382, %parallel_loop3A_1383, %parallel_loop3A_1384] {strides = array<i32>} : memref<32x4x128xf32, #tpu.memory_space<vmem>>, vector<16xf32>,
        tpu.vector_store %arg7[%parallel_loop3A_1382, %parallel_loop3A_1383, %parallel_loop3A_1384], %parallel_loop3A_1380 {strides = array<i32>} : memref<32x4x128xf32, #tpu.memory_space<vmem>>, vector<16xf32>,
      } {sc.loop_unroll_factor = 4 : i64, sc.parallel_access}
      %jit3A_729 = arith.constant 4 : i32
      %div3A_730 = arith.divsi %add3A_545, %jit3A_729 : i32
      %sign3A_731 = arith.constant 0 : i32
      %sign3A_732 = arith.cmpi sgt, %add3A_545, %sign3A_731 : i32
      %sign3A_733 = arith.extui %sign3A_732 : i1 to i32
      %sign3A_734 = arith.constant 0 : i32
      %sign3A_735 = arith.cmpi slt, %add3A_545, %sign3A_734 : i32
      %sign3A_736 = arith.extui %sign3A_735 : i1 to i32
      %sign3A_737 = arith.subi %sign3A_733, %sign3A_736 : i32
      %sign3A_738 = arith.constant 0 : i32
      %sign3A_739 = arith.cmpi sgt, %jit3A_729, %sign3A_738 : i32
      %sign3A_740 = arith.extui %sign3A_739 : i1 to i32
      %sign3A_741 = arith.constant 0 : i32
      %sign3A_742 = arith.cmpi slt, %jit3A_729, %sign3A_741 : i32
      %sign3A_743 = arith.extui %sign3A_742 : i1 to i32
      %sign3A_744 = arith.subi %sign3A_740, %sign3A_743 : i32
      %ne3A_745 = arith.cmpi ne, %sign3A_737, %sign3A_744 : i32
      %rem3A_746 = arith.remsi %add3A_545, %jit3A_729 : i32
      %ne3A_747 = arith.constant 0 : i32
      %ne3A_748 = arith.cmpi ne, %rem3A_746, %ne3A_747 : i32
      %and3A_749 = arith.andi %ne3A_745, %ne3A_748 : i1
      %sub3A_750 = arith.constant 1 : i32
      %sub3A_751 = arith.subi %div3A_730, %sub3A_750 : i32
      %select_n3A_752 = arith.select %and3A_749, %sub3A_751, %div3A_730 : i32
      %jit3A_753 = arith.constant 4 : i32
      %eq3A_754 = arith.constant 0 : i32
      %eq3A_755 = arith.cmpi eq, %jit3A_753, %eq3A_754 : i32
      %jit3A_756 = arith.constant 1 : i32
      %select_n3A_757 = arith.select %eq3A_755, %jit3A_756, %jit3A_753 : i32
      %rem3A_758 = arith.remsi %add3A_545, %select_n3A_757 : i32
      %ne3A_759 = arith.constant 0 : i32
      %ne3A_760 = arith.cmpi ne, %rem3A_758, %ne3A_759 : i32
      %lt3A_761 = arith.constant 0 : i32
      %lt3A_762 = arith.cmpi slt, %rem3A_758, %lt3A_761 : i32
      %lt3A_763 = arith.constant 0 : i32
      %lt3A_764 = arith.cmpi slt, %select_n3A_757, %lt3A_763 : i32
      %ne3A_765 = arith.xori %lt3A_762, %lt3A_764 : i1
      %and3A_766 = arith.andi %ne3A_765, %ne3A_760 : i1
      %add3A_767 = arith.addi %rem3A_758, %select_n3A_757 : i32
      %select_n3A_768 = arith.select %and3A_766, %add3A_767, %rem3A_758 : i32
      %jit3A_769 = arith.constant 8 : i32
      %div3A_770 = arith.divsi %select_n3A_752, %jit3A_769 : i32
      %sign3A_771 = arith.constant 0 : i32
      %sign3A_772 = arith.cmpi sgt, %select_n3A_752, %sign3A_771 : i32
      %sign3A_773 = arith.extui %sign3A_772 : i1 to i32
      %sign3A_774 = arith.constant 0 : i32
      %sign3A_775 = arith.cmpi slt, %select_n3A_752, %sign3A_774 : i32
      %sign3A_776 = arith.extui %sign3A_775 : i1 to i32
      %sign3A_777 = arith.subi %sign3A_773, %sign3A_776 : i32
      %sign3A_778 = arith.constant 0 : i32
      %sign3A_779 = arith.cmpi sgt, %jit3A_769, %sign3A_778 : i32
      %sign3A_780 = arith.extui %sign3A_779 : i1 to i32
      %sign3A_781 = arith.constant 0 : i32
      %sign3A_782 = arith.cmpi slt, %jit3A_769, %sign3A_781 : i32
      %sign3A_783 = arith.extui %sign3A_782 : i1 to i32
      %sign3A_784 = arith.subi %sign3A_780, %sign3A_783 : i32
      %ne3A_785 = arith.cmpi ne, %sign3A_777, %sign3A_784 : i32
      %rem3A_786 = arith.remsi %select_n3A_752, %jit3A_769 : i32
      %ne3A_787 = arith.constant 0 : i32
      %ne3A_788 = arith.cmpi ne, %rem3A_786, %ne3A_787 : i32
      %and3A_789 = arith.andi %ne3A_785, %ne3A_788 : i1
      %sub3A_790 = arith.constant 1 : i32
      %sub3A_791 = arith.subi %div3A_770, %sub3A_790 : i32
      %select_n3A_792 = arith.select %and3A_789, %sub3A_791, %div3A_770 : i32
      %jit3A_793 = arith.constant 8 : i32
      %eq3A_794 = arith.constant 0 : i32
      %eq3A_795 = arith.cmpi eq, %jit3A_793, %eq3A_794 : i32
      %jit3A_796 = arith.constant 1 : i32
      %select_n3A_797 = arith.select %eq3A_795, %jit3A_796, %jit3A_793 : i32
      %rem3A_798 = arith.remsi %select_n3A_752, %select_n3A_797 : i32
      %ne3A_799 = arith.constant 0 : i32
      %ne3A_800 = arith.cmpi ne, %rem3A_798, %ne3A_799 : i32
      %lt3A_801 = arith.constant 0 : i32
      %lt3A_802 = arith.cmpi slt, %rem3A_798, %lt3A_801 : i32
      %lt3A_803 = arith.constant 0 : i32
      %lt3A_804 = arith.cmpi slt, %select_n3A_797, %lt3A_803 : i32
      %ne3A_805 = arith.xori %lt3A_802, %lt3A_804 : i1
      %and3A_806 = arith.andi %ne3A_805, %ne3A_800 : i1
      %add3A_807 = arith.addi %rem3A_798, %select_n3A_797 : i32
      %select_n3A_808 = arith.select %and3A_806, %add3A_807, %rem3A_798 : i32
      %mul3A_809 = arith.constant 32 : i32
      %mul3A_810 = arith.muli %select_n3A_768, %mul3A_809 : i32
      %dma_start3A_811 = arith.constant 0 : i32
      %dma_start3A_812 = arith.constant 0 : i32
      %dma_start3A_813 = tpu.memref_slice %arg4[%select_n3A_752, %mul3A_810, %dma_start3A_811, %dma_start3A_812] : memref<200x128x4x128xf32, #tpu.memory_space<hbm>> -> memref<1x32x4x128xf32, #tpu.memory_space<hbm>>
      %dma_start3A_814 = tpu.memref_squeeze %dma_start3A_813 : memref<1x32x4x128xf32, #tpu.memory_space<hbm>> -> memref<32x4x128xf32, #tpu.memory_space<hbm>>
      %dma_start3A_815 = arith.constant 0 : i32
      %dma_start3A_816 = arith.constant 0 : i32
      %dma_start3A_817 = tpu.memref_slice %arg4[%select_n3A_752, %mul3A_810, %dma_start3A_815, %dma_start3A_816] : memref<200x128x4x128xf32, #tpu.memory_space<hbm>> -> memref<1x32x4x128xf32, #tpu.memory_space<hbm>>
      %dma_start3A_818 = tpu.memref_squeeze %dma_start3A_817 : memref<1x32x4x128xf32, #tpu.memory_space<hbm>> -> memref<32x4x128xf32, #tpu.memory_space<hbm>>
      tpu.enqueue_dma source(%arg7 : memref<32x4x128xf32, #tpu.memory_space<vmem>>) target(%dma_start3A_818 : memref<32x4x128xf32, #tpu.memory_space<hbm>>) target_semaphore(%arg12 : memref<!tpu.dma_semaphore, #tpu.memory_space<semaphore_mem>>)
      %add3A_819 = arith.constant 1 : i32
      %add3A_820 = arith.addi %add3A_545, %add3A_819 : i32
      %add3A_821 = arith.constant 1 : i32
      %add3A_822 = arith.addi %add3A_820, %add3A_821 : i32
      %jit3A_823 = arith.constant 4 : i32
      %div3A_824 = arith.divsi %add3A_822, %jit3A_823 : i32
      %sign3A_825 = arith.constant 0 : i32
      %sign3A_826 = arith.cmpi sgt, %add3A_822, %sign3A_825 : i32
      %sign3A_827 = arith.extui %sign3A_826 : i1 to i32
      %sign3A_828 = arith.constant 0 : i32
      %sign3A_829 = arith.cmpi slt, %add3A_822, %sign3A_828 : i32
      %sign3A_830 = arith.extui %sign3A_829 : i1 to i32
      %sign3A_831 = arith.subi %sign3A_827, %sign3A_830 : i32
      %sign3A_832 = arith.constant 0 : i32
      %sign3A_833 = arith.cmpi sgt, %jit3A_823, %sign3A_832 : i32
      %sign3A_834 = arith.extui %sign3A_833 : i1 to i32
      %sign3A_835 = arith.constant 0 : i32
      %sign3A_836 = arith.cmpi slt, %jit3A_823, %sign3A_835 : i32
      %sign3A_837 = arith.extui %sign3A_836 : i1 to i32
      %sign3A_838 = arith.subi %sign3A_834, %sign3A_837 : i32
      %ne3A_839 = arith.cmpi ne, %sign3A_831, %sign3A_838 : i32
      %rem3A_840 = arith.remsi %add3A_822, %jit3A_823 : i32
      %ne3A_841 = arith.constant 0 : i32
      %ne3A_842 = arith.cmpi ne, %rem3A_840, %ne3A_841 : i32
      %and3A_843 = arith.andi %ne3A_839, %ne3A_842 : i1
      %sub3A_844 = arith.constant 1 : i32
      %sub3A_845 = arith.subi %div3A_824, %sub3A_844 : i32
      %select_n3A_846 = arith.select %and3A_843, %sub3A_845, %div3A_824 : i32
      %jit3A_847 = arith.constant 4 : i32
      %eq3A_848 = arith.constant 0 : i32
      %eq3A_849 = arith.cmpi eq, %jit3A_847, %eq3A_848 : i32
      %jit3A_850 = arith.constant 1 : i32
      %select_n3A_851 = arith.select %eq3A_849, %jit3A_850, %jit3A_847 : i32
      %rem3A_852 = arith.remsi %add3A_822, %select_n3A_851 : i32
      %ne3A_853 = arith.constant 0 : i32
      %ne3A_854 = arith.cmpi ne, %rem3A_852, %ne3A_853 : i32
      %lt3A_855 = arith.constant 0 : i32
      %lt3A_856 = arith.cmpi slt, %rem3A_852, %lt3A_855 : i32
      %lt3A_857 = arith.constant 0 : i32
      %lt3A_858 = arith.cmpi slt, %select_n3A_851, %lt3A_857 : i32
      %ne3A_859 = arith.xori %lt3A_856, %lt3A_858 : i1
      %and3A_860 = arith.andi %ne3A_859, %ne3A_854 : i1
      %add3A_861 = arith.addi %rem3A_852, %select_n3A_851 : i32
      %select_n3A_862 = arith.select %and3A_860, %add3A_861, %rem3A_852 : i32
      %jit3A_863 = arith.constant 8 : i32
      %div3A_864 = arith.divsi %select_n3A_846, %jit3A_863 : i32
      %sign3A_865 = arith.constant 0 : i32
      %sign3A_866 = arith.cmpi sgt, %select_n3A_846, %sign3A_865 : i32
      %sign3A_867 = arith.extui %sign3A_866 : i1 to i32
      %sign3A_868 = arith.constant 0 : i32
      %sign3A_869 = arith.cmpi slt, %select_n3A_846, %sign3A_868 : i32
      %sign3A_870 = arith.extui %sign3A_869 : i1 to i32
      %sign3A_871 = arith.subi %sign3A_867, %sign3A_870 : i32
      %sign3A_872 = arith.constant 0 : i32
      %sign3A_873 = arith.cmpi sgt, %jit3A_863, %sign3A_872 : i32
      %sign3A_874 = arith.extui %sign3A_873 : i1 to i32
      %sign3A_875 = arith.constant 0 : i32
      %sign3A_876 = arith.cmpi slt, %jit3A_863, %sign3A_875 : i32
      %sign3A_877 = arith.extui %sign3A_876 : i1 to i32
      %sign3A_878 = arith.subi %sign3A_874, %sign3A_877 : i32
      %ne3A_879 = arith.cmpi ne, %sign3A_871, %sign3A_878 : i32
      %rem3A_880 = arith.remsi %select_n3A_846, %jit3A_863 : i32
      %ne3A_881 = arith.constant 0 : i32
      %ne3A_882 = arith.cmpi ne, %rem3A_880, %ne3A_881 : i32
      %and3A_883 = arith.andi %ne3A_879, %ne3A_882 : i1
      %sub3A_884 = arith.constant 1 : i32
      %sub3A_885 = arith.subi %div3A_864, %sub3A_884 : i32
      %select_n3A_886 = arith.select %and3A_883, %sub3A_885, %div3A_864 : i32
      %jit3A_887 = arith.constant 8 : i32
      %eq3A_888 = arith.constant 0 : i32
      %eq3A_889 = arith.cmpi eq, %jit3A_887, %eq3A_888 : i32
      %jit3A_890 = arith.constant 1 : i32
      %select_n3A_891 = arith.select %eq3A_889, %jit3A_890, %jit3A_887 : i32
      %rem3A_892 = arith.remsi %select_n3A_846, %select_n3A_891 : i32
      %ne3A_893 = arith.constant 0 : i32
      %ne3A_894 = arith.cmpi ne, %rem3A_892, %ne3A_893 : i32
      %lt3A_895 = arith.constant 0 : i32
      %lt3A_896 = arith.cmpi slt, %rem3A_892, %lt3A_895 : i32
      %lt3A_897 = arith.constant 0 : i32
      %lt3A_898 = arith.cmpi slt, %select_n3A_891, %lt3A_897 : i32
      %ne3A_899 = arith.xori %lt3A_896, %lt3A_898 : i1
      %and3A_900 = arith.andi %ne3A_899, %ne3A_894 : i1
      %add3A_901 = arith.addi %rem3A_892, %select_n3A_891 : i32
      %select_n3A_902 = arith.select %and3A_900, %add3A_901, %rem3A_892 : i32
      %mul3A_903 = arith.constant 32 : i32
      %mul3A_904 = arith.muli %select_n3A_862, %mul3A_903 : i32
      %dma_start3A_905 = arith.constant 0 : i32
      %dma_start3A_906 = tpu.memref_slice %arg2[%select_n3A_886, %mul3A_904, %select_n3A_902, %dma_start3A_905] : memref<25x128x8x128xi32, #tpu.memory_space<hbm>> -> memref<1x32x1x128xi32, #tpu.memory_space<hbm>>
      %dma_start3A_907 = tpu.memref_squeeze %dma_start3A_906 : memref<1x32x1x128xi32, #tpu.memory_space<hbm>> -> memref<32x128xi32, #tpu.memory_space<hbm>>
      %dma_start3A_908 = arith.constant 0 : i32
      %dma_start3A_909 = tpu.memref_slice %arg2[%select_n3A_886, %mul3A_904, %select_n3A_902, %dma_start3A_908] : memref<25x128x8x128xi32, #tpu.memory_space<hbm>> -> memref<1x32x1x128xi32, #tpu.memory_space<hbm>>
      %dma_start3A_910 = tpu.memref_squeeze %dma_start3A_909 : memref<1x32x1x128xi32, #tpu.memory_space<hbm>> -> memref<32x128xi32, #tpu.memory_space<hbm>>
      tpu.enqueue_dma source(%dma_start3A_910 : memref<32x128xi32, #tpu.memory_space<hbm>>) target(%arg5 : memref<32x128xi32, #tpu.memory_space<vmem>>) target_semaphore(%arg10 : memref<!tpu.dma_semaphore, #tpu.memory_space<semaphore_mem>>)
      %jit3A_911 = arith.constant 4 : i32
      %div3A_912 = arith.divsi %add3A_820, %jit3A_911 : i32
      %sign3A_913 = arith.constant 0 : i32
      %sign3A_914 = arith.cmpi sgt, %add3A_820, %sign3A_913 : i32
      %sign3A_915 = arith.extui %sign3A_914 : i1 to i32
      %sign3A_916 = arith.constant 0 : i32
      %sign3A_917 = arith.cmpi slt, %add3A_820, %sign3A_916 : i32
      %sign3A_918 = arith.extui %sign3A_917 : i1 to i32
      %sign3A_919 = arith.subi %sign3A_915, %sign3A_918 : i32
      %sign3A_920 = arith.constant 0 : i32
      %sign3A_921 = arith.cmpi sgt, %jit3A_911, %sign3A_920 : i32
      %sign3A_922 = arith.extui %sign3A_921 : i1 to i32
      %sign3A_923 = arith.constant 0 : i32
      %sign3A_924 = arith.cmpi slt, %jit3A_911, %sign3A_923 : i32
      %sign3A_925 = arith.extui %sign3A_924 : i1 to i32
      %sign3A_926 = arith.subi %sign3A_922, %sign3A_925 : i32
      %ne3A_927 = arith.cmpi ne, %sign3A_919, %sign3A_926 : i32
      %rem3A_928 = arith.remsi %add3A_820, %jit3A_911 : i32
      %ne3A_929 = arith.constant 0 : i32
      %ne3A_930 = arith.cmpi ne, %rem3A_928, %ne3A_929 : i32
      %and3A_931 = arith.andi %ne3A_927, %ne3A_930 : i1
      %sub3A_932 = arith.constant 1 : i32
      %sub3A_933 = arith.subi %div3A_912, %sub3A_932 : i32
      %select_n3A_934 = arith.select %and3A_931, %sub3A_933, %div3A_912 : i32
      %jit3A_935 = arith.constant 4 : i32
      %eq3A_936 = arith.constant 0 : i32
      %eq3A_937 = arith.cmpi eq, %jit3A_935, %eq3A_936 : i32
      %jit3A_938 = arith.constant 1 : i32
      %select_n3A_939 = arith.select %eq3A_937, %jit3A_938, %jit3A_935 : i32
      %rem3A_940 = arith.remsi %add3A_820, %select_n3A_939 : i32
      %ne3A_941 = arith.constant 0 : i32
      %ne3A_942 = arith.cmpi ne, %rem3A_940, %ne3A_941 : i32
      %lt3A_943 = arith.constant 0 : i32
      %lt3A_944 = arith.cmpi slt, %rem3A_940, %lt3A_943 : i32
      %lt3A_945 = arith.constant 0 : i32
      %lt3A_946 = arith.cmpi slt, %select_n3A_939, %lt3A_945 : i32
      %ne3A_947 = arith.xori %lt3A_944, %lt3A_946 : i1
      %and3A_948 = arith.andi %ne3A_947, %ne3A_942 : i1
      %add3A_949 = arith.addi %rem3A_940, %select_n3A_939 : i32
      %select_n3A_950 = arith.select %and3A_948, %add3A_949, %rem3A_940 : i32
      %jit3A_951 = arith.constant 8 : i32
      %div3A_952 = arith.divsi %select_n3A_934, %jit3A_951 : i32
      %sign3A_953 = arith.constant 0 : i32
      %sign3A_954 = arith.cmpi sgt, %select_n3A_934, %sign3A_953 : i32
      %sign3A_955 = arith.extui %sign3A_954 : i1 to i32
      %sign3A_956 = arith.constant 0 : i32
      %sign3A_957 = arith.cmpi slt, %select_n3A_934, %sign3A_956 : i32
      %sign3A_958 = arith.extui %sign3A_957 : i1 to i32
      %sign3A_959 = arith.subi %sign3A_955, %sign3A_958 : i32
      %sign3A_960 = arith.constant 0 : i32
      %sign3A_961 = arith.cmpi sgt, %jit3A_951, %sign3A_960 : i32
      %sign3A_962 = arith.extui %sign3A_961 : i1 to i32
      %sign3A_963 = arith.constant 0 : i32
      %sign3A_964 = arith.cmpi slt, %jit3A_951, %sign3A_963 : i32
      %sign3A_965 = arith.extui %sign3A_964 : i1 to i32
      %sign3A_966 = arith.subi %sign3A_962, %sign3A_965 : i32
      %ne3A_967 = arith.cmpi ne, %sign3A_959, %sign3A_966 : i32
      %rem3A_968 = arith.remsi %select_n3A_934, %jit3A_951 : i32
      %ne3A_969 = arith.constant 0 : i32
      %ne3A_970 = arith.cmpi ne, %rem3A_968, %ne3A_969 : i32
      %and3A_971 = arith.andi %ne3A_967, %ne3A_970 : i1
      %sub3A_972 = arith.constant 1 : i32
      %sub3A_973 = arith.subi %div3A_952, %sub3A_972 : i32
      %select_n3A_974 = arith.select %and3A_971, %sub3A_973, %div3A_952 : i32
      %jit3A_975 = arith.constant 8 : i32
      %eq3A_976 = arith.constant 0 : i32
      %eq3A_977 = arith.cmpi eq, %jit3A_975, %eq3A_976 : i32
      %jit3A_978 = arith.constant 1 : i32
      %select_n3A_979 = arith.select %eq3A_977, %jit3A_978, %jit3A_975 : i32
      %rem3A_980 = arith.remsi %select_n3A_934, %select_n3A_979 : i32
      %ne3A_981 = arith.constant 0 : i32
      %ne3A_982 = arith.cmpi ne, %rem3A_980, %ne3A_981 : i32
      %lt3A_983 = arith.constant 0 : i32
      %lt3A_984 = arith.cmpi slt, %rem3A_980, %lt3A_983 : i32
      %lt3A_985 = arith.constant 0 : i32
      %lt3A_986 = arith.cmpi slt, %select_n3A_979, %lt3A_985 : i32
      %ne3A_987 = arith.xori %lt3A_984, %lt3A_986 : i1
      %and3A_988 = arith.andi %ne3A_987, %ne3A_982 : i1
      %add3A_989 = arith.addi %rem3A_980, %select_n3A_979 : i32
      %select_n3A_990 = arith.select %and3A_988, %add3A_989, %rem3A_980 : i32
      %mul3A_991 = arith.constant 32 : i32
      %mul3A_992 = arith.muli %select_n3A_950, %mul3A_991 : i32
      %dma_wait3A_993 = arith.constant 0 : i32
      %dma_wait3A_994 = tpu.memref_slice %arg2[%select_n3A_974, %mul3A_992, %select_n3A_990, %dma_wait3A_993] : memref<25x128x8x128xi32, #tpu.memory_space<hbm>> -> memref<1x32x1x128xi32, #tpu.memory_space<hbm>>
      %dma_wait3A_995 = tpu.memref_squeeze %dma_wait3A_994 : memref<1x32x1x128xi32, #tpu.memory_space<hbm>> -> memref<32x128xi32, #tpu.memory_space<hbm>>
      %dma_wait3A_996 = arith.constant 0 : i32
      %dma_wait3A_997 = tpu.memref_slice %arg2[%select_n3A_974, %mul3A_992, %select_n3A_990, %dma_wait3A_996] : memref<25x128x8x128xi32, #tpu.memory_space<hbm>> -> memref<1x32x1x128xi32, #tpu.memory_space<hbm>>
      %dma_wait3A_998 = tpu.memref_squeeze %dma_wait3A_997 : memref<1x32x1x128xi32, #tpu.memory_space<hbm>> -> memref<32x128xi32, #tpu.memory_space<hbm>>
      tpu.wait_dma2 semaphore(%arg11 : memref<!tpu.dma_semaphore, #tpu.memory_space<semaphore_mem>>) src(%dma_wait3A_998 : memref<32x128xi32, #tpu.memory_space<hbm>>) dst(%arg6 : memref<32x128xi32, #tpu.memory_space<vmem>>)
      %gt3A_999 = arith.constant 0 : i32
      %gt3A_1000 = arith.cmpi sgt, %scan3A_542, %gt3A_999 : i32
      %convert_element_type3A_1001 = arith.extui %gt3A_1000 : i1 to i32
      %cond3A_1002 = arith.constant 0 : i32
      %cond3A_1003 = arith.cmpi ne, %convert_element_type3A_1001, %cond3A_1002 : i32
      scf.if %cond3A_1003 {
        %sub3A_1097 = arith.constant 2 : i32
        %sub3A_1098 = arith.subi %add3A_820, %sub3A_1097 : i32
        %jit3A_1099 = arith.constant 4 : i32
        %div3A_1100 = arith.divsi %sub3A_1098, %jit3A_1099 : i32
        %sign3A_1101 = arith.constant 0 : i32
        %sign3A_1102 = arith.cmpi sgt, %sub3A_1098, %sign3A_1101 : i32
        %sign3A_1103 = arith.extui %sign3A_1102 : i1 to i32
        %sign3A_1104 = arith.constant 0 : i32
        %sign3A_1105 = arith.cmpi slt, %sub3A_1098, %sign3A_1104 : i32
        %sign3A_1106 = arith.extui %sign3A_1105 : i1 to i32
        %sign3A_1107 = arith.subi %sign3A_1103, %sign3A_1106 : i32
        %sign3A_1108 = arith.constant 0 : i32
        %sign3A_1109 = arith.cmpi sgt, %jit3A_1099, %sign3A_1108 : i32
        %sign3A_1110 = arith.extui %sign3A_1109 : i1 to i32
        %sign3A_1111 = arith.constant 0 : i32
        %sign3A_1112 = arith.cmpi slt, %jit3A_1099, %sign3A_1111 : i32
        %sign3A_1113 = arith.extui %sign3A_1112 : i1 to i32
        %sign3A_1114 = arith.subi %sign3A_1110, %sign3A_1113 : i32
        %ne3A_1115 = arith.cmpi ne, %sign3A_1107, %sign3A_1114 : i32
        %rem3A_1116 = arith.remsi %sub3A_1098, %jit3A_1099 : i32
        %ne3A_1117 = arith.constant 0 : i32
        %ne3A_1118 = arith.cmpi ne, %rem3A_1116, %ne3A_1117 : i32
        %and3A_1119 = arith.andi %ne3A_1115, %ne3A_1118 : i1
        %sub3A_1120 = arith.constant 1 : i32
        %sub3A_1121 = arith.subi %div3A_1100, %sub3A_1120 : i32
        %select_n3A_1122 = arith.select %and3A_1119, %sub3A_1121, %div3A_1100 : i32
        %jit3A_1123 = arith.constant 4 : i32
        %eq3A_1124 = arith.constant 0 : i32
        %eq3A_1125 = arith.cmpi eq, %jit3A_1123, %eq3A_1124 : i32
        %jit3A_1126 = arith.constant 1 : i32
        %select_n3A_1127 = arith.select %eq3A_1125, %jit3A_1126, %jit3A_1123 : i32
        %rem3A_1128 = arith.remsi %sub3A_1098, %select_n3A_1127 : i32
        %ne3A_1129 = arith.constant 0 : i32
        %ne3A_1130 = arith.cmpi ne, %rem3A_1128, %ne3A_1129 : i32
        %lt3A_1131 = arith.constant 0 : i32
        %lt3A_1132 = arith.cmpi slt, %rem3A_1128, %lt3A_1131 : i32
        %lt3A_1133 = arith.constant 0 : i32
        %lt3A_1134 = arith.cmpi slt, %select_n3A_1127, %lt3A_1133 : i32
        %ne3A_1135 = arith.xori %lt3A_1132, %lt3A_1134 : i1
        %and3A_1136 = arith.andi %ne3A_1135, %ne3A_1130 : i1
        %add3A_1137 = arith.addi %rem3A_1128, %select_n3A_1127 : i32
        %select_n3A_1138 = arith.select %and3A_1136, %add3A_1137, %rem3A_1128 : i32
        %jit3A_1139 = arith.constant 8 : i32
        %div3A_1140 = arith.divsi %select_n3A_1122, %jit3A_1139 : i32
        %sign3A_1141 = arith.constant 0 : i32
        %sign3A_1142 = arith.cmpi sgt, %select_n3A_1122, %sign3A_1141 : i32
        %sign3A_1143 = arith.extui %sign3A_1142 : i1 to i32
        %sign3A_1144 = arith.constant 0 : i32
        %sign3A_1145 = arith.cmpi slt, %select_n3A_1122, %sign3A_1144 : i32
        %sign3A_1146 = arith.extui %sign3A_1145 : i1 to i32
        %sign3A_1147 = arith.subi %sign3A_1143, %sign3A_1146 : i32
        %sign3A_1148 = arith.constant 0 : i32
        %sign3A_1149 = arith.cmpi sgt, %jit3A_1139, %sign3A_1148 : i32
        %sign3A_1150 = arith.extui %sign3A_1149 : i1 to i32
        %sign3A_1151 = arith.constant 0 : i32
        %sign3A_1152 = arith.cmpi slt, %jit3A_1139, %sign3A_1151 : i32
        %sign3A_1153 = arith.extui %sign3A_1152 : i1 to i32
        %sign3A_1154 = arith.subi %sign3A_1150, %sign3A_1153 : i32
        %ne3A_1155 = arith.cmpi ne, %sign3A_1147, %sign3A_1154 : i32
        %rem3A_1156 = arith.remsi %select_n3A_1122, %jit3A_1139 : i32
        %ne3A_1157 = arith.constant 0 : i32
        %ne3A_1158 = arith.cmpi ne, %rem3A_1156, %ne3A_1157 : i32
        %and3A_1159 = arith.andi %ne3A_1155, %ne3A_1158 : i1
        %sub3A_1160 = arith.constant 1 : i32
        %sub3A_1161 = arith.subi %div3A_1140, %sub3A_1160 : i32
        %select_n3A_1162 = arith.select %and3A_1159, %sub3A_1161, %div3A_1140 : i32
        %jit3A_1163 = arith.constant 8 : i32
        %eq3A_1164 = arith.constant 0 : i32
        %eq3A_1165 = arith.cmpi eq, %jit3A_1163, %eq3A_1164 : i32
        %jit3A_1166 = arith.constant 1 : i32
        %select_n3A_1167 = arith.select %eq3A_1165, %jit3A_1166, %jit3A_1163 : i32
        %rem3A_1168 = arith.remsi %select_n3A_1122, %select_n3A_1167 : i32
        %ne3A_1169 = arith.constant 0 : i32
        %ne3A_1170 = arith.cmpi ne, %rem3A_1168, %ne3A_1169 : i32
        %lt3A_1171 = arith.constant 0 : i32
        %lt3A_1172 = arith.cmpi slt, %rem3A_1168, %lt3A_1171 : i32
        %lt3A_1173 = arith.constant 0 : i32
        %lt3A_1174 = arith.cmpi slt, %select_n3A_1167, %lt3A_1173 : i32
        %ne3A_1175 = arith.xori %lt3A_1172, %lt3A_1174 : i1
        %and3A_1176 = arith.andi %ne3A_1175, %ne3A_1170 : i1
        %add3A_1177 = arith.addi %rem3A_1168, %select_n3A_1167 : i32
        %select_n3A_1178 = arith.select %and3A_1176, %add3A_1177, %rem3A_1168 : i32
        %mul3A_1179 = arith.constant 32 : i32
        %mul3A_1180 = arith.muli %select_n3A_1138, %mul3A_1179 : i32
        %dma_wait3A_1181 = arith.constant 0 : i32
        %dma_wait3A_1182 = arith.constant 0 : i32
        %dma_wait3A_1183 = tpu.memref_slice %arg4[%select_n3A_1122, %mul3A_1180, %dma_wait3A_1181, %dma_wait3A_1182] : memref<200x128x4x128xf32, #tpu.memory_space<hbm>> -> memref<1x32x4x128xf32, #tpu.memory_space<hbm>>
        %dma_wait3A_1184 = tpu.memref_squeeze %dma_wait3A_1183 : memref<1x32x4x128xf32, #tpu.memory_space<hbm>> -> memref<32x4x128xf32, #tpu.memory_space<hbm>>
        %dma_wait3A_1185 = arith.constant 0 : i32
        %dma_wait3A_1186 = arith.constant 0 : i32
        %dma_wait3A_1187 = tpu.memref_slice %arg4[%select_n3A_1122, %mul3A_1180, %dma_wait3A_1185, %dma_wait3A_1186] : memref<200x128x4x128xf32, #tpu.memory_space<hbm>> -> memref<1x32x4x128xf32, #tpu.memory_space<hbm>>
        %dma_wait3A_1188 = tpu.memref_squeeze %dma_wait3A_1187 : memref<1x32x4x128xf32, #tpu.memory_space<hbm>> -> memref<32x4x128xf32, #tpu.memory_space<hbm>>
        tpu.wait_dma2 semaphore(%arg13 : memref<!tpu.dma_semaphore, #tpu.memory_space<semaphore_mem>>) src(%arg8 : memref<32x4x128xf32, #tpu.memory_space<vmem>>) dst(%dma_wait3A_1188 : memref<32x4x128xf32, #tpu.memory_space<hbm>>)
      } else {
      }
      %parallel_loop3A_1004 = arith.constant 0 : i32
      %parallel_loop3A_1005 = arith.constant 32 : i32
      %parallel_loop3A_1006 = arith.constant 1 : i32
      scf.for %parallel_loop3A_1097 = %parallel_loop3A_1004 to %parallel_loop3A_1005 step %parallel_loop3A_1006  : i32 {
        %parallel_loop3A_1098 = arith.index_cast %parallel_loop3A_1097 : i32 to index
        %parallel_loop3A_1099 = arith.constant 0 : index
        %parallel_loop3A_1100 = tpu.vector_load %arg6[%parallel_loop3A_1098, %parallel_loop3A_1099] {strides = array<i32>} : memref<32x128xi32, #tpu.memory_space<vmem>>, vector<16xi32>,
        %parallel_loop3A_1101 = tpu.vector_load_idx %arg9[%parallel_loop3A_1100] : memref<32xf32, #tpu.memory_space<vmem>>[vector<16xi32>], vector<16xf32>,
        %parallel_loop3A_1102 = arith.constant 0 : i32
        %parallel_loop3A_1103 = arith.index_cast %parallel_loop3A_1097 : i32 to index
        %parallel_loop3A_1104 = arith.index_cast %parallel_loop3A_1102 : i32 to index
        %parallel_loop3A_1105 = arith.constant 0 : index
        %parallel_loop3A_1106 = tpu.vector_load %arg8[%parallel_loop3A_1103, %parallel_loop3A_1104, %parallel_loop3A_1105] {strides = array<i32>} : memref<32x4x128xf32, #tpu.memory_space<vmem>>, vector<16xf32>,
        tpu.vector_store %arg8[%parallel_loop3A_1103, %parallel_loop3A_1104, %parallel_loop3A_1105], %parallel_loop3A_1101 {strides = array<i32>} : memref<32x4x128xf32, #tpu.memory_space<vmem>>, vector<16xf32>,
        %parallel_loop3A_1107 = arith.constant 8 : i32
        %parallel_loop3A_1108 = vector.broadcast %parallel_loop3A_1107 : i32 to vector<16xi32>
        %parallel_loop3A_1109 = arith.addi %parallel_loop3A_1100, %parallel_loop3A_1108 : vector<16xi32>
        %parallel_loop3A_1110 = tpu.vector_load_idx %arg9[%parallel_loop3A_1109] : memref<32xf32, #tpu.memory_space<vmem>>[vector<16xi32>], vector<16xf32>,
        %parallel_loop3A_1111 = arith.constant 1 : i32
        %parallel_loop3A_1112 = arith.index_cast %parallel_loop3A_1097 : i32 to index
        %parallel_loop3A_1113 = arith.index_cast %parallel_loop3A_1111 : i32 to index
        %parallel_loop3A_1114 = arith.constant 0 : index
        %parallel_loop3A_1115 = tpu.vector_load %arg8[%parallel_loop3A_1112, %parallel_loop3A_1113, %parallel_loop3A_1114] {strides = array<i32>} : memref<32x4x128xf32, #tpu.memory_space<vmem>>, vector<16xf32>,
        tpu.vector_store %arg8[%parallel_loop3A_1112, %parallel_loop3A_1113, %parallel_loop3A_1114], %parallel_loop3A_1110 {strides = array<i32>} : memref<32x4x128xf32, #tpu.memory_space<vmem>>, vector<16xf32>,
        %parallel_loop3A_1116 = arith.constant 16 : i32
        %parallel_loop3A_1117 = vector.broadcast %parallel_loop3A_1116 : i32 to vector<16xi32>
        %parallel_loop3A_1118 = arith.addi %parallel_loop3A_1100, %parallel_loop3A_1117 : vector<16xi32>
        %parallel_loop3A_1119 = tpu.vector_load_idx %arg9[%parallel_loop3A_1118] : memref<32xf32, #tpu.memory_space<vmem>>[vector<16xi32>], vector<16xf32>,
        %parallel_loop3A_1120 = arith.constant 2 : i32
        %parallel_loop3A_1121 = arith.index_cast %parallel_loop3A_1097 : i32 to index
        %parallel_loop3A_1122 = arith.index_cast %parallel_loop3A_1120 : i32 to index
        %parallel_loop3A_1123 = arith.constant 0 : index
        %parallel_loop3A_1124 = tpu.vector_load %arg8[%parallel_loop3A_1121, %parallel_loop3A_1122, %parallel_loop3A_1123] {strides = array<i32>} : memref<32x4x128xf32, #tpu.memory_space<vmem>>, vector<16xf32>,
        tpu.vector_store %arg8[%parallel_loop3A_1121, %parallel_loop3A_1122, %parallel_loop3A_1123], %parallel_loop3A_1119 {strides = array<i32>} : memref<32x4x128xf32, #tpu.memory_space<vmem>>, vector<16xf32>,
        %parallel_loop3A_1125 = arith.constant 24 : i32
        %parallel_loop3A_1126 = vector.broadcast %parallel_loop3A_1125 : i32 to vector<16xi32>
        %parallel_loop3A_1127 = arith.addi %parallel_loop3A_1100, %parallel_loop3A_1126 : vector<16xi32>
        %parallel_loop3A_1128 = tpu.vector_load_idx %arg9[%parallel_loop3A_1127] : memref<32xf32, #tpu.memory_space<vmem>>[vector<16xi32>], vector<16xf32>,
        %parallel_loop3A_1129 = arith.constant 3 : i32
        %parallel_loop3A_1130 = arith.index_cast %parallel_loop3A_1097 : i32 to index
        %parallel_loop3A_1131 = arith.index_cast %parallel_loop3A_1129 : i32 to index
        %parallel_loop3A_1132 = arith.constant 0 : index
        %parallel_loop3A_1133 = tpu.vector_load %arg8[%parallel_loop3A_1130, %parallel_loop3A_1131, %parallel_loop3A_1132] {strides = array<i32>} : memref<32x4x128xf32, #tpu.memory_space<vmem>>, vector<16xf32>,
        tpu.vector_store %arg8[%parallel_loop3A_1130, %parallel_loop3A_1131, %parallel_loop3A_1132], %parallel_loop3A_1128 {strides = array<i32>} : memref<32x4x128xf32, #tpu.memory_space<vmem>>, vector<16xf32>,
        %parallel_loop3A_1134 = arith.index_cast %parallel_loop3A_1097 : i32 to index
        %parallel_loop3A_1135 = arith.constant 16 : index
        %parallel_loop3A_1136 = tpu.vector_load %arg6[%parallel_loop3A_1134, %parallel_loop3A_1135] {strides = array<i32>} : memref<32x128xi32, #tpu.memory_space<vmem>>, vector<16xi32>,
        %parallel_loop3A_1137 = tpu.vector_load_idx %arg9[%parallel_loop3A_1136] : memref<32xf32, #tpu.memory_space<vmem>>[vector<16xi32>], vector<16xf32>,
        %parallel_loop3A_1138 = arith.constant 0 : i32
        %parallel_loop3A_1139 = arith.index_cast %parallel_loop3A_1097 : i32 to index
        %parallel_loop3A_1140 = arith.index_cast %parallel_loop3A_1138 : i32 to index
        %parallel_loop3A_1141 = arith.constant 16 : index
        %parallel_loop3A_1142 = tpu.vector_load %arg8[%parallel_loop3A_1139, %parallel_loop3A_1140, %parallel_loop3A_1141] {strides = array<i32>} : memref<32x4x128xf32, #tpu.memory_space<vmem>>, vector<16xf32>,
        tpu.vector_store %arg8[%parallel_loop3A_1139, %parallel_loop3A_1140, %parallel_loop3A_1141], %parallel_loop3A_1137 {strides = array<i32>} : memref<32x4x128xf32, #tpu.memory_space<vmem>>, vector<16xf32>,
        %parallel_loop3A_1143 = arith.constant 8 : i32
        %parallel_loop3A_1144 = vector.broadcast %parallel_loop3A_1143 : i32 to vector<16xi32>
        %parallel_loop3A_1145 = arith.addi %parallel_loop3A_1136, %parallel_loop3A_1144 : vector<16xi32>
        %parallel_loop3A_1146 = tpu.vector_load_idx %arg9[%parallel_loop3A_1145] : memref<32xf32, #tpu.memory_space<vmem>>[vector<16xi32>], vector<16xf32>,
        %parallel_loop3A_1147 = arith.constant 1 : i32
        %parallel_loop3A_1148 = arith.index_cast %parallel_loop3A_1097 : i32 to index
        %parallel_loop3A_1149 = arith.index_cast %parallel_loop3A_1147 : i32 to index
        %parallel_loop3A_1150 = arith.constant 16 : index
        %parallel_loop3A_1151 = tpu.vector_load %arg8[%parallel_loop3A_1148, %parallel_loop3A_1149, %parallel_loop3A_1150] {strides = array<i32>} : memref<32x4x128xf32, #tpu.memory_space<vmem>>, vector<16xf32>,
        tpu.vector_store %arg8[%parallel_loop3A_1148, %parallel_loop3A_1149, %parallel_loop3A_1150], %parallel_loop3A_1146 {strides = array<i32>} : memref<32x4x128xf32, #tpu.memory_space<vmem>>, vector<16xf32>,
        %parallel_loop3A_1152 = arith.constant 16 : i32
        %parallel_loop3A_1153 = vector.broadcast %parallel_loop3A_1152 : i32 to vector<16xi32>
        %parallel_loop3A_1154 = arith.addi %parallel_loop3A_1136, %parallel_loop3A_1153 : vector<16xi32>
        %parallel_loop3A_1155 = tpu.vector_load_idx %arg9[%parallel_loop3A_1154] : memref<32xf32, #tpu.memory_space<vmem>>[vector<16xi32>], vector<16xf32>,
        %parallel_loop3A_1156 = arith.constant 2 : i32
        %parallel_loop3A_1157 = arith.index_cast %parallel_loop3A_1097 : i32 to index
        %parallel_loop3A_1158 = arith.index_cast %parallel_loop3A_1156 : i32 to index
        %parallel_loop3A_1159 = arith.constant 16 : index
        %parallel_loop3A_1160 = tpu.vector_load %arg8[%parallel_loop3A_1157, %parallel_loop3A_1158, %parallel_loop3A_1159] {strides = array<i32>} : memref<32x4x128xf32, #tpu.memory_space<vmem>>, vector<16xf32>,
        tpu.vector_store %arg8[%parallel_loop3A_1157, %parallel_loop3A_1158, %parallel_loop3A_1159], %parallel_loop3A_1155 {strides = array<i32>} : memref<32x4x128xf32, #tpu.memory_space<vmem>>, vector<16xf32>,
        %parallel_loop3A_1161 = arith.constant 24 : i32
        %parallel_loop3A_1162 = vector.broadcast %parallel_loop3A_1161 : i32 to vector<16xi32>
        %parallel_loop3A_1163 = arith.addi %parallel_loop3A_1136, %parallel_loop3A_1162 : vector<16xi32>
        %parallel_loop3A_1164 = tpu.vector_load_idx %arg9[%parallel_loop3A_1163] : memref<32xf32, #tpu.memory_space<vmem>>[vector<16xi32>], vector<16xf32>,
        %parallel_loop3A_1165 = arith.constant 3 : i32
        %parallel_loop3A_1166 = arith.index_cast %parallel_loop3A_1097 : i32 to index
        %parallel_loop3A_1167 = arith.index_cast %parallel_loop3A_1165 : i32 to index
        %parallel_loop3A_1168 = arith.constant 16 : index
        %parallel_loop3A_1169 = tpu.vector_load %arg8[%parallel_loop3A_1166, %parallel_loop3A_1167, %parallel_loop3A_1168] {strides = array<i32>} : memref<32x4x128xf32, #tpu.memory_space<vmem>>, vector<16xf32>,
        tpu.vector_store %arg8[%parallel_loop3A_1166, %parallel_loop3A_1167, %parallel_loop3A_1168], %parallel_loop3A_1164 {strides = array<i32>} : memref<32x4x128xf32, #tpu.memory_space<vmem>>, vector<16xf32>,
        %parallel_loop3A_1170 = arith.index_cast %parallel_loop3A_1097 : i32 to index
        %parallel_loop3A_1171 = arith.constant 32 : index
        %parallel_loop3A_1172 = tpu.vector_load %arg6[%parallel_loop3A_1170, %parallel_loop3A_1171] {strides = array<i32>} : memref<32x128xi32, #tpu.memory_space<vmem>>, vector<16xi32>,
        %parallel_loop3A_1173 = tpu.vector_load_idx %arg9[%parallel_loop3A_1172] : memref<32xf32, #tpu.memory_space<vmem>>[vector<16xi32>], vector<16xf32>,
        %parallel_loop3A_1174 = arith.constant 0 : i32
        %parallel_loop3A_1175 = arith.index_cast %parallel_loop3A_1097 : i32 to index
        %parallel_loop3A_1176 = arith.index_cast %parallel_loop3A_1174 : i32 to index
        %parallel_loop3A_1177 = arith.constant 32 : index
        %parallel_loop3A_1178 = tpu.vector_load %arg8[%parallel_loop3A_1175, %parallel_loop3A_1176, %parallel_loop3A_1177] {strides = array<i32>} : memref<32x4x128xf32, #tpu.memory_space<vmem>>, vector<16xf32>,
        tpu.vector_store %arg8[%parallel_loop3A_1175, %parallel_loop3A_1176, %parallel_loop3A_1177], %parallel_loop3A_1173 {strides = array<i32>} : memref<32x4x128xf32, #tpu.memory_space<vmem>>, vector<16xf32>,
        %parallel_loop3A_1179 = arith.constant 8 : i32
        %parallel_loop3A_1180 = vector.broadcast %parallel_loop3A_1179 : i32 to vector<16xi32>
        %parallel_loop3A_1181 = arith.addi %parallel_loop3A_1172, %parallel_loop3A_1180 : vector<16xi32>
        %parallel_loop3A_1182 = tpu.vector_load_idx %arg9[%parallel_loop3A_1181] : memref<32xf32, #tpu.memory_space<vmem>>[vector<16xi32>], vector<16xf32>,
        %parallel_loop3A_1183 = arith.constant 1 : i32
        %parallel_loop3A_1184 = arith.index_cast %parallel_loop3A_1097 : i32 to index
        %parallel_loop3A_1185 = arith.index_cast %parallel_loop3A_1183 : i32 to index
        %parallel_loop3A_1186 = arith.constant 32 : index
        %parallel_loop3A_1187 = tpu.vector_load %arg8[%parallel_loop3A_1184, %parallel_loop3A_1185, %parallel_loop3A_1186] {strides = array<i32>} : memref<32x4x128xf32, #tpu.memory_space<vmem>>, vector<16xf32>,
        tpu.vector_store %arg8[%parallel_loop3A_1184, %parallel_loop3A_1185, %parallel_loop3A_1186], %parallel_loop3A_1182 {strides = array<i32>} : memref<32x4x128xf32, #tpu.memory_space<vmem>>, vector<16xf32>,
        %parallel_loop3A_1188 = arith.constant 16 : i32
        %parallel_loop3A_1189 = vector.broadcast %parallel_loop3A_1188 : i32 to vector<16xi32>
        %parallel_loop3A_1190 = arith.addi %parallel_loop3A_1172, %parallel_loop3A_1189 : vector<16xi32>
        %parallel_loop3A_1191 = tpu.vector_load_idx %arg9[%parallel_loop3A_1190] : memref<32xf32, #tpu.memory_space<vmem>>[vector<16xi32>], vector<16xf32>,
        %parallel_loop3A_1192 = arith.constant 2 : i32
        %parallel_loop3A_1193 = arith.index_cast %parallel_loop3A_1097 : i32 to index
        %parallel_loop3A_1194 = arith.index_cast %parallel_loop3A_1192 : i32 to index
        %parallel_loop3A_1195 = arith.constant 32 : index
        %parallel_loop3A_1196 = tpu.vector_load %arg8[%parallel_loop3A_1193, %parallel_loop3A_1194, %parallel_loop3A_1195] {strides = array<i32>} : memref<32x4x128xf32, #tpu.memory_space<vmem>>, vector<16xf32>,
        tpu.vector_store %arg8[%parallel_loop3A_1193, %parallel_loop3A_1194, %parallel_loop3A_1195], %parallel_loop3A_1191 {strides = array<i32>} : memref<32x4x128xf32, #tpu.memory_space<vmem>>, vector<16xf32>,
        %parallel_loop3A_1197 = arith.constant 24 : i32
        %parallel_loop3A_1198 = vector.broadcast %parallel_loop3A_1197 : i32 to vector<16xi32>
        %parallel_loop3A_1199 = arith.addi %parallel_loop3A_1172, %parallel_loop3A_1198 : vector<16xi32>
        %parallel_loop3A_1200 = tpu.vector_load_idx %arg9[%parallel_loop3A_1199] : memref<32xf32, #tpu.memory_space<vmem>>[vector<16xi32>], vector<16xf32>,
        %parallel_loop3A_1201 = arith.constant 3 : i32
        %parallel_loop3A_1202 = arith.index_cast %parallel_loop3A_1097 : i32 to index
        %parallel_loop3A_1203 = arith.index_cast %parallel_loop3A_1201 : i32 to index
        %parallel_loop3A_1204 = arith.constant 32 : index
        %parallel_loop3A_1205 = tpu.vector_load %arg8[%parallel_loop3A_1202, %parallel_loop3A_1203, %parallel_loop3A_1204] {strides = array<i32>} : memref<32x4x128xf32, #tpu.memory_space<vmem>>, vector<16xf32>,
        tpu.vector_store %arg8[%parallel_loop3A_1202, %parallel_loop3A_1203, %parallel_loop3A_1204], %parallel_loop3A_1200 {strides = array<i32>} : memref<32x4x128xf32, #tpu.memory_space<vmem>>, vector<16xf32>,
        %parallel_loop3A_1206 = arith.index_cast %parallel_loop3A_1097 : i32 to index
        %parallel_loop3A_1207 = arith.constant 48 : index
        %parallel_loop3A_1208 = tpu.vector_load %arg6[%parallel_loop3A_1206, %parallel_loop3A_1207] {strides = array<i32>} : memref<32x128xi32, #tpu.memory_space<vmem>>, vector<16xi32>,
        %parallel_loop3A_1209 = tpu.vector_load_idx %arg9[%parallel_loop3A_1208] : memref<32xf32, #tpu.memory_space<vmem>>[vector<16xi32>], vector<16xf32>,
        %parallel_loop3A_1210 = arith.constant 0 : i32
        %parallel_loop3A_1211 = arith.index_cast %parallel_loop3A_1097 : i32 to index
        %parallel_loop3A_1212 = arith.index_cast %parallel_loop3A_1210 : i32 to index
        %parallel_loop3A_1213 = arith.constant 48 : index
        %parallel_loop3A_1214 = tpu.vector_load %arg8[%parallel_loop3A_1211, %parallel_loop3A_1212, %parallel_loop3A_1213] {strides = array<i32>} : memref<32x4x128xf32, #tpu.memory_space<vmem>>, vector<16xf32>,
        tpu.vector_store %arg8[%parallel_loop3A_1211, %parallel_loop3A_1212, %parallel_loop3A_1213], %parallel_loop3A_1209 {strides = array<i32>} : memref<32x4x128xf32, #tpu.memory_space<vmem>>, vector<16xf32>,
        %parallel_loop3A_1215 = arith.constant 8 : i32
        %parallel_loop3A_1216 = vector.broadcast %parallel_loop3A_1215 : i32 to vector<16xi32>
        %parallel_loop3A_1217 = arith.addi %parallel_loop3A_1208, %parallel_loop3A_1216 : vector<16xi32>
        %parallel_loop3A_1218 = tpu.vector_load_idx %arg9[%parallel_loop3A_1217] : memref<32xf32, #tpu.memory_space<vmem>>[vector<16xi32>], vector<16xf32>,
        %parallel_loop3A_1219 = arith.constant 1 : i32
        %parallel_loop3A_1220 = arith.index_cast %parallel_loop3A_1097 : i32 to index
        %parallel_loop3A_1221 = arith.index_cast %parallel_loop3A_1219 : i32 to index
        %parallel_loop3A_1222 = arith.constant 48 : index
        %parallel_loop3A_1223 = tpu.vector_load %arg8[%parallel_loop3A_1220, %parallel_loop3A_1221, %parallel_loop3A_1222] {strides = array<i32>} : memref<32x4x128xf32, #tpu.memory_space<vmem>>, vector<16xf32>,
        tpu.vector_store %arg8[%parallel_loop3A_1220, %parallel_loop3A_1221, %parallel_loop3A_1222], %parallel_loop3A_1218 {strides = array<i32>} : memref<32x4x128xf32, #tpu.memory_space<vmem>>, vector<16xf32>,
        %parallel_loop3A_1224 = arith.constant 16 : i32
        %parallel_loop3A_1225 = vector.broadcast %parallel_loop3A_1224 : i32 to vector<16xi32>
        %parallel_loop3A_1226 = arith.addi %parallel_loop3A_1208, %parallel_loop3A_1225 : vector<16xi32>
        %parallel_loop3A_1227 = tpu.vector_load_idx %arg9[%parallel_loop3A_1226] : memref<32xf32, #tpu.memory_space<vmem>>[vector<16xi32>], vector<16xf32>,
        %parallel_loop3A_1228 = arith.constant 2 : i32
        %parallel_loop3A_1229 = arith.index_cast %parallel_loop3A_1097 : i32 to index
        %parallel_loop3A_1230 = arith.index_cast %parallel_loop3A_1228 : i32 to index
        %parallel_loop3A_1231 = arith.constant 48 : index
        %parallel_loop3A_1232 = tpu.vector_load %arg8[%parallel_loop3A_1229, %parallel_loop3A_1230, %parallel_loop3A_1231] {strides = array<i32>} : memref<32x4x128xf32, #tpu.memory_space<vmem>>, vector<16xf32>,
        tpu.vector_store %arg8[%parallel_loop3A_1229, %parallel_loop3A_1230, %parallel_loop3A_1231], %parallel_loop3A_1227 {strides = array<i32>} : memref<32x4x128xf32, #tpu.memory_space<vmem>>, vector<16xf32>,
        %parallel_loop3A_1233 = arith.constant 24 : i32
        %parallel_loop3A_1234 = vector.broadcast %parallel_loop3A_1233 : i32 to vector<16xi32>
        %parallel_loop3A_1235 = arith.addi %parallel_loop3A_1208, %parallel_loop3A_1234 : vector<16xi32>
        %parallel_loop3A_1236 = tpu.vector_load_idx %arg9[%parallel_loop3A_1235] : memref<32xf32, #tpu.memory_space<vmem>>[vector<16xi32>], vector<16xf32>,
        %parallel_loop3A_1237 = arith.constant 3 : i32
        %parallel_loop3A_1238 = arith.index_cast %parallel_loop3A_1097 : i32 to index
        %parallel_loop3A_1239 = arith.index_cast %parallel_loop3A_1237 : i32 to index
        %parallel_loop3A_1240 = arith.constant 48 : index
        %parallel_loop3A_1241 = tpu.vector_load %arg8[%parallel_loop3A_1238, %parallel_loop3A_1239, %parallel_loop3A_1240] {strides = array<i32>} : memref<32x4x128xf32, #tpu.memory_space<vmem>>, vector<16xf32>,
        tpu.vector_store %arg8[%parallel_loop3A_1238, %parallel_loop3A_1239, %parallel_loop3A_1240], %parallel_loop3A_1236 {strides = array<i32>} : memref<32x4x128xf32, #tpu.memory_space<vmem>>, vector<16xf32>,
        %parallel_loop3A_1242 = arith.index_cast %parallel_loop3A_1097 : i32 to index
        %parallel_loop3A_1243 = arith.constant 64 : index
        %parallel_loop3A_1244 = tpu.vector_load %arg6[%parallel_loop3A_1242, %parallel_loop3A_1243] {strides = array<i32>} : memref<32x128xi32, #tpu.memory_space<vmem>>, vector<16xi32>,
        %parallel_loop3A_1245 = tpu.vector_load_idx %arg9[%parallel_loop3A_1244] : memref<32xf32, #tpu.memory_space<vmem>>[vector<16xi32>], vector<16xf32>,
        %parallel_loop3A_1246 = arith.constant 0 : i32
        %parallel_loop3A_1247 = arith.index_cast %parallel_loop3A_1097 : i32 to index
        %parallel_loop3A_1248 = arith.index_cast %parallel_loop3A_1246 : i32 to index
        %parallel_loop3A_1249 = arith.constant 64 : index
        %parallel_loop3A_1250 = tpu.vector_load %arg8[%parallel_loop3A_1247, %parallel_loop3A_1248, %parallel_loop3A_1249] {strides = array<i32>} : memref<32x4x128xf32, #tpu.memory_space<vmem>>, vector<16xf32>,
        tpu.vector_store %arg8[%parallel_loop3A_1247, %parallel_loop3A_1248, %parallel_loop3A_1249], %parallel_loop3A_1245 {strides = array<i32>} : memref<32x4x128xf32, #tpu.memory_space<vmem>>, vector<16xf32>,
        %parallel_loop3A_1251 = arith.constant 8 : i32
        %parallel_loop3A_1252 = vector.broadcast %parallel_loop3A_1251 : i32 to vector<16xi32>
        %parallel_loop3A_1253 = arith.addi %parallel_loop3A_1244, %parallel_loop3A_1252 : vector<16xi32>
        %parallel_loop3A_1254 = tpu.vector_load_idx %arg9[%parallel_loop3A_1253] : memref<32xf32, #tpu.memory_space<vmem>>[vector<16xi32>], vector<16xf32>,
        %parallel_loop3A_1255 = arith.constant 1 : i32
        %parallel_loop3A_1256 = arith.index_cast %parallel_loop3A_1097 : i32 to index
        %parallel_loop3A_1257 = arith.index_cast %parallel_loop3A_1255 : i32 to index
        %parallel_loop3A_1258 = arith.constant 64 : index
        %parallel_loop3A_1259 = tpu.vector_load %arg8[%parallel_loop3A_1256, %parallel_loop3A_1257, %parallel_loop3A_1258] {strides = array<i32>} : memref<32x4x128xf32, #tpu.memory_space<vmem>>, vector<16xf32>,
        tpu.vector_store %arg8[%parallel_loop3A_1256, %parallel_loop3A_1257, %parallel_loop3A_1258], %parallel_loop3A_1254 {strides = array<i32>} : memref<32x4x128xf32, #tpu.memory_space<vmem>>, vector<16xf32>,
        %parallel_loop3A_1260 = arith.constant 16 : i32
        %parallel_loop3A_1261 = vector.broadcast %parallel_loop3A_1260 : i32 to vector<16xi32>
        %parallel_loop3A_1262 = arith.addi %parallel_loop3A_1244, %parallel_loop3A_1261 : vector<16xi32>
        %parallel_loop3A_1263 = tpu.vector_load_idx %arg9[%parallel_loop3A_1262] : memref<32xf32, #tpu.memory_space<vmem>>[vector<16xi32>], vector<16xf32>,
        %parallel_loop3A_1264 = arith.constant 2 : i32
        %parallel_loop3A_1265 = arith.index_cast %parallel_loop3A_1097 : i32 to index
        %parallel_loop3A_1266 = arith.index_cast %parallel_loop3A_1264 : i32 to index
        %parallel_loop3A_1267 = arith.constant 64 : index
        %parallel_loop3A_1268 = tpu.vector_load %arg8[%parallel_loop3A_1265, %parallel_loop3A_1266, %parallel_loop3A_1267] {strides = array<i32>} : memref<32x4x128xf32, #tpu.memory_space<vmem>>, vector<16xf32>,
        tpu.vector_store %arg8[%parallel_loop3A_1265, %parallel_loop3A_1266, %parallel_loop3A_1267], %parallel_loop3A_1263 {strides = array<i32>} : memref<32x4x128xf32, #tpu.memory_space<vmem>>, vector<16xf32>,
        %parallel_loop3A_1269 = arith.constant 24 : i32
        %parallel_loop3A_1270 = vector.broadcast %parallel_loop3A_1269 : i32 to vector<16xi32>
        %parallel_loop3A_1271 = arith.addi %parallel_loop3A_1244, %parallel_loop3A_1270 : vector<16xi32>
        %parallel_loop3A_1272 = tpu.vector_load_idx %arg9[%parallel_loop3A_1271] : memref<32xf32, #tpu.memory_space<vmem>>[vector<16xi32>], vector<16xf32>,
        %parallel_loop3A_1273 = arith.constant 3 : i32
        %parallel_loop3A_1274 = arith.index_cast %parallel_loop3A_1097 : i32 to index
        %parallel_loop3A_1275 = arith.index_cast %parallel_loop3A_1273 : i32 to index
        %parallel_loop3A_1276 = arith.constant 64 : index
        %parallel_loop3A_1277 = tpu.vector_load %arg8[%parallel_loop3A_1274, %parallel_loop3A_1275, %parallel_loop3A_1276] {strides = array<i32>} : memref<32x4x128xf32, #tpu.memory_space<vmem>>, vector<16xf32>,
        tpu.vector_store %arg8[%parallel_loop3A_1274, %parallel_loop3A_1275, %parallel_loop3A_1276], %parallel_loop3A_1272 {strides = array<i32>} : memref<32x4x128xf32, #tpu.memory_space<vmem>>, vector<16xf32>,
        %parallel_loop3A_1278 = arith.index_cast %parallel_loop3A_1097 : i32 to index
        %parallel_loop3A_1279 = arith.constant 80 : index
        %parallel_loop3A_1280 = tpu.vector_load %arg6[%parallel_loop3A_1278, %parallel_loop3A_1279] {strides = array<i32>} : memref<32x128xi32, #tpu.memory_space<vmem>>, vector<16xi32>,
        %parallel_loop3A_1281 = tpu.vector_load_idx %arg9[%parallel_loop3A_1280] : memref<32xf32, #tpu.memory_space<vmem>>[vector<16xi32>], vector<16xf32>,
        %parallel_loop3A_1282 = arith.constant 0 : i32
        %parallel_loop3A_1283 = arith.index_cast %parallel_loop3A_1097 : i32 to index
        %parallel_loop3A_1284 = arith.index_cast %parallel_loop3A_1282 : i32 to index
        %parallel_loop3A_1285 = arith.constant 80 : index
        %parallel_loop3A_1286 = tpu.vector_load %arg8[%parallel_loop3A_1283, %parallel_loop3A_1284, %parallel_loop3A_1285] {strides = array<i32>} : memref<32x4x128xf32, #tpu.memory_space<vmem>>, vector<16xf32>,
        tpu.vector_store %arg8[%parallel_loop3A_1283, %parallel_loop3A_1284, %parallel_loop3A_1285], %parallel_loop3A_1281 {strides = array<i32>} : memref<32x4x128xf32, #tpu.memory_space<vmem>>, vector<16xf32>,
        %parallel_loop3A_1287 = arith.constant 8 : i32
        %parallel_loop3A_1288 = vector.broadcast %parallel_loop3A_1287 : i32 to vector<16xi32>
        %parallel_loop3A_1289 = arith.addi %parallel_loop3A_1280, %parallel_loop3A_1288 : vector<16xi32>
        %parallel_loop3A_1290 = tpu.vector_load_idx %arg9[%parallel_loop3A_1289] : memref<32xf32, #tpu.memory_space<vmem>>[vector<16xi32>], vector<16xf32>,
        %parallel_loop3A_1291 = arith.constant 1 : i32
        %parallel_loop3A_1292 = arith.index_cast %parallel_loop3A_1097 : i32 to index
        %parallel_loop3A_1293 = arith.index_cast %parallel_loop3A_1291 : i32 to index
        %parallel_loop3A_1294 = arith.constant 80 : index
        %parallel_loop3A_1295 = tpu.vector_load %arg8[%parallel_loop3A_1292, %parallel_loop3A_1293, %parallel_loop3A_1294] {strides = array<i32>} : memref<32x4x128xf32, #tpu.memory_space<vmem>>, vector<16xf32>,
        tpu.vector_store %arg8[%parallel_loop3A_1292, %parallel_loop3A_1293, %parallel_loop3A_1294], %parallel_loop3A_1290 {strides = array<i32>} : memref<32x4x128xf32, #tpu.memory_space<vmem>>, vector<16xf32>,
        %parallel_loop3A_1296 = arith.constant 16 : i32
        %parallel_loop3A_1297 = vector.broadcast %parallel_loop3A_1296 : i32 to vector<16xi32>
        %parallel_loop3A_1298 = arith.addi %parallel_loop3A_1280, %parallel_loop3A_1297 : vector<16xi32>
        %parallel_loop3A_1299 = tpu.vector_load_idx %arg9[%parallel_loop3A_1298] : memref<32xf32, #tpu.memory_space<vmem>>[vector<16xi32>], vector<16xf32>,
        %parallel_loop3A_1300 = arith.constant 2 : i32
        %parallel_loop3A_1301 = arith.index_cast %parallel_loop3A_1097 : i32 to index
        %parallel_loop3A_1302 = arith.index_cast %parallel_loop3A_1300 : i32 to index
        %parallel_loop3A_1303 = arith.constant 80 : index
        %parallel_loop3A_1304 = tpu.vector_load %arg8[%parallel_loop3A_1301, %parallel_loop3A_1302, %parallel_loop3A_1303] {strides = array<i32>} : memref<32x4x128xf32, #tpu.memory_space<vmem>>, vector<16xf32>,
        tpu.vector_store %arg8[%parallel_loop3A_1301, %parallel_loop3A_1302, %parallel_loop3A_1303], %parallel_loop3A_1299 {strides = array<i32>} : memref<32x4x128xf32, #tpu.memory_space<vmem>>, vector<16xf32>,
        %parallel_loop3A_1305 = arith.constant 24 : i32
        %parallel_loop3A_1306 = vector.broadcast %parallel_loop3A_1305 : i32 to vector<16xi32>
        %parallel_loop3A_1307 = arith.addi %parallel_loop3A_1280, %parallel_loop3A_1306 : vector<16xi32>
        %parallel_loop3A_1308 = tpu.vector_load_idx %arg9[%parallel_loop3A_1307] : memref<32xf32, #tpu.memory_space<vmem>>[vector<16xi32>], vector<16xf32>,
        %parallel_loop3A_1309 = arith.constant 3 : i32
        %parallel_loop3A_1310 = arith.index_cast %parallel_loop3A_1097 : i32 to index
        %parallel_loop3A_1311 = arith.index_cast %parallel_loop3A_1309 : i32 to index
        %parallel_loop3A_1312 = arith.constant 80 : index
        %parallel_loop3A_1313 = tpu.vector_load %arg8[%parallel_loop3A_1310, %parallel_loop3A_1311, %parallel_loop3A_1312] {strides = array<i32>} : memref<32x4x128xf32, #tpu.memory_space<vmem>>, vector<16xf32>,
        tpu.vector_store %arg8[%parallel_loop3A_1310, %parallel_loop3A_1311, %parallel_loop3A_1312], %parallel_loop3A_1308 {strides = array<i32>} : memref<32x4x128xf32, #tpu.memory_space<vmem>>, vector<16xf32>,
        %parallel_loop3A_1314 = arith.index_cast %parallel_loop3A_1097 : i32 to index
        %parallel_loop3A_1315 = arith.constant 96 : index
        %parallel_loop3A_1316 = tpu.vector_load %arg6[%parallel_loop3A_1314, %parallel_loop3A_1315] {strides = array<i32>} : memref<32x128xi32, #tpu.memory_space<vmem>>, vector<16xi32>,
        %parallel_loop3A_1317 = tpu.vector_load_idx %arg9[%parallel_loop3A_1316] : memref<32xf32, #tpu.memory_space<vmem>>[vector<16xi32>], vector<16xf32>,
        %parallel_loop3A_1318 = arith.constant 0 : i32
        %parallel_loop3A_1319 = arith.index_cast %parallel_loop3A_1097 : i32 to index
        %parallel_loop3A_1320 = arith.index_cast %parallel_loop3A_1318 : i32 to index
        %parallel_loop3A_1321 = arith.constant 96 : index
        %parallel_loop3A_1322 = tpu.vector_load %arg8[%parallel_loop3A_1319, %parallel_loop3A_1320, %parallel_loop3A_1321] {strides = array<i32>} : memref<32x4x128xf32, #tpu.memory_space<vmem>>, vector<16xf32>,
        tpu.vector_store %arg8[%parallel_loop3A_1319, %parallel_loop3A_1320, %parallel_loop3A_1321], %parallel_loop3A_1317 {strides = array<i32>} : memref<32x4x128xf32, #tpu.memory_space<vmem>>, vector<16xf32>,
        %parallel_loop3A_1323 = arith.constant 8 : i32
        %parallel_loop3A_1324 = vector.broadcast %parallel_loop3A_1323 : i32 to vector<16xi32>
        %parallel_loop3A_1325 = arith.addi %parallel_loop3A_1316, %parallel_loop3A_1324 : vector<16xi32>
        %parallel_loop3A_1326 = tpu.vector_load_idx %arg9[%parallel_loop3A_1325] : memref<32xf32, #tpu.memory_space<vmem>>[vector<16xi32>], vector<16xf32>,
        %parallel_loop3A_1327 = arith.constant 1 : i32
        %parallel_loop3A_1328 = arith.index_cast %parallel_loop3A_1097 : i32 to index
        %parallel_loop3A_1329 = arith.index_cast %parallel_loop3A_1327 : i32 to index
        %parallel_loop3A_1330 = arith.constant 96 : index
        %parallel_loop3A_1331 = tpu.vector_load %arg8[%parallel_loop3A_1328, %parallel_loop3A_1329, %parallel_loop3A_1330] {strides = array<i32>} : memref<32x4x128xf32, #tpu.memory_space<vmem>>, vector<16xf32>,
        tpu.vector_store %arg8[%parallel_loop3A_1328, %parallel_loop3A_1329, %parallel_loop3A_1330], %parallel_loop3A_1326 {strides = array<i32>} : memref<32x4x128xf32, #tpu.memory_space<vmem>>, vector<16xf32>,
        %parallel_loop3A_1332 = arith.constant 16 : i32
        %parallel_loop3A_1333 = vector.broadcast %parallel_loop3A_1332 : i32 to vector<16xi32>
        %parallel_loop3A_1334 = arith.addi %parallel_loop3A_1316, %parallel_loop3A_1333 : vector<16xi32>
        %parallel_loop3A_1335 = tpu.vector_load_idx %arg9[%parallel_loop3A_1334] : memref<32xf32, #tpu.memory_space<vmem>>[vector<16xi32>], vector<16xf32>,
        %parallel_loop3A_1336 = arith.constant 2 : i32
        %parallel_loop3A_1337 = arith.index_cast %parallel_loop3A_1097 : i32 to index
        %parallel_loop3A_1338 = arith.index_cast %parallel_loop3A_1336 : i32 to index
        %parallel_loop3A_1339 = arith.constant 96 : index
        %parallel_loop3A_1340 = tpu.vector_load %arg8[%parallel_loop3A_1337, %parallel_loop3A_1338, %parallel_loop3A_1339] {strides = array<i32>} : memref<32x4x128xf32, #tpu.memory_space<vmem>>, vector<16xf32>,
        tpu.vector_store %arg8[%parallel_loop3A_1337, %parallel_loop3A_1338, %parallel_loop3A_1339], %parallel_loop3A_1335 {strides = array<i32>} : memref<32x4x128xf32, #tpu.memory_space<vmem>>, vector<16xf32>,
        %parallel_loop3A_1341 = arith.constant 24 : i32
        %parallel_loop3A_1342 = vector.broadcast %parallel_loop3A_1341 : i32 to vector<16xi32>
        %parallel_loop3A_1343 = arith.addi %parallel_loop3A_1316, %parallel_loop3A_1342 : vector<16xi32>
        %parallel_loop3A_1344 = tpu.vector_load_idx %arg9[%parallel_loop3A_1343] : memref<32xf32, #tpu.memory_space<vmem>>[vector<16xi32>], vector<16xf32>,
        %parallel_loop3A_1345 = arith.constant 3 : i32
        %parallel_loop3A_1346 = arith.index_cast %parallel_loop3A_1097 : i32 to index
        %parallel_loop3A_1347 = arith.index_cast %parallel_loop3A_1345 : i32 to index
        %parallel_loop3A_1348 = arith.constant 96 : index
        %parallel_loop3A_1349 = tpu.vector_load %arg8[%parallel_loop3A_1346, %parallel_loop3A_1347, %parallel_loop3A_1348] {strides = array<i32>} : memref<32x4x128xf32, #tpu.memory_space<vmem>>, vector<16xf32>,
        tpu.vector_store %arg8[%parallel_loop3A_1346, %parallel_loop3A_1347, %parallel_loop3A_1348], %parallel_loop3A_1344 {strides = array<i32>} : memref<32x4x128xf32, #tpu.memory_space<vmem>>, vector<16xf32>,
        %parallel_loop3A_1350 = arith.index_cast %parallel_loop3A_1097 : i32 to index
        %parallel_loop3A_1351 = arith.constant 112 : index
        %parallel_loop3A_1352 = tpu.vector_load %arg6[%parallel_loop3A_1350, %parallel_loop3A_1351] {strides = array<i32>} : memref<32x128xi32, #tpu.memory_space<vmem>>, vector<16xi32>,
        %parallel_loop3A_1353 = tpu.vector_load_idx %arg9[%parallel_loop3A_1352] : memref<32xf32, #tpu.memory_space<vmem>>[vector<16xi32>], vector<16xf32>,
        %parallel_loop3A_1354 = arith.constant 0 : i32
        %parallel_loop3A_1355 = arith.index_cast %parallel_loop3A_1097 : i32 to index
        %parallel_loop3A_1356 = arith.index_cast %parallel_loop3A_1354 : i32 to index
        %parallel_loop3A_1357 = arith.constant 112 : index
        %parallel_loop3A_1358 = tpu.vector_load %arg8[%parallel_loop3A_1355, %parallel_loop3A_1356, %parallel_loop3A_1357] {strides = array<i32>} : memref<32x4x128xf32, #tpu.memory_space<vmem>>, vector<16xf32>,
        tpu.vector_store %arg8[%parallel_loop3A_1355, %parallel_loop3A_1356, %parallel_loop3A_1357], %parallel_loop3A_1353 {strides = array<i32>} : memref<32x4x128xf32, #tpu.memory_space<vmem>>, vector<16xf32>,
        %parallel_loop3A_1359 = arith.constant 8 : i32
        %parallel_loop3A_1360 = vector.broadcast %parallel_loop3A_1359 : i32 to vector<16xi32>
        %parallel_loop3A_1361 = arith.addi %parallel_loop3A_1352, %parallel_loop3A_1360 : vector<16xi32>
        %parallel_loop3A_1362 = tpu.vector_load_idx %arg9[%parallel_loop3A_1361] : memref<32xf32, #tpu.memory_space<vmem>>[vector<16xi32>], vector<16xf32>,
        %parallel_loop3A_1363 = arith.constant 1 : i32
        %parallel_loop3A_1364 = arith.index_cast %parallel_loop3A_1097 : i32 to index
        %parallel_loop3A_1365 = arith.index_cast %parallel_loop3A_1363 : i32 to index
        %parallel_loop3A_1366 = arith.constant 112 : index
        %parallel_loop3A_1367 = tpu.vector_load %arg8[%parallel_loop3A_1364, %parallel_loop3A_1365, %parallel_loop3A_1366] {strides = array<i32>} : memref<32x4x128xf32, #tpu.memory_space<vmem>>, vector<16xf32>,
        tpu.vector_store %arg8[%parallel_loop3A_1364, %parallel_loop3A_1365, %parallel_loop3A_1366], %parallel_loop3A_1362 {strides = array<i32>} : memref<32x4x128xf32, #tpu.memory_space<vmem>>, vector<16xf32>,
        %parallel_loop3A_1368 = arith.constant 16 : i32
        %parallel_loop3A_1369 = vector.broadcast %parallel_loop3A_1368 : i32 to vector<16xi32>
        %parallel_loop3A_1370 = arith.addi %parallel_loop3A_1352, %parallel_loop3A_1369 : vector<16xi32>
        %parallel_loop3A_1371 = tpu.vector_load_idx %arg9[%parallel_loop3A_1370] : memref<32xf32, #tpu.memory_space<vmem>>[vector<16xi32>], vector<16xf32>,
        %parallel_loop3A_1372 = arith.constant 2 : i32
        %parallel_loop3A_1373 = arith.index_cast %parallel_loop3A_1097 : i32 to index
        %parallel_loop3A_1374 = arith.index_cast %parallel_loop3A_1372 : i32 to index
        %parallel_loop3A_1375 = arith.constant 112 : index
        %parallel_loop3A_1376 = tpu.vector_load %arg8[%parallel_loop3A_1373, %parallel_loop3A_1374, %parallel_loop3A_1375] {strides = array<i32>} : memref<32x4x128xf32, #tpu.memory_space<vmem>>, vector<16xf32>,
        tpu.vector_store %arg8[%parallel_loop3A_1373, %parallel_loop3A_1374, %parallel_loop3A_1375], %parallel_loop3A_1371 {strides = array<i32>} : memref<32x4x128xf32, #tpu.memory_space<vmem>>, vector<16xf32>,
        %parallel_loop3A_1377 = arith.constant 24 : i32
        %parallel_loop3A_1378 = vector.broadcast %parallel_loop3A_1377 : i32 to vector<16xi32>
        %parallel_loop3A_1379 = arith.addi %parallel_loop3A_1352, %parallel_loop3A_1378 : vector<16xi32>
        %parallel_loop3A_1380 = tpu.vector_load_idx %arg9[%parallel_loop3A_1379] : memref<32xf32, #tpu.memory_space<vmem>>[vector<16xi32>], vector<16xf32>,
        %parallel_loop3A_1381 = arith.constant 3 : i32
        %parallel_loop3A_1382 = arith.index_cast %parallel_loop3A_1097 : i32 to index
        %parallel_loop3A_1383 = arith.index_cast %parallel_loop3A_1381 : i32 to index
        %parallel_loop3A_1384 = arith.constant 112 : index
        %parallel_loop3A_1385 = tpu.vector_load %arg8[%parallel_loop3A_1382, %parallel_loop3A_1383, %parallel_loop3A_1384] {strides = array<i32>} : memref<32x4x128xf32, #tpu.memory_space<vmem>>, vector<16xf32>,
        tpu.vector_store %arg8[%parallel_loop3A_1382, %parallel_loop3A_1383, %parallel_loop3A_1384], %parallel_loop3A_1380 {strides = array<i32>} : memref<32x4x128xf32, #tpu.memory_space<vmem>>, vector<16xf32>,
      } {sc.loop_unroll_factor = 4 : i64, sc.parallel_access}
      %jit3A_1007 = arith.constant 4 : i32
      %div3A_1008 = arith.divsi %add3A_820, %jit3A_1007 : i32
      %sign3A_1009 = arith.constant 0 : i32
      %sign3A_1010 = arith.cmpi sgt, %add3A_820, %sign3A_1009 : i32
      %sign3A_1011 = arith.extui %sign3A_1010 : i1 to i32
      %sign3A_1012 = arith.constant 0 : i32
      %sign3A_1013 = arith.cmpi slt, %add3A_820, %sign3A_1012 : i32
      %sign3A_1014 = arith.extui %sign3A_1013 : i1 to i32
      %sign3A_1015 = arith.subi %sign3A_1011, %sign3A_1014 : i32
      %sign3A_1016 = arith.constant 0 : i32
      %sign3A_1017 = arith.cmpi sgt, %jit3A_1007, %sign3A_1016 : i32
      %sign3A_1018 = arith.extui %sign3A_1017 : i1 to i32
      %sign3A_1019 = arith.constant 0 : i32
      %sign3A_1020 = arith.cmpi slt, %jit3A_1007, %sign3A_1019 : i32
      %sign3A_1021 = arith.extui %sign3A_1020 : i1 to i32
      %sign3A_1022 = arith.subi %sign3A_1018, %sign3A_1021 : i32
      %ne3A_1023 = arith.cmpi ne, %sign3A_1015, %sign3A_1022 : i32
      %rem3A_1024 = arith.remsi %add3A_820, %jit3A_1007 : i32
      %ne3A_1025 = arith.constant 0 : i32
      %ne3A_1026 = arith.cmpi ne, %rem3A_1024, %ne3A_1025 : i32
      %and3A_1027 = arith.andi %ne3A_1023, %ne3A_1026 : i1
      %sub3A_1028 = arith.constant 1 : i32
      %sub3A_1029 = arith.subi %div3A_1008, %sub3A_1028 : i32
      %select_n3A_1030 = arith.select %and3A_1027, %sub3A_1029, %div3A_1008 : i32
      %jit3A_1031 = arith.constant 4 : i32
      %eq3A_1032 = arith.constant 0 : i32
      %eq3A_1033 = arith.cmpi eq, %jit3A_1031, %eq3A_1032 : i32
      %jit3A_1034 = arith.constant 1 : i32
      %select_n3A_1035 = arith.select %eq3A_1033, %jit3A_1034, %jit3A_1031 : i32
      %rem3A_1036 = arith.remsi %add3A_820, %select_n3A_1035 : i32
      %ne3A_1037 = arith.constant 0 : i32
      %ne3A_1038 = arith.cmpi ne, %rem3A_1036, %ne3A_1037 : i32
      %lt3A_1039 = arith.constant 0 : i32
      %lt3A_1040 = arith.cmpi slt, %rem3A_1036, %lt3A_1039 : i32
      %lt3A_1041 = arith.constant 0 : i32
      %lt3A_1042 = arith.cmpi slt, %select_n3A_1035, %lt3A_1041 : i32
      %ne3A_1043 = arith.xori %lt3A_1040, %lt3A_1042 : i1
      %and3A_1044 = arith.andi %ne3A_1043, %ne3A_1038 : i1
      %add3A_1045 = arith.addi %rem3A_1036, %select_n3A_1035 : i32
      %select_n3A_1046 = arith.select %and3A_1044, %add3A_1045, %rem3A_1036 : i32
      %jit3A_1047 = arith.constant 8 : i32
      %div3A_1048 = arith.divsi %select_n3A_1030, %jit3A_1047 : i32
      %sign3A_1049 = arith.constant 0 : i32
      %sign3A_1050 = arith.cmpi sgt, %select_n3A_1030, %sign3A_1049 : i32
      %sign3A_1051 = arith.extui %sign3A_1050 : i1 to i32
      %sign3A_1052 = arith.constant 0 : i32
      %sign3A_1053 = arith.cmpi slt, %select_n3A_1030, %sign3A_1052 : i32
      %sign3A_1054 = arith.extui %sign3A_1053 : i1 to i32
      %sign3A_1055 = arith.subi %sign3A_1051, %sign3A_1054 : i32
      %sign3A_1056 = arith.constant 0 : i32
      %sign3A_1057 = arith.cmpi sgt, %jit3A_1047, %sign3A_1056 : i32
      %sign3A_1058 = arith.extui %sign3A_1057 : i1 to i32
      %sign3A_1059 = arith.constant 0 : i32
      %sign3A_1060 = arith.cmpi slt, %jit3A_1047, %sign3A_1059 : i32
      %sign3A_1061 = arith.extui %sign3A_1060 : i1 to i32
      %sign3A_1062 = arith.subi %sign3A_1058, %sign3A_1061 : i32
      %ne3A_1063 = arith.cmpi ne, %sign3A_1055, %sign3A_1062 : i32
      %rem3A_1064 = arith.remsi %select_n3A_1030, %jit3A_1047 : i32
      %ne3A_1065 = arith.constant 0 : i32
      %ne3A_1066 = arith.cmpi ne, %rem3A_1064, %ne3A_1065 : i32
      %and3A_1067 = arith.andi %ne3A_1063, %ne3A_1066 : i1
      %sub3A_1068 = arith.constant 1 : i32
      %sub3A_1069 = arith.subi %div3A_1048, %sub3A_1068 : i32
      %select_n3A_1070 = arith.select %and3A_1067, %sub3A_1069, %div3A_1048 : i32
      %jit3A_1071 = arith.constant 8 : i32
      %eq3A_1072 = arith.constant 0 : i32
      %eq3A_1073 = arith.cmpi eq, %jit3A_1071, %eq3A_1072 : i32
      %jit3A_1074 = arith.constant 1 : i32
      %select_n3A_1075 = arith.select %eq3A_1073, %jit3A_1074, %jit3A_1071 : i32
      %rem3A_1076 = arith.remsi %select_n3A_1030, %select_n3A_1075 : i32
      %ne3A_1077 = arith.constant 0 : i32
      %ne3A_1078 = arith.cmpi ne, %rem3A_1076, %ne3A_1077 : i32
      %lt3A_1079 = arith.constant 0 : i32
      %lt3A_1080 = arith.cmpi slt, %rem3A_1076, %lt3A_1079 : i32
      %lt3A_1081 = arith.constant 0 : i32
      %lt3A_1082 = arith.cmpi slt, %select_n3A_1075, %lt3A_1081 : i32
      %ne3A_1083 = arith.xori %lt3A_1080, %lt3A_1082 : i1
      %and3A_1084 = arith.andi %ne3A_1083, %ne3A_1078 : i1
      %add3A_1085 = arith.addi %rem3A_1076, %select_n3A_1075 : i32
      %select_n3A_1086 = arith.select %and3A_1084, %add3A_1085, %rem3A_1076 : i32
      %mul3A_1087 = arith.constant 32 : i32
      %mul3A_1088 = arith.muli %select_n3A_1046, %mul3A_1087 : i32
      %dma_start3A_1089 = arith.constant 0 : i32
      %dma_start3A_1090 = arith.constant 0 : i32
      %dma_start3A_1091 = tpu.memref_slice %arg4[%select_n3A_1030, %mul3A_1088, %dma_start3A_1089, %dma_start3A_1090] : memref<200x128x4x128xf32, #tpu.memory_space<hbm>> -> memref<1x32x4x128xf32, #tpu.memory_space<hbm>>
      %dma_start3A_1092 = tpu.memref_squeeze %dma_start3A_1091 : memref<1x32x4x128xf32, #tpu.memory_space<hbm>> -> memref<32x4x128xf32, #tpu.memory_space<hbm>>
      %dma_start3A_1093 = arith.constant 0 : i32
      %dma_start3A_1094 = arith.constant 0 : i32
      %dma_start3A_1095 = tpu.memref_slice %arg4[%select_n3A_1030, %mul3A_1088, %dma_start3A_1093, %dma_start3A_1094] : memref<200x128x4x128xf32, #tpu.memory_space<hbm>> -> memref<1x32x4x128xf32, #tpu.memory_space<hbm>>
      %dma_start3A_1096 = tpu.memref_squeeze %dma_start3A_1095 : memref<1x32x4x128xf32, #tpu.memory_space<hbm>> -> memref<32x4x128xf32, #tpu.memory_space<hbm>>
      tpu.enqueue_dma source(%arg8 : memref<32x4x128xf32, #tpu.memory_space<vmem>>) target(%dma_start3A_1096 : memref<32x4x128xf32, #tpu.memory_space<hbm>>) target_semaphore(%arg13 : memref<!tpu.dma_semaphore, #tpu.memory_space<semaphore_mem>>)
    }
    %scan3A_84 = arith.constant 12 : i32
    %add3A_85 = arith.constant 25 : i32
    %add3A_86 = arith.addi %mul3A_2, %add3A_85 : i32
    %sub3A_87 = arith.constant 1 : i32
    %sub3A_88 = arith.subi %add3A_86, %sub3A_87 : i32
    %jit3A_89 = arith.constant 4 : i32
    %div3A_90 = arith.divsi %sub3A_88, %jit3A_89 : i32
    %sign3A_91 = arith.constant 0 : i32
    %sign3A_92 = arith.cmpi sgt, %sub3A_88, %sign3A_91 : i32
    %sign3A_93 = arith.extui %sign3A_92 : i1 to i32
    %sign3A_94 = arith.constant 0 : i32
    %sign3A_95 = arith.cmpi slt, %sub3A_88, %sign3A_94 : i32
    %sign3A_96 = arith.extui %sign3A_95 : i1 to i32
    %sign3A_97 = arith.subi %sign3A_93, %sign3A_96 : i32
    %sign3A_98 = arith.constant 0 : i32
    %sign3A_99 = arith.cmpi sgt, %jit3A_89, %sign3A_98 : i32
    %sign3A_100 = arith.extui %sign3A_99 : i1 to i32
    %sign3A_101 = arith.constant 0 : i32
    %sign3A_102 = arith.cmpi slt, %jit3A_89, %sign3A_101 : i32
    %sign3A_103 = arith.extui %sign3A_102 : i1 to i32
    %sign3A_104 = arith.subi %sign3A_100, %sign3A_103 : i32
    %ne3A_105 = arith.cmpi ne, %sign3A_97, %sign3A_104 : i32
    %rem3A_106 = arith.remsi %sub3A_88, %jit3A_89 : i32
    %ne3A_107 = arith.constant 0 : i32
    %ne3A_108 = arith.cmpi ne, %rem3A_106, %ne3A_107 : i32
    %and3A_109 = arith.andi %ne3A_105, %ne3A_108 : i1
    %sub3A_110 = arith.constant 1 : i32
    %sub3A_111 = arith.subi %div3A_90, %sub3A_110 : i32
    %select_n3A_112 = arith.select %and3A_109, %sub3A_111, %div3A_90 : i32
    %jit3A_113 = arith.constant 4 : i32
    %eq3A_114 = arith.constant 0 : i32
    %eq3A_115 = arith.cmpi eq, %jit3A_113, %eq3A_114 : i32
    %jit3A_116 = arith.constant 1 : i32
    %select_n3A_117 = arith.select %eq3A_115, %jit3A_116, %jit3A_113 : i32
    %rem3A_118 = arith.remsi %sub3A_88, %select_n3A_117 : i32
    %ne3A_119 = arith.constant 0 : i32
    %ne3A_120 = arith.cmpi ne, %rem3A_118, %ne3A_119 : i32
    %lt3A_121 = arith.constant 0 : i32
    %lt3A_122 = arith.cmpi slt, %rem3A_118, %lt3A_121 : i32
    %lt3A_123 = arith.constant 0 : i32
    %lt3A_124 = arith.cmpi slt, %select_n3A_117, %lt3A_123 : i32
    %ne3A_125 = arith.xori %lt3A_122, %lt3A_124 : i1
    %and3A_126 = arith.andi %ne3A_125, %ne3A_120 : i1
    %add3A_127 = arith.addi %rem3A_118, %select_n3A_117 : i32
    %select_n3A_128 = arith.select %and3A_126, %add3A_127, %rem3A_118 : i32
    %jit3A_129 = arith.constant 8 : i32
    %div3A_130 = arith.divsi %select_n3A_112, %jit3A_129 : i32
    %sign3A_131 = arith.constant 0 : i32
    %sign3A_132 = arith.cmpi sgt, %select_n3A_112, %sign3A_131 : i32
    %sign3A_133 = arith.extui %sign3A_132 : i1 to i32
    %sign3A_134 = arith.constant 0 : i32
    %sign3A_135 = arith.cmpi slt, %select_n3A_112, %sign3A_134 : i32
    %sign3A_136 = arith.extui %sign3A_135 : i1 to i32
    %sign3A_137 = arith.subi %sign3A_133, %sign3A_136 : i32
    %sign3A_138 = arith.constant 0 : i32
    %sign3A_139 = arith.cmpi sgt, %jit3A_129, %sign3A_138 : i32
    %sign3A_140 = arith.extui %sign3A_139 : i1 to i32
    %sign3A_141 = arith.constant 0 : i32
    %sign3A_142 = arith.cmpi slt, %jit3A_129, %sign3A_141 : i32
    %sign3A_143 = arith.extui %sign3A_142 : i1 to i32
    %sign3A_144 = arith.subi %sign3A_140, %sign3A_143 : i32
    %ne3A_145 = arith.cmpi ne, %sign3A_137, %sign3A_144 : i32
    %rem3A_146 = arith.remsi %select_n3A_112, %jit3A_129 : i32
    %ne3A_147 = arith.constant 0 : i32
    %ne3A_148 = arith.cmpi ne, %rem3A_146, %ne3A_147 : i32
    %and3A_149 = arith.andi %ne3A_145, %ne3A_148 : i1
    %sub3A_150 = arith.constant 1 : i32
    %sub3A_151 = arith.subi %div3A_130, %sub3A_150 : i32
    %select_n3A_152 = arith.select %and3A_149, %sub3A_151, %div3A_130 : i32
    %jit3A_153 = arith.constant 8 : i32
    %eq3A_154 = arith.constant 0 : i32
    %eq3A_155 = arith.cmpi eq, %jit3A_153, %eq3A_154 : i32
    %jit3A_156 = arith.constant 1 : i32
    %select_n3A_157 = arith.select %eq3A_155, %jit3A_156, %jit3A_153 : i32
    %rem3A_158 = arith.remsi %select_n3A_112, %select_n3A_157 : i32
    %ne3A_159 = arith.constant 0 : i32
    %ne3A_160 = arith.cmpi ne, %rem3A_158, %ne3A_159 : i32
    %lt3A_161 = arith.constant 0 : i32
    %lt3A_162 = arith.cmpi slt, %rem3A_158, %lt3A_161 : i32
    %lt3A_163 = arith.constant 0 : i32
    %lt3A_164 = arith.cmpi slt, %select_n3A_157, %lt3A_163 : i32
    %ne3A_165 = arith.xori %lt3A_162, %lt3A_164 : i1
    %and3A_166 = arith.andi %ne3A_165, %ne3A_160 : i1
    %add3A_167 = arith.addi %rem3A_158, %select_n3A_157 : i32
    %select_n3A_168 = arith.select %and3A_166, %add3A_167, %rem3A_158 : i32
    %mul3A_169 = arith.constant 32 : i32
    %mul3A_170 = arith.muli %select_n3A_128, %mul3A_169 : i32
    %dma_wait3A = arith.constant 0 : i32
    %dma_wait3A_171 = tpu.memref_slice %arg2[%select_n3A_152, %mul3A_170, %select_n3A_168, %dma_wait3A] : memref<25x128x8x128xi32, #tpu.memory_space<hbm>> -> memref<1x32x1x128xi32, #tpu.memory_space<hbm>>
    %dma_wait3A_172 = tpu.memref_squeeze %dma_wait3A_171 : memref<1x32x1x128xi32, #tpu.memory_space<hbm>> -> memref<32x128xi32, #tpu.memory_space<hbm>>
    %dma_wait3A_173 = arith.constant 0 : i32
    %dma_wait3A_174 = tpu.memref_slice %arg2[%select_n3A_152, %mul3A_170, %select_n3A_168, %dma_wait3A_173] : memref<25x128x8x128xi32, #tpu.memory_space<hbm>> -> memref<1x32x1x128xi32, #tpu.memory_space<hbm>>
    %dma_wait3A_175 = tpu.memref_squeeze %dma_wait3A_174 : memref<1x32x1x128xi32, #tpu.memory_space<hbm>> -> memref<32x128xi32, #tpu.memory_space<hbm>>
    tpu.wait_dma2 semaphore(%arg10 : memref<!tpu.dma_semaphore, #tpu.memory_space<semaphore_mem>>) src(%dma_wait3A_175 : memref<32x128xi32, #tpu.memory_space<hbm>>) dst(%arg5 : memref<32x128xi32, #tpu.memory_space<vmem>>)
    %sub3A_176 = arith.constant 2 : i32
    %sub3A_177 = arith.subi %sub3A_88, %sub3A_176 : i32
    %jit3A_178 = arith.constant 4 : i32
    %div3A_179 = arith.divsi %sub3A_177, %jit3A_178 : i32
    %sign3A_180 = arith.constant 0 : i32
    %sign3A_181 = arith.cmpi sgt, %sub3A_177, %sign3A_180 : i32
    %sign3A_182 = arith.extui %sign3A_181 : i1 to i32
    %sign3A_183 = arith.constant 0 : i32
    %sign3A_184 = arith.cmpi slt, %sub3A_177, %sign3A_183 : i32
    %sign3A_185 = arith.extui %sign3A_184 : i1 to i32
    %sign3A_186 = arith.subi %sign3A_182, %sign3A_185 : i32
    %sign3A_187 = arith.constant 0 : i32
    %sign3A_188 = arith.cmpi sgt, %jit3A_178, %sign3A_187 : i32
    %sign3A_189 = arith.extui %sign3A_188 : i1 to i32
    %sign3A_190 = arith.constant 0 : i32
    %sign3A_191 = arith.cmpi slt, %jit3A_178, %sign3A_190 : i32
    %sign3A_192 = arith.extui %sign3A_191 : i1 to i32
    %sign3A_193 = arith.subi %sign3A_189, %sign3A_192 : i32
    %ne3A_194 = arith.cmpi ne, %sign3A_186, %sign3A_193 : i32
    %rem3A_195 = arith.remsi %sub3A_177, %jit3A_178 : i32
    %ne3A_196 = arith.constant 0 : i32
    %ne3A_197 = arith.cmpi ne, %rem3A_195, %ne3A_196 : i32
    %and3A_198 = arith.andi %ne3A_194, %ne3A_197 : i1
    %sub3A_199 = arith.constant 1 : i32
    %sub3A_200 = arith.subi %div3A_179, %sub3A_199 : i32
    %select_n3A_201 = arith.select %and3A_198, %sub3A_200, %div3A_179 : i32
    %jit3A_202 = arith.constant 4 : i32
    %eq3A_203 = arith.constant 0 : i32
    %eq3A_204 = arith.cmpi eq, %jit3A_202, %eq3A_203 : i32
    %jit3A_205 = arith.constant 1 : i32
    %select_n3A_206 = arith.select %eq3A_204, %jit3A_205, %jit3A_202 : i32
    %rem3A_207 = arith.remsi %sub3A_177, %select_n3A_206 : i32
    %ne3A_208 = arith.constant 0 : i32
    %ne3A_209 = arith.cmpi ne, %rem3A_207, %ne3A_208 : i32
    %lt3A_210 = arith.constant 0 : i32
    %lt3A_211 = arith.cmpi slt, %rem3A_207, %lt3A_210 : i32
    %lt3A_212 = arith.constant 0 : i32
    %lt3A_213 = arith.cmpi slt, %select_n3A_206, %lt3A_212 : i32
    %ne3A_214 = arith.xori %lt3A_211, %lt3A_213 : i1
    %and3A_215 = arith.andi %ne3A_214, %ne3A_209 : i1
    %add3A_216 = arith.addi %rem3A_207, %select_n3A_206 : i32
    %select_n3A_217 = arith.select %and3A_215, %add3A_216, %rem3A_207 : i32
    %jit3A_218 = arith.constant 8 : i32
    %div3A_219 = arith.divsi %select_n3A_201, %jit3A_218 : i32
    %sign3A_220 = arith.constant 0 : i32
    %sign3A_221 = arith.cmpi sgt, %select_n3A_201, %sign3A_220 : i32
    %sign3A_222 = arith.extui %sign3A_221 : i1 to i32
    %sign3A_223 = arith.constant 0 : i32
    %sign3A_224 = arith.cmpi slt, %select_n3A_201, %sign3A_223 : i32
    %sign3A_225 = arith.extui %sign3A_224 : i1 to i32
    %sign3A_226 = arith.subi %sign3A_222, %sign3A_225 : i32
    %sign3A_227 = arith.constant 0 : i32
    %sign3A_228 = arith.cmpi sgt, %jit3A_218, %sign3A_227 : i32
    %sign3A_229 = arith.extui %sign3A_228 : i1 to i32
    %sign3A_230 = arith.constant 0 : i32
    %sign3A_231 = arith.cmpi slt, %jit3A_218, %sign3A_230 : i32
    %sign3A_232 = arith.extui %sign3A_231 : i1 to i32
    %sign3A_233 = arith.subi %sign3A_229, %sign3A_232 : i32
    %ne3A_234 = arith.cmpi ne, %sign3A_226, %sign3A_233 : i32
    %rem3A_235 = arith.remsi %select_n3A_201, %jit3A_218 : i32
    %ne3A_236 = arith.constant 0 : i32
    %ne3A_237 = arith.cmpi ne, %rem3A_235, %ne3A_236 : i32
    %and3A_238 = arith.andi %ne3A_234, %ne3A_237 : i1
    %sub3A_239 = arith.constant 1 : i32
    %sub3A_240 = arith.subi %div3A_219, %sub3A_239 : i32
    %select_n3A_241 = arith.select %and3A_238, %sub3A_240, %div3A_219 : i32
    %jit3A_242 = arith.constant 8 : i32
    %eq3A_243 = arith.constant 0 : i32
    %eq3A_244 = arith.cmpi eq, %jit3A_242, %eq3A_243 : i32
    %jit3A_245 = arith.constant 1 : i32
    %select_n3A_246 = arith.select %eq3A_244, %jit3A_245, %jit3A_242 : i32
    %rem3A_247 = arith.remsi %select_n3A_201, %select_n3A_246 : i32
    %ne3A_248 = arith.constant 0 : i32
    %ne3A_249 = arith.cmpi ne, %rem3A_247, %ne3A_248 : i32
    %lt3A_250 = arith.constant 0 : i32
    %lt3A_251 = arith.cmpi slt, %rem3A_247, %lt3A_250 : i32
    %lt3A_252 = arith.constant 0 : i32
    %lt3A_253 = arith.cmpi slt, %select_n3A_246, %lt3A_252 : i32
    %ne3A_254 = arith.xori %lt3A_251, %lt3A_253 : i1
    %and3A_255 = arith.andi %ne3A_254, %ne3A_249 : i1
    %add3A_256 = arith.addi %rem3A_247, %select_n3A_246 : i32
    %select_n3A_257 = arith.select %and3A_255, %add3A_256, %rem3A_247 : i32
    %mul3A_258 = arith.constant 32 : i32
    %mul3A_259 = arith.muli %select_n3A_217, %mul3A_258 : i32
    %dma_wait3A_260 = arith.constant 0 : i32
    %dma_wait3A_261 = arith.constant 0 : i32
    %dma_wait3A_262 = tpu.memref_slice %arg4[%select_n3A_201, %mul3A_259, %dma_wait3A_260, %dma_wait3A_261] : memref<200x128x4x128xf32, #tpu.memory_space<hbm>> -> memref<1x32x4x128xf32, #tpu.memory_space<hbm>>
    %dma_wait3A_263 = tpu.memref_squeeze %dma_wait3A_262 : memref<1x32x4x128xf32, #tpu.memory_space<hbm>> -> memref<32x4x128xf32, #tpu.memory_space<hbm>>
    %dma_wait3A_264 = arith.constant 0 : i32
    %dma_wait3A_265 = arith.constant 0 : i32
    %dma_wait3A_266 = tpu.memref_slice %arg4[%select_n3A_201, %mul3A_259, %dma_wait3A_264, %dma_wait3A_265] : memref<200x128x4x128xf32, #tpu.memory_space<hbm>> -> memref<1x32x4x128xf32, #tpu.memory_space<hbm>>
    %dma_wait3A_267 = tpu.memref_squeeze %dma_wait3A_266 : memref<1x32x4x128xf32, #tpu.memory_space<hbm>> -> memref<32x4x128xf32, #tpu.memory_space<hbm>>
    tpu.wait_dma2 semaphore(%arg12 : memref<!tpu.dma_semaphore, #tpu.memory_space<semaphore_mem>>) src(%arg7 : memref<32x4x128xf32, #tpu.memory_space<vmem>>) dst(%dma_wait3A_267 : memref<32x4x128xf32, #tpu.memory_space<hbm>>)
    %parallel_loop3A = arith.constant 0 : i32
    %parallel_loop3A_268 = arith.constant 32 : i32
    %parallel_loop3A_269 = arith.constant 1 : i32
    scf.for %parallel_loop3A_542 = %parallel_loop3A to %parallel_loop3A_268 step %parallel_loop3A_269  : i32 {
      %parallel_loop3A_543 = arith.index_cast %parallel_loop3A_542 : i32 to index
      %parallel_loop3A_544 = arith.constant 0 : index
      %parallel_loop3A_545 = tpu.vector_load %arg5[%parallel_loop3A_543, %parallel_loop3A_544] {strides = array<i32>} : memref<32x128xi32, #tpu.memory_space<vmem>>, vector<16xi32>,
      %parallel_loop3A_546 = tpu.vector_load_idx %arg9[%parallel_loop3A_545] : memref<32xf32, #tpu.memory_space<vmem>>[vector<16xi32>], vector<16xf32>,
      %parallel_loop3A_547 = arith.constant 0 : i32
      %parallel_loop3A_548 = arith.index_cast %parallel_loop3A_542 : i32 to index
      %parallel_loop3A_549 = arith.index_cast %parallel_loop3A_547 : i32 to index
      %parallel_loop3A_550 = arith.constant 0 : index
      %parallel_loop3A_551 = tpu.vector_load %arg7[%parallel_loop3A_548, %parallel_loop3A_549, %parallel_loop3A_550] {strides = array<i32>} : memref<32x4x128xf32, #tpu.memory_space<vmem>>, vector<16xf32>,
      tpu.vector_store %arg7[%parallel_loop3A_548, %parallel_loop3A_549, %parallel_loop3A_550], %parallel_loop3A_546 {strides = array<i32>} : memref<32x4x128xf32, #tpu.memory_space<vmem>>, vector<16xf32>,
      %parallel_loop3A_552 = arith.constant 8 : i32
      %parallel_loop3A_553 = vector.broadcast %parallel_loop3A_552 : i32 to vector<16xi32>
      %parallel_loop3A_554 = arith.addi %parallel_loop3A_545, %parallel_loop3A_553 : vector<16xi32>
      %parallel_loop3A_555 = tpu.vector_load_idx %arg9[%parallel_loop3A_554] : memref<32xf32, #tpu.memory_space<vmem>>[vector<16xi32>], vector<16xf32>,
      %parallel_loop3A_556 = arith.constant 1 : i32
      %parallel_loop3A_557 = arith.index_cast %parallel_loop3A_542 : i32 to index
      %parallel_loop3A_558 = arith.index_cast %parallel_loop3A_556 : i32 to index
      %parallel_loop3A_559 = arith.constant 0 : index
      %parallel_loop3A_560 = tpu.vector_load %arg7[%parallel_loop3A_557, %parallel_loop3A_558, %parallel_loop3A_559] {strides = array<i32>} : memref<32x4x128xf32, #tpu.memory_space<vmem>>, vector<16xf32>,
      tpu.vector_store %arg7[%parallel_loop3A_557, %parallel_loop3A_558, %parallel_loop3A_559], %parallel_loop3A_555 {strides = array<i32>} : memref<32x4x128xf32, #tpu.memory_space<vmem>>, vector<16xf32>,
      %parallel_loop3A_561 = arith.constant 16 : i32
      %parallel_loop3A_562 = vector.broadcast %parallel_loop3A_561 : i32 to vector<16xi32>
      %parallel_loop3A_563 = arith.addi %parallel_loop3A_545, %parallel_loop3A_562 : vector<16xi32>
      %parallel_loop3A_564 = tpu.vector_load_idx %arg9[%parallel_loop3A_563] : memref<32xf32, #tpu.memory_space<vmem>>[vector<16xi32>], vector<16xf32>,
      %parallel_loop3A_565 = arith.constant 2 : i32
      %parallel_loop3A_566 = arith.index_cast %parallel_loop3A_542 : i32 to index
      %parallel_loop3A_567 = arith.index_cast %parallel_loop3A_565 : i32 to index
      %parallel_loop3A_568 = arith.constant 0 : index
      %parallel_loop3A_569 = tpu.vector_load %arg7[%parallel_loop3A_566, %parallel_loop3A_567, %parallel_loop3A_568] {strides = array<i32>} : memref<32x4x128xf32, #tpu.memory_space<vmem>>, vector<16xf32>,
      tpu.vector_store %arg7[%parallel_loop3A_566, %parallel_loop3A_567, %parallel_loop3A_568], %parallel_loop3A_564 {strides = array<i32>} : memref<32x4x128xf32, #tpu.memory_space<vmem>>, vector<16xf32>,
      %parallel_loop3A_570 = arith.constant 24 : i32
      %parallel_loop3A_571 = vector.broadcast %parallel_loop3A_570 : i32 to vector<16xi32>
      %parallel_loop3A_572 = arith.addi %parallel_loop3A_545, %parallel_loop3A_571 : vector<16xi32>
      %parallel_loop3A_573 = tpu.vector_load_idx %arg9[%parallel_loop3A_572] : memref<32xf32, #tpu.memory_space<vmem>>[vector<16xi32>], vector<16xf32>,
      %parallel_loop3A_574 = arith.constant 3 : i32
      %parallel_loop3A_575 = arith.index_cast %parallel_loop3A_542 : i32 to index
      %parallel_loop3A_576 = arith.index_cast %parallel_loop3A_574 : i32 to index
      %parallel_loop3A_577 = arith.constant 0 : index
      %parallel_loop3A_578 = tpu.vector_load %arg7[%parallel_loop3A_575, %parallel_loop3A_576, %parallel_loop3A_577] {strides = array<i32>} : memref<32x4x128xf32, #tpu.memory_space<vmem>>, vector<16xf32>,
      tpu.vector_store %arg7[%parallel_loop3A_575, %parallel_loop3A_576, %parallel_loop3A_577], %parallel_loop3A_573 {strides = array<i32>} : memref<32x4x128xf32, #tpu.memory_space<vmem>>, vector<16xf32>,
      %parallel_loop3A_579 = arith.index_cast %parallel_loop3A_542 : i32 to index
      %parallel_loop3A_580 = arith.constant 16 : index
      %parallel_loop3A_581 = tpu.vector_load %arg5[%parallel_loop3A_579, %parallel_loop3A_580] {strides = array<i32>} : memref<32x128xi32, #tpu.memory_space<vmem>>, vector<16xi32>,
      %parallel_loop3A_582 = tpu.vector_load_idx %arg9[%parallel_loop3A_581] : memref<32xf32, #tpu.memory_space<vmem>>[vector<16xi32>], vector<16xf32>,
      %parallel_loop3A_583 = arith.constant 0 : i32
      %parallel_loop3A_584 = arith.index_cast %parallel_loop3A_542 : i32 to index
      %parallel_loop3A_585 = arith.index_cast %parallel_loop3A_583 : i32 to index
      %parallel_loop3A_586 = arith.constant 16 : index
      %parallel_loop3A_587 = tpu.vector_load %arg7[%parallel_loop3A_584, %parallel_loop3A_585, %parallel_loop3A_586] {strides = array<i32>} : memref<32x4x128xf32, #tpu.memory_space<vmem>>, vector<16xf32>,
      tpu.vector_store %arg7[%parallel_loop3A_584, %parallel_loop3A_585, %parallel_loop3A_586], %parallel_loop3A_582 {strides = array<i32>} : memref<32x4x128xf32, #tpu.memory_space<vmem>>, vector<16xf32>,
      %parallel_loop3A_588 = arith.constant 8 : i32
      %parallel_loop3A_589 = vector.broadcast %parallel_loop3A_588 : i32 to vector<16xi32>
      %parallel_loop3A_590 = arith.addi %parallel_loop3A_581, %parallel_loop3A_589 : vector<16xi32>
      %parallel_loop3A_591 = tpu.vector_load_idx %arg9[%parallel_loop3A_590] : memref<32xf32, #tpu.memory_space<vmem>>[vector<16xi32>], vector<16xf32>,
      %parallel_loop3A_592 = arith.constant 1 : i32
      %parallel_loop3A_593 = arith.index_cast %parallel_loop3A_542 : i32 to index
      %parallel_loop3A_594 = arith.index_cast %parallel_loop3A_592 : i32 to index
      %parallel_loop3A_595 = arith.constant 16 : index
      %parallel_loop3A_596 = tpu.vector_load %arg7[%parallel_loop3A_593, %parallel_loop3A_594, %parallel_loop3A_595] {strides = array<i32>} : memref<32x4x128xf32, #tpu.memory_space<vmem>>, vector<16xf32>,
      tpu.vector_store %arg7[%parallel_loop3A_593, %parallel_loop3A_594, %parallel_loop3A_595], %parallel_loop3A_591 {strides = array<i32>} : memref<32x4x128xf32, #tpu.memory_space<vmem>>, vector<16xf32>,
      %parallel_loop3A_597 = arith.constant 16 : i32
      %parallel_loop3A_598 = vector.broadcast %parallel_loop3A_597 : i32 to vector<16xi32>
      %parallel_loop3A_599 = arith.addi %parallel_loop3A_581, %parallel_loop3A_598 : vector<16xi32>
      %parallel_loop3A_600 = tpu.vector_load_idx %arg9[%parallel_loop3A_599] : memref<32xf32, #tpu.memory_space<vmem>>[vector<16xi32>], vector<16xf32>,
      %parallel_loop3A_601 = arith.constant 2 : i32
      %parallel_loop3A_602 = arith.index_cast %parallel_loop3A_542 : i32 to index
      %parallel_loop3A_603 = arith.index_cast %parallel_loop3A_601 : i32 to index
      %parallel_loop3A_604 = arith.constant 16 : index
      %parallel_loop3A_605 = tpu.vector_load %arg7[%parallel_loop3A_602, %parallel_loop3A_603, %parallel_loop3A_604] {strides = array<i32>} : memref<32x4x128xf32, #tpu.memory_space<vmem>>, vector<16xf32>,
      tpu.vector_store %arg7[%parallel_loop3A_602, %parallel_loop3A_603, %parallel_loop3A_604], %parallel_loop3A_600 {strides = array<i32>} : memref<32x4x128xf32, #tpu.memory_space<vmem>>, vector<16xf32>,
      %parallel_loop3A_606 = arith.constant 24 : i32
      %parallel_loop3A_607 = vector.broadcast %parallel_loop3A_606 : i32 to vector<16xi32>
      %parallel_loop3A_608 = arith.addi %parallel_loop3A_581, %parallel_loop3A_607 : vector<16xi32>
      %parallel_loop3A_609 = tpu.vector_load_idx %arg9[%parallel_loop3A_608] : memref<32xf32, #tpu.memory_space<vmem>>[vector<16xi32>], vector<16xf32>,
      %parallel_loop3A_610 = arith.constant 3 : i32
      %parallel_loop3A_611 = arith.index_cast %parallel_loop3A_542 : i32 to index
      %parallel_loop3A_612 = arith.index_cast %parallel_loop3A_610 : i32 to index
      %parallel_loop3A_613 = arith.constant 16 : index
      %parallel_loop3A_614 = tpu.vector_load %arg7[%parallel_loop3A_611, %parallel_loop3A_612, %parallel_loop3A_613] {strides = array<i32>} : memref<32x4x128xf32, #tpu.memory_space<vmem>>, vector<16xf32>,
      tpu.vector_store %arg7[%parallel_loop3A_611, %parallel_loop3A_612, %parallel_loop3A_613], %parallel_loop3A_609 {strides = array<i32>} : memref<32x4x128xf32, #tpu.memory_space<vmem>>, vector<16xf32>,
      %parallel_loop3A_615 = arith.index_cast %parallel_loop3A_542 : i32 to index
      %parallel_loop3A_616 = arith.constant 32 : index
      %parallel_loop3A_617 = tpu.vector_load %arg5[%parallel_loop3A_615, %parallel_loop3A_616] {strides = array<i32>} : memref<32x128xi32, #tpu.memory_space<vmem>>, vector<16xi32>,
      %parallel_loop3A_618 = tpu.vector_load_idx %arg9[%parallel_loop3A_617] : memref<32xf32, #tpu.memory_space<vmem>>[vector<16xi32>], vector<16xf32>,
      %parallel_loop3A_619 = arith.constant 0 : i32
      %parallel_loop3A_620 = arith.index_cast %parallel_loop3A_542 : i32 to index
      %parallel_loop3A_621 = arith.index_cast %parallel_loop3A_619 : i32 to index
      %parallel_loop3A_622 = arith.constant 32 : index
      %parallel_loop3A_623 = tpu.vector_load %arg7[%parallel_loop3A_620, %parallel_loop3A_621, %parallel_loop3A_622] {strides = array<i32>} : memref<32x4x128xf32, #tpu.memory_space<vmem>>, vector<16xf32>,
      tpu.vector_store %arg7[%parallel_loop3A_620, %parallel_loop3A_621, %parallel_loop3A_622], %parallel_loop3A_618 {strides = array<i32>} : memref<32x4x128xf32, #tpu.memory_space<vmem>>, vector<16xf32>,
      %parallel_loop3A_624 = arith.constant 8 : i32
      %parallel_loop3A_625 = vector.broadcast %parallel_loop3A_624 : i32 to vector<16xi32>
      %parallel_loop3A_626 = arith.addi %parallel_loop3A_617, %parallel_loop3A_625 : vector<16xi32>
      %parallel_loop3A_627 = tpu.vector_load_idx %arg9[%parallel_loop3A_626] : memref<32xf32, #tpu.memory_space<vmem>>[vector<16xi32>], vector<16xf32>,
      %parallel_loop3A_628 = arith.constant 1 : i32
      %parallel_loop3A_629 = arith.index_cast %parallel_loop3A_542 : i32 to index
      %parallel_loop3A_630 = arith.index_cast %parallel_loop3A_628 : i32 to index
      %parallel_loop3A_631 = arith.constant 32 : index
      %parallel_loop3A_632 = tpu.vector_load %arg7[%parallel_loop3A_629, %parallel_loop3A_630, %parallel_loop3A_631] {strides = array<i32>} : memref<32x4x128xf32, #tpu.memory_space<vmem>>, vector<16xf32>,
      tpu.vector_store %arg7[%parallel_loop3A_629, %parallel_loop3A_630, %parallel_loop3A_631], %parallel_loop3A_627 {strides = array<i32>} : memref<32x4x128xf32, #tpu.memory_space<vmem>>, vector<16xf32>,
      %parallel_loop3A_633 = arith.constant 16 : i32
      %parallel_loop3A_634 = vector.broadcast %parallel_loop3A_633 : i32 to vector<16xi32>
      %parallel_loop3A_635 = arith.addi %parallel_loop3A_617, %parallel_loop3A_634 : vector<16xi32>
      %parallel_loop3A_636 = tpu.vector_load_idx %arg9[%parallel_loop3A_635] : memref<32xf32, #tpu.memory_space<vmem>>[vector<16xi32>], vector<16xf32>,
      %parallel_loop3A_637 = arith.constant 2 : i32
      %parallel_loop3A_638 = arith.index_cast %parallel_loop3A_542 : i32 to index
      %parallel_loop3A_639 = arith.index_cast %parallel_loop3A_637 : i32 to index
      %parallel_loop3A_640 = arith.constant 32 : index
      %parallel_loop3A_641 = tpu.vector_load %arg7[%parallel_loop3A_638, %parallel_loop3A_639, %parallel_loop3A_640] {strides = array<i32>} : memref<32x4x128xf32, #tpu.memory_space<vmem>>, vector<16xf32>,
      tpu.vector_store %arg7[%parallel_loop3A_638, %parallel_loop3A_639, %parallel_loop3A_640], %parallel_loop3A_636 {strides = array<i32>} : memref<32x4x128xf32, #tpu.memory_space<vmem>>, vector<16xf32>,
      %parallel_loop3A_642 = arith.constant 24 : i32
      %parallel_loop3A_643 = vector.broadcast %parallel_loop3A_642 : i32 to vector<16xi32>
      %parallel_loop3A_644 = arith.addi %parallel_loop3A_617, %parallel_loop3A_643 : vector<16xi32>
      %parallel_loop3A_645 = tpu.vector_load_idx %arg9[%parallel_loop3A_644] : memref<32xf32, #tpu.memory_space<vmem>>[vector<16xi32>], vector<16xf32>,
      %parallel_loop3A_646 = arith.constant 3 : i32
      %parallel_loop3A_647 = arith.index_cast %parallel_loop3A_542 : i32 to index
      %parallel_loop3A_648 = arith.index_cast %parallel_loop3A_646 : i32 to index
      %parallel_loop3A_649 = arith.constant 32 : index
      %parallel_loop3A_650 = tpu.vector_load %arg7[%parallel_loop3A_647, %parallel_loop3A_648, %parallel_loop3A_649] {strides = array<i32>} : memref<32x4x128xf32, #tpu.memory_space<vmem>>, vector<16xf32>,
      tpu.vector_store %arg7[%parallel_loop3A_647, %parallel_loop3A_648, %parallel_loop3A_649], %parallel_loop3A_645 {strides = array<i32>} : memref<32x4x128xf32, #tpu.memory_space<vmem>>, vector<16xf32>,
      %parallel_loop3A_651 = arith.index_cast %parallel_loop3A_542 : i32 to index
      %parallel_loop3A_652 = arith.constant 48 : index
      %parallel_loop3A_653 = tpu.vector_load %arg5[%parallel_loop3A_651, %parallel_loop3A_652] {strides = array<i32>} : memref<32x128xi32, #tpu.memory_space<vmem>>, vector<16xi32>,
      %parallel_loop3A_654 = tpu.vector_load_idx %arg9[%parallel_loop3A_653] : memref<32xf32, #tpu.memory_space<vmem>>[vector<16xi32>], vector<16xf32>,
      %parallel_loop3A_655 = arith.constant 0 : i32
      %parallel_loop3A_656 = arith.index_cast %parallel_loop3A_542 : i32 to index
      %parallel_loop3A_657 = arith.index_cast %parallel_loop3A_655 : i32 to index
      %parallel_loop3A_658 = arith.constant 48 : index
      %parallel_loop3A_659 = tpu.vector_load %arg7[%parallel_loop3A_656, %parallel_loop3A_657, %parallel_loop3A_658] {strides = array<i32>} : memref<32x4x128xf32, #tpu.memory_space<vmem>>, vector<16xf32>,
      tpu.vector_store %arg7[%parallel_loop3A_656, %parallel_loop3A_657, %parallel_loop3A_658], %parallel_loop3A_654 {strides = array<i32>} : memref<32x4x128xf32, #tpu.memory_space<vmem>>, vector<16xf32>,
      %parallel_loop3A_660 = arith.constant 8 : i32
      %parallel_loop3A_661 = vector.broadcast %parallel_loop3A_660 : i32 to vector<16xi32>
      %parallel_loop3A_662 = arith.addi %parallel_loop3A_653, %parallel_loop3A_661 : vector<16xi32>
      %parallel_loop3A_663 = tpu.vector_load_idx %arg9[%parallel_loop3A_662] : memref<32xf32, #tpu.memory_space<vmem>>[vector<16xi32>], vector<16xf32>,
      %parallel_loop3A_664 = arith.constant 1 : i32
      %parallel_loop3A_665 = arith.index_cast %parallel_loop3A_542 : i32 to index
      %parallel_loop3A_666 = arith.index_cast %parallel_loop3A_664 : i32 to index
      %parallel_loop3A_667 = arith.constant 48 : index
      %parallel_loop3A_668 = tpu.vector_load %arg7[%parallel_loop3A_665, %parallel_loop3A_666, %parallel_loop3A_667] {strides = array<i32>} : memref<32x4x128xf32, #tpu.memory_space<vmem>>, vector<16xf32>,
      tpu.vector_store %arg7[%parallel_loop3A_665, %parallel_loop3A_666, %parallel_loop3A_667], %parallel_loop3A_663 {strides = array<i32>} : memref<32x4x128xf32, #tpu.memory_space<vmem>>, vector<16xf32>,
      %parallel_loop3A_669 = arith.constant 16 : i32
      %parallel_loop3A_670 = vector.broadcast %parallel_loop3A_669 : i32 to vector<16xi32>
      %parallel_loop3A_671 = arith.addi %parallel_loop3A_653, %parallel_loop3A_670 : vector<16xi32>
      %parallel_loop3A_672 = tpu.vector_load_idx %arg9[%parallel_loop3A_671] : memref<32xf32, #tpu.memory_space<vmem>>[vector<16xi32>], vector<16xf32>,
      %parallel_loop3A_673 = arith.constant 2 : i32
      %parallel_loop3A_674 = arith.index_cast %parallel_loop3A_542 : i32 to index
      %parallel_loop3A_675 = arith.index_cast %parallel_loop3A_673 : i32 to index
      %parallel_loop3A_676 = arith.constant 48 : index
      %parallel_loop3A_677 = tpu.vector_load %arg7[%parallel_loop3A_674, %parallel_loop3A_675, %parallel_loop3A_676] {strides = array<i32>} : memref<32x4x128xf32, #tpu.memory_space<vmem>>, vector<16xf32>,
      tpu.vector_store %arg7[%parallel_loop3A_674, %parallel_loop3A_675, %parallel_loop3A_676], %parallel_loop3A_672 {strides = array<i32>} : memref<32x4x128xf32, #tpu.memory_space<vmem>>, vector<16xf32>,
      %parallel_loop3A_678 = arith.constant 24 : i32
      %parallel_loop3A_679 = vector.broadcast %parallel_loop3A_678 : i32 to vector<16xi32>
      %parallel_loop3A_680 = arith.addi %parallel_loop3A_653, %parallel_loop3A_679 : vector<16xi32>
      %parallel_loop3A_681 = tpu.vector_load_idx %arg9[%parallel_loop3A_680] : memref<32xf32, #tpu.memory_space<vmem>>[vector<16xi32>], vector<16xf32>,
      %parallel_loop3A_682 = arith.constant 3 : i32
      %parallel_loop3A_683 = arith.index_cast %parallel_loop3A_542 : i32 to index
      %parallel_loop3A_684 = arith.index_cast %parallel_loop3A_682 : i32 to index
      %parallel_loop3A_685 = arith.constant 48 : index
      %parallel_loop3A_686 = tpu.vector_load %arg7[%parallel_loop3A_683, %parallel_loop3A_684, %parallel_loop3A_685] {strides = array<i32>} : memref<32x4x128xf32, #tpu.memory_space<vmem>>, vector<16xf32>,
      tpu.vector_store %arg7[%parallel_loop3A_683, %parallel_loop3A_684, %parallel_loop3A_685], %parallel_loop3A_681 {strides = array<i32>} : memref<32x4x128xf32, #tpu.memory_space<vmem>>, vector<16xf32>,
      %parallel_loop3A_687 = arith.index_cast %parallel_loop3A_542 : i32 to index
      %parallel_loop3A_688 = arith.constant 64 : index
      %parallel_loop3A_689 = tpu.vector_load %arg5[%parallel_loop3A_687, %parallel_loop3A_688] {strides = array<i32>} : memref<32x128xi32, #tpu.memory_space<vmem>>, vector<16xi32>,
      %parallel_loop3A_690 = tpu.vector_load_idx %arg9[%parallel_loop3A_689] : memref<32xf32, #tpu.memory_space<vmem>>[vector<16xi32>], vector<16xf32>,
      %parallel_loop3A_691 = arith.constant 0 : i32
      %parallel_loop3A_692 = arith.index_cast %parallel_loop3A_542 : i32 to index
      %parallel_loop3A_693 = arith.index_cast %parallel_loop3A_691 : i32 to index
      %parallel_loop3A_694 = arith.constant 64 : index
      %parallel_loop3A_695 = tpu.vector_load %arg7[%parallel_loop3A_692, %parallel_loop3A_693, %parallel_loop3A_694] {strides = array<i32>} : memref<32x4x128xf32, #tpu.memory_space<vmem>>, vector<16xf32>,
      tpu.vector_store %arg7[%parallel_loop3A_692, %parallel_loop3A_693, %parallel_loop3A_694], %parallel_loop3A_690 {strides = array<i32>} : memref<32x4x128xf32, #tpu.memory_space<vmem>>, vector<16xf32>,
      %parallel_loop3A_696 = arith.constant 8 : i32
      %parallel_loop3A_697 = vector.broadcast %parallel_loop3A_696 : i32 to vector<16xi32>
      %parallel_loop3A_698 = arith.addi %parallel_loop3A_689, %parallel_loop3A_697 : vector<16xi32>
      %parallel_loop3A_699 = tpu.vector_load_idx %arg9[%parallel_loop3A_698] : memref<32xf32, #tpu.memory_space<vmem>>[vector<16xi32>], vector<16xf32>,
      %parallel_loop3A_700 = arith.constant 1 : i32
      %parallel_loop3A_701 = arith.index_cast %parallel_loop3A_542 : i32 to index
      %parallel_loop3A_702 = arith.index_cast %parallel_loop3A_700 : i32 to index
      %parallel_loop3A_703 = arith.constant 64 : index
      %parallel_loop3A_704 = tpu.vector_load %arg7[%parallel_loop3A_701, %parallel_loop3A_702, %parallel_loop3A_703] {strides = array<i32>} : memref<32x4x128xf32, #tpu.memory_space<vmem>>, vector<16xf32>,
      tpu.vector_store %arg7[%parallel_loop3A_701, %parallel_loop3A_702, %parallel_loop3A_703], %parallel_loop3A_699 {strides = array<i32>} : memref<32x4x128xf32, #tpu.memory_space<vmem>>, vector<16xf32>,
      %parallel_loop3A_705 = arith.constant 16 : i32
      %parallel_loop3A_706 = vector.broadcast %parallel_loop3A_705 : i32 to vector<16xi32>
      %parallel_loop3A_707 = arith.addi %parallel_loop3A_689, %parallel_loop3A_706 : vector<16xi32>
      %parallel_loop3A_708 = tpu.vector_load_idx %arg9[%parallel_loop3A_707] : memref<32xf32, #tpu.memory_space<vmem>>[vector<16xi32>], vector<16xf32>,
      %parallel_loop3A_709 = arith.constant 2 : i32
      %parallel_loop3A_710 = arith.index_cast %parallel_loop3A_542 : i32 to index
      %parallel_loop3A_711 = arith.index_cast %parallel_loop3A_709 : i32 to index
      %parallel_loop3A_712 = arith.constant 64 : index
      %parallel_loop3A_713 = tpu.vector_load %arg7[%parallel_loop3A_710, %parallel_loop3A_711, %parallel_loop3A_712] {strides = array<i32>} : memref<32x4x128xf32, #tpu.memory_space<vmem>>, vector<16xf32>,
      tpu.vector_store %arg7[%parallel_loop3A_710, %parallel_loop3A_711, %parallel_loop3A_712], %parallel_loop3A_708 {strides = array<i32>} : memref<32x4x128xf32, #tpu.memory_space<vmem>>, vector<16xf32>,
      %parallel_loop3A_714 = arith.constant 24 : i32
      %parallel_loop3A_715 = vector.broadcast %parallel_loop3A_714 : i32 to vector<16xi32>
      %parallel_loop3A_716 = arith.addi %parallel_loop3A_689, %parallel_loop3A_715 : vector<16xi32>
      %parallel_loop3A_717 = tpu.vector_load_idx %arg9[%parallel_loop3A_716] : memref<32xf32, #tpu.memory_space<vmem>>[vector<16xi32>], vector<16xf32>,
      %parallel_loop3A_718 = arith.constant 3 : i32
      %parallel_loop3A_719 = arith.index_cast %parallel_loop3A_542 : i32 to index
      %parallel_loop3A_720 = arith.index_cast %parallel_loop3A_718 : i32 to index
      %parallel_loop3A_721 = arith.constant 64 : index
      %parallel_loop3A_722 = tpu.vector_load %arg7[%parallel_loop3A_719, %parallel_loop3A_720, %parallel_loop3A_721] {strides = array<i32>} : memref<32x4x128xf32, #tpu.memory_space<vmem>>, vector<16xf32>,
      tpu.vector_store %arg7[%parallel_loop3A_719, %parallel_loop3A_720, %parallel_loop3A_721], %parallel_loop3A_717 {strides = array<i32>} : memref<32x4x128xf32, #tpu.memory_space<vmem>>, vector<16xf32>,
      %parallel_loop3A_723 = arith.index_cast %parallel_loop3A_542 : i32 to index
      %parallel_loop3A_724 = arith.constant 80 : index
      %parallel_loop3A_725 = tpu.vector_load %arg5[%parallel_loop3A_723, %parallel_loop3A_724] {strides = array<i32>} : memref<32x128xi32, #tpu.memory_space<vmem>>, vector<16xi32>,
      %parallel_loop3A_726 = tpu.vector_load_idx %arg9[%parallel_loop3A_725] : memref<32xf32, #tpu.memory_space<vmem>>[vector<16xi32>], vector<16xf32>,
      %parallel_loop3A_727 = arith.constant 0 : i32
      %parallel_loop3A_728 = arith.index_cast %parallel_loop3A_542 : i32 to index
      %parallel_loop3A_729 = arith.index_cast %parallel_loop3A_727 : i32 to index
      %parallel_loop3A_730 = arith.constant 80 : index
      %parallel_loop3A_731 = tpu.vector_load %arg7[%parallel_loop3A_728, %parallel_loop3A_729, %parallel_loop3A_730] {strides = array<i32>} : memref<32x4x128xf32, #tpu.memory_space<vmem>>, vector<16xf32>,
      tpu.vector_store %arg7[%parallel_loop3A_728, %parallel_loop3A_729, %parallel_loop3A_730], %parallel_loop3A_726 {strides = array<i32>} : memref<32x4x128xf32, #tpu.memory_space<vmem>>, vector<16xf32>,
      %parallel_loop3A_732 = arith.constant 8 : i32
      %parallel_loop3A_733 = vector.broadcast %parallel_loop3A_732 : i32 to vector<16xi32>
      %parallel_loop3A_734 = arith.addi %parallel_loop3A_725, %parallel_loop3A_733 : vector<16xi32>
      %parallel_loop3A_735 = tpu.vector_load_idx %arg9[%parallel_loop3A_734] : memref<32xf32, #tpu.memory_space<vmem>>[vector<16xi32>], vector<16xf32>,
      %parallel_loop3A_736 = arith.constant 1 : i32
      %parallel_loop3A_737 = arith.index_cast %parallel_loop3A_542 : i32 to index
      %parallel_loop3A_738 = arith.index_cast %parallel_loop3A_736 : i32 to index
      %parallel_loop3A_739 = arith.constant 80 : index
      %parallel_loop3A_740 = tpu.vector_load %arg7[%parallel_loop3A_737, %parallel_loop3A_738, %parallel_loop3A_739] {strides = array<i32>} : memref<32x4x128xf32, #tpu.memory_space<vmem>>, vector<16xf32>,
      tpu.vector_store %arg7[%parallel_loop3A_737, %parallel_loop3A_738, %parallel_loop3A_739], %parallel_loop3A_735 {strides = array<i32>} : memref<32x4x128xf32, #tpu.memory_space<vmem>>, vector<16xf32>,
      %parallel_loop3A_741 = arith.constant 16 : i32
      %parallel_loop3A_742 = vector.broadcast %parallel_loop3A_741 : i32 to vector<16xi32>
      %parallel_loop3A_743 = arith.addi %parallel_loop3A_725, %parallel_loop3A_742 : vector<16xi32>
      %parallel_loop3A_744 = tpu.vector_load_idx %arg9[%parallel_loop3A_743] : memref<32xf32, #tpu.memory_space<vmem>>[vector<16xi32>], vector<16xf32>,
      %parallel_loop3A_745 = arith.constant 2 : i32
      %parallel_loop3A_746 = arith.index_cast %parallel_loop3A_542 : i32 to index
      %parallel_loop3A_747 = arith.index_cast %parallel_loop3A_745 : i32 to index
      %parallel_loop3A_748 = arith.constant 80 : index
      %parallel_loop3A_749 = tpu.vector_load %arg7[%parallel_loop3A_746, %parallel_loop3A_747, %parallel_loop3A_748] {strides = array<i32>} : memref<32x4x128xf32, #tpu.memory_space<vmem>>, vector<16xf32>,
      tpu.vector_store %arg7[%parallel_loop3A_746, %parallel_loop3A_747, %parallel_loop3A_748], %parallel_loop3A_744 {strides = array<i32>} : memref<32x4x128xf32, #tpu.memory_space<vmem>>, vector<16xf32>,
      %parallel_loop3A_750 = arith.constant 24 : i32
      %parallel_loop3A_751 = vector.broadcast %parallel_loop3A_750 : i32 to vector<16xi32>
      %parallel_loop3A_752 = arith.addi %parallel_loop3A_725, %parallel_loop3A_751 : vector<16xi32>
      %parallel_loop3A_753 = tpu.vector_load_idx %arg9[%parallel_loop3A_752] : memref<32xf32, #tpu.memory_space<vmem>>[vector<16xi32>], vector<16xf32>,
      %parallel_loop3A_754 = arith.constant 3 : i32
      %parallel_loop3A_755 = arith.index_cast %parallel_loop3A_542 : i32 to index
      %parallel_loop3A_756 = arith.index_cast %parallel_loop3A_754 : i32 to index
      %parallel_loop3A_757 = arith.constant 80 : index
      %parallel_loop3A_758 = tpu.vector_load %arg7[%parallel_loop3A_755, %parallel_loop3A_756, %parallel_loop3A_757] {strides = array<i32>} : memref<32x4x128xf32, #tpu.memory_space<vmem>>, vector<16xf32>,
      tpu.vector_store %arg7[%parallel_loop3A_755, %parallel_loop3A_756, %parallel_loop3A_757], %parallel_loop3A_753 {strides = array<i32>} : memref<32x4x128xf32, #tpu.memory_space<vmem>>, vector<16xf32>,
      %parallel_loop3A_759 = arith.index_cast %parallel_loop3A_542 : i32 to index
      %parallel_loop3A_760 = arith.constant 96 : index
      %parallel_loop3A_761 = tpu.vector_load %arg5[%parallel_loop3A_759, %parallel_loop3A_760] {strides = array<i32>} : memref<32x128xi32, #tpu.memory_space<vmem>>, vector<16xi32>,
      %parallel_loop3A_762 = tpu.vector_load_idx %arg9[%parallel_loop3A_761] : memref<32xf32, #tpu.memory_space<vmem>>[vector<16xi32>], vector<16xf32>,
      %parallel_loop3A_763 = arith.constant 0 : i32
      %parallel_loop3A_764 = arith.index_cast %parallel_loop3A_542 : i32 to index
      %parallel_loop3A_765 = arith.index_cast %parallel_loop3A_763 : i32 to index
      %parallel_loop3A_766 = arith.constant 96 : index
      %parallel_loop3A_767 = tpu.vector_load %arg7[%parallel_loop3A_764, %parallel_loop3A_765, %parallel_loop3A_766] {strides = array<i32>} : memref<32x4x128xf32, #tpu.memory_space<vmem>>, vector<16xf32>,
      tpu.vector_store %arg7[%parallel_loop3A_764, %parallel_loop3A_765, %parallel_loop3A_766], %parallel_loop3A_762 {strides = array<i32>} : memref<32x4x128xf32, #tpu.memory_space<vmem>>, vector<16xf32>,
      %parallel_loop3A_768 = arith.constant 8 : i32
      %parallel_loop3A_769 = vector.broadcast %parallel_loop3A_768 : i32 to vector<16xi32>
      %parallel_loop3A_770 = arith.addi %parallel_loop3A_761, %parallel_loop3A_769 : vector<16xi32>
      %parallel_loop3A_771 = tpu.vector_load_idx %arg9[%parallel_loop3A_770] : memref<32xf32, #tpu.memory_space<vmem>>[vector<16xi32>], vector<16xf32>,
      %parallel_loop3A_772 = arith.constant 1 : i32
      %parallel_loop3A_773 = arith.index_cast %parallel_loop3A_542 : i32 to index
      %parallel_loop3A_774 = arith.index_cast %parallel_loop3A_772 : i32 to index
      %parallel_loop3A_775 = arith.constant 96 : index
      %parallel_loop3A_776 = tpu.vector_load %arg7[%parallel_loop3A_773, %parallel_loop3A_774, %parallel_loop3A_775] {strides = array<i32>} : memref<32x4x128xf32, #tpu.memory_space<vmem>>, vector<16xf32>,
      tpu.vector_store %arg7[%parallel_loop3A_773, %parallel_loop3A_774, %parallel_loop3A_775], %parallel_loop3A_771 {strides = array<i32>} : memref<32x4x128xf32, #tpu.memory_space<vmem>>, vector<16xf32>,
      %parallel_loop3A_777 = arith.constant 16 : i32
      %parallel_loop3A_778 = vector.broadcast %parallel_loop3A_777 : i32 to vector<16xi32>
      %parallel_loop3A_779 = arith.addi %parallel_loop3A_761, %parallel_loop3A_778 : vector<16xi32>
      %parallel_loop3A_780 = tpu.vector_load_idx %arg9[%parallel_loop3A_779] : memref<32xf32, #tpu.memory_space<vmem>>[vector<16xi32>], vector<16xf32>,
      %parallel_loop3A_781 = arith.constant 2 : i32
      %parallel_loop3A_782 = arith.index_cast %parallel_loop3A_542 : i32 to index
      %parallel_loop3A_783 = arith.index_cast %parallel_loop3A_781 : i32 to index
      %parallel_loop3A_784 = arith.constant 96 : index
      %parallel_loop3A_785 = tpu.vector_load %arg7[%parallel_loop3A_782, %parallel_loop3A_783, %parallel_loop3A_784] {strides = array<i32>} : memref<32x4x128xf32, #tpu.memory_space<vmem>>, vector<16xf32>,
      tpu.vector_store %arg7[%parallel_loop3A_782, %parallel_loop3A_783, %parallel_loop3A_784], %parallel_loop3A_780 {strides = array<i32>} : memref<32x4x128xf32, #tpu.memory_space<vmem>>, vector<16xf32>,
      %parallel_loop3A_786 = arith.constant 24 : i32
      %parallel_loop3A_787 = vector.broadcast %parallel_loop3A_786 : i32 to vector<16xi32>
      %parallel_loop3A_788 = arith.addi %parallel_loop3A_761, %parallel_loop3A_787 : vector<16xi32>
      %parallel_loop3A_789 = tpu.vector_load_idx %arg9[%parallel_loop3A_788] : memref<32xf32, #tpu.memory_space<vmem>>[vector<16xi32>], vector<16xf32>,
      %parallel_loop3A_790 = arith.constant 3 : i32
      %parallel_loop3A_791 = arith.index_cast %parallel_loop3A_542 : i32 to index
      %parallel_loop3A_792 = arith.index_cast %parallel_loop3A_790 : i32 to index
      %parallel_loop3A_793 = arith.constant 96 : index
      %parallel_loop3A_794 = tpu.vector_load %arg7[%parallel_loop3A_791, %parallel_loop3A_792, %parallel_loop3A_793] {strides = array<i32>} : memref<32x4x128xf32, #tpu.memory_space<vmem>>, vector<16xf32>,
      tpu.vector_store %arg7[%parallel_loop3A_791, %parallel_loop3A_792, %parallel_loop3A_793], %parallel_loop3A_789 {strides = array<i32>} : memref<32x4x128xf32, #tpu.memory_space<vmem>>, vector<16xf32>,
      %parallel_loop3A_795 = arith.index_cast %parallel_loop3A_542 : i32 to index
      %parallel_loop3A_796 = arith.constant 112 : index
      %parallel_loop3A_797 = tpu.vector_load %arg5[%parallel_loop3A_795, %parallel_loop3A_796] {strides = array<i32>} : memref<32x128xi32, #tpu.memory_space<vmem>>, vector<16xi32>,
      %parallel_loop3A_798 = tpu.vector_load_idx %arg9[%parallel_loop3A_797] : memref<32xf32, #tpu.memory_space<vmem>>[vector<16xi32>], vector<16xf32>,
      %parallel_loop3A_799 = arith.constant 0 : i32
      %parallel_loop3A_800 = arith.index_cast %parallel_loop3A_542 : i32 to index
      %parallel_loop3A_801 = arith.index_cast %parallel_loop3A_799 : i32 to index
      %parallel_loop3A_802 = arith.constant 112 : index
      %parallel_loop3A_803 = tpu.vector_load %arg7[%parallel_loop3A_800, %parallel_loop3A_801, %parallel_loop3A_802] {strides = array<i32>} : memref<32x4x128xf32, #tpu.memory_space<vmem>>, vector<16xf32>,
      tpu.vector_store %arg7[%parallel_loop3A_800, %parallel_loop3A_801, %parallel_loop3A_802], %parallel_loop3A_798 {strides = array<i32>} : memref<32x4x128xf32, #tpu.memory_space<vmem>>, vector<16xf32>,
      %parallel_loop3A_804 = arith.constant 8 : i32
      %parallel_loop3A_805 = vector.broadcast %parallel_loop3A_804 : i32 to vector<16xi32>
      %parallel_loop3A_806 = arith.addi %parallel_loop3A_797, %parallel_loop3A_805 : vector<16xi32>
      %parallel_loop3A_807 = tpu.vector_load_idx %arg9[%parallel_loop3A_806] : memref<32xf32, #tpu.memory_space<vmem>>[vector<16xi32>], vector<16xf32>,
      %parallel_loop3A_808 = arith.constant 1 : i32
      %parallel_loop3A_809 = arith.index_cast %parallel_loop3A_542 : i32 to index
      %parallel_loop3A_810 = arith.index_cast %parallel_loop3A_808 : i32 to index
      %parallel_loop3A_811 = arith.constant 112 : index
      %parallel_loop3A_812 = tpu.vector_load %arg7[%parallel_loop3A_809, %parallel_loop3A_810, %parallel_loop3A_811] {strides = array<i32>} : memref<32x4x128xf32, #tpu.memory_space<vmem>>, vector<16xf32>,
      tpu.vector_store %arg7[%parallel_loop3A_809, %parallel_loop3A_810, %parallel_loop3A_811], %parallel_loop3A_807 {strides = array<i32>} : memref<32x4x128xf32, #tpu.memory_space<vmem>>, vector<16xf32>,
      %parallel_loop3A_813 = arith.constant 16 : i32
      %parallel_loop3A_814 = vector.broadcast %parallel_loop3A_813 : i32 to vector<16xi32>
      %parallel_loop3A_815 = arith.addi %parallel_loop3A_797, %parallel_loop3A_814 : vector<16xi32>
      %parallel_loop3A_816 = tpu.vector_load_idx %arg9[%parallel_loop3A_815] : memref<32xf32, #tpu.memory_space<vmem>>[vector<16xi32>], vector<16xf32>,
      %parallel_loop3A_817 = arith.constant 2 : i32
      %parallel_loop3A_818 = arith.index_cast %parallel_loop3A_542 : i32 to index
      %parallel_loop3A_819 = arith.index_cast %parallel_loop3A_817 : i32 to index
      %parallel_loop3A_820 = arith.constant 112 : index
      %parallel_loop3A_821 = tpu.vector_load %arg7[%parallel_loop3A_818, %parallel_loop3A_819, %parallel_loop3A_820] {strides = array<i32>} : memref<32x4x128xf32, #tpu.memory_space<vmem>>, vector<16xf32>,
      tpu.vector_store %arg7[%parallel_loop3A_818, %parallel_loop3A_819, %parallel_loop3A_820], %parallel_loop3A_816 {strides = array<i32>} : memref<32x4x128xf32, #tpu.memory_space<vmem>>, vector<16xf32>,
      %parallel_loop3A_822 = arith.constant 24 : i32
      %parallel_loop3A_823 = vector.broadcast %parallel_loop3A_822 : i32 to vector<16xi32>
      %parallel_loop3A_824 = arith.addi %parallel_loop3A_797, %parallel_loop3A_823 : vector<16xi32>
      %parallel_loop3A_825 = tpu.vector_load_idx %arg9[%parallel_loop3A_824] : memref<32xf32, #tpu.memory_space<vmem>>[vector<16xi32>], vector<16xf32>,
      %parallel_loop3A_826 = arith.constant 3 : i32
      %parallel_loop3A_827 = arith.index_cast %parallel_loop3A_542 : i32 to index
      %parallel_loop3A_828 = arith.index_cast %parallel_loop3A_826 : i32 to index
      %parallel_loop3A_829 = arith.constant 112 : index
      %parallel_loop3A_830 = tpu.vector_load %arg7[%parallel_loop3A_827, %parallel_loop3A_828, %parallel_loop3A_829] {strides = array<i32>} : memref<32x4x128xf32, #tpu.memory_space<vmem>>, vector<16xf32>,
      tpu.vector_store %arg7[%parallel_loop3A_827, %parallel_loop3A_828, %parallel_loop3A_829], %parallel_loop3A_825 {strides = array<i32>} : memref<32x4x128xf32, #tpu.memory_space<vmem>>, vector<16xf32>,
    } {sc.loop_unroll_factor = 4 : i64, sc.parallel_access}
    %jit3A_270 = arith.constant 4 : i32
    %div3A_271 = arith.divsi %sub3A_88, %jit3A_270 : i32
    %sign3A_272 = arith.constant 0 : i32
    %sign3A_273 = arith.cmpi sgt, %sub3A_88, %sign3A_272 : i32
    %sign3A_274 = arith.extui %sign3A_273 : i1 to i32
    %sign3A_275 = arith.constant 0 : i32
    %sign3A_276 = arith.cmpi slt, %sub3A_88, %sign3A_275 : i32
    %sign3A_277 = arith.extui %sign3A_276 : i1 to i32
    %sign3A_278 = arith.subi %sign3A_274, %sign3A_277 : i32
    %sign3A_279 = arith.constant 0 : i32
    %sign3A_280 = arith.cmpi sgt, %jit3A_270, %sign3A_279 : i32
    %sign3A_281 = arith.extui %sign3A_280 : i1 to i32
    %sign3A_282 = arith.constant 0 : i32
    %sign3A_283 = arith.cmpi slt, %jit3A_270, %sign3A_282 : i32
    %sign3A_284 = arith.extui %sign3A_283 : i1 to i32
    %sign3A_285 = arith.subi %sign3A_281, %sign3A_284 : i32
    %ne3A_286 = arith.cmpi ne, %sign3A_278, %sign3A_285 : i32
    %rem3A_287 = arith.remsi %sub3A_88, %jit3A_270 : i32
    %ne3A_288 = arith.constant 0 : i32
    %ne3A_289 = arith.cmpi ne, %rem3A_287, %ne3A_288 : i32
    %and3A_290 = arith.andi %ne3A_286, %ne3A_289 : i1
    %sub3A_291 = arith.constant 1 : i32
    %sub3A_292 = arith.subi %div3A_271, %sub3A_291 : i32
    %select_n3A_293 = arith.select %and3A_290, %sub3A_292, %div3A_271 : i32
    %jit3A_294 = arith.constant 4 : i32
    %eq3A_295 = arith.constant 0 : i32
    %eq3A_296 = arith.cmpi eq, %jit3A_294, %eq3A_295 : i32
    %jit3A_297 = arith.constant 1 : i32
    %select_n3A_298 = arith.select %eq3A_296, %jit3A_297, %jit3A_294 : i32
    %rem3A_299 = arith.remsi %sub3A_88, %select_n3A_298 : i32
    %ne3A_300 = arith.constant 0 : i32
    %ne3A_301 = arith.cmpi ne, %rem3A_299, %ne3A_300 : i32
    %lt3A_302 = arith.constant 0 : i32
    %lt3A_303 = arith.cmpi slt, %rem3A_299, %lt3A_302 : i32
    %lt3A_304 = arith.constant 0 : i32
    %lt3A_305 = arith.cmpi slt, %select_n3A_298, %lt3A_304 : i32
    %ne3A_306 = arith.xori %lt3A_303, %lt3A_305 : i1
    %and3A_307 = arith.andi %ne3A_306, %ne3A_301 : i1
    %add3A_308 = arith.addi %rem3A_299, %select_n3A_298 : i32
    %select_n3A_309 = arith.select %and3A_307, %add3A_308, %rem3A_299 : i32
    %jit3A_310 = arith.constant 8 : i32
    %div3A_311 = arith.divsi %select_n3A_293, %jit3A_310 : i32
    %sign3A_312 = arith.constant 0 : i32
    %sign3A_313 = arith.cmpi sgt, %select_n3A_293, %sign3A_312 : i32
    %sign3A_314 = arith.extui %sign3A_313 : i1 to i32
    %sign3A_315 = arith.constant 0 : i32
    %sign3A_316 = arith.cmpi slt, %select_n3A_293, %sign3A_315 : i32
    %sign3A_317 = arith.extui %sign3A_316 : i1 to i32
    %sign3A_318 = arith.subi %sign3A_314, %sign3A_317 : i32
    %sign3A_319 = arith.constant 0 : i32
    %sign3A_320 = arith.cmpi sgt, %jit3A_310, %sign3A_319 : i32
    %sign3A_321 = arith.extui %sign3A_320 : i1 to i32
    %sign3A_322 = arith.constant 0 : i32
    %sign3A_323 = arith.cmpi slt, %jit3A_310, %sign3A_322 : i32
    %sign3A_324 = arith.extui %sign3A_323 : i1 to i32
    %sign3A_325 = arith.subi %sign3A_321, %sign3A_324 : i32
    %ne3A_326 = arith.cmpi ne, %sign3A_318, %sign3A_325 : i32
    %rem3A_327 = arith.remsi %select_n3A_293, %jit3A_310 : i32
    %ne3A_328 = arith.constant 0 : i32
    %ne3A_329 = arith.cmpi ne, %rem3A_327, %ne3A_328 : i32
    %and3A_330 = arith.andi %ne3A_326, %ne3A_329 : i1
    %sub3A_331 = arith.constant 1 : i32
    %sub3A_332 = arith.subi %div3A_311, %sub3A_331 : i32
    %select_n3A_333 = arith.select %and3A_330, %sub3A_332, %div3A_311 : i32
    %jit3A_334 = arith.constant 8 : i32
    %eq3A_335 = arith.constant 0 : i32
    %eq3A_336 = arith.cmpi eq, %jit3A_334, %eq3A_335 : i32
    %jit3A_337 = arith.constant 1 : i32
    %select_n3A_338 = arith.select %eq3A_336, %jit3A_337, %jit3A_334 : i32
    %rem3A_339 = arith.remsi %select_n3A_293, %select_n3A_338 : i32
    %ne3A_340 = arith.constant 0 : i32
    %ne3A_341 = arith.cmpi ne, %rem3A_339, %ne3A_340 : i32
    %lt3A_342 = arith.constant 0 : i32
    %lt3A_343 = arith.cmpi slt, %rem3A_339, %lt3A_342 : i32
    %lt3A_344 = arith.constant 0 : i32
    %lt3A_345 = arith.cmpi slt, %select_n3A_338, %lt3A_344 : i32
    %ne3A_346 = arith.xori %lt3A_343, %lt3A_345 : i1
    %and3A_347 = arith.andi %ne3A_346, %ne3A_341 : i1
    %add3A_348 = arith.addi %rem3A_339, %select_n3A_338 : i32
    %select_n3A_349 = arith.select %and3A_347, %add3A_348, %rem3A_339 : i32
    %mul3A_350 = arith.constant 32 : i32
    %mul3A_351 = arith.muli %select_n3A_309, %mul3A_350 : i32
    %dma_start3A_352 = arith.constant 0 : i32
    %dma_start3A_353 = arith.constant 0 : i32
    %dma_start3A_354 = tpu.memref_slice %arg4[%select_n3A_293, %mul3A_351, %dma_start3A_352, %dma_start3A_353] : memref<200x128x4x128xf32, #tpu.memory_space<hbm>> -> memref<1x32x4x128xf32, #tpu.memory_space<hbm>>
    %dma_start3A_355 = tpu.memref_squeeze %dma_start3A_354 : memref<1x32x4x128xf32, #tpu.memory_space<hbm>> -> memref<32x4x128xf32, #tpu.memory_space<hbm>>
    %dma_start3A_356 = arith.constant 0 : i32
    %dma_start3A_357 = arith.constant 0 : i32
    %dma_start3A_358 = tpu.memref_slice %arg4[%select_n3A_293, %mul3A_351, %dma_start3A_356, %dma_start3A_357] : memref<200x128x4x128xf32, #tpu.memory_space<hbm>> -> memref<1x32x4x128xf32, #tpu.memory_space<hbm>>
    %dma_start3A_359 = tpu.memref_squeeze %dma_start3A_358 : memref<1x32x4x128xf32, #tpu.memory_space<hbm>> -> memref<32x4x128xf32, #tpu.memory_space<hbm>>
    tpu.enqueue_dma source(%arg7 : memref<32x4x128xf32, #tpu.memory_space<vmem>>) target(%dma_start3A_359 : memref<32x4x128xf32, #tpu.memory_space<hbm>>) target_semaphore(%arg12 : memref<!tpu.dma_semaphore, #tpu.memory_space<semaphore_mem>>)
    %sub3A_360 = arith.constant 1 : i32
    %sub3A_361 = arith.subi %sub3A_88, %sub3A_360 : i32
    %jit3A_362 = arith.constant 4 : i32
    %div3A_363 = arith.divsi %sub3A_361, %jit3A_362 : i32
    %sign3A_364 = arith.constant 0 : i32
    %sign3A_365 = arith.cmpi sgt, %sub3A_361, %sign3A_364 : i32
    %sign3A_366 = arith.extui %sign3A_365 : i1 to i32
    %sign3A_367 = arith.constant 0 : i32
    %sign3A_368 = arith.cmpi slt, %sub3A_361, %sign3A_367 : i32
    %sign3A_369 = arith.extui %sign3A_368 : i1 to i32
    %sign3A_370 = arith.subi %sign3A_366, %sign3A_369 : i32
    %sign3A_371 = arith.constant 0 : i32
    %sign3A_372 = arith.cmpi sgt, %jit3A_362, %sign3A_371 : i32
    %sign3A_373 = arith.extui %sign3A_372 : i1 to i32
    %sign3A_374 = arith.constant 0 : i32
    %sign3A_375 = arith.cmpi slt, %jit3A_362, %sign3A_374 : i32
    %sign3A_376 = arith.extui %sign3A_375 : i1 to i32
    %sign3A_377 = arith.subi %sign3A_373, %sign3A_376 : i32
    %ne3A_378 = arith.cmpi ne, %sign3A_370, %sign3A_377 : i32
    %rem3A_379 = arith.remsi %sub3A_361, %jit3A_362 : i32
    %ne3A_380 = arith.constant 0 : i32
    %ne3A_381 = arith.cmpi ne, %rem3A_379, %ne3A_380 : i32
    %and3A_382 = arith.andi %ne3A_378, %ne3A_381 : i1
    %sub3A_383 = arith.constant 1 : i32
    %sub3A_384 = arith.subi %div3A_363, %sub3A_383 : i32
    %select_n3A_385 = arith.select %and3A_382, %sub3A_384, %div3A_363 : i32
    %jit3A_386 = arith.constant 4 : i32
    %eq3A_387 = arith.constant 0 : i32
    %eq3A_388 = arith.cmpi eq, %jit3A_386, %eq3A_387 : i32
    %jit3A_389 = arith.constant 1 : i32
    %select_n3A_390 = arith.select %eq3A_388, %jit3A_389, %jit3A_386 : i32
    %rem3A_391 = arith.remsi %sub3A_361, %select_n3A_390 : i32
    %ne3A_392 = arith.constant 0 : i32
    %ne3A_393 = arith.cmpi ne, %rem3A_391, %ne3A_392 : i32
    %lt3A_394 = arith.constant 0 : i32
    %lt3A_395 = arith.cmpi slt, %rem3A_391, %lt3A_394 : i32
    %lt3A_396 = arith.constant 0 : i32
    %lt3A_397 = arith.cmpi slt, %select_n3A_390, %lt3A_396 : i32
    %ne3A_398 = arith.xori %lt3A_395, %lt3A_397 : i1
    %and3A_399 = arith.andi %ne3A_398, %ne3A_393 : i1
    %add3A_400 = arith.addi %rem3A_391, %select_n3A_390 : i32
    %select_n3A_401 = arith.select %and3A_399, %add3A_400, %rem3A_391 : i32
    %jit3A_402 = arith.constant 8 : i32
    %div3A_403 = arith.divsi %select_n3A_385, %jit3A_402 : i32
    %sign3A_404 = arith.constant 0 : i32
    %sign3A_405 = arith.cmpi sgt, %select_n3A_385, %sign3A_404 : i32
    %sign3A_406 = arith.extui %sign3A_405 : i1 to i32
    %sign3A_407 = arith.constant 0 : i32
    %sign3A_408 = arith.cmpi slt, %select_n3A_385, %sign3A_407 : i32
    %sign3A_409 = arith.extui %sign3A_408 : i1 to i32
    %sign3A_410 = arith.subi %sign3A_406, %sign3A_409 : i32
    %sign3A_411 = arith.constant 0 : i32
    %sign3A_412 = arith.cmpi sgt, %jit3A_402, %sign3A_411 : i32
    %sign3A_413 = arith.extui %sign3A_412 : i1 to i32
    %sign3A_414 = arith.constant 0 : i32
    %sign3A_415 = arith.cmpi slt, %jit3A_402, %sign3A_414 : i32
    %sign3A_416 = arith.extui %sign3A_415 : i1 to i32
    %sign3A_417 = arith.subi %sign3A_413, %sign3A_416 : i32
    %ne3A_418 = arith.cmpi ne, %sign3A_410, %sign3A_417 : i32
    %rem3A_419 = arith.remsi %select_n3A_385, %jit3A_402 : i32
    %ne3A_420 = arith.constant 0 : i32
    %ne3A_421 = arith.cmpi ne, %rem3A_419, %ne3A_420 : i32
    %and3A_422 = arith.andi %ne3A_418, %ne3A_421 : i1
    %sub3A_423 = arith.constant 1 : i32
    %sub3A_424 = arith.subi %div3A_403, %sub3A_423 : i32
    %select_n3A_425 = arith.select %and3A_422, %sub3A_424, %div3A_403 : i32
    %jit3A_426 = arith.constant 8 : i32
    %eq3A_427 = arith.constant 0 : i32
    %eq3A_428 = arith.cmpi eq, %jit3A_426, %eq3A_427 : i32
    %jit3A_429 = arith.constant 1 : i32
    %select_n3A_430 = arith.select %eq3A_428, %jit3A_429, %jit3A_426 : i32
    %rem3A_431 = arith.remsi %select_n3A_385, %select_n3A_430 : i32
    %ne3A_432 = arith.constant 0 : i32
    %ne3A_433 = arith.cmpi ne, %rem3A_431, %ne3A_432 : i32
    %lt3A_434 = arith.constant 0 : i32
    %lt3A_435 = arith.cmpi slt, %rem3A_431, %lt3A_434 : i32
    %lt3A_436 = arith.constant 0 : i32
    %lt3A_437 = arith.cmpi slt, %select_n3A_430, %lt3A_436 : i32
    %ne3A_438 = arith.xori %lt3A_435, %lt3A_437 : i1
    %and3A_439 = arith.andi %ne3A_438, %ne3A_433 : i1
    %add3A_440 = arith.addi %rem3A_431, %select_n3A_430 : i32
    %select_n3A_441 = arith.select %and3A_439, %add3A_440, %rem3A_431 : i32
    %mul3A_442 = arith.constant 32 : i32
    %mul3A_443 = arith.muli %select_n3A_401, %mul3A_442 : i32
    %dma_wait3A_444 = arith.constant 0 : i32
    %dma_wait3A_445 = arith.constant 0 : i32
    %dma_wait3A_446 = tpu.memref_slice %arg4[%select_n3A_385, %mul3A_443, %dma_wait3A_444, %dma_wait3A_445] : memref<200x128x4x128xf32, #tpu.memory_space<hbm>> -> memref<1x32x4x128xf32, #tpu.memory_space<hbm>>
    %dma_wait3A_447 = tpu.memref_squeeze %dma_wait3A_446 : memref<1x32x4x128xf32, #tpu.memory_space<hbm>> -> memref<32x4x128xf32, #tpu.memory_space<hbm>>
    %dma_wait3A_448 = arith.constant 0 : i32
    %dma_wait3A_449 = arith.constant 0 : i32
    %dma_wait3A_450 = tpu.memref_slice %arg4[%select_n3A_385, %mul3A_443, %dma_wait3A_448, %dma_wait3A_449] : memref<200x128x4x128xf32, #tpu.memory_space<hbm>> -> memref<1x32x4x128xf32, #tpu.memory_space<hbm>>
    %dma_wait3A_451 = tpu.memref_squeeze %dma_wait3A_450 : memref<1x32x4x128xf32, #tpu.memory_space<hbm>> -> memref<32x4x128xf32, #tpu.memory_space<hbm>>
    tpu.wait_dma2 semaphore(%arg13 : memref<!tpu.dma_semaphore, #tpu.memory_space<semaphore_mem>>) src(%arg8 : memref<32x4x128xf32, #tpu.memory_space<vmem>>) dst(%dma_wait3A_451 : memref<32x4x128xf32, #tpu.memory_space<hbm>>)
    %jit3A_452 = arith.constant 4 : i32
    %div3A_453 = arith.divsi %sub3A_88, %jit3A_452 : i32
    %sign3A_454 = arith.constant 0 : i32
    %sign3A_455 = arith.cmpi sgt, %sub3A_88, %sign3A_454 : i32
    %sign3A_456 = arith.extui %sign3A_455 : i1 to i32
    %sign3A_457 = arith.constant 0 : i32
    %sign3A_458 = arith.cmpi slt, %sub3A_88, %sign3A_457 : i32
    %sign3A_459 = arith.extui %sign3A_458 : i1 to i32
    %sign3A_460 = arith.subi %sign3A_456, %sign3A_459 : i32
    %sign3A_461 = arith.constant 0 : i32
    %sign3A_462 = arith.cmpi sgt, %jit3A_452, %sign3A_461 : i32
    %sign3A_463 = arith.extui %sign3A_462 : i1 to i32
    %sign3A_464 = arith.constant 0 : i32
    %sign3A_465 = arith.cmpi slt, %jit3A_452, %sign3A_464 : i32
    %sign3A_466 = arith.extui %sign3A_465 : i1 to i32
    %sign3A_467 = arith.subi %sign3A_463, %sign3A_466 : i32
    %ne3A_468 = arith.cmpi ne, %sign3A_460, %sign3A_467 : i32
    %rem3A_469 = arith.remsi %sub3A_88, %jit3A_452 : i32
    %ne3A_470 = arith.constant 0 : i32
    %ne3A_471 = arith.cmpi ne, %rem3A_469, %ne3A_470 : i32
    %and3A_472 = arith.andi %ne3A_468, %ne3A_471 : i1
    %sub3A_473 = arith.constant 1 : i32
    %sub3A_474 = arith.subi %div3A_453, %sub3A_473 : i32
    %select_n3A_475 = arith.select %and3A_472, %sub3A_474, %div3A_453 : i32
    %jit3A_476 = arith.constant 4 : i32
    %eq3A_477 = arith.constant 0 : i32
    %eq3A_478 = arith.cmpi eq, %jit3A_476, %eq3A_477 : i32
    %jit3A_479 = arith.constant 1 : i32
    %select_n3A_480 = arith.select %eq3A_478, %jit3A_479, %jit3A_476 : i32
    %rem3A_481 = arith.remsi %sub3A_88, %select_n3A_480 : i32
    %ne3A_482 = arith.constant 0 : i32
    %ne3A_483 = arith.cmpi ne, %rem3A_481, %ne3A_482 : i32
    %lt3A_484 = arith.constant 0 : i32
    %lt3A_485 = arith.cmpi slt, %rem3A_481, %lt3A_484 : i32
    %lt3A_486 = arith.constant 0 : i32
    %lt3A_487 = arith.cmpi slt, %select_n3A_480, %lt3A_486 : i32
    %ne3A_488 = arith.xori %lt3A_485, %lt3A_487 : i1
    %and3A_489 = arith.andi %ne3A_488, %ne3A_483 : i1
    %add3A_490 = arith.addi %rem3A_481, %select_n3A_480 : i32
    %select_n3A_491 = arith.select %and3A_489, %add3A_490, %rem3A_481 : i32
    %jit3A_492 = arith.constant 8 : i32
    %div3A_493 = arith.divsi %select_n3A_475, %jit3A_492 : i32
    %sign3A_494 = arith.constant 0 : i32
    %sign3A_495 = arith.cmpi sgt, %select_n3A_475, %sign3A_494 : i32
    %sign3A_496 = arith.extui %sign3A_495 : i1 to i32
    %sign3A_497 = arith.constant 0 : i32
    %sign3A_498 = arith.cmpi slt, %select_n3A_475, %sign3A_497 : i32
    %sign3A_499 = arith.extui %sign3A_498 : i1 to i32
    %sign3A_500 = arith.subi %sign3A_496, %sign3A_499 : i32
    %sign3A_501 = arith.constant 0 : i32
    %sign3A_502 = arith.cmpi sgt, %jit3A_492, %sign3A_501 : i32
    %sign3A_503 = arith.extui %sign3A_502 : i1 to i32
    %sign3A_504 = arith.constant 0 : i32
    %sign3A_505 = arith.cmpi slt, %jit3A_492, %sign3A_504 : i32
    %sign3A_506 = arith.extui %sign3A_505 : i1 to i32
    %sign3A_507 = arith.subi %sign3A_503, %sign3A_506 : i32
    %ne3A_508 = arith.cmpi ne, %sign3A_500, %sign3A_507 : i32
    %rem3A_509 = arith.remsi %select_n3A_475, %jit3A_492 : i32
    %ne3A_510 = arith.constant 0 : i32
    %ne3A_511 = arith.cmpi ne, %rem3A_509, %ne3A_510 : i32
    %and3A_512 = arith.andi %ne3A_508, %ne3A_511 : i1
    %sub3A_513 = arith.constant 1 : i32
    %sub3A_514 = arith.subi %div3A_493, %sub3A_513 : i32
    %select_n3A_515 = arith.select %and3A_512, %sub3A_514, %div3A_493 : i32
    %jit3A_516 = arith.constant 8 : i32
    %eq3A_517 = arith.constant 0 : i32
    %eq3A_518 = arith.cmpi eq, %jit3A_516, %eq3A_517 : i32
    %jit3A_519 = arith.constant 1 : i32
    %select_n3A_520 = arith.select %eq3A_518, %jit3A_519, %jit3A_516 : i32
    %rem3A_521 = arith.remsi %select_n3A_475, %select_n3A_520 : i32
    %ne3A_522 = arith.constant 0 : i32
    %ne3A_523 = arith.cmpi ne, %rem3A_521, %ne3A_522 : i32
    %lt3A_524 = arith.constant 0 : i32
    %lt3A_525 = arith.cmpi slt, %rem3A_521, %lt3A_524 : i32
    %lt3A_526 = arith.constant 0 : i32
    %lt3A_527 = arith.cmpi slt, %select_n3A_520, %lt3A_526 : i32
    %ne3A_528 = arith.xori %lt3A_525, %lt3A_527 : i1
    %and3A_529 = arith.andi %ne3A_528, %ne3A_523 : i1
    %add3A_530 = arith.addi %rem3A_521, %select_n3A_520 : i32
    %select_n3A_531 = arith.select %and3A_529, %add3A_530, %rem3A_521 : i32
    %mul3A_532 = arith.constant 32 : i32
    %mul3A_533 = arith.muli %select_n3A_491, %mul3A_532 : i32
    %dma_wait3A_534 = arith.constant 0 : i32
    %dma_wait3A_535 = arith.constant 0 : i32
    %dma_wait3A_536 = tpu.memref_slice %arg4[%select_n3A_475, %mul3A_533, %dma_wait3A_534, %dma_wait3A_535] : memref<200x128x4x128xf32, #tpu.memory_space<hbm>> -> memref<1x32x4x128xf32, #tpu.memory_space<hbm>>
    %dma_wait3A_537 = tpu.memref_squeeze %dma_wait3A_536 : memref<1x32x4x128xf32, #tpu.memory_space<hbm>> -> memref<32x4x128xf32, #tpu.memory_space<hbm>>
    %dma_wait3A_538 = arith.constant 0 : i32
    %dma_wait3A_539 = arith.constant 0 : i32
    %dma_wait3A_540 = tpu.memref_slice %arg4[%select_n3A_475, %mul3A_533, %dma_wait3A_538, %dma_wait3A_539] : memref<200x128x4x128xf32, #tpu.memory_space<hbm>> -> memref<1x32x4x128xf32, #tpu.memory_space<hbm>>
    %dma_wait3A_541 = tpu.memref_squeeze %dma_wait3A_540 : memref<1x32x4x128xf32, #tpu.memory_space<hbm>> -> memref<32x4x128xf32, #tpu.memory_space<hbm>>
    tpu.wait_dma2 semaphore(%arg12 : memref<!tpu.dma_semaphore, #tpu.memory_space<semaphore_mem>>) src(%arg7 : memref<32x4x128xf32, #tpu.memory_space<vmem>>) dst(%dma_wait3A_541 : memref<32x4x128xf32, #tpu.memory_space<hbm>>)
    return
  }
}

</mosaic_0001>

<sc_bundles>
// kernel: kernel.3.cloned.1.call-start
scs
__scs_entry_jumppad:
0x0: {  	(pc) =	sbr.rel $0x88, $3  }
0x1: {  	(tag) =	ssettag $0x0;
	lr =	simm.s32 $0x1  }
0x2: {  	[smem:$0x3F9F] =	sst lr;
	_ =	strace $0xD0000000  }
0x3: {  	_ = 	snop  }
0x4: {  	_ = 	snop  }
0x5: {  	_ = 	snop  }
0x6: {  	_ = 	snop  }
0x7: {  	_ = 	snop  }
__scs_overlays_trampoline_lowered:
0x8: {  	[smem:$0x3FAE] =	sst s0  }
0x9: {  	[smem:$0x3FAF] =	sst s1  }
0xa: {  	[smem:$0x3FB0] =	sst s2  }
0xb: {  	[smem:$0x3FB1] =	sst s3  }
0xc: {  	[smem:$0x3FB2] =	sst s4  }
0xd: {  	[smem:$0x3FB3] =	sst s5  }
0xe: {  	[smem:$0x3FB4] =	sst s6  }
0xf: {  	[smem:$0x3FB5] =	sst s7  }
0x10: {  	[smem:$0x3FB6] =	sst s8  }
0x11: {  	[smem:$0x3FB7] =	sst s9;
	s0 =	simm.s32 @!p0 $0x0  }
0x12: {  	s1 =	sld [smem:$0x3F9D];
	s0 =	simm.s32 @p0 $0x1  }
0x13: {  	[smem:$0x3FB8] =	sst s0;
	s0 =	simm.s32 @!p1 $0x0  }
0x14: {  	s2 =	sld [smem:$0x3F9C];
	s0 =	simm.s32 @p1 $0x1  }
0x15: {  	[smem:$0x3FB9] =	sst s0;
	s0 =	simm.s32 @!p2 $0x0  }
0x16: {  	s3 =	sld [smem:$0x3FDB];
	s0 =	simm.s32 @p2 $0x1  }
0x17: {  	s4 =	simm.s32 $0x1BF5;
	[smem:$0x3FBB] =	sst s0  }
0x18: {  	s0 =	sld [smem:$0x3F9E];
	_ =	swait.ge [sflag:s4], $0x0  }
0x19: {  	s7 =	sld [smem:$0x3F9F]  }
0x1a: {  	s8 =	sadd.s32 $0xFFFFE003, lr  }
0x1b: {  	s9 =	sadd.s32 $0xFFFFFEF7, lr;
	s5 =	simm.s32 $0xFFFFFFFF;
	p2 =	slt.u32 s8, $0xFFFFF086  }
0x1c: {  	p1 =	slt.u32 s9, $0xF7A;
	s5 =	simm.s32 @!p2 $0x0  }
0x1d: {  	s5 =	simm.s32 @p1 $0x1;
	p0 =	seq.s32 s7, s2  }
0x1e: {  	s7 =	smul.u32 @!p0 $0xF7A, s2;
	p2 =	seq.s32 @!p0 s5, $0x0  }
0x1f: {  	s9 =	smul.u32 $0xF7A, s1;
	s8 =	simm.s32 @!p0 $0x1BF5;
	p2 =	por !p2, p0  }
0x20: {  	[sflag:s8] =	ssyncset.s32 @!p0 $0xFFFFF086;
	s6 =	sadd.s32 @!p0 s3, s7;
	s7 =	simm.s32 @!p0 $0x108  }
0x21: {  	s3 =	sadd.s32 s3, s9;
	s6 =	sadd.s32 @!p0 $0x88, s6;
	s7 =	simm.s32 @p2 $0x1082  }
0x22: {  	[simem:s7], [sflag:s8] =	dma.local @!p0 [hbm:s6], $0xF7A  }
0x23: {  	s9 =	sor.u32 $0xD0000000, s2;
	s6 =	simm.s32 $0x108;
	_ =	swait.ge @!p0 [sflag:s8], $0x0  }
0x24: {  	s3 =	sadd.s32 $0x88, s3;
	s6 =	simm.s32 @!p1 $0x1082;
	[sflag:s4] =	ssyncset.s32 $0xFFFFF086  }
0x25: {  	[simem:s6], [sflag:s4] =	dma.local [hbm:s3], $0xF7A  }
0x26: {  	[smem:$0x3F9F] =	sst s1;
	(tag) =	ssettag s2;
	_ =	strace s9  }
0x27: {  	s1 =	sld [smem:$0x3FAF]  }
0x28: {  	s2 =	sld [smem:$0x3FB0]  }
0x29: {  	s4 =	sld [smem:$0x3FB2]  }
0x2a: {  	p0 =	seq.s32 s5, $0x0;
	s5 =	sld [smem:$0x3FB3]  }
0x2b: {  	s6 =	sld [smem:$0x3FB4]  }
0x2c: {  	s7 =	sld [smem:$0x3FB5]  }
0x2d: {  	s3 =	simm.s32 $0x108;
	s8 =	sld [smem:$0x3FB6]  }
0x2e: {  	s3 =	simm.s32 @!p0 $0x1082;
	s9 =	sld [smem:$0x3FB7]  }
0x2f: {  	lr =	sadd.s32 s0, s3;
	s0 =	sld [smem:$0x3FAE]  }
0x30: {  	s3 =	sld [smem:$0x3FB1]  }
0x31: {  	[smem:$0x3FBA] =	sst s10  }
0x32: {  	s10 =	sld [smem:$0x3FB8];
	_ =	sdelay $0x3  }
0x33: {  	p0 =	seq.s32 s10, $0x1;
	s10 =	sld [smem:$0x3FBA];
	_ =	sdelay $0x3  }
0x34: {  	[smem:$0x3FBA] =	sst s10  }
0x35: {  	s10 =	sld [smem:$0x3FB9];
	_ =	sdelay $0x3  }
0x36: {  	p1 =	seq.s32 s10, $0x1;
	s10 =	sld [smem:$0x3FBA];
	_ =	sdelay $0x3  }
0x37: {  	[smem:$0x3FBA] =	sst s10  }
0x38: {  	s10 =	sld [smem:$0x3FBB]  }
0x39: {  	_ = 	snop;
	(pc) =	sbr.ind lr, $3  }
0x3a: {  	_ = 	snop  }
0x3b: {  	_ = 	snop  }
0x3c: {  	p2 =	seq.s32 s10, $0x1;
	s10 =	sld [smem:$0x3FBA]  }
0x3d: {  	_ =	shalt  }
0x3e: {  	_ =	shalt  }
0x3f: {  	_ =	shalt  }
0x40: {  	_ =	shalt  }
0x41: {  	_ =	shalt  }
0x42: {  	_ =	shalt  }
0x43: {  	_ =	shalt  }
0x44: {  	_ =	shalt  }
0x45: {  	_ =	shalt  }
0x46: {  	_ =	shalt  }
0x47: {  	_ =	shalt  }
0x48: {  	_ =	shalt  }
0x49: {  	_ =	shalt  }
0x4a: {  	_ =	shalt  }
0x4b: {  	_ =	shalt  }
0x4c: {  	_ =	shalt  }
0x4d: {  	_ =	shalt  }
0x4e: {  	_ =	shalt  }
0x4f: {  	_ =	shalt  }
0x50: {  	_ =	shalt  }
0x51: {  	_ =	shalt  }
0x52: {  	_ =	shalt  }
0x53: {  	_ =	shalt  }
0x54: {  	_ =	shalt  }
0x55: {  	_ =	shalt  }
0x56: {  	_ =	shalt  }
0x57: {  	_ =	shalt  }
0x58: {  	_ =	shalt  }
0x59: {  	_ =	shalt  }
0x5a: {  	_ =	shalt  }
0x5b: {  	_ =	shalt  }
0x5c: {  	_ =	shalt  }
0x5d: {  	_ =	shalt  }
0x5e: {  	_ =	shalt  }
0x5f: {  	_ =	shalt  }
0x60: {  	_ =	shalt  }
0x61: {  	_ =	shalt  }
0x62: {  	_ =	shalt  }
0x63: {  	_ =	shalt  }
0x64: {  	_ =	shalt  }
0x65: {  	_ =	shalt  }
0x66: {  	_ =	shalt  }
0x67: {  	_ =	shalt  }
0x68: {  	_ =	shalt  }
0x69: {  	_ =	shalt  }
0x6a: {  	_ =	shalt  }
0x6b: {  	_ =	shalt  }
0x6c: {  	_ =	shalt  }
0x6d: {  	_ =	shalt  }
0x6e: {  	_ =	shalt  }
0x6f: {  	_ =	shalt  }
0x70: {  	_ =	shalt  }
0x71: {  	_ =	shalt  }
0x72: {  	_ =	shalt  }
0x73: {  	_ =	shalt  }
0x74: {  	_ =	shalt  }
0x75: {  	_ =	shalt  }
0x76: {  	_ =	shalt  }
0x77: {  	_ =	shalt  }
0x78: {  	_ =	shalt  }
0x79: {  	_ =	shalt  }
0x7a: {  	_ =	shalt  }
0x7b: {  	_ =	shalt  }
0x7c: {  	_ =	shalt  }
0x7d: {  	_ =	shalt  }
0x7e: {  	_ =	shalt  }
0x7f: {  	_ =	shalt  }
0x80: {  	_ =	shalt  }
0x81: {  	_ =	shalt  }
0x82: {  	_ =	shalt  }
0x83: {  	_ =	shalt  }
0x84: {  	_ =	shalt  }
0x85: {  	_ =	shalt  }
0x86: {  	_ =	shalt  }
0x87: {  	_ =	shalt  }
.Lfunc_end0:
.L_simem_size_0:
called_computation_lowered:
.L_overlay_start_0:
0x88: {  	s2 =	sld [smem:$0x3FD9]  }
0x89: {  	s3 =	sld [smem:$0x3FFE];
	_ =	sdelay $0x1  }
0x8a: {  	s1 =	srdreg.scid  }
0x8b: {  	s0 =	sand.u32 $0x1, s1  }
0x8c: {  	s17 =	sshll.u32 s0, $0xA;
	s2 =	sadd.s32 s3, s2  }
0x8d: {  	s2 =	sadd.s32 s2, s17  }
0x8e: {  	[smem:$0x3FC6] =	sst s2  }
0x8f: {  	_ = 	snop  }
0x90: {  	s2 =	sld [smem:$0x3FC9]  }
0x91: {  	s18 =	sld [smem:$0x3FD0];
	(tm) =	ssettm $0x1  }
0x92: {  	s4 =	sld [smem:$0x3FFB];
	_ =	sdelay $0x3  }
0x93: {  	_ =	strace s4  }
0x94: {  	s4 =	sld [smem:$0x3FFC];
	_ =	sdelay $0x3  }
0x95: {  	_ =	strace s4  }
0x96: {  	s4 =	sld [smem:$0x3FFD];
	_ =	sdelay $0x3  }
0x97: {  	_ =	strace s4  }
0x98: {  	_ =	strace $0x8FFFFFFF  }
0x99: {  	s19 =	sld [smem:$0x3FDB];
	_ =	sdelay $0x1  }
0x9a: {  	s5 =	simm.s32 $_scs_section_size  }
0x9b: {  	s6 =	simm.s32 $_size__tile_overlayer_lowered;
	s7 =	simm.s32 $_tile_overlayer_lowered  }
0x9c: {  	s22 =	simm.s32 $0x1BFF;
	s21 =	sshll.u32 s7, $0x1;
	s4 =	sadd.s32 s5, s19  }
0x9d: {  	s8 =	simm.s32 $0x0;
	s20 =	sshll.u32 s6, $0x1;
	s6 =	sadd.s32 s21, s4  }
0x9e: {  	[timem:s8], [sflag:s22] =	dma.local [hbm:s6], s20  }
0x9f: {  	_ =	swait.ge [sflag:s22], s20  }
0xa0: {  	s5 =	ssub.s32 $0x0, s20;
	[sflag:s22] =	ssyncset.done $0x0  }
0xa1: {  	[sflag:s22] =	ssyncadd.s32 s5;
	_ =	sdelay $0x1  }
0xa2: {  	s23 =	simm.s32 $0x1B8B  }
0xa3: {  	_ =	swait.ge [sflag:s23], $0x1  }
0xa4: {  	[sflag:s23] =	ssyncset.done $0x0  }
0xa5: {  	s25 =	simm.s32 $0x1B8E;
	s24 =	sld [smem:$0x3FFE];
	[sflag:s23] =	ssyncadd.s32 $0xFFFFFFFF  }
0xa6: {  	s26 =	simm.s32 $execute0_lowered;
	[smem:$0x3FD2] =	sst s25  }
0xa7: {  	s6 =	sshll.u32 s26, $0x1;
	_ =	strace $0x80000046;
	[dreg:$0x1] =	wrdreg $0xFFFFFFFF  }
0xa8: {  	s28 =	simm.s32 $_size_execute0_lowered;
	s4 =	sadd.s32 s4, s6;
	[dreg:$0x0] =	wrdreg $0x0  }
0xa9: {  	s6 =	sshll.u32 s28, $0x1;
	[dreg:$0x2] =	wrdreg s4  }
0xaa: {  	[dreg:$0x3] =	wrdreg s6  }
0xab: {  	[dreg:$0x4] =	wrdreg $0xC0  }
0xac: {  	_ =	task [dreg:s8], $0x5FFFF  }
0xad: {  	[dreg:$0x1] =	wrdreg $0xFFFFFFFF  }
0xae: {  	[dreg:$0x0] =	wrdreg $0x60  }
0xaf: {  	[dreg:$0x2] =	wrdreg s2  }
0xb0: {  	[dreg:$0x3] =	wrdreg s24  }
0xb1: {  	[dreg:$0x4] =	wrdreg s18  }
0xb2: {  	[dreg:$0x5] =	wrdreg $0x9  }
0xb3: {  	_ =	task.clear_ibuf [dreg:s8], $0x6FFFF;
	_ =	strace $0x90000046  }
0xb4: {  	s29 =	simm.s32 $0x9;
	_ =	strace $0x80000048  }
0xb5: {  	_ =	swait.ge [sflag:s29], $0x1  }
0xb6: {  	[sflag:s29] =	ssyncadd.s32 $0xFFFFFFFF  }
0xb7: {  	_ =	strace $0x90000048  }
0xb8: {  	_ =	sfence  }
0xb9: {  	s30 =	sld [smem:$0x0];
	_ =	sdelay $0x2  }
0xba: {  	s31 =	sshll.u32 s1, $0xD;
	s1 =	sshrl.u32 s1, $0x2  }
0xbb: {  	s3 =	sand.u32 $0x4000, s31;
	s1 =	sadd.s32 s1, s30  }
0xbc: {  	s0 =	sor.u32 s3, s0;
	s1 =	sshll.u32 s1, $0x11  }
0xbd: {  	s0 =	sor.u32 s1, s0  }
0xbe: {  	s0 =	sadd.s32 $0x8F2B, s0  }
0xbf: {  	[sflag:s0] =	ssyncadd.remote.s32 $0x1  }
0xc0: {  	_ =	sfence.sel $0xFFFF  }
0xc1: {  	[dreg:$0x0] =	wrdreg $0xFFFFFFFF;
	(pc) =	sbr.abs _section_cstart, $3  }
0xc2: {  	[dreg:$0x1] =	wrdreg $0xFFFFFFFF  }
0xc3: {  	_ =	task.clear_ibuf [dreg:s8], $0x2FFFF;
	_ =	strace $0x9FFFFFFF  }
0xc4: {  	(tm) =	ssettm $0x7FFFFFFF  }
0xc5: {  	_ =	shalt  }
tec
execute0_lowered:
.L_overlay_start_1:
0x0: {  	(tag) =	ssettag $0x1  }
0x1: {  	s1 =	rddreg [dreg:$0x0]  }
0x2: {  	s2 =	rddreg [dreg:$0x1];
	s4 =	srdreg.scid  }
0x3: {  	s0 =	stileid.u32;
	s3 =	rddreg [dreg:$0x2]  }
0x4: {  	s13 =	simm.s32 $0x400;
	s14 =	simm.s32 $0x1000;
	s15 =	simm.s32 $0x1  }
0x5: {  	s16 =	simm.s32 $0x2000;
	s17 =	simm.s32 $0x2;
	s18 =	simm.s32 $0x6000  }
0x6: {  	s19 =	simm.s32 $0x3;
	s20 =	simm.s32 $0x4;
	s21 =	simm.s32 $0x0  }
0x7: {  	s6 =	sand.u32 $0x1, s4;
	s5 =	sshll.u32 s0, $0x1;
	s4 =	simm.s32 $0x0  }
0x8: {  	s7 =	sor.u32 s6, s5;
	[smem:$0x7FF] =	sst s4;
	s5 =	sadd.s32 $0x400, s2  }
0x9: {  	s28 =	ssub.s32 $0x2, s6;
	s8 =	smul.u32 $0x19000, s7;
	_ =	strace $0x80000047  }
0xa: {  	s6 =	sshrl.u32 s28, $0x1;
	s9 =	smul.u32 $0x64000, s7;
	s10 =	sshll.u32 s7, $0xF  }
0xb: {  	s11 =	smul.u32 $0x320, s7;
	s12 =	sshll.u32 s7, $0xE;
	s10 =	sand.u32 $0x18000, s10  }
0xc: {  	s12 =	sand.u32 $0xC000, s12;
	s2 =	ssub.s32 s28, s6;
	s6 =	smul.u32 $0x19, s7  }
0xd: {  	s8 =	sand.u32 $0x3E0000, s8;
	s9 =	sand.u32 $0xFF0000, s9;
	s29 =	sand.u32 $0x380, s11  }
0xe: {  	s11 =	simm.s32 $0x5;
	s8 =	sor.u32 s10, s8;
	s9 =	sor.u32 s12, s9  }
0xf: {  	s10 =	simm.s32 $0xA000;
	s8 =	sor.u32 s29, s8;
	s9 =	sadd.s32 $0x60000, s9  }
0x10: {  	s12 =	simm.s32 $0x80;
	s30 =	sshrl.u32 s8, $0x3;
	s31 =	sshrl.u32 s9, $0x3  }
0x11: {  	s9 =	smax.u32 s2, $0x1;
	s7 =	sadd.s32 s1, s30;
	s8 =	sadd.s32 s3, s31  }
.LBB2_1:
0x12: {  	[tilespmem:s10], [sflag:$0x5] =	stream.linear.gather [hbm4b:s5+s4], $0x80, $0x38;
	[tilespmem:$0xA080] =	vst v63  }
0x13: {  	_ =	swait.ge [sflag:s11], $0x80  }
0x14: {  	[sflag:s11] =	ssyncset.done $0x0  }
0x15: {  	s22 =	simm.s32 $0x0;
	[sflag:s11] =	ssyncadd.s32 $0xFFFFFF80  }
0x16: {  	[tilespmem:s4], [sflag:$0x1] =	stream.strided.gather [hbm4b:s7+s12], $0x1000, s13, s12, $0x38;
	[tilespmem:$0xA080] =	vst v63  }
.LBB2_2:
0x17: {  	s2 =	sshll.u32 s22, $0x1  }
0x18: {  	s25 =	sadd.s32 s6, s2  }
0x19: {  	s24 =	sadd.s32 $0x1, s25  }
0x1a: {  	s23 =	sand.u32 $0x3, s24;
	s26 =	sshll.u32 s24, $0xC  }
0x1b: {  	s28 =	sshll.u32 s24, $0x5;
	s2 =	sand.u32 $0x7FFE0000, s26;
	s26 =	sshll.u32 s23, $0xF  }
0x1c: {  	s2 =	sor.u32 s26, s2;
	s26 =	sand.u32 $0x380, s28  }
0x1d: {  	s2 =	sor.u32 s26, s2  }
0x1e: {  	s2 =	sshrl.u32 s2, $0x3  }
0x1f: {  	s2 =	sadd.s32 s1, s2  }
0x20: {  	[tilespmem:s14], [sflag:$0x2] =	stream.strided.gather [hbm4b:s2+s12], $0x1000, s13, s12, $0x38;
	[tilespmem:$0xA080] =	vst v63  }
0x21: {  	_ =	swait.ge [sflag:s15], $0x1000  }
0x22: {  	p0 =	seq.s32 s22, $0x0;
	[sflag:s15] =	ssyncset.done $0x0  }
0x23: {  	s2 =	simm.s32 @!p0 $0x3;
	[sflag:s15] =	ssyncadd.s32 $0xFFFFF000  }
0x24: {  	_ =	swait.ge @!p0 [sflag:s2], $0x4000  }
0x25: {  	[sflag:s2] =	ssyncset.done @!p0 $0x0  }
0x26: {  	[sflag:s2] =	ssyncadd.s32 @!p0 $0xFFFFC000;
	s2 =	simm.s32 $0x100  }
0x27: {  	v0 =	vld [tilespmem:s2+$0x80];
	_ =	sdelay $0x2  }
0x28: {  	v1 =	vld [tilespmem:s2+$0xFFFFFF80]  }
0x29: {  	v3 =	vld [tilespmem:s2+$0xFFFFFF00]  }
0x2a: {  	v2 =	vld [tilespmem:s2+$0x0];
	_ =	sdelay $0x2  }
0x2b: {  	v4 =	vld.idx.msk [tilespmem:v0+s10+$0x0], $0xffff  }
0x2c: {  	v5 =	vadd.s32 $0x8, v0;
	_ =	sdelay $0x1  }
0x2d: {  	v6 =	vld.idx.msk [tilespmem:v1+s10+$0x0], $0xffff  }
0x2e: {  	s26 =	simm.s32 $0x2400;
	v7 =	vadd.s32 $0x8, v1;
	v10 =	vld.idx.msk [tilespmem:v3+s10+$0x0], $0xffff  }
0x2f: {  	v8 =	vld.idx.msk [tilespmem:v2+s10+$0x0], $0xffff;
	[tilespmem:s26+$0x200] =	vst v4;
	v4 =	vadd.s32 $0x8, v3  }
0x30: {  	v9 =	vadd.s32 $0x8, v2;
	v5 =	vld.idx.msk [tilespmem:v5+s10+$0x0], $0xffff  }
0x31: {  	v11 =	vadd.s32 $0x10, v0  }
0x32: {  	[tilespmem:s26+$0xFFFFFE00] =	vst v6  }
0x33: {  	[tilespmem:s26+$0xFFFFFC00] =	vst v10;
	v6 =	vld.idx.msk [tilespmem:v7+s10+$0x0], $0xffff  }
0x34: {  	[tilespmem:s26+$0x0] =	vst v8;
	v7 =	vadd.s32 $0x10, v1;
	v4 =	vld.idx.msk [tilespmem:v4+s10+$0x0], $0xffff  }
0x35: {  	v8 =	vld.idx.msk [tilespmem:v9+s10+$0x0], $0xffff;
	[tilespmem:s26+$0x280] =	vst v5;
	v5 =	vadd.s32 $0x10, v3  }
0x36: {  	v9 =	vadd.s32 $0x10, v2;
	v10 =	vld.idx.msk [tilespmem:v11+s10+$0x0], $0xffff  }
0x37: {  	v0 =	vadd.s32 $0x18, v0  }
0x38: {  	[tilespmem:s26+$0xFFFFFE80] =	vst v6  }
0x39: {  	v6 =	vld.idx.msk [tilespmem:v7+s10+$0x0], $0xffff;
	[tilespmem:s26+$0xFFFFFC80] =	vst v4  }
0x3a: {  	v1 =	vadd.s32 $0x18, v1;
	[tilespmem:s26+$0x80] =	vst v8;
	v5 =	vld.idx.msk [tilespmem:v5+s10+$0x0], $0xffff  }
0x3b: {  	v3 =	vadd.s32 $0x18, v3;
	v4 =	vld.idx.msk [tilespmem:v9+s10+$0x0], $0xffff;
	[tilespmem:s26+$0x300] =	vst v10  }
0x3c: {  	v2 =	vadd.s32 $0x18, v2;
	v0 =	vld.idx.msk [tilespmem:v0+s10+$0x0], $0xffff;
	_ =	sdelay $0x1  }
0x3d: {  	[tilespmem:s26+$0xFFFFFF00] =	vst v6  }
0x3e: {  	v1 =	vld.idx.msk [tilespmem:v1+s10+$0x0], $0xffff;
	[tilespmem:s26+$0xFFFFFD00] =	vst v5  }
0x3f: {  	[tilespmem:s26+$0x100] =	vst v4;
	v3 =	vld.idx.msk [tilespmem:v3+s10+$0x0], $0xffff  }
0x40: {  	v2 =	vld.idx.msk [tilespmem:v2+s10+$0x0], $0xffff;
	[tilespmem:s26+$0x380] =	vst v0  }
0x41: {  	v0 =	vld [tilespmem:s2+$0x90];
	_ =	sdelay $0x1  }
0x42: {  	[tilespmem:s26+$0xFFFFFF80] =	vst v1  }
0x43: {  	v1 =	vld [tilespmem:s2+$0xFFFFFF90];
	[tilespmem:s26+$0xFFFFFD80] =	vst v3  }
0x44: {  	[tilespmem:s26+$0x180] =	vst v2;
	v3 =	vld [tilespmem:s2+$0xFFFFFF10]  }
0x45: {  	v2 =	vld [tilespmem:s2+$0x10];
	_ =	sdelay $0x2  }
0x46: {  	v4 =	vld.idx.msk [tilespmem:v0+s10+$0x0], $0xffff  }
0x47: {  	v5 =	vadd.s32 $0x8, v0;
	_ =	sdelay $0x1  }
0x48: {  	v6 =	vld.idx.msk [tilespmem:v1+s10+$0x0], $0xffff  }
0x49: {  	v7 =	vadd.s32 $0x8, v1;
	v10 =	vld.idx.msk [tilespmem:v3+s10+$0x0], $0xffff  }
0x4a: {  	v8 =	vld.idx.msk [tilespmem:v2+s10+$0x0], $0xffff;
	[tilespmem:s26+$0x210] =	vst v4;
	v4 =	vadd.s32 $0x8, v3  }
0x4b: {  	v9 =	vadd.s32 $0x8, v2;
	v5 =	vld.idx.msk [tilespmem:v5+s10+$0x0], $0xffff  }
0x4c: {  	v11 =	vadd.s32 $0x10, v0  }
0x4d: {  	[tilespmem:s26+$0xFFFFFE10] =	vst v6  }
0x4e: {  	v6 =	vld.idx.msk [tilespmem:v7+s10+$0x0], $0xffff;
	[tilespmem:s26+$0xFFFFFC10] =	vst v10  }
0x4f: {  	v7 =	vadd.s32 $0x10, v1;
	[tilespmem:s26+$0x10] =	vst v8;
	v4 =	vld.idx.msk [tilespmem:v4+s10+$0x0], $0xffff  }
0x50: {  	v8 =	vld.idx.msk [tilespmem:v9+s10+$0x0], $0xffff;
	[tilespmem:s26+$0x290] =	vst v5;
	v5 =	vadd.s32 $0x10, v3  }
0x51: {  	v9 =	vadd.s32 $0x10, v2;
	v10 =	vld.idx.msk [tilespmem:v11+s10+$0x0], $0xffff  }
0x52: {  	v0 =	vadd.s32 $0x18, v0  }
0x53: {  	[tilespmem:s26+$0xFFFFFE90] =	vst v6  }
0x54: {  	v6 =	vld.idx.msk [tilespmem:v7+s10+$0x0], $0xffff;
	[tilespmem:s26+$0xFFFFFC90] =	vst v4  }
0x55: {  	v1 =	vadd.s32 $0x18, v1;
	[tilespmem:s26+$0x90] =	vst v8;
	v5 =	vld.idx.msk [tilespmem:v5+s10+$0x0], $0xffff  }
0x56: {  	v3 =	vadd.s32 $0x18, v3;
	v4 =	vld.idx.msk [tilespmem:v9+s10+$0x0], $0xffff;
	[tilespmem:s26+$0x310] =	vst v10  }
0x57: {  	v2 =	vadd.s32 $0x18, v2;
	v0 =	vld.idx.msk [tilespmem:v0+s10+$0x0], $0xffff;
	_ =	sdelay $0x1  }
0x58: {  	[tilespmem:s26+$0xFFFFFF10] =	vst v6  }
0x59: {  	v1 =	vld.idx.msk [tilespmem:v1+s10+$0x0], $0xffff;
	[tilespmem:s26+$0xFFFFFD10] =	vst v5  }
0x5a: {  	[tilespmem:s26+$0x110] =	vst v4;
	v3 =	vld.idx.msk [tilespmem:v3+s10+$0x0], $0xffff  }
0x5b: {  	v2 =	vld.idx.msk [tilespmem:v2+s10+$0x0], $0xffff;
	[tilespmem:s26+$0x390] =	vst v0  }
0x5c: {  	v0 =	vld [tilespmem:s2+$0xA0];
	_ =	sdelay $0x1  }
0x5d: {  	[tilespmem:s26+$0xFFFFFF90] =	vst v1  }
0x5e: {  	v1 =	vld [tilespmem:s2+$0xFFFFFFA0];
	[tilespmem:s26+$0xFFFFFD90] =	vst v3  }
0x5f: {  	[tilespmem:s26+$0x190] =	vst v2;
	v3 =	vld [tilespmem:s2+$0xFFFFFF20]  }
0x60: {  	v2 =	vld [tilespmem:s2+$0x20];
	_ =	sdelay $0x2  }
0x61: {  	v4 =	vld.idx.msk [tilespmem:v0+s10+$0x0], $0xffff  }
0x62: {  	v5 =	vadd.s32 $0x8, v0;
	_ =	sdelay $0x1  }
0x63: {  	v6 =	vld.idx.msk [tilespmem:v1+s10+$0x0], $0xffff  }
0x64: {  	v7 =	vadd.s32 $0x8, v1;
	v10 =	vld.idx.msk [tilespmem:v3+s10+$0x0], $0xffff  }
0x65: {  	v8 =	vld.idx.msk [tilespmem:v2+s10+$0x0], $0xffff;
	[tilespmem:s26+$0x220] =	vst v4;
	v4 =	vadd.s32 $0x8, v3  }
0x66: {  	v9 =	vadd.s32 $0x8, v2;
	v5 =	vld.idx.msk [tilespmem:v5+s10+$0x0], $0xffff  }
0x67: {  	v11 =	vadd.s32 $0x10, v0  }
0x68: {  	[tilespmem:s26+$0xFFFFFE20] =	vst v6  }
0x69: {  	v6 =	vld.idx.msk [tilespmem:v7+s10+$0x0], $0xffff;
	[tilespmem:s26+$0xFFFFFC20] =	vst v10  }
0x6a: {  	v7 =	vadd.s32 $0x10, v1;
	[tilespmem:s26+$0x20] =	vst v8;
	v4 =	vld.idx.msk [tilespmem:v4+s10+$0x0], $0xffff  }
0x6b: {  	v8 =	vld.idx.msk [tilespmem:v9+s10+$0x0], $0xffff;
	[tilespmem:s26+$0x2A0] =	vst v5;
	v5 =	vadd.s32 $0x10, v3  }
0x6c: {  	v9 =	vadd.s32 $0x10, v2;
	v10 =	vld.idx.msk [tilespmem:v11+s10+$0x0], $0xffff  }
0x6d: {  	v0 =	vadd.s32 $0x18, v0  }
0x6e: {  	[tilespmem:s26+$0xFFFFFEA0] =	vst v6  }
0x6f: {  	v6 =	vld.idx.msk [tilespmem:v7+s10+$0x0], $0xffff;
	[tilespmem:s26+$0xFFFFFCA0] =	vst v4  }
0x70: {  	v1 =	vadd.s32 $0x18, v1;
	[tilespmem:s26+$0xA0] =	vst v8;
	v5 =	vld.idx.msk [tilespmem:v5+s10+$0x0], $0xffff  }
0x71: {  	v3 =	vadd.s32 $0x18, v3;
	v4 =	vld.idx.msk [tilespmem:v9+s10+$0x0], $0xffff;
	[tilespmem:s26+$0x320] =	vst v10  }
0x72: {  	v2 =	vadd.s32 $0x18, v2;
	v0 =	vld.idx.msk [tilespmem:v0+s10+$0x0], $0xffff;
	_ =	sdelay $0x1  }
0x73: {  	[tilespmem:s26+$0xFFFFFF20] =	vst v6  }
0x74: {  	v1 =	vld.idx.msk [tilespmem:v1+s10+$0x0], $0xffff;
	[tilespmem:s26+$0xFFFFFD20] =	vst v5  }
0x75: {  	[tilespmem:s26+$0x120] =	vst v4;
	v3 =	vld.idx.msk [tilespmem:v3+s10+$0x0], $0xffff  }
0x76: {  	v2 =	vld.idx.msk [tilespmem:v2+s10+$0x0], $0xffff;
	[tilespmem:s26+$0x3A0] =	vst v0  }
0x77: {  	v0 =	vld [tilespmem:s2+$0xB0];
	_ =	sdelay $0x1  }
0x78: {  	[tilespmem:s26+$0xFFFFFFA0] =	vst v1  }
0x79: {  	v1 =	vld [tilespmem:s2+$0xFFFFFFB0];
	[tilespmem:s26+$0xFFFFFDA0] =	vst v3  }
0x7a: {  	[tilespmem:s26+$0x1A0] =	vst v2;
	v3 =	vld [tilespmem:s2+$0xFFFFFF30]  }
0x7b: {  	v2 =	vld [tilespmem:s2+$0x30];
	_ =	sdelay $0x2  }
0x7c: {  	v4 =	vld.idx.msk [tilespmem:v0+s10+$0x0], $0xffff  }
0x7d: {  	v5 =	vadd.s32 $0x8, v0;
	_ =	sdelay $0x1  }
0x7e: {  	v6 =	vld.idx.msk [tilespmem:v1+s10+$0x0], $0xffff  }
0x7f: {  	v7 =	vadd.s32 $0x8, v1;
	v10 =	vld.idx.msk [tilespmem:v3+s10+$0x0], $0xffff  }
0x80: {  	v8 =	vld.idx.msk [tilespmem:v2+s10+$0x0], $0xffff;
	[tilespmem:s26+$0x230] =	vst v4;
	v4 =	vadd.s32 $0x8, v3  }
0x81: {  	v9 =	vadd.s32 $0x8, v2;
	v5 =	vld.idx.msk [tilespmem:v5+s10+$0x0], $0xffff  }
0x82: {  	v11 =	vadd.s32 $0x10, v0  }
0x83: {  	[tilespmem:s26+$0xFFFFFE30] =	vst v6  }
0x84: {  	v6 =	vld.idx.msk [tilespmem:v7+s10+$0x0], $0xffff;
	[tilespmem:s26+$0xFFFFFC30] =	vst v10  }
0x85: {  	v7 =	vadd.s32 $0x10, v1;
	[tilespmem:s26+$0x30] =	vst v8;
	v4 =	vld.idx.msk [tilespmem:v4+s10+$0x0], $0xffff  }
0x86: {  	v8 =	vld.idx.msk [tilespmem:v9+s10+$0x0], $0xffff;
	[tilespmem:s26+$0x2B0] =	vst v5;
	v5 =	vadd.s32 $0x10, v3  }
0x87: {  	v9 =	vadd.s32 $0x10, v2;
	v10 =	vld.idx.msk [tilespmem:v11+s10+$0x0], $0xffff  }
0x88: {  	v0 =	vadd.s32 $0x18, v0  }
0x89: {  	[tilespmem:s26+$0xFFFFFEB0] =	vst v6  }
0x8a: {  	v6 =	vld.idx.msk [tilespmem:v7+s10+$0x0], $0xffff;
	[tilespmem:s26+$0xFFFFFCB0] =	vst v4  }
0x8b: {  	v1 =	vadd.s32 $0x18, v1;
	[tilespmem:s26+$0xB0] =	vst v8;
	v5 =	vld.idx.msk [tilespmem:v5+s10+$0x0], $0xffff  }
0x8c: {  	v3 =	vadd.s32 $0x18, v3;
	v4 =	vld.idx.msk [tilespmem:v9+s10+$0x0], $0xffff;
	[tilespmem:s26+$0x330] =	vst v10  }
0x8d: {  	v2 =	vadd.s32 $0x18, v2;
	v0 =	vld.idx.msk [tilespmem:v0+s10+$0x0], $0xffff;
	_ =	sdelay $0x1  }
0x8e: {  	[tilespmem:s26+$0xFFFFFF30] =	vst v6  }
0x8f: {  	v1 =	vld.idx.msk [tilespmem:v1+s10+$0x0], $0xffff;
	[tilespmem:s26+$0xFFFFFD30] =	vst v5  }
0x90: {  	[tilespmem:s26+$0x130] =	vst v4;
	v3 =	vld.idx.msk [tilespmem:v3+s10+$0x0], $0xffff  }
0x91: {  	v2 =	vld.idx.msk [tilespmem:v2+s10+$0x0], $0xffff;
	[tilespmem:s26+$0x3B0] =	vst v0  }
0x92: {  	v0 =	vld [tilespmem:s2+$0xC0];
	_ =	sdelay $0x2  }
0x93: {  	[tilespmem:s26+$0xFFFFFDB0] =	vst v3  }
0x94: {  	[tilespmem:s26+$0xFFFFFFB0] =	vst v1;
	v3 =	vld [tilespmem:s2+$0xFFFFFF40]  }
0x95: {  	v1 =	vld [tilespmem:s2+$0xFFFFFFC0];
	[tilespmem:s26+$0x1B0] =	vst v2  }
0x96: {  	s28 =	simm.s32 $0x300;
	v2 =	vld [tilespmem:s2+$0x40]  }
0x97: {  	v11 =	vld [tilespmem:s28+$0xFFFFFF80]  }
0x98: {  	v4 =	vld.idx.msk [tilespmem:v0+s10+$0x0], $0xffff;
	_ =	sdelay $0x1  }
0x99: {  	v14 =	vld [tilespmem:s28+$0x0];
	v5 =	vadd.s32 $0x8, v0  }
0x9a: {  	v10 =	vld [tilespmem:s28+$0x80]  }
0x9b: {  	v8 =	vld.idx.msk [tilespmem:v3+s10+$0x0], $0xffff  }
0x9c: {  	v6 =	vld.idx.msk [tilespmem:v1+s10+$0x0], $0xffff;
	[tilespmem:s26+$0x240] =	vst v4;
	v4 =	vadd.s32 $0x8, v3  }
0x9d: {  	v9 =	vadd.s32 $0x8, v1;
	v7 =	vld.idx.msk [tilespmem:v2+s10+$0x0], $0xffff  }
0x9e: {  	v13 =	vadd.s32 $0x8, v2;
	v5 =	vld.idx.msk [tilespmem:v5+s10+$0x0], $0xffff  }
0x9f: {  	v15 =	vld.idx.msk [tilespmem:v11+s10+$0x0], $0xffff;
	v12 =	vadd.s32 $0x10, v0  }
0xa0: {  	[tilespmem:s26+$0xFFFFFC40] =	vst v8;
	v8 =	vld [tilespmem:s28+$0xFFFFFF00]  }
0xa1: {  	[tilespmem:s26+$0xFFFFFE40] =	vst v6;
	v4 =	vld.idx.msk [tilespmem:v4+s10+$0x0], $0xffff  }
0xa2: {  	v6 =	vld.idx.msk [tilespmem:v9+s10+$0x0], $0xffff;
	[tilespmem:s26+$0x40] =	vst v7;
	v7 =	vadd.s32 $0x10, v3  }
0xa3: {  	v9 =	vld.idx.msk [tilespmem:v13+s10+$0x0], $0xffff;
	[tilespmem:s26+$0x2C0] =	vst v5  }
0xa4: {  	v18 =	vadd.s32 $0x8, v11;
	v5 =	vld.idx.msk [tilespmem:v12+s10+$0x0], $0xffff  }
0xa5: {  	v13 =	vadd.s32 $0x10, v1;
	v12 =	vld.idx.msk [tilespmem:v10+s10+$0x0], $0xffff  }
0xa6: {  	s29 =	simm.s32 $0x2C00;
	v16 =	vld.idx.msk [tilespmem:v14+s10+$0x0], $0xffff;
	v0 =	vadd.s32 $0x18, v0;
	[tilespmem:s26+$0xFFFFFCC0] =	vst v4  }
0xa7: {  	v17 =	vadd.s32 $0x8, v10;
	[tilespmem:s29+$0xFFFFFE00] =	vst v15;
	v7 =	vld.idx.msk [tilespmem:v7+s10+$0x0], $0xffff  }
0xa8: {  	v19 =	vadd.s32 $0x8, v14;
	[tilespmem:s26+$0xFFFFFEC0] =	vst v6;
	v4 =	vld.idx.msk [tilespmem:v8+s10+$0x0], $0xffff  }
0xa9: {  	v15 =	vld.idx.msk [tilespmem:v18+s10+$0x0], $0xffff;
	v3 =	vadd.s32 $0x18, v3;
	[tilespmem:s26+$0x340] =	vst v5  }
0xaa: {  	v5 =	vadd.s32 $0x8, v8;
	[tilespmem:s29+$0x200] =	vst v12;
	v12 =	vld.idx.msk [tilespmem:v13+s10+$0x0], $0xffff  }
0xab: {  	[tilespmem:s29+$0x0] =	vst v16;
	v1 =	vadd.s32 $0x18, v1;
	v0 =	vld.idx.msk [tilespmem:v0+s10+$0x0], $0xffff  }
0xac: {  	v13 =	vld.idx.msk [tilespmem:v17+s10+$0x0], $0xffff;
	[tilespmem:s26+$0xFFFFFD40] =	vst v7  }
0xad: {  	v6 =	vadd.s32 $0x10, v2;
	[tilespmem:s29+$0xFFFFFC00] =	vst v4;
	v4 =	vld.idx.msk [tilespmem:v19+s10+$0x0], $0xffff  }
0xae: {  	[tilespmem:s26+$0xC0] =	vst v9;
	v17 =	vadd.s32 $0x10, v11;
	v3 =	vld.idx.msk [tilespmem:v3+s10+$0x0], $0xffff  }
0xaf: {  	v16 =	vadd.s32 $0x10, v10;
	[tilespmem:s26+$0xFFFFFF40] =	vst v12;
	v5 =	vld.idx.msk [tilespmem:v5+s10+$0x0], $0xffff  }
0xb0: {  	v9 =	vadd.s32 $0x10, v14;
	[tilespmem:s26+$0x3C0] =	vst v0;
	v1 =	vld.idx.msk [tilespmem:v1+s10+$0x0], $0xffff  }
0xb1: {  	[tilespmem:s29+$0xFFFFFE80] =	vst v15;
	v7 =	vld [tilespmem:s2+$0xD0]  }
0xb2: {  	v6 =	vld.idx.msk [tilespmem:v6+s10+$0x0], $0xffff;
	v0 =	vadd.s32 $0x10, v8;
	[tilespmem:s29+$0x280] =	vst v13  }
0xb3: {  	v2 =	vadd.s32 $0x18, v2;
	v15 =	vld.idx.msk [tilespmem:v17+s10+$0x0], $0xffff;
	[tilespmem:s29+$0x80] =	vst v4  }
0xb4: {  	v13 =	vld.idx.msk [tilespmem:v16+s10+$0x0], $0xffff;
	[tilespmem:s26+$0xFFFFFDC0] =	vst v3  }
0xb5: {  	[tilespmem:s29+$0xFFFFFC80] =	vst v5;
	v4 =	vld.idx.msk [tilespmem:v9+s10+$0x0], $0xffff;
	v5 =	vadd.s32 $0x18, v10  }
0xb6: {  	v9 =	vadd.s32 $0x18, v11;
	[tilespmem:s26+$0xFFFFFFC0] =	vst v1;
	v1 =	vld [tilespmem:s2+$0xFFFFFF50]  }
0xb7: {  	[tilespmem:s26+$0x140] =	vst v6;
	v10 =	vadd.s32 $0x18, v14;
	v0 =	vld.idx.msk [tilespmem:v0+s10+$0x0], $0xffff  }
0xb8: {  	v6 =	vadd.s32 $0x18, v8;
	v2 =	vld.idx.msk [tilespmem:v2+s10+$0x0], $0xffff  }
0xb9: {  	[tilespmem:s29+$0x300] =	vst v13;
	v8 =	vld.idx.msk [tilespmem:v7+s10+$0x0], $0xffff  }
0xba: {  	[tilespmem:s29+$0xFFFFFF00] =	vst v15;
	v5 =	vld.idx.msk [tilespmem:v5+s10+$0x0], $0xffff  }
0xbb: {  	v9 =	vld.idx.msk [tilespmem:v9+s10+$0x0], $0xffff;
	[tilespmem:s29+$0x100] =	vst v4;
	v4 =	vadd.s32 $0x8, v7  }
0xbc: {  	[tilespmem:s29+$0xFFFFFD00] =	vst v0;
	v0 =	vld.idx.msk [tilespmem:v10+s10+$0x0], $0xffff  }
0xbd: {  	v3 =	vld.idx.msk [tilespmem:v6+s10+$0x0], $0xffff  }
0xbe: {  	[tilespmem:s26+$0x1C0] =	vst v2;
	v6 =	vld [tilespmem:s2+$0xFFFFFFD0]  }
0xbf: {  	v10 =	vld.idx.msk [tilespmem:v1+s10+$0x0], $0xffff;
	[tilespmem:s26+$0x250] =	vst v8  }
0xc0: {  	[tilespmem:s29+$0x380] =	vst v5;
	v4 =	vld.idx.msk [tilespmem:v4+s10+$0x0], $0xffff  }
0xc1: {  	[tilespmem:s29+$0xFFFFFF80] =	vst v9;
	v9 =	vld [tilespmem:s2+$0x50]  }
0xc2: {  	v5 =	vld [tilespmem:s28+$0x90]  }
0xc3: {  	v8 =	vld [tilespmem:s28+$0xFFFFFF90];
	[tilespmem:s29+$0x180] =	vst v0;
	v0 =	vadd.s32 $0x10, v7  }
0xc4: {  	[tilespmem:s29+$0xFFFFFD80] =	vst v3;
	v3 =	vld [tilespmem:s28+$0x10]  }
0xc5: {  	v2 =	vld [tilespmem:s28+$0xFFFFFF10];
	_ =	sdelay $0x1  }
0xc6: {  	[tilespmem:s26+$0x2D0] =	vst v4;
	v4 =	vld.idx.msk [tilespmem:v6+s10+$0x0], $0xffff  }
0xc7: {  	v0 =	vld.idx.msk [tilespmem:v0+s10+$0x0], $0xffff  }
0xc8: {  	[tilespmem:s26+$0xFFFFFC50] =	vst v10;
	v10 =	vadd.s32 $0x8, v6;
	v19 =	vld.idx.msk [tilespmem:v9+s10+$0x0], $0xffff  }
0xc9: {  	v7 =	vadd.s32 $0x18, v7;
	v11 =	vld.idx.msk [tilespmem:v5+s10+$0x0], $0xffff  }
0xca: {  	v12 =	vadd.s32 $0x8, v1;
	v13 =	vld.idx.msk [tilespmem:v8+s10+$0x0], $0xffff  }
0xcb: {  	v15 =	vadd.s32 $0x8, v5;
	v14 =	vld.idx.msk [tilespmem:v3+s10+$0x0], $0xffff  }
0xcc: {  	v16 =	vadd.s32 $0x8, v8;
	[tilespmem:s26+$0xFFFFFE50] =	vst v4;
	v17 =	vld.idx.msk [tilespmem:v2+s10+$0x0], $0xffff  }
0xcd: {  	v18 =	vadd.s32 $0x8, v3;
	[tilespmem:s26+$0x350] =	vst v0;
	v10 =	vld.idx.msk [tilespmem:v10+s10+$0x0], $0xffff  }
0xce: {  	v0 =	vadd.s32 $0x8, v2;
	v7 =	vld.idx.msk [tilespmem:v7+s10+$0x0], $0xffff;
	[tilespmem:s26+$0x50] =	vst v19  }
0xcf: {  	[tilespmem:s29+$0x210] =	vst v11;
	v11 =	vld.idx.msk [tilespmem:v12+s10+$0x0], $0xffff  }
0xd0: {  	[tilespmem:s29+$0xFFFFFE10] =	vst v13;
	v13 =	vadd.s32 $0x8, v9;
	v12 =	vld.idx.msk [tilespmem:v15+s10+$0x0], $0xffff  }
0xd1: {  	v15 =	vld.idx.msk [tilespmem:v16+s10+$0x0], $0xffff;
	[tilespmem:s29+$0x10] =	vst v14;
	v16 =	vadd.s32 $0x10, v5  }
0xd2: {  	[tilespmem:s29+$0xFFFFFC10] =	vst v17;
	v14 =	vld.idx.msk [tilespmem:v18+s10+$0x0], $0xffff;
	v17 =	vadd.s32 $0x10, v8  }
0xd3: {  	v4 =	vadd.s32 $0x10, v3;
	v0 =	vld.idx.msk [tilespmem:v0+s10+$0x0], $0xffff;
	[tilespmem:s26+$0x3D0] =	vst v7  }
0xd4: {  	v19 =	vadd.s32 $0x10, v1;
	v18 =	vld [tilespmem:s2+$0xE0];
	[tilespmem:s26+$0xFFFFFCD0] =	vst v11  }
0xd5: {  	v7 =	vadd.s32 $0x10, v2;
	[tilespmem:s29+$0x290] =	vst v12;
	v12 =	vld.idx.msk [tilespmem:v13+s10+$0x0], $0xffff  }
0xd6: {  	v13 =	vadd.s32 $0x10, v6;
	[tilespmem:s29+$0xFFFFFE90] =	vst v15;
	v15 =	vld.idx.msk [tilespmem:v16+s10+$0x0], $0xffff  }
0xd7: {  	v16 =	vld.idx.msk [tilespmem:v17+s10+$0x0], $0xffff;
	[tilespmem:s29+$0x90] =	vst v14  }
0xd8: {  	[tilespmem:s29+$0xFFFFFC90] =	vst v0;
	v0 =	vld.idx.msk [tilespmem:v4+s10+$0x0], $0xffff;
	v4 =	vadd.s32 $0x18, v5  }
0xd9: {  	v5 =	vadd.s32 $0x18, v8;
	v8 =	vld.idx.msk [tilespmem:v19+s10+$0x0], $0xffff  }
0xda: {  	v3 =	vadd.s32 $0x18, v3;
	[tilespmem:s26+$0xFFFFFED0] =	vst v10;
	v7 =	vld.idx.msk [tilespmem:v7+s10+$0x0], $0xffff  }
0xdb: {  	v11 =	vadd.s32 $0x10, v9;
	v10 =	vld.idx.msk [tilespmem:v13+s10+$0x0], $0xffff;
	[tilespmem:s26+$0xD0] =	vst v12  }
0xdc: {  	v1 =	vadd.s32 $0x18, v1;
	[tilespmem:s29+$0x310] =	vst v15;
	v13 =	vld.idx.msk [tilespmem:v18+s10+$0x0], $0xffff  }
0xdd: {  	v2 =	vadd.s32 $0x18, v2;
	[tilespmem:s29+$0xFFFFFF10] =	vst v16;
	v4 =	vld.idx.msk [tilespmem:v4+s10+$0x0], $0xffff  }
0xde: {  	v6 =	vadd.s32 $0x18, v6;
	v5 =	vld.idx.msk [tilespmem:v5+s10+$0x0], $0xffff;
	[tilespmem:s29+$0x110] =	vst v0  }
0xdf: {  	v0 =	vadd.s32 $0x8, v18;
	[tilespmem:s26+$0xFFFFFD50] =	vst v8;
	v3 =	vld.idx.msk [tilespmem:v3+s10+$0x0], $0xffff  }
0xe0: {  	[tilespmem:s29+$0xFFFFFD10] =	vst v7;
	v7 =	vld.idx.msk [tilespmem:v11+s10+$0x0], $0xffff  }
0xe1: {  	v1 =	vld.idx.msk [tilespmem:v1+s10+$0x0], $0xffff  }
0xe2: {  	v2 =	vld.idx.msk [tilespmem:v2+s10+$0x0], $0xffff;
	[tilespmem:s26+$0xFFFFFF50] =	vst v10  }
0xe3: {  	[tilespmem:s26+$0x260] =	vst v13;
	v6 =	vld.idx.msk [tilespmem:v6+s10+$0x0], $0xffff  }
0xe4: {  	[tilespmem:s29+$0x390] =	vst v4;
	v0 =	vld.idx.msk [tilespmem:v0+s10+$0x0], $0xffff  }
0xe5: {  	v4 =	vadd.s32 $0x18, v9;
	[tilespmem:s29+$0xFFFFFF90] =	vst v5;
	v5 =	vld [tilespmem:s28+$0xA0]  }
0xe6: {  	v8 =	vld [tilespmem:s28+$0xFFFFFFA0];
	[tilespmem:s29+$0x190] =	vst v3;
	v3 =	vadd.s32 $0x10, v18  }
0xe7: {  	[tilespmem:s29+$0xFFFFFD90] =	vst v2;
	v2 =	vld [tilespmem:s28+$0x20]  }
0xe8: {  	[tilespmem:s26+$0xFFFFFDD0] =	vst v1;
	v9 =	vld [tilespmem:s28+$0xFFFFFF20]  }
0xe9: {  	[tilespmem:s26+$0x150] =	vst v7;
	v1 =	vld [tilespmem:s2+$0xFFFFFF60]  }
0xea: {  	v4 =	vld.idx.msk [tilespmem:v4+s10+$0x0], $0xffff;
	[tilespmem:s26+$0x2E0] =	vst v0  }
0xeb: {  	[tilespmem:s26+$0xFFFFFFD0] =	vst v6;
	v0 =	vld.idx.msk [tilespmem:v3+s10+$0x0], $0xffff  }
0xec: {  	v7 =	vadd.s32 $0x18, v18;
	v15 =	vld [tilespmem:s2+$0xFFFFFFE0]  }
0xed: {  	v3 =	vld.idx.msk [tilespmem:v5+s10+$0x0], $0xffff  }
0xee: {  	v12 =	vadd.s32 $0x8, v5;
	v10 =	vld.idx.msk [tilespmem:v8+s10+$0x0], $0xffff  }
0xef: {  	v13 =	vadd.s32 $0x8, v8;
	v11 =	vld.idx.msk [tilespmem:v2+s10+$0x0], $0xffff  }
0xf0: {  	v14 =	vadd.s32 $0x8, v2;
	v6 =	vld.idx.msk [tilespmem:v9+s10+$0x0], $0xffff;
	[tilespmem:s26+$0x360] =	vst v0  }
0xf1: {  	[tilespmem:s26+$0x1D0] =	vst v4;
	v4 =	vld.idx.msk [tilespmem:v7+s10+$0x0], $0xffff  }
0xf2: {  	v0 =	vadd.s32 $0x8, v9;
	[tilespmem:s29+$0x220] =	vst v3;
	v3 =	vld [tilespmem:s2+$0x60]  }
0xf3: {  	[tilespmem:s29+$0xFFFFFE20] =	vst v10;
	v7 =	vld.idx.msk [tilespmem:v12+s10+$0x0], $0xffff  }
0xf4: {  	v10 =	vld.idx.msk [tilespmem:v13+s10+$0x0], $0xffff;
	[tilespmem:s29+$0x20] =	vst v11  }
0xf5: {  	v11 =	vadd.s32 $0x10, v5;
	[tilespmem:s29+$0xFFFFFC20] =	vst v6;
	v6 =	vld.idx.msk [tilespmem:v14+s10+$0x0], $0xffff  }
0xf6: {  	v12 =	vadd.s32 $0x10, v8;
	v14 =	vld.idx.msk [tilespmem:v1+s10+$0x0], $0xffff  }
0xf7: {  	v13 =	vadd.s32 $0x10, v2;
	v0 =	vld.idx.msk [tilespmem:v0+s10+$0x0], $0xffff;
	[tilespmem:s26+$0x3E0] =	vst v4  }
0xf8: {  	v16 =	vld [tilespmem:s2+$0xF0]  }
0xf9: {  	v4 =	vadd.s32 $0x10, v9;
	[tilespmem:s29+$0x2A0] =	vst v7;
	v7 =	vld.idx.msk [tilespmem:v15+s10+$0x0], $0xffff  }
0xfa: {  	v17 =	vadd.s32 $0x8, v1;
	[tilespmem:s29+$0xFFFFFEA0] =	vst v10;
	v10 =	vld.idx.msk [tilespmem:v11+s10+$0x0], $0xffff  }
0xfb: {  	v11 =	vld.idx.msk [tilespmem:v12+s10+$0x0], $0xffff;
	[tilespmem:s29+$0xA0] =	vst v6  }
0xfc: {  	v5 =	vadd.s32 $0x18, v5;
	[tilespmem:s29+$0xFFFFFCA0] =	vst v0;
	v0 =	vld.idx.msk [tilespmem:v13+s10+$0x0], $0xffff  }
0xfd: {  	v6 =	vadd.s32 $0x18, v8;
	v8 =	vld.idx.msk [tilespmem:v3+s10+$0x0], $0xffff  }
0xfe: {  	v2 =	vadd.s32 $0x18, v2;
	[tilespmem:s26+$0xFFFFFC60] =	vst v14;
	v4 =	vld.idx.msk [tilespmem:v4+s10+$0x0], $0xffff  }
0xff: {  	v9 =	vadd.s32 $0x18, v9;
	v12 =	vld.idx.msk [tilespmem:v17+s10+$0x0], $0xffff  }
0x100: {  	v13 =	vadd.s32 $0x8, v15;
	[tilespmem:s29+$0x320] =	vst v10;
	v10 =	vld.idx.msk [tilespmem:v16+s10+$0x0], $0xffff  }
0x101: {  	v14 =	vadd.s32 $0x8, v3;
	[tilespmem:s29+$0xFFFFFF20] =	vst v11;
	v5 =	vld.idx.msk [tilespmem:v5+s10+$0x0], $0xffff  }
0x102: {  	v6 =	vld.idx.msk [tilespmem:v6+s10+$0x0], $0xffff;
	[tilespmem:s29+$0x120] =	vst v0  }
0x103: {  	[tilespmem:s29+$0xFFFFFD20] =	vst v4;
	v0 =	vld.idx.msk [tilespmem:v2+s10+$0x0], $0xffff  }
0x104: {  	[tilespmem:s26+$0xFFFFFE60] =	vst v7;
	v2 =	vld.idx.msk [tilespmem:v9+s10+$0x0], $0xffff  }
0x105: {  	[tilespmem:s26+$0x60] =	vst v8;
	v4 =	vld.idx.msk [tilespmem:v13+s10+$0x0], $0xffff  }
0x106: {  	v7 =	vadd.s32 $0x8, v16;
	v8 =	vld.idx.msk [tilespmem:v14+s10+$0x0], $0xffff;
	[tilespmem:s29+$0x3A0] =	vst v5  }
0x107: {  	v5 =	vadd.s32 $0x10, v1;
	[tilespmem:s29+$0xFFFFFFA0] =	vst v6;
	v6 =	vld [tilespmem:s28+$0xB0]  }
0x108: {  	v9 =	vadd.s32 $0x10, v15;
	v11 =	vld [tilespmem:s28+$0xFFFFFFB0];
	[tilespmem:s29+$0x1A0] =	vst v0  }
0x109: {  	v0 =	vadd.s32 $0x10, v3;
	[tilespmem:s29+$0xFFFFFDA0] =	vst v2;
	v2 =	vld [tilespmem:s28+$0x30]  }
0x10a: {  	[tilespmem:s26+$0x270] =	vst v10;
	v10 =	vld [tilespmem:s28+$0xFFFFFF30]  }
0x10b: {  	[tilespmem:s26+$0xFFFFFCE0] =	vst v12;
	v7 =	vld.idx.msk [tilespmem:v7+s10+$0x0], $0xffff  }
0x10c: {  	[tilespmem:s26+$0xFFFFFEE0] =	vst v4;
	v4 =	vld.idx.msk [tilespmem:v5+s10+$0x0], $0xffff  }
0x10d: {  	[tilespmem:s26+$0xE0] =	vst v8;
	v5 =	vld.idx.msk [tilespmem:v9+s10+$0x0], $0xffff  }
0x10e: {  	v1 =	vadd.s32 $0x18, v1;
	v0 =	vld.idx.msk [tilespmem:v0+s10+$0x0], $0xffff  }
0x10f: {  	v8 =	vadd.s32 $0x18, v15;
	v9 =	vld.idx.msk [tilespmem:v6+s10+$0x0], $0xffff  }
0x110: {  	v13 =	vadd.s32 $0x8, v6;
	v12 =	vld.idx.msk [tilespmem:v11+s10+$0x0], $0xffff  }
0x111: {  	v14 =	vadd.s32 $0x8, v11;
	v15 =	vld.idx.msk [tilespmem:v2+s10+$0x0], $0xffff;
	[tilespmem:s26+$0xFFFFFD60] =	vst v4  }
0x112: {  	v17 =	vadd.s32 $0x8, v2;
	[tilespmem:s26+$0xFFFFFF60] =	vst v5;
	v4 =	vld.idx.msk [tilespmem:v10+s10+$0x0], $0xffff  }
0x113: {  	v3 =	vadd.s32 $0x18, v3;
	v1 =	vld.idx.msk [tilespmem:v1+s10+$0x0], $0xffff;
	[tilespmem:s26+$0x160] =	vst v0  }
0x114: {  	v18 =	vadd.s32 $0x8, v10;
	v5 =	vld.idx.msk [tilespmem:v8+s10+$0x0], $0xffff;
	[tilespmem:s29+$0x230] =	vst v9  }
0x115: {  	[tilespmem:s29+$0xFFFFFE30] =	vst v12;
	v8 =	vld.idx.msk [tilespmem:v13+s10+$0x0], $0xffff  }
0x116: {  	v9 =	vld.idx.msk [tilespmem:v14+s10+$0x0], $0xffff;
	[tilespmem:s29+$0x30] =	vst v15  }
0x117: {  	v12 =	vadd.s32 $0x10, v6;
	[tilespmem:s29+$0xFFFFFC30] =	vst v4;
	v4 =	vld.idx.msk [tilespmem:v17+s10+$0x0], $0xffff  }
0x118: {  	v13 =	vadd.s32 $0x10, v11;
	[tilespmem:s26+$0xFFFFFDE0] =	vst v1;
	v1 =	vld.idx.msk [tilespmem:v3+s10+$0x0], $0xffff  }
0x119: {  	v14 =	vadd.s32 $0x10, v2;
	[tilespmem:s26+$0xFFFFFFE0] =	vst v5;
	v0 =	vld.idx.msk [tilespmem:v18+s10+$0x0], $0xffff  }
0x11a: {  	v15 =	vld [tilespmem:s2+$0xFFFFFF70];
	[tilespmem:s29+$0x2B0] =	vst v8  }
0x11b: {  	v3 =	vadd.s32 $0x10, v10;
	v5 =	vld [tilespmem:s2+$0xFFFFFFF0];
	[tilespmem:s29+$0xFFFFFEB0] =	vst v9  }
0x11c: {  	v8 =	vadd.s32 $0x10, v16;
	v9 =	vld.idx.msk [tilespmem:v12+s10+$0x0], $0xffff;
	[tilespmem:s29+$0xB0] =	vst v4  }
0x11d: {  	v12 =	vld.idx.msk [tilespmem:v13+s10+$0x0], $0xffff;
	[tilespmem:s26+$0x1E0] =	vst v1  }
0x11e: {  	v4 =	vadd.s32 $0x18, v6;
	[tilespmem:s29+$0xFFFFFCB0] =	vst v0;
	v0 =	vld.idx.msk [tilespmem:v14+s10+$0x0], $0xffff  }
0x11f: {  	v6 =	vadd.s32 $0x18, v11;
	v1 =	vadd.s32 $0x18, v2;
	v2 =	vld [tilespmem:s2+$0x70]  }
0x120: {  	[tilespmem:s26+$0x2F0] =	vst v7;
	v3 =	vld.idx.msk [tilespmem:v3+s10+$0x0], $0xffff  }
0x121: {  	v7 =	vld.idx.msk [tilespmem:v8+s10+$0x0], $0xffff  }
0x122: {  	v8 =	vadd.s32 $0x18, v10;
	[tilespmem:s29+$0x330] =	vst v9;
	v9 =	vld.idx.msk [tilespmem:v15+s10+$0x0], $0xffff  }
0x123: {  	[tilespmem:s29+$0xFFFFFF30] =	vst v12;
	v4 =	vld.idx.msk [tilespmem:v4+s10+$0x0], $0xffff  }
0x124: {  	v10 =	vadd.s32 $0x8, v15;
	v6 =	vld.idx.msk [tilespmem:v6+s10+$0x0], $0xffff;
	[tilespmem:s29+$0x130] =	vst v0  }
0x125: {  	v0 =	vld.idx.msk [tilespmem:v1+s10+$0x0], $0xffff  }
0x126: {  	[tilespmem:s29+$0xFFFFFD30] =	vst v3;
	v3 =	vld.idx.msk [tilespmem:v5+s10+$0x0], $0xffff  }
0x127: {  	v11 =	vadd.s32 $0x8, v5;
	v1 =	vld.idx.msk [tilespmem:v8+s10+$0x0], $0xffff;
	[tilespmem:s26+$0x370] =	vst v7  }
0x128: {  	v8 =	vld.idx.msk [tilespmem:v2+s10+$0x0], $0xffff;
	[tilespmem:s26+$0xFFFFFC70] =	vst v9  }
0x129: {  	[tilespmem:s29+$0x3B0] =	vst v4;
	v10 =	vld.idx.msk [tilespmem:v10+s10+$0x0], $0xffff  }
0x12a: {  	v9 =	vadd.s32 $0x18, v16;
	[tilespmem:s29+$0xFFFFFFB0] =	vst v6;
	v4 =	vld [tilespmem:s28+$0xC0]  }
0x12b: {  	v6 =	vadd.s32 $0x8, v2;
	v12 =	vld [tilespmem:s28+$0xFFFFFFC0];
	[tilespmem:s26+$0xFFFFFE70] =	vst v3  }
0x12c: {  	[tilespmem:s29+$0x1B0] =	vst v0;
	v0 =	vadd.s32 $0x10, v15;
	v3 =	vld.idx.msk [tilespmem:v11+s10+$0x0], $0xffff  }
0x12d: {  	v7 =	vadd.s32 $0x10, v5;
	v17 =	vld [tilespmem:s28+$0x40];
	[tilespmem:s29+$0xFFFFFDB0] =	vst v1  }
0x12e: {  	v18 =	vld [tilespmem:s28+$0xFFFFFF40]  }
0x12f: {  	[tilespmem:s26+$0x70] =	vst v8;
	v1 =	vld.idx.msk [tilespmem:v9+s10+$0x0], $0xffff  }
0x130: {  	[tilespmem:s26+$0xFFFFFCF0] =	vst v10;
	v6 =	vld.idx.msk [tilespmem:v6+s10+$0x0], $0xffff  }
0x131: {  	v8 =	vld.idx.msk [tilespmem:v0+s10+$0x0], $0xffff;
	[tilespmem:s26+$0xFFFFFEF0] =	vst v3  }
0x132: {  	v9 =	vadd.s32 $0x10, v2;
	v0 =	vadd.s32 $0x18, v5;
	v5 =	vld.idx.msk [tilespmem:v7+s10+$0x0], $0xffff  }
0x133: {  	v15 =	vadd.s32 $0x18, v15;
	v11 =	vld.idx.msk [tilespmem:v4+s10+$0x0], $0xffff  }
0x134: {  	v20 =	vadd.s32 $0x8, v4;
	v19 =	vld.idx.msk [tilespmem:v12+s10+$0x0], $0xffff  }
0x135: {  	[tilespmem:s26+$0x3F0] =	vst v1;
	v14 =	vld.idx.msk [tilespmem:v17+s10+$0x0], $0xffff  }
0x136: {  	v13 =	vadd.s32 $0x8, v12;
	[tilespmem:s26+$0xF0] =	vst v6;
	v16 =	vld.idx.msk [tilespmem:v18+s10+$0x0], $0xffff  }
0x137: {  	v10 =	vadd.s32 $0x10, v12;
	v3 =	vadd.s32 $0x18, v17;
	v1 =	vadd.s32 $0x18, v2;
	[tilespmem:s26+$0xFFFFFD70] =	vst v8;
	v7 =	vld.idx.msk [tilespmem:v9+s10+$0x0], $0xffff  }
0x138: {  	s31 =	simm.s32 $0x4;
	v2 =	vadd.s32 $0x18, v12;
	v12 =	vadd.s32 $0x8, v17;
	v6 =	vadd.s32 $0x10, v17;
	v8 =	vld.idx.msk [tilespmem:v15+s10+$0x0], $0xffff;
	[tilespmem:s29+$0x240] =	vst v11  }
0x139: {  	s30 =	simm.s32 $0x2C00;
	s24 =	sshrl.u32 s24, $0x2;
	s2 =	simm.s32 $0x500;
	v9 =	vadd.s32 $0x18, v18;
	v15 =	vadd.s32 $0x8, v18;
	v11 =	vadd.s32 $0x10, v18;
	[tilespmem:s29+$0xFFFFFE40] =	vst v19;
	v17 =	vld.idx.msk [tilespmem:v20+s10+$0x0], $0xffff  }
.LBB2_3:
0x13a: {  	v18 =	vld [tilespmem:s2+$0x80];
	s31 =	sadd.s32 $0x4, s31;
	[tilespmem:s29+$0x40] =	vst v14  }
0x13b: {  	v14 =	vld [tilespmem:s2+$0xFFFFFF80];
	p1 =	slt.u32 s31, $0x1C;
	[tilespmem:s29+$0xFFFFFC40] =	vst v16;
	v16 =	vadd.s32 $0x10, v4  }
0x13c: {  	v19 =	vld [tilespmem:s2+$0x0];
	[tilespmem:s26+$0xFFFFFF70] =	vst v5  }
0x13d: {  	v5 =	vld [tilespmem:s2+$0xFFFFFF00];
	[tilespmem:s26+$0x170] =	vst v7  }
0x13e: {  	v7 =	vld.idx.msk [tilespmem:v15+s10+$0x0], $0xffff;
	[tilespmem:s26+$0xFFFFFDF0] =	vst v8  }
0x13f: {  	v8 =	vld.idx.msk [tilespmem:v13+s10+$0x0], $0xffff;
	[tilespmem:s29+$0x2C0] =	vst v17  }
0x140: {  	v13 =	vadd.s32 $0x8, v14;
	v15 =	vadd.s32 $0x10, v14;
	v17 =	vadd.s32 $0x18, v14;
	v16 =	vld.idx.msk [tilespmem:v16+s10+$0x0], $0xffff  }
0x141: {  	v20 =	vadd.s32 $0x8, v19;
	v21 =	vadd.s32 $0x10, v19;
	v22 =	vadd.s32 $0x18, v19;
	v12 =	vld.idx.msk [tilespmem:v12+s10+$0x0], $0xffff  }
0x142: {  	v4 =	vadd.s32 $0x18, v4;
	v23 =	vadd.s32 $0x8, v5;
	v24 =	vadd.s32 $0x10, v5;
	v25 =	vld.idx.msk [tilespmem:v18+s10+$0x0], $0xffff  }
0x143: {  	v26 =	vadd.s32 $0x18, v5;
	v14 =	vld.idx.msk [tilespmem:v14+s10+$0x0], $0xffff  }
0x144: {  	v27 =	vadd.s32 $0x8, v18;
	v19 =	vld.idx.msk [tilespmem:v19+s10+$0x0], $0xffff;
	[tilespmem:s29+$0xFFFFFCC0] =	vst v7  }
0x145: {  	v5 =	vld.idx.msk [tilespmem:v5+s10+$0x0], $0xffff;
	[tilespmem:s29+$0xFFFFFEC0] =	vst v8  }
0x146: {  	v7 =	vld.idx.msk [tilespmem:v11+s10+$0x0], $0xffff;
	[tilespmem:s29+$0x340] =	vst v16  }
0x147: {  	s29 =	sadd.s32 $0x800, s29;
	[tilespmem:s30+$0xC0] =	vst v12;
	v4 =	vld.idx.msk [tilespmem:v4+s10+$0x0], $0xffff  }
0x148: {  	[tilespmem:s29+$0x200] =	vst v25;
	v8 =	vld.idx.msk [tilespmem:v10+s10+$0x0], $0xffff  }
0x149: {  	[tilespmem:s29+$0xFFFFFE00] =	vst v14;
	v10 =	vld.idx.msk [tilespmem:v27+s10+$0x0], $0xffff  }
0x14a: {  	v11 =	vld.idx.msk [tilespmem:v13+s10+$0x0], $0xffff;
	[tilespmem:s29+$0x0] =	vst v19  }
0x14b: {  	v12 =	vadd.s32 $0x10, v18;
	[tilespmem:s29+$0xFFFFFC00] =	vst v5;
	v5 =	vld.idx.msk [tilespmem:v20+s10+$0x0], $0xffff  }
0x14c: {  	v13 =	vld.idx.msk [tilespmem:v23+s10+$0x0], $0xffff;
	[tilespmem:s30+$0xFFFFFD40] =	vst v7  }
0x14d: {  	v6 =	vld.idx.msk [tilespmem:v6+s10+$0x0], $0xffff;
	[tilespmem:s30+$0x3C0] =	vst v4  }
0x14e: {  	[tilespmem:s30+$0xFFFFFF40] =	vst v8;
	v4 =	vld [tilespmem:s28+$0xD0]  }
0x14f: {  	[tilespmem:s29+$0x280] =	vst v10;
	v7 =	vld.idx.msk [tilespmem:v9+s10+$0x0], $0xffff  }
0x150: {  	[tilespmem:s29+$0xFFFFFE80] =	vst v11;
	v8 =	vld.idx.msk [tilespmem:v12+s10+$0x0], $0xffff  }
0x151: {  	v9 =	vld.idx.msk [tilespmem:v15+s10+$0x0], $0xffff;
	[tilespmem:s29+$0x80] =	vst v5  }
0x152: {  	v10 =	vadd.s32 $0x18, v18;
	[tilespmem:s29+$0xFFFFFC80] =	vst v13;
	v5 =	vld.idx.msk [tilespmem:v21+s10+$0x0], $0xffff  }
0x153: {  	v11 =	vld.idx.msk [tilespmem:v24+s10+$0x0], $0xffff;
	[tilespmem:s30+$0x140] =	vst v6  }
0x154: {  	v2 =	vld.idx.msk [tilespmem:v2+s10+$0x0], $0xffff  }
0x155: {  	[tilespmem:s30+$0xFFFFFDC0] =	vst v7;
	v3 =	vld.idx.msk [tilespmem:v3+s10+$0x0], $0xffff  }
0x156: {  	[tilespmem:s29+$0x300] =	vst v8;
	v6 =	vld.idx.msk [tilespmem:v4+s10+$0x0], $0xffff  }
0x157: {  	[tilespmem:s29+$0xFFFFFF00] =	vst v9;
	v7 =	vld.idx.msk [tilespmem:v10+s10+$0x0], $0xffff  }
0x158: {  	v8 =	vld.idx.msk [tilespmem:v17+s10+$0x0], $0xffff;
	[tilespmem:s29+$0x100] =	vst v5;
	v5 =	vadd.s32 $0x8, v4  }
0x159: {  	[tilespmem:s29+$0xFFFFFD00] =	vst v11;
	v9 =	vld.idx.msk [tilespmem:v22+s10+$0x0], $0xffff  }
0x15a: {  	v10 =	vld.idx.msk [tilespmem:v26+s10+$0x0], $0xffff;
	[tilespmem:s30+$0xFFFFFFC0] =	vst v2  }
0x15b: {  	v2 =	vld [tilespmem:s28+$0xFFFFFF50];
	[tilespmem:s30+$0x1C0] =	vst v3  }
0x15c: {  	v3 =	vld [tilespmem:s28+$0xFFFFFFD0];
	[tilespmem:s30+$0x250] =	vst v6  }
0x15d: {  	[tilespmem:s29+$0x380] =	vst v7;
	v5 =	vld.idx.msk [tilespmem:v5+s10+$0x0], $0xffff  }
0x15e: {  	[tilespmem:s29+$0xFFFFFF80] =	vst v8;
	v6 =	vld [tilespmem:s2+$0x90]  }
0x15f: {  	v8 =	vadd.s32 $0x10, v4;
	v7 =	vld [tilespmem:s2+$0xFFFFFF90];
	[tilespmem:s29+$0x180] =	vst v9  }
0x160: {  	[tilespmem:s29+$0xFFFFFD80] =	vst v10;
	v9 =	vld [tilespmem:s2+$0x10];
	v10 =	vadd.s32 $0x8, v2;
	v11 =	vadd.s32 $0x10, v2;
	v12 =	vadd.s32 $0x18, v2  }
0x161: {  	v13 =	vld [tilespmem:s2+$0xFFFFFF10];
	v14 =	vadd.s32 $0x8, v3;
	v15 =	vadd.s32 $0x10, v3;
	v16 =	vadd.s32 $0x18, v3  }
0x162: {  	v17 =	vld [tilespmem:s28+$0x50]  }
0x163: {  	v2 =	vld.idx.msk [tilespmem:v2+s10+$0x0], $0xffff;
	[tilespmem:s30+$0x2D0] =	vst v5  }
0x164: {  	v5 =	vadd.s32 $0x8, v7;
	v18 =	vadd.s32 $0x10, v7;
	v19 =	vadd.s32 $0x18, v7;
	v8 =	vld.idx.msk [tilespmem:v8+s10+$0x0], $0xffff  }
0x165: {  	v20 =	vadd.s32 $0x8, v9;
	v21 =	vadd.s32 $0x10, v9;
	v22 =	vadd.s32 $0x18, v9;
	v3 =	vld.idx.msk [tilespmem:v3+s10+$0x0], $0xffff  }
0x166: {  	v4 =	vadd.s32 $0x18, v4;
	v23 =	vadd.s32 $0x8, v13;
	v24 =	vadd.s32 $0x10, v13;
	v25 =	vld.idx.msk [tilespmem:v6+s10+$0x0], $0xffff  }
0x167: {  	v26 =	vadd.s32 $0x18, v13;
	v7 =	vld.idx.msk [tilespmem:v7+s10+$0x0], $0xffff;
	v27 =	vadd.s32 $0x8, v17;
	v28 =	vadd.s32 $0x10, v17  }
0x168: {  	v29 =	vadd.s32 $0x8, v6;
	v30 =	vadd.s32 $0x18, v17;
	v9 =	vld.idx.msk [tilespmem:v9+s10+$0x0], $0xffff  }
0x169: {  	v13 =	vld.idx.msk [tilespmem:v13+s10+$0x0], $0xffff;
	[tilespmem:s30+$0xFFFFFC50] =	vst v2  }
0x16a: {  	v2 =	vld.idx.msk [tilespmem:v17+s10+$0x0], $0xffff;
	[tilespmem:s30+$0x350] =	vst v8  }
0x16b: {  	[tilespmem:s30+$0xFFFFFE50] =	vst v3;
	v3 =	vld.idx.msk [tilespmem:v4+s10+$0x0], $0xffff  }
0x16c: {  	[tilespmem:s29+$0x210] =	vst v25;
	v4 =	vld.idx.msk [tilespmem:v10+s10+$0x0], $0xffff  }
0x16d: {  	[tilespmem:s29+$0xFFFFFE10] =	vst v7;
	v7 =	vld.idx.msk [tilespmem:v29+s10+$0x0], $0xffff  }
0x16e: {  	v5 =	vld.idx.msk [tilespmem:v5+s10+$0x0], $0xffff;
	[tilespmem:s29+$0x10] =	vst v9  }
0x16f: {  	v9 =	vadd.s32 $0x10, v6;
	[tilespmem:s29+$0xFFFFFC10] =	vst v13;
	v8 =	vld.idx.msk [tilespmem:v20+s10+$0x0], $0xffff  }
0x170: {  	v10 =	vld.idx.msk [tilespmem:v23+s10+$0x0], $0xffff;
	[tilespmem:s30+$0x50] =	vst v2  }
0x171: {  	v2 =	vld.idx.msk [tilespmem:v14+s10+$0x0], $0xffff;
	[tilespmem:s30+$0x3D0] =	vst v3  }
0x172: {  	[tilespmem:s30+$0xFFFFFCD0] =	vst v4;
	v3 =	vld [tilespmem:s28+$0xE0]  }
0x173: {  	[tilespmem:s29+$0x290] =	vst v7;
	v4 =	vld.idx.msk [tilespmem:v27+s10+$0x0], $0xffff  }
0x174: {  	[tilespmem:s29+$0xFFFFFE90] =	vst v5;
	v5 =	vld.idx.msk [tilespmem:v9+s10+$0x0], $0xffff  }
0x175: {  	v7 =	vld.idx.msk [tilespmem:v18+s10+$0x0], $0xffff;
	[tilespmem:s29+$0x90] =	vst v8  }
0x176: {  	v6 =	vadd.s32 $0x18, v6;
	[tilespmem:s29+$0xFFFFFC90] =	vst v10;
	v8 =	vld.idx.msk [tilespmem:v21+s10+$0x0], $0xffff  }
0x177: {  	v9 =	vld.idx.msk [tilespmem:v24+s10+$0x0], $0xffff;
	[tilespmem:s30+$0xFFFFFED0] =	vst v2  }
0x178: {  	v2 =	vld.idx.msk [tilespmem:v11+s10+$0x0], $0xffff  }
0x179: {  	v10 =	vld.idx.msk [tilespmem:v15+s10+$0x0], $0xffff;
	[tilespmem:s30+$0xD0] =	vst v4  }
0x17a: {  	[tilespmem:s29+$0x310] =	vst v5;
	v4 =	vld.idx.msk [tilespmem:v3+s10+$0x0], $0xffff  }
0x17b: {  	[tilespmem:s29+$0xFFFFFF10] =	vst v7;
	v5 =	vld.idx.msk [tilespmem:v6+s10+$0x0], $0xffff  }
0x17c: {  	v7 =	vadd.s32 $0x8, v3;
	v6 =	vld.idx.msk [tilespmem:v19+s10+$0x0], $0xffff;
	[tilespmem:s29+$0x110] =	vst v8  }
0x17d: {  	[tilespmem:s29+$0xFFFFFD10] =	vst v9;
	v8 =	vld.idx.msk [tilespmem:v22+s10+$0x0], $0xffff  }
0x17e: {  	v9 =	vld.idx.msk [tilespmem:v26+s10+$0x0], $0xffff;
	[tilespmem:s30+$0xFFFFFD50] =	vst v2  }
0x17f: {  	[tilespmem:s30+$0xFFFFFF50] =	vst v10;
	v2 =	vld.idx.msk [tilespmem:v28+s10+$0x0], $0xffff  }
0x180: {  	v10 =	vld.idx.msk [tilespmem:v12+s10+$0x0], $0xffff;
	[tilespmem:s30+$0x260] =	vst v4  }
0x181: {  	[tilespmem:s29+$0x390] =	vst v5;
	v4 =	vld.idx.msk [tilespmem:v7+s10+$0x0], $0xffff  }
0x182: {  	[tilespmem:s29+$0xFFFFFF90] =	vst v6;
	v5 =	vld [tilespmem:s2+$0xA0]  }
0x183: {  	v7 =	vadd.s32 $0x10, v3;
	v6 =	vld [tilespmem:s2+$0xFFFFFFA0];
	[tilespmem:s29+$0x190] =	vst v8  }
0x184: {  	[tilespmem:s29+$0xFFFFFD90] =	vst v9;
	v8 =	vld [tilespmem:s2+$0x20]  }
0x185: {  	v9 =	vld [tilespmem:s2+$0xFFFFFF20];
	[tilespmem:s30+$0x150] =	vst v2  }
0x186: {  	[tilespmem:s30+$0xFFFFFDD0] =	vst v10;
	v2 =	vld.idx.msk [tilespmem:v16+s10+$0x0], $0xffff  }
0x187: {  	v10 =	vld.idx.msk [tilespmem:v30+s10+$0x0], $0xffff;
	[tilespmem:s30+$0x2E0] =	vst v4  }
0x188: {  	v4 =	vadd.s32 $0x8, v6;
	v11 =	vadd.s32 $0x10, v6;
	v12 =	vadd.s32 $0x18, v6;
	v7 =	vld.idx.msk [tilespmem:v7+s10+$0x0], $0xffff  }
0x189: {  	v13 =	vadd.s32 $0x8, v8;
	v14 =	vadd.s32 $0x10, v8;
	v15 =	vadd.s32 $0x18, v8;
	v16 =	vld [tilespmem:s28+$0xFFFFFF60]  }
0x18a: {  	v3 =	vadd.s32 $0x18, v3;
	v17 =	vadd.s32 $0x8, v9;
	v18 =	vadd.s32 $0x10, v9;
	v19 =	vld.idx.msk [tilespmem:v5+s10+$0x0], $0xffff  }
0x18b: {  	v20 =	vadd.s32 $0x18, v9;
	v6 =	vld.idx.msk [tilespmem:v6+s10+$0x0], $0xffff  }
0x18c: {  	v21 =	vadd.s32 $0x8, v5;
	v8 =	vld.idx.msk [tilespmem:v8+s10+$0x0], $0xffff;
	[tilespmem:s30+$0xFFFFFFD0] =	vst v2  }
0x18d: {  	v2 =	vld.idx.msk [tilespmem:v9+s10+$0x0], $0xffff;
	[tilespmem:s30+$0x1D0] =	vst v10  }
0x18e: {  	v9 =	vadd.s32 $0x8, v16;
	v10 =	vadd.s32 $0x10, v16;
	v22 =	vadd.s32 $0x18, v16;
	v23 =	vld [tilespmem:s28+$0xFFFFFFE0];
	[tilespmem:s30+$0x360] =	vst v7  }
0x18f: {  	v3 =	vld.idx.msk [tilespmem:v3+s10+$0x0], $0xffff  }
0x190: {  	[tilespmem:s29+$0x220] =	vst v19;
	v7 =	vld [tilespmem:s28+$0x60]  }
0x191: {  	[tilespmem:s29+$0xFFFFFE20] =	vst v6;
	v6 =	vld.idx.msk [tilespmem:v21+s10+$0x0], $0xffff  }
0x192: {  	v4 =	vld.idx.msk [tilespmem:v4+s10+$0x0], $0xffff;
	[tilespmem:s29+$0x20] =	vst v8  }
0x193: {  	v8 =	vadd.s32 $0x10, v5;
	[tilespmem:s29+$0xFFFFFC20] =	vst v2;
	v2 =	vld.idx.msk [tilespmem:v13+s10+$0x0], $0xffff;
	v13 =	vadd.s32 $0x8, v23;
	v19 =	vadd.s32 $0x10, v23  }
0x194: {  	v21 =	vadd.s32 $0x18, v23;
	v17 =	vld.idx.msk [tilespmem:v17+s10+$0x0], $0xffff  }
0x195: {  	v16 =	vld.idx.msk [tilespmem:v16+s10+$0x0], $0xffff;
	v24 =	vadd.s32 $0x8, v7;
	v25 =	vadd.s32 $0x10, v7;
	v26 =	vadd.s32 $0x18, v7;
	[tilespmem:s30+$0x3E0] =	vst v3  }
0x196: {  	v3 =	vld [tilespmem:s28+$0xF0]  }
0x197: {  	[tilespmem:s29+$0x2A0] =	vst v6;
	v6 =	vld.idx.msk [tilespmem:v23+s10+$0x0], $0xffff  }
0x198: {  	[tilespmem:s29+$0xFFFFFEA0] =	vst v4;
	v4 =	vld.idx.msk [tilespmem:v8+s10+$0x0], $0xffff  }
0x199: {  	v8 =	vld.idx.msk [tilespmem:v11+s10+$0x0], $0xffff;
	[tilespmem:s29+$0xA0] =	vst v2  }
0x19a: {  	v5 =	vadd.s32 $0x18, v5;
	[tilespmem:s29+$0xFFFFFCA0] =	vst v17;
	v2 =	vld.idx.msk [tilespmem:v14+s10+$0x0], $0xffff  }
0x19b: {  	v11 =	vld.idx.msk [tilespmem:v18+s10+$0x0], $0xffff;
	[tilespmem:s30+$0xFFFFFC60] =	vst v16  }
0x19c: {  	v7 =	vld.idx.msk [tilespmem:v7+s10+$0x0], $0xffff  }
0x19d: {  	v9 =	vld.idx.msk [tilespmem:v9+s10+$0x0], $0xffff;
	[tilespmem:s30+$0xFFFFFE60] =	vst v6  }
0x19e: {  	[tilespmem:s29+$0x320] =	vst v4;
	v4 =	vld.idx.msk [tilespmem:v3+s10+$0x0], $0xffff  }
0x19f: {  	[tilespmem:s29+$0xFFFFFF20] =	vst v8;
	v5 =	vld.idx.msk [tilespmem:v5+s10+$0x0], $0xffff  }
0x1a0: {  	v6 =	vld.idx.msk [tilespmem:v12+s10+$0x0], $0xffff;
	[tilespmem:s29+$0x120] =	vst v2;
	v2 =	vadd.s32 $0x8, v3  }
0x1a1: {  	[tilespmem:s29+$0xFFFFFD20] =	vst v11;
	v8 =	vld.idx.msk [tilespmem:v15+s10+$0x0], $0xffff  }
0x1a2: {  	v11 =	vld.idx.msk [tilespmem:v20+s10+$0x0], $0xffff;
	[tilespmem:s30+$0x60] =	vst v7  }
0x1a3: {  	[tilespmem:s30+$0xFFFFFCE0] =	vst v9;
	v7 =	vld.idx.msk [tilespmem:v13+s10+$0x0], $0xffff  }
0x1a4: {  	v9 =	vld.idx.msk [tilespmem:v24+s10+$0x0], $0xffff;
	[tilespmem:s30+$0x270] =	vst v4  }
0x1a5: {  	[tilespmem:s29+$0x3A0] =	vst v5;
	v2 =	vld.idx.msk [tilespmem:v2+s10+$0x0], $0xffff  }
0x1a6: {  	[tilespmem:s29+$0xFFFFFFA0] =	vst v6;
	v4 =	vld [tilespmem:s2+$0xB0]  }
0x1a7: {  	v6 =	vadd.s32 $0x10, v3;
	v5 =	vld [tilespmem:s2+$0xFFFFFFB0];
	[tilespmem:s29+$0x1A0] =	vst v8  }
0x1a8: {  	[tilespmem:s29+$0xFFFFFDA0] =	vst v11;
	v8 =	vld [tilespmem:s2+$0x30]  }
0x1a9: {  	v11 =	vld [tilespmem:s2+$0xFFFFFF30];
	[tilespmem:s30+$0xFFFFFEE0] =	vst v7  }
0x1aa: {  	v7 =	vld.idx.msk [tilespmem:v10+s10+$0x0], $0xffff;
	[tilespmem:s30+$0xE0] =	vst v9  }
0x1ab: {  	v9 =	vld.idx.msk [tilespmem:v19+s10+$0x0], $0xffff;
	[tilespmem:s30+$0x2F0] =	vst v2  }
0x1ac: {  	v2 =	vadd.s32 $0x8, v5;
	v10 =	vadd.s32 $0x10, v5;
	v12 =	vadd.s32 $0x18, v5;
	v6 =	vld.idx.msk [tilespmem:v6+s10+$0x0], $0xffff  }
0x1ad: {  	v13 =	vadd.s32 $0x8, v8;
	v14 =	vadd.s32 $0x10, v8;
	v15 =	vadd.s32 $0x18, v8;
	v16 =	vld.idx.msk [tilespmem:v25+s10+$0x0], $0xffff  }
0x1ae: {  	v3 =	vadd.s32 $0x18, v3;
	v17 =	vadd.s32 $0x8, v11;
	v18 =	vadd.s32 $0x10, v11;
	v19 =	vld.idx.msk [tilespmem:v4+s10+$0x0], $0xffff  }
0x1af: {  	v20 =	vadd.s32 $0x18, v11;
	v5 =	vld.idx.msk [tilespmem:v5+s10+$0x0], $0xffff  }
0x1b0: {  	v23 =	vadd.s32 $0x8, v4;
	v8 =	vld.idx.msk [tilespmem:v8+s10+$0x0], $0xffff;
	[tilespmem:s30+$0xFFFFFD60] =	vst v7  }
0x1b1: {  	v7 =	vld.idx.msk [tilespmem:v11+s10+$0x0], $0xffff;
	[tilespmem:s30+$0xFFFFFF60] =	vst v9  }
0x1b2: {  	v9 =	vld.idx.msk [tilespmem:v22+s10+$0x0], $0xffff;
	[tilespmem:s30+$0x370] =	vst v6  }
0x1b3: {  	[tilespmem:s30+$0x160] =	vst v16;
	v3 =	vld.idx.msk [tilespmem:v3+s10+$0x0], $0xffff  }
0x1b4: {  	[tilespmem:s29+$0x230] =	vst v19;
	v6 =	vld.idx.msk [tilespmem:v21+s10+$0x0], $0xffff  }
0x1b5: {  	[tilespmem:s29+$0xFFFFFE30] =	vst v5;
	v5 =	vld.idx.msk [tilespmem:v23+s10+$0x0], $0xffff  }
0x1b6: {  	v2 =	vld.idx.msk [tilespmem:v2+s10+$0x0], $0xffff;
	[tilespmem:s29+$0x30] =	vst v8  }
0x1b7: {  	v8 =	vadd.s32 $0x10, v4;
	[tilespmem:s29+$0xFFFFFC30] =	vst v7;
	v7 =	vld.idx.msk [tilespmem:v13+s10+$0x0], $0xffff  }
0x1b8: {  	v11 =	vld.idx.msk [tilespmem:v17+s10+$0x0], $0xffff;
	[tilespmem:s30+$0xFFFFFDE0] =	vst v9  }
0x1b9: {  	v9 =	vld.idx.msk [tilespmem:v26+s10+$0x0], $0xffff;
	[tilespmem:s30+$0x3F0] =	vst v3  }
0x1ba: {  	v3 =	vld [tilespmem:s28+$0xFFFFFF70];
	[tilespmem:s30+$0xFFFFFFE0] =	vst v6  }
0x1bb: {  	[tilespmem:s29+$0x2B0] =	vst v5;
	v5 =	vld [tilespmem:s28+$0xFFFFFFF0]  }
0x1bc: {  	[tilespmem:s29+$0xFFFFFEB0] =	vst v2;
	v2 =	vld.idx.msk [tilespmem:v8+s10+$0x0], $0xffff  }
0x1bd: {  	v6 =	vld.idx.msk [tilespmem:v10+s10+$0x0], $0xffff;
	[tilespmem:s29+$0xB0] =	vst v7  }
0x1be: {  	v4 =	vadd.s32 $0x18, v4;
	[tilespmem:s29+$0xFFFFFCB0] =	vst v11;
	v7 =	vld.idx.msk [tilespmem:v14+s10+$0x0], $0xffff  }
0x1bf: {  	v8 =	vld.idx.msk [tilespmem:v18+s10+$0x0], $0xffff;
	v10 =	vadd.s32 $0x8, v3;
	v11 =	vadd.s32 $0x10, v3;
	v17 =	vadd.s32 $0x18, v3;
	[tilespmem:s30+$0x1E0] =	vst v9  }
0x1c0: {  	v9 =	vadd.s32 $0x8, v5;
	v18 =	vadd.s32 $0x10, v5;
	v13 =	vadd.s32 $0x18, v5;
	v14 =	vld [tilespmem:s28+$0x70];
	s28 =	smov.u32 s2  }
0x1c1: {  	v16 =	vld.idx.msk [tilespmem:v0+s10+$0x0], $0xffff;
	v0 =	vmov v13  }
0x1c2: {  	[tilespmem:s29+$0x330] =	vst v2;
	v2 =	vld.idx.msk [tilespmem:v3+s10+$0x0], $0xffff  }
0x1c3: {  	[tilespmem:s29+$0xFFFFFF30] =	vst v6;
	v3 =	vld.idx.msk [tilespmem:v4+s10+$0x0], $0xffff  }
0x1c4: {  	v4 =	vld.idx.msk [tilespmem:v12+s10+$0x0], $0xffff;
	[tilespmem:s29+$0x130] =	vst v7  }
0x1c5: {  	[tilespmem:s29+$0xFFFFFD30] =	vst v8;
	v6 =	vld.idx.msk [tilespmem:v15+s10+$0x0], $0xffff;
	v7 =	vadd.s32 $0x8, v14;
	v8 =	vadd.s32 $0x10, v14;
	v15 =	vadd.s32 $0x18, v14  }
0x1c6: {  	v12 =	vld.idx.msk [tilespmem:v20+s10+$0x0], $0xffff  }
0x1c7: {  	v5 =	vld.idx.msk [tilespmem:v5+s10+$0x0], $0xffff;
	[tilespmem:s26+$0xFFFFFFF0] =	vst v16  }
0x1c8: {  	[tilespmem:s30+$0xFFFFFC70] =	vst v2;
	v2 =	vld.idx.msk [tilespmem:v14+s10+$0x0], $0xffff  }
0x1c9: {  	[tilespmem:s29+$0x3B0] =	vst v3;
	v3 =	vld.idx.msk [tilespmem:v10+s10+$0x0], $0xffff  }
0x1ca: {  	[tilespmem:s29+$0xFFFFFFB0] =	vst v4;
	v4 =	vld [tilespmem:s2+$0xC0]  }
0x1cb: {  	v14 =	vld [tilespmem:s2+$0xFFFFFFC0];
	[tilespmem:s29+$0x1B0] =	vst v6  }
0x1cc: {  	[tilespmem:s29+$0xFFFFFDB0] =	vst v12;
	v16 =	vld [tilespmem:s2+$0x40]  }
0x1cd: {  	v19 =	vld [tilespmem:s2+$0xFFFFFF40];
	[tilespmem:s30+$0xFFFFFE70] =	vst v5  }
0x1ce: {  	v5 =	vld.idx.msk [tilespmem:v9+s10+$0x0], $0xffff;
	[tilespmem:s30+$0x70] =	vst v2  }
0x1cf: {  	[tilespmem:s30+$0xFFFFFCF0] =	vst v3;
	v7 =	vld.idx.msk [tilespmem:v7+s10+$0x0], $0xffff  }
0x1d0: {  	v13 =	vadd.s32 $0x8, v14;
	v10 =	vadd.s32 $0x10, v14;
	v2 =	vadd.s32 $0x18, v14;
	v20 =	vld.idx.msk [tilespmem:v11+s10+$0x0], $0xffff  }
0x1d1: {  	v12 =	vadd.s32 $0x8, v16;
	v6 =	vadd.s32 $0x10, v16;
	v3 =	vadd.s32 $0x18, v16;
	v21 =	vld.idx.msk [tilespmem:v1+s10+$0x0], $0xffff;
	v1 =	vmovc v15  }
0x1d2: {  	v15 =	vadd.s32 $0x8, v19;
	v11 =	vadd.s32 $0x10, v19;
	v9 =	vadd.s32 $0x18, v19;
	v22 =	vld.idx.msk [tilespmem:v4+s10+$0x0], $0xffff  }
0x1d3: {  	v23 =	vld.idx.msk [tilespmem:v14+s10+$0x0], $0xffff  }
0x1d4: {  	v24 =	vadd.s32 $0x8, v4;
	v14 =	vld.idx.msk [tilespmem:v16+s10+$0x0], $0xffff;
	[tilespmem:s30+$0xFFFFFEF0] =	vst v5  }
.Ltmp0:
0x1d5: {  	v16 =	vld.idx.msk [tilespmem:v19+s10+$0x0], $0xffff;
	[tilespmem:s30+$0xF0] =	vst v7;
	(pc) =	sbr.rel @p1 .LBB2_3-.Ltmp0, $4  }
0x1d6: {  	[tilespmem:s30+$0xFFFFFD70] =	vst v20;
	v5 =	vld.idx.msk [tilespmem:v18+s10+$0x0], $0xffff  }
0x1d7: {  	v7 =	vld.idx.msk [tilespmem:v8+s10+$0x0], $0xffff;
	[tilespmem:s26+$0x1F0] =	vst v21;
	s26 =	smov.u32 s30;
	s30 =	smov.u32 s29  }
0x1d8: {  	[tilespmem:s29+$0x240] =	vst v22;
	v8 =	vld.idx.msk [tilespmem:v17+s10+$0x0], $0xffff  }
0x1d9: {  	s2 =	sadd.s32 $0x200, s2;
	[tilespmem:s29+$0xFFFFFE40] =	vst v23;
	v17 =	vld.idx.msk [tilespmem:v24+s10+$0x0], $0xffff  }
0x1da: {  	v18 =	vadd.s32 $0x10, v4;
	_ =	sdelay $0x3  }
0x1db: {  	[tilespmem:s29+$0x2C0] =	vst v17  }
0x1dc: {  	v17 =	vld.idx.msk [tilespmem:v18+s10+$0x0], $0xffff  }
0x1dd: {  	v4 =	vadd.s32 $0x18, v4;
	_ =	sdelay $0x3  }
0x1de: {  	[tilespmem:s29+$0x340] =	vst v17  }
0x1df: {  	v4 =	vld.idx.msk [tilespmem:v4+s10+$0x0], $0xffff;
	_ =	sdelay $0x3  }
0x1e0: {  	[tilespmem:s29+$0x40] =	vst v14;
	v13 =	vld.idx.msk [tilespmem:v13+s10+$0x0], $0xffff  }
0x1e1: {  	v12 =	vld.idx.msk [tilespmem:v12+s10+$0x0], $0xffff;
	[tilespmem:s30+$0x3C0] =	vst v4  }
0x1e2: {  	[tilespmem:s29+$0xFFFFFC40] =	vst v16;
	v4 =	vld [tilespmem:s28+$0xD0]  }
0x1e3: {  	v15 =	vld.idx.msk [tilespmem:v15+s10+$0x0], $0xffff;
	_ =	sdelay $0x2  }
0x1e4: {  	[tilespmem:s29+$0xFFFFFEC0] =	vst v13  }
0x1e5: {  	[tilespmem:s30+$0xC0] =	vst v12;
	v10 =	vld.idx.msk [tilespmem:v10+s10+$0x0], $0xffff  }
0x1e6: {  	[tilespmem:s29+$0xFFFFFCC0] =	vst v15;
	v6 =	vld.idx.msk [tilespmem:v6+s10+$0x0], $0xffff  }
0x1e7: {  	v11 =	vld.idx.msk [tilespmem:v11+s10+$0x0], $0xffff  }
0x1e8: {  	v13 =	vld.idx.msk [tilespmem:v4+s10+$0x0], $0xffff  }
0x1e9: {  	v12 =	vadd.s32 $0x8, v4  }
0x1ea: {  	[tilespmem:s30+$0xFFFFFF40] =	vst v10  }
0x1eb: {  	[tilespmem:s30+$0x140] =	vst v6;
	v2 =	vld.idx.msk [tilespmem:v2+s10+$0x0], $0xffff  }
0x1ec: {  	[tilespmem:s30+$0xFFFFFD40] =	vst v11;
	v3 =	vld.idx.msk [tilespmem:v3+s10+$0x0], $0xffff  }
0x1ed: {  	v9 =	vld.idx.msk [tilespmem:v9+s10+$0x0], $0xffff;
	[tilespmem:s30+$0x250] =	vst v13  }
0x1ee: {  	v10 =	vld.idx.msk [tilespmem:v12+s10+$0x0], $0xffff  }
0x1ef: {  	v6 =	vadd.s32 $0x10, v4  }
0x1f0: {  	[tilespmem:s30+$0xFFFFFFC0] =	vst v2  }
0x1f1: {  	[tilespmem:s30+$0x1C0] =	vst v3;
	v3 =	vld [tilespmem:s28+$0xFFFFFFD0]  }
0x1f2: {  	[tilespmem:s30+$0xFFFFFDC0] =	vst v9  }
0x1f3: {  	v9 =	vld [tilespmem:s28+$0xFFFFFF50];
	[tilespmem:s30+$0x2D0] =	vst v10  }
0x1f4: {  	v2 =	vld.idx.msk [tilespmem:v6+s10+$0x0], $0xffff  }
0x1f5: {  	v4 =	vadd.s32 $0x18, v4;
	v6 =	vld [tilespmem:s28+$0x50];
	_ =	sdelay $0x3  }
0x1f6: {  	v11 =	vld.idx.msk [tilespmem:v3+s10+$0x0], $0xffff;
	[tilespmem:s30+$0x350] =	vst v2  }
0x1f7: {  	v12 =	vadd.s32 $0x8, v3;
	v2 =	vld.idx.msk [tilespmem:v4+s10+$0x0], $0xffff  }
0x1f8: {  	v4 =	vld.idx.msk [tilespmem:v9+s10+$0x0], $0xffff  }
0x1f9: {  	v10 =	vadd.s32 $0x8, v9  }
0x1fa: {  	v13 =	vld.idx.msk [tilespmem:v6+s10+$0x0], $0xffff  }
0x1fb: {  	[tilespmem:s30+$0xFFFFFE50] =	vst v11;
	v14 =	vadd.s32 $0x8, v6  }
0x1fc: {  	v11 =	vld.idx.msk [tilespmem:v12+s10+$0x0], $0xffff;
	[tilespmem:s30+$0x3D0] =	vst v2  }
0x1fd: {  	[tilespmem:s30+$0xFFFFFC50] =	vst v4;
	v2 =	vld [tilespmem:s28+$0xE0]  }
0x1fe: {  	v12 =	vadd.s32 $0x10, v3;
	v4 =	vld.idx.msk [tilespmem:v10+s10+$0x0], $0xffff  }
0x1ff: {  	v10 =	vadd.s32 $0x10, v9;
	[tilespmem:s30+$0x50] =	vst v13  }
0x200: {  	v13 =	vld.idx.msk [tilespmem:v14+s10+$0x0], $0xffff  }
0x201: {  	v14 =	vadd.s32 $0x10, v6  }
0x202: {  	[tilespmem:s30+$0xFFFFFED0] =	vst v11  }
0x203: {  	v11 =	vld.idx.msk [tilespmem:v12+s10+$0x0], $0xffff;
	[tilespmem:s30+$0xFFFFFCD0] =	vst v4  }
0x204: {  	v3 =	vadd.s32 $0x18, v3;
	v4 =	vld.idx.msk [tilespmem:v10+s10+$0x0], $0xffff  }
0x205: {  	v9 =	vadd.s32 $0x18, v9;
	[tilespmem:s30+$0xD0] =	vst v13;
	v10 =	vld.idx.msk [tilespmem:v2+s10+$0x0], $0xffff  }
0x206: {  	v12 =	vadd.s32 $0x8, v2;
	v13 =	vld.idx.msk [tilespmem:v14+s10+$0x0], $0xffff  }
0x207: {  	v6 =	vadd.s32 $0x18, v6  }
0x208: {  	[tilespmem:s30+$0xFFFFFF50] =	vst v11  }
0x209: {  	v3 =	vld.idx.msk [tilespmem:v3+s10+$0x0], $0xffff;
	[tilespmem:s30+$0xFFFFFD50] =	vst v4  }
0x20a: {  	v4 =	vld.idx.msk [tilespmem:v9+s10+$0x0], $0xffff;
	[tilespmem:s30+$0x260] =	vst v10  }
0x20b: {  	[tilespmem:s30+$0x150] =	vst v13;
	v9 =	vld.idx.msk [tilespmem:v12+s10+$0x0], $0xffff  }
0x20c: {  	v10 =	vadd.s32 $0x10, v2;
	v6 =	vld.idx.msk [tilespmem:v6+s10+$0x0], $0xffff;
	_ =	sdelay $0x1  }
0x20d: {  	[tilespmem:s30+$0xFFFFFFD0] =	vst v3  }
0x20e: {  	v3 =	vld [tilespmem:s28+$0xFFFFFFE0];
	[tilespmem:s30+$0xFFFFFDD0] =	vst v4  }
0x20f: {  	v4 =	vld [tilespmem:s28+$0xFFFFFF60];
	[tilespmem:s30+$0x2E0] =	vst v9  }
0x210: {  	[tilespmem:s30+$0x1D0] =	vst v6;
	v9 =	vld.idx.msk [tilespmem:v10+s10+$0x0], $0xffff  }
0x211: {  	v2 =	vadd.s32 $0x18, v2;
	v6 =	vld [tilespmem:s28+$0x60];
	_ =	sdelay $0x3  }
0x212: {  	[tilespmem:s30+$0x360] =	vst v9  }
0x213: {  	v2 =	vld.idx.msk [tilespmem:v2+s10+$0x0], $0xffff  }
0x214: {  	v9 =	vld.idx.msk [tilespmem:v4+s10+$0x0], $0xffff  }
0x215: {  	[tilespmem:s26+$0xFFFFFF70] =	vst v5;
	v5 =	vld.idx.msk [tilespmem:v3+s10+$0x0], $0xffff;
	v10 =	vadd.s32 $0x8, v4  }
0x216: {  	[tilespmem:s26+$0x170] =	vst v7;
	v7 =	vadd.s32 $0x8, v3;
	v11 =	vld.idx.msk [tilespmem:v6+s10+$0x0], $0xffff  }
0x217: {  	[tilespmem:s26+$0xFFFFFDF0] =	vst v8;
	v12 =	vadd.s32 $0x8, v6  }
0x218: {  	[tilespmem:s30+$0x3E0] =	vst v2  }
0x219: {  	[tilespmem:s30+$0xFFFFFC60] =	vst v9;
	v2 =	vld [tilespmem:s28+$0xF0]  }
0x21a: {  	v8 =	vld.idx.msk [tilespmem:v10+s10+$0x0], $0xffff;
	[tilespmem:s30+$0xFFFFFE60] =	vst v5  }
0x21b: {  	v5 =	vadd.s32 $0x10, v4;
	[tilespmem:s30+$0x60] =	vst v11;
	v7 =	vld.idx.msk [tilespmem:v7+s10+$0x0], $0xffff  }
0x21c: {  	v9 =	vadd.s32 $0x10, v3;
	v10 =	vld.idx.msk [tilespmem:v12+s10+$0x0], $0xffff  }
0x21d: {  	v11 =	vadd.s32 $0x10, v6;
	_ =	sdelay $0x1  }
0x21e: {  	[tilespmem:s30+$0xFFFFFCE0] =	vst v8  }
0x21f: {  	[tilespmem:s30+$0xFFFFFEE0] =	vst v7;
	v5 =	vld.idx.msk [tilespmem:v5+s10+$0x0], $0xffff  }
0x220: {  	v4 =	vadd.s32 $0x18, v4;
	[tilespmem:s30+$0xE0] =	vst v10;
	v7 =	vld.idx.msk [tilespmem:v9+s10+$0x0], $0xffff  }
0x221: {  	v3 =	vadd.s32 $0x18, v3;
	v8 =	vld.idx.msk [tilespmem:v11+s10+$0x0], $0xffff  }
0x222: {  	v6 =	vadd.s32 $0x18, v6;
	_ =	sdelay $0x1  }
0x223: {  	[tilespmem:s30+$0xFFFFFD60] =	vst v5  }
0x224: {  	[tilespmem:s30+$0xFFFFFF60] =	vst v7;
	v4 =	vld.idx.msk [tilespmem:v4+s10+$0x0], $0xffff  }
0x225: {  	[tilespmem:s30+$0x160] =	vst v8;
	v3 =	vld.idx.msk [tilespmem:v3+s10+$0x0], $0xffff  }
0x226: {  	v5 =	vld.idx.msk [tilespmem:v6+s10+$0x0], $0xffff;
	_ =	sdelay $0x2  }
0x227: {  	[tilespmem:s30+$0xFFFFFDE0] =	vst v4  }
0x228: {  	v4 =	vld [tilespmem:s28+$0xFFFFFF70];
	[tilespmem:s30+$0xFFFFFFE0] =	vst v3  }
0x229: {  	v3 =	vld [tilespmem:s28+$0xFFFFFFF0];
	[tilespmem:s30+$0x1E0] =	vst v5  }
0x22a: {  	v5 =	vld [tilespmem:s28+$0x70];
	_ =	sdelay $0x2  }
0x22b: {  	v6 =	vld.idx.msk [tilespmem:v2+s10+$0x0], $0xffff  }
0x22c: {  	v7 =	vadd.s32 $0x8, v2;
	_ =	sdelay $0x1  }
0x22d: {  	v8 =	vld.idx.msk [tilespmem:v4+s10+$0x0], $0xffff  }
0x22e: {  	v9 =	vadd.s32 $0x8, v4;
	v10 =	vld.idx.msk [tilespmem:v3+s10+$0x0], $0xffff  }
0x22f: {  	[tilespmem:s30+$0x270] =	vst v6;
	v6 =	vadd.s32 $0x8, v3;
	v11 =	vld.idx.msk [tilespmem:v5+s10+$0x0], $0xffff  }
0x230: {  	v7 =	vld.idx.msk [tilespmem:v7+s10+$0x0], $0xffff;
	v12 =	vadd.s32 $0x8, v5  }
0x231: {  	v13 =	vadd.s32 $0x10, v2  }
0x232: {  	[tilespmem:s30+$0xFFFFFC70] =	vst v8  }
0x233: {  	v8 =	vld.idx.msk [tilespmem:v9+s10+$0x0], $0xffff;
	[tilespmem:s30+$0xFFFFFE70] =	vst v10  }
0x234: {  	v9 =	vadd.s32 $0x10, v4;
	v6 =	vld.idx.msk [tilespmem:v6+s10+$0x0], $0xffff;
	[tilespmem:s30+$0x70] =	vst v11  }
0x235: {  	[tilespmem:s30+$0x2F0] =	vst v7;
	v7 =	vadd.s32 $0x10, v3;
	v10 =	vld.idx.msk [tilespmem:v12+s10+$0x0], $0xffff  }
0x236: {  	v11 =	vld.idx.msk [tilespmem:v13+s10+$0x0], $0xffff;
	v12 =	vadd.s32 $0x10, v5  }
0x237: {  	v2 =	vadd.s32 $0x18, v2  }
0x238: {  	[tilespmem:s30+$0xFFFFFCF0] =	vst v8  }
0x239: {  	v8 =	vld.idx.msk [tilespmem:v9+s10+$0x0], $0xffff;
	[tilespmem:s30+$0xFFFFFEF0] =	vst v6  }
0x23a: {  	v4 =	vadd.s32 $0x18, v4;
	[tilespmem:s30+$0xF0] =	vst v10;
	v6 =	vld.idx.msk [tilespmem:v7+s10+$0x0], $0xffff  }
0x23b: {  	v3 =	vadd.s32 $0x18, v3;
	[tilespmem:s30+$0x370] =	vst v11;
	v7 =	vld.idx.msk [tilespmem:v12+s10+$0x0], $0xffff  }
0x23c: {  	v5 =	vadd.s32 $0x18, v5;
	v2 =	vld.idx.msk [tilespmem:v2+s10+$0x0], $0xffff  }
0x23d: {  	v0 =	vld.idx.msk [tilespmem:v0+s10+$0x0], $0xffff  }
0x23e: {  	v1 =	vld.idx.msk [tilespmem:v1+s10+$0x0], $0xffff;
	[tilespmem:s30+$0xFFFFFD70] =	vst v8  }
0x23f: {  	v4 =	vld.idx.msk [tilespmem:v4+s10+$0x0], $0xffff;
	[tilespmem:s30+$0xFFFFFF70] =	vst v6  }
0x240: {  	[tilespmem:s30+$0x170] =	vst v7;
	v3 =	vld.idx.msk [tilespmem:v3+s10+$0x0], $0xffff  }
0x241: {  	[tilespmem:s30+$0x3F0] =	vst v2;
	v2 =	vld.idx.msk [tilespmem:v5+s10+$0x0], $0xffff  }
0x242: {  	[tilespmem:s26+$0xFFFFFFF0] =	vst v0  }
0x243: {  	[tilespmem:s26+$0x1F0] =	vst v1  }
0x244: {  	[tilespmem:s30+$0xFFFFFDF0] =	vst v4  }
0x245: {  	s2 =	sshll.u32 s25, $0xB;
	[tilespmem:s30+$0xFFFFFFF0] =	vst v3  }
0x246: {  	s2 =	sadd.s32 s3, s2;
	s26 =	sadd.s32 $0x2, s25;
	[tilespmem:s30+$0x1F0] =	vst v2  }
0x247: {  	[hbm4b:s2+s4] =	stream.linear.scatter [tilespmem:s16], [sflag:$0x3], $0x4000, $0x38;
	[tilespmem:$0xA080] =	vst v63  }
0x248: {  	s25 =	sshll.u32 s26, $0x9;
	s31 =	sshll.u32 s26, $0xC;
	s2 =	sshll.u32 s26, $0x2  }
0x249: {  	s25 =	sand.u32 $0xFFFC000, s25;
	s26 =	sand.u32 $0x3000, s31;
	s2 =	sand.u32 $0x70, s2  }
0x24a: {  	s25 =	sor.u32 s26, s25;
	s2 =	sadd.s32 s1, s2  }
0x24b: {  	s2 =	sadd.s32 s25, s2  }
0x24c: {  	[tilespmem:s4], [sflag:$0x1] =	stream.strided.gather [hbm4b:s2+s12], $0x1000, s13, s12, $0x38;
	[tilespmem:$0xA080] =	vst v63  }
0x24d: {  	_ =	swait.ge [sflag:s17], $0x1000  }
0x24e: {  	[sflag:s17] =	ssyncset.done $0x0  }
0x24f: {  	s2 =	simm.s32 @!p0 $0x4;
	[sflag:s17] =	ssyncadd.s32 $0xFFFFF000  }
0x250: {  	_ =	swait.ge @!p0 [sflag:s2], $0x4000  }
0x251: {  	[sflag:s2] =	ssyncset.done @!p0 $0x0  }
0x252: {  	s31 =	simm.s32 $0x1100;
	[sflag:s2] =	ssyncadd.s32 @!p0 $0xFFFFC000  }
0x253: {  	v0 =	vld [tilespmem:s31+$0x80];
	_ =	sdelay $0x2  }
0x254: {  	v1 =	vld [tilespmem:s31+$0xFFFFFF80]  }
0x255: {  	v3 =	vld [tilespmem:s31+$0xFFFFFF00]  }
0x256: {  	v2 =	vld [tilespmem:s31+$0x0];
	_ =	sdelay $0x2  }
0x257: {  	v4 =	vld.idx.msk [tilespmem:v0+s10+$0x0], $0xffff  }
0x258: {  	v5 =	vadd.s32 $0x8, v0;
	_ =	sdelay $0x1  }
0x259: {  	v6 =	vld.idx.msk [tilespmem:v1+s10+$0x0], $0xffff  }
0x25a: {  	s25 =	simm.s32 $0x6400;
	v7 =	vadd.s32 $0x8, v1;
	v10 =	vld.idx.msk [tilespmem:v3+s10+$0x0], $0xffff  }
0x25b: {  	v8 =	vld.idx.msk [tilespmem:v2+s10+$0x0], $0xffff;
	[tilespmem:s25+$0x200] =	vst v4;
	v4 =	vadd.s32 $0x8, v3  }
0x25c: {  	v9 =	vadd.s32 $0x8, v2;
	v5 =	vld.idx.msk [tilespmem:v5+s10+$0x0], $0xffff  }
0x25d: {  	v11 =	vadd.s32 $0x10, v0  }
0x25e: {  	[tilespmem:s25+$0xFFFFFE00] =	vst v6  }
0x25f: {  	[tilespmem:s25+$0xFFFFFC00] =	vst v10;
	v6 =	vld.idx.msk [tilespmem:v7+s10+$0x0], $0xffff  }
0x260: {  	[tilespmem:s25+$0x0] =	vst v8;
	v7 =	vadd.s32 $0x10, v1;
	v4 =	vld.idx.msk [tilespmem:v4+s10+$0x0], $0xffff  }
0x261: {  	v8 =	vld.idx.msk [tilespmem:v9+s10+$0x0], $0xffff;
	[tilespmem:s25+$0x280] =	vst v5;
	v5 =	vadd.s32 $0x10, v3  }
0x262: {  	v9 =	vadd.s32 $0x10, v2;
	v10 =	vld.idx.msk [tilespmem:v11+s10+$0x0], $0xffff  }
0x263: {  	v0 =	vadd.s32 $0x18, v0  }
0x264: {  	[tilespmem:s25+$0xFFFFFE80] =	vst v6  }
0x265: {  	v6 =	vld.idx.msk [tilespmem:v7+s10+$0x0], $0xffff;
	[tilespmem:s25+$0xFFFFFC80] =	vst v4  }
0x266: {  	v1 =	vadd.s32 $0x18, v1;
	[tilespmem:s25+$0x80] =	vst v8;
	v5 =	vld.idx.msk [tilespmem:v5+s10+$0x0], $0xffff  }
0x267: {  	v3 =	vadd.s32 $0x18, v3;
	v4 =	vld.idx.msk [tilespmem:v9+s10+$0x0], $0xffff;
	[tilespmem:s25+$0x300] =	vst v10  }
0x268: {  	v2 =	vadd.s32 $0x18, v2;
	v0 =	vld.idx.msk [tilespmem:v0+s10+$0x0], $0xffff;
	_ =	sdelay $0x1  }
0x269: {  	[tilespmem:s25+$0xFFFFFF00] =	vst v6  }
0x26a: {  	v1 =	vld.idx.msk [tilespmem:v1+s10+$0x0], $0xffff;
	[tilespmem:s25+$0xFFFFFD00] =	vst v5  }
0x26b: {  	[tilespmem:s25+$0x100] =	vst v4;
	v3 =	vld.idx.msk [tilespmem:v3+s10+$0x0], $0xffff  }
0x26c: {  	v2 =	vld.idx.msk [tilespmem:v2+s10+$0x0], $0xffff;
	[tilespmem:s25+$0x380] =	vst v0  }
0x26d: {  	v0 =	vld [tilespmem:s31+$0x90];
	_ =	sdelay $0x1  }
0x26e: {  	[tilespmem:s25+$0xFFFFFF80] =	vst v1  }
0x26f: {  	v1 =	vld [tilespmem:s31+$0xFFFFFF90];
	[tilespmem:s25+$0xFFFFFD80] =	vst v3  }
0x270: {  	[tilespmem:s25+$0x180] =	vst v2;
	v3 =	vld [tilespmem:s31+$0xFFFFFF10]  }
0x271: {  	v2 =	vld [tilespmem:s31+$0x10];
	_ =	sdelay $0x2  }
0x272: {  	v4 =	vld.idx.msk [tilespmem:v0+s10+$0x0], $0xffff  }
0x273: {  	v5 =	vadd.s32 $0x8, v0;
	_ =	sdelay $0x1  }
0x274: {  	v6 =	vld.idx.msk [tilespmem:v1+s10+$0x0], $0xffff  }
0x275: {  	v7 =	vadd.s32 $0x8, v1;
	v10 =	vld.idx.msk [tilespmem:v3+s10+$0x0], $0xffff  }
0x276: {  	v8 =	vld.idx.msk [tilespmem:v2+s10+$0x0], $0xffff;
	[tilespmem:s25+$0x210] =	vst v4;
	v4 =	vadd.s32 $0x8, v3  }
0x277: {  	v9 =	vadd.s32 $0x8, v2;
	v5 =	vld.idx.msk [tilespmem:v5+s10+$0x0], $0xffff  }
0x278: {  	v11 =	vadd.s32 $0x10, v0  }
0x279: {  	[tilespmem:s25+$0xFFFFFE10] =	vst v6  }
0x27a: {  	v6 =	vld.idx.msk [tilespmem:v7+s10+$0x0], $0xffff;
	[tilespmem:s25+$0xFFFFFC10] =	vst v10  }
0x27b: {  	v7 =	vadd.s32 $0x10, v1;
	[tilespmem:s25+$0x10] =	vst v8;
	v4 =	vld.idx.msk [tilespmem:v4+s10+$0x0], $0xffff  }
0x27c: {  	v8 =	vld.idx.msk [tilespmem:v9+s10+$0x0], $0xffff;
	[tilespmem:s25+$0x290] =	vst v5;
	v5 =	vadd.s32 $0x10, v3  }
0x27d: {  	v9 =	vadd.s32 $0x10, v2;
	v10 =	vld.idx.msk [tilespmem:v11+s10+$0x0], $0xffff  }
0x27e: {  	v0 =	vadd.s32 $0x18, v0  }
0x27f: {  	[tilespmem:s25+$0xFFFFFE90] =	vst v6  }
0x280: {  	v6 =	vld.idx.msk [tilespmem:v7+s10+$0x0], $0xffff;
	[tilespmem:s25+$0xFFFFFC90] =	vst v4  }
0x281: {  	v1 =	vadd.s32 $0x18, v1;
	[tilespmem:s25+$0x90] =	vst v8;
	v5 =	vld.idx.msk [tilespmem:v5+s10+$0x0], $0xffff  }
0x282: {  	v3 =	vadd.s32 $0x18, v3;
	v4 =	vld.idx.msk [tilespmem:v9+s10+$0x0], $0xffff;
	[tilespmem:s25+$0x310] =	vst v10  }
0x283: {  	v2 =	vadd.s32 $0x18, v2;
	v0 =	vld.idx.msk [tilespmem:v0+s10+$0x0], $0xffff;
	_ =	sdelay $0x1  }
0x284: {  	[tilespmem:s25+$0xFFFFFF10] =	vst v6  }
0x285: {  	v1 =	vld.idx.msk [tilespmem:v1+s10+$0x0], $0xffff;
	[tilespmem:s25+$0xFFFFFD10] =	vst v5  }
0x286: {  	[tilespmem:s25+$0x110] =	vst v4;
	v3 =	vld.idx.msk [tilespmem:v3+s10+$0x0], $0xffff  }
0x287: {  	v2 =	vld.idx.msk [tilespmem:v2+s10+$0x0], $0xffff;
	[tilespmem:s25+$0x390] =	vst v0  }
0x288: {  	v0 =	vld [tilespmem:s31+$0xA0];
	_ =	sdelay $0x1  }
0x289: {  	[tilespmem:s25+$0xFFFFFF90] =	vst v1  }
0x28a: {  	v1 =	vld [tilespmem:s31+$0xFFFFFFA0];
	[tilespmem:s25+$0xFFFFFD90] =	vst v3  }
0x28b: {  	[tilespmem:s25+$0x190] =	vst v2;
	v3 =	vld [tilespmem:s31+$0xFFFFFF20]  }
0x28c: {  	v2 =	vld [tilespmem:s31+$0x20];
	_ =	sdelay $0x2  }
0x28d: {  	v4 =	vld.idx.msk [tilespmem:v0+s10+$0x0], $0xffff  }
0x28e: {  	v5 =	vadd.s32 $0x8, v0;
	_ =	sdelay $0x1  }
0x28f: {  	v6 =	vld.idx.msk [tilespmem:v1+s10+$0x0], $0xffff  }
0x290: {  	v7 =	vadd.s32 $0x8, v1;
	v10 =	vld.idx.msk [tilespmem:v3+s10+$0x0], $0xffff  }
0x291: {  	v8 =	vld.idx.msk [tilespmem:v2+s10+$0x0], $0xffff;
	[tilespmem:s25+$0x220] =	vst v4;
	v4 =	vadd.s32 $0x8, v3  }
0x292: {  	v9 =	vadd.s32 $0x8, v2;
	v5 =	vld.idx.msk [tilespmem:v5+s10+$0x0], $0xffff  }
0x293: {  	v11 =	vadd.s32 $0x10, v0  }
0x294: {  	[tilespmem:s25+$0xFFFFFE20] =	vst v6  }
0x295: {  	v6 =	vld.idx.msk [tilespmem:v7+s10+$0x0], $0xffff;
	[tilespmem:s25+$0xFFFFFC20] =	vst v10  }
0x296: {  	v7 =	vadd.s32 $0x10, v1;
	[tilespmem:s25+$0x20] =	vst v8;
	v4 =	vld.idx.msk [tilespmem:v4+s10+$0x0], $0xffff  }
0x297: {  	v8 =	vld.idx.msk [tilespmem:v9+s10+$0x0], $0xffff;
	[tilespmem:s25+$0x2A0] =	vst v5;
	v5 =	vadd.s32 $0x10, v3  }
0x298: {  	v9 =	vadd.s32 $0x10, v2;
	v10 =	vld.idx.msk [tilespmem:v11+s10+$0x0], $0xffff  }
0x299: {  	v0 =	vadd.s32 $0x18, v0  }
0x29a: {  	[tilespmem:s25+$0xFFFFFEA0] =	vst v6  }
0x29b: {  	v6 =	vld.idx.msk [tilespmem:v7+s10+$0x0], $0xffff;
	[tilespmem:s25+$0xFFFFFCA0] =	vst v4  }
0x29c: {  	v1 =	vadd.s32 $0x18, v1;
	[tilespmem:s25+$0xA0] =	vst v8;
	v5 =	vld.idx.msk [tilespmem:v5+s10+$0x0], $0xffff  }
0x29d: {  	v3 =	vadd.s32 $0x18, v3;
	v4 =	vld.idx.msk [tilespmem:v9+s10+$0x0], $0xffff;
	[tilespmem:s25+$0x320] =	vst v10  }
0x29e: {  	v2 =	vadd.s32 $0x18, v2;
	v0 =	vld.idx.msk [tilespmem:v0+s10+$0x0], $0xffff;
	_ =	sdelay $0x1  }
0x29f: {  	[tilespmem:s25+$0xFFFFFF20] =	vst v6  }
0x2a0: {  	v1 =	vld.idx.msk [tilespmem:v1+s10+$0x0], $0xffff;
	[tilespmem:s25+$0xFFFFFD20] =	vst v5  }
0x2a1: {  	[tilespmem:s25+$0x120] =	vst v4;
	v3 =	vld.idx.msk [tilespmem:v3+s10+$0x0], $0xffff  }
0x2a2: {  	v2 =	vld.idx.msk [tilespmem:v2+s10+$0x0], $0xffff;
	[tilespmem:s25+$0x3A0] =	vst v0  }
0x2a3: {  	v0 =	vld [tilespmem:s31+$0xB0];
	_ =	sdelay $0x1  }
0x2a4: {  	[tilespmem:s25+$0xFFFFFFA0] =	vst v1  }
0x2a5: {  	v1 =	vld [tilespmem:s31+$0xFFFFFFB0];
	[tilespmem:s25+$0xFFFFFDA0] =	vst v3  }
0x2a6: {  	[tilespmem:s25+$0x1A0] =	vst v2;
	v3 =	vld [tilespmem:s31+$0xFFFFFF30]  }
0x2a7: {  	v2 =	vld [tilespmem:s31+$0x30];
	_ =	sdelay $0x2  }
0x2a8: {  	v4 =	vld.idx.msk [tilespmem:v0+s10+$0x0], $0xffff  }
0x2a9: {  	v5 =	vadd.s32 $0x8, v0;
	_ =	sdelay $0x1  }
0x2aa: {  	v6 =	vld.idx.msk [tilespmem:v1+s10+$0x0], $0xffff  }
0x2ab: {  	v7 =	vadd.s32 $0x8, v1;
	v10 =	vld.idx.msk [tilespmem:v3+s10+$0x0], $0xffff  }
0x2ac: {  	v8 =	vld.idx.msk [tilespmem:v2+s10+$0x0], $0xffff;
	[tilespmem:s25+$0x230] =	vst v4;
	v4 =	vadd.s32 $0x8, v3  }
0x2ad: {  	v9 =	vadd.s32 $0x8, v2;
	v5 =	vld.idx.msk [tilespmem:v5+s10+$0x0], $0xffff  }
0x2ae: {  	v11 =	vadd.s32 $0x10, v0  }
0x2af: {  	[tilespmem:s25+$0xFFFFFE30] =	vst v6  }
0x2b0: {  	v6 =	vld.idx.msk [tilespmem:v7+s10+$0x0], $0xffff;
	[tilespmem:s25+$0xFFFFFC30] =	vst v10  }
0x2b1: {  	v7 =	vadd.s32 $0x10, v1;
	[tilespmem:s25+$0x30] =	vst v8;
	v4 =	vld.idx.msk [tilespmem:v4+s10+$0x0], $0xffff  }
0x2b2: {  	v8 =	vld.idx.msk [tilespmem:v9+s10+$0x0], $0xffff;
	[tilespmem:s25+$0x2B0] =	vst v5;
	v5 =	vadd.s32 $0x10, v3  }
0x2b3: {  	v9 =	vadd.s32 $0x10, v2;
	v10 =	vld.idx.msk [tilespmem:v11+s10+$0x0], $0xffff  }
0x2b4: {  	v0 =	vadd.s32 $0x18, v0  }
0x2b5: {  	[tilespmem:s25+$0xFFFFFEB0] =	vst v6  }
0x2b6: {  	v6 =	vld.idx.msk [tilespmem:v7+s10+$0x0], $0xffff;
	[tilespmem:s25+$0xFFFFFCB0] =	vst v4  }
0x2b7: {  	v1 =	vadd.s32 $0x18, v1;
	[tilespmem:s25+$0xB0] =	vst v8;
	v5 =	vld.idx.msk [tilespmem:v5+s10+$0x0], $0xffff  }
0x2b8: {  	v3 =	vadd.s32 $0x18, v3;
	v4 =	vld.idx.msk [tilespmem:v9+s10+$0x0], $0xffff;
	[tilespmem:s25+$0x330] =	vst v10  }
0x2b9: {  	v2 =	vadd.s32 $0x18, v2;
	v0 =	vld.idx.msk [tilespmem:v0+s10+$0x0], $0xffff;
	_ =	sdelay $0x1  }
0x2ba: {  	[tilespmem:s25+$0xFFFFFF30] =	vst v6  }
0x2bb: {  	v1 =	vld.idx.msk [tilespmem:v1+s10+$0x0], $0xffff;
	[tilespmem:s25+$0xFFFFFD30] =	vst v5  }
0x2bc: {  	[tilespmem:s25+$0x130] =	vst v4;
	v3 =	vld.idx.msk [tilespmem:v3+s10+$0x0], $0xffff  }
0x2bd: {  	v2 =	vld.idx.msk [tilespmem:v2+s10+$0x0], $0xffff;
	[tilespmem:s25+$0x3B0] =	vst v0  }
0x2be: {  	v0 =	vld [tilespmem:s31+$0xC0];
	_ =	sdelay $0x2  }
0x2bf: {  	[tilespmem:s25+$0xFFFFFDB0] =	vst v3  }
0x2c0: {  	[tilespmem:s25+$0xFFFFFFB0] =	vst v1;
	v3 =	vld [tilespmem:s31+$0xFFFFFF40]  }
0x2c1: {  	v1 =	vld [tilespmem:s31+$0xFFFFFFC0];
	[tilespmem:s25+$0x1B0] =	vst v2  }
0x2c2: {  	s26 =	simm.s32 $0x1300;
	v2 =	vld [tilespmem:s31+$0x40]  }
0x2c3: {  	v11 =	vld [tilespmem:s26+$0xFFFFFF80]  }
0x2c4: {  	v4 =	vld.idx.msk [tilespmem:v0+s10+$0x0], $0xffff;
	_ =	sdelay $0x1  }
0x2c5: {  	v14 =	vld [tilespmem:s26+$0x0];
	v5 =	vadd.s32 $0x8, v0  }
0x2c6: {  	v10 =	vld [tilespmem:s26+$0x80]  }
0x2c7: {  	v8 =	vld.idx.msk [tilespmem:v3+s10+$0x0], $0xffff  }
0x2c8: {  	v6 =	vld.idx.msk [tilespmem:v1+s10+$0x0], $0xffff;
	[tilespmem:s25+$0x240] =	vst v4;
	v4 =	vadd.s32 $0x8, v3  }
0x2c9: {  	v9 =	vadd.s32 $0x8, v1;
	v7 =	vld.idx.msk [tilespmem:v2+s10+$0x0], $0xffff  }
0x2ca: {  	v13 =	vadd.s32 $0x8, v2;
	v5 =	vld.idx.msk [tilespmem:v5+s10+$0x0], $0xffff  }
0x2cb: {  	v15 =	vld.idx.msk [tilespmem:v11+s10+$0x0], $0xffff;
	v12 =	vadd.s32 $0x10, v0  }
0x2cc: {  	[tilespmem:s25+$0xFFFFFC40] =	vst v8;
	v8 =	vld [tilespmem:s26+$0xFFFFFF00]  }
0x2cd: {  	[tilespmem:s25+$0xFFFFFE40] =	vst v6;
	v4 =	vld.idx.msk [tilespmem:v4+s10+$0x0], $0xffff  }
0x2ce: {  	v6 =	vld.idx.msk [tilespmem:v9+s10+$0x0], $0xffff;
	[tilespmem:s25+$0x40] =	vst v7;
	v7 =	vadd.s32 $0x10, v3  }
0x2cf: {  	v9 =	vld.idx.msk [tilespmem:v13+s10+$0x0], $0xffff;
	[tilespmem:s25+$0x2C0] =	vst v5  }
0x2d0: {  	v18 =	vadd.s32 $0x8, v11;
	v5 =	vld.idx.msk [tilespmem:v12+s10+$0x0], $0xffff  }
0x2d1: {  	v13 =	vadd.s32 $0x10, v1;
	v12 =	vld.idx.msk [tilespmem:v10+s10+$0x0], $0xffff  }
0x2d2: {  	s28 =	simm.s32 $0x6C00;
	v16 =	vld.idx.msk [tilespmem:v14+s10+$0x0], $0xffff;
	v0 =	vadd.s32 $0x18, v0;
	[tilespmem:s25+$0xFFFFFCC0] =	vst v4  }
0x2d3: {  	v17 =	vadd.s32 $0x8, v10;
	[tilespmem:s28+$0xFFFFFE00] =	vst v15;
	v7 =	vld.idx.msk [tilespmem:v7+s10+$0x0], $0xffff  }
0x2d4: {  	v19 =	vadd.s32 $0x8, v14;
	[tilespmem:s25+$0xFFFFFEC0] =	vst v6;
	v4 =	vld.idx.msk [tilespmem:v8+s10+$0x0], $0xffff  }
0x2d5: {  	v15 =	vld.idx.msk [tilespmem:v18+s10+$0x0], $0xffff;
	v3 =	vadd.s32 $0x18, v3;
	[tilespmem:s25+$0x340] =	vst v5  }
0x2d6: {  	v5 =	vadd.s32 $0x8, v8;
	[tilespmem:s28+$0x200] =	vst v12;
	v12 =	vld.idx.msk [tilespmem:v13+s10+$0x0], $0xffff  }
0x2d7: {  	[tilespmem:s28+$0x0] =	vst v16;
	v1 =	vadd.s32 $0x18, v1;
	v0 =	vld.idx.msk [tilespmem:v0+s10+$0x0], $0xffff  }
0x2d8: {  	v13 =	vld.idx.msk [tilespmem:v17+s10+$0x0], $0xffff;
	[tilespmem:s25+$0xFFFFFD40] =	vst v7  }
0x2d9: {  	v6 =	vadd.s32 $0x10, v2;
	[tilespmem:s28+$0xFFFFFC00] =	vst v4;
	v4 =	vld.idx.msk [tilespmem:v19+s10+$0x0], $0xffff  }
0x2da: {  	[tilespmem:s25+$0xC0] =	vst v9;
	v17 =	vadd.s32 $0x10, v11;
	v3 =	vld.idx.msk [tilespmem:v3+s10+$0x0], $0xffff  }
0x2db: {  	v16 =	vadd.s32 $0x10, v10;
	[tilespmem:s25+$0xFFFFFF40] =	vst v12;
	v5 =	vld.idx.msk [tilespmem:v5+s10+$0x0], $0xffff  }
0x2dc: {  	v9 =	vadd.s32 $0x10, v14;
	[tilespmem:s25+$0x3C0] =	vst v0;
	v1 =	vld.idx.msk [tilespmem:v1+s10+$0x0], $0xffff  }
0x2dd: {  	[tilespmem:s28+$0xFFFFFE80] =	vst v15;
	v7 =	vld [tilespmem:s31+$0xD0]  }
0x2de: {  	v6 =	vld.idx.msk [tilespmem:v6+s10+$0x0], $0xffff;
	v0 =	vadd.s32 $0x10, v8;
	[tilespmem:s28+$0x280] =	vst v13  }
0x2df: {  	v2 =	vadd.s32 $0x18, v2;
	v15 =	vld.idx.msk [tilespmem:v17+s10+$0x0], $0xffff;
	[tilespmem:s28+$0x80] =	vst v4  }
0x2e0: {  	v13 =	vld.idx.msk [tilespmem:v16+s10+$0x0], $0xffff;
	[tilespmem:s25+$0xFFFFFDC0] =	vst v3  }
0x2e1: {  	[tilespmem:s28+$0xFFFFFC80] =	vst v5;
	v4 =	vld.idx.msk [tilespmem:v9+s10+$0x0], $0xffff;
	v5 =	vadd.s32 $0x18, v10  }
0x2e2: {  	v9 =	vadd.s32 $0x18, v11;
	[tilespmem:s25+$0xFFFFFFC0] =	vst v1;
	v1 =	vld [tilespmem:s31+$0xFFFFFF50]  }
0x2e3: {  	[tilespmem:s25+$0x140] =	vst v6;
	v10 =	vadd.s32 $0x18, v14;
	v0 =	vld.idx.msk [tilespmem:v0+s10+$0x0], $0xffff  }
0x2e4: {  	v6 =	vadd.s32 $0x18, v8;
	v2 =	vld.idx.msk [tilespmem:v2+s10+$0x0], $0xffff  }
0x2e5: {  	[tilespmem:s28+$0x300] =	vst v13;
	v8 =	vld.idx.msk [tilespmem:v7+s10+$0x0], $0xffff  }
0x2e6: {  	[tilespmem:s28+$0xFFFFFF00] =	vst v15;
	v5 =	vld.idx.msk [tilespmem:v5+s10+$0x0], $0xffff  }
0x2e7: {  	v9 =	vld.idx.msk [tilespmem:v9+s10+$0x0], $0xffff;
	[tilespmem:s28+$0x100] =	vst v4;
	v4 =	vadd.s32 $0x8, v7  }
0x2e8: {  	[tilespmem:s28+$0xFFFFFD00] =	vst v0;
	v0 =	vld.idx.msk [tilespmem:v10+s10+$0x0], $0xffff  }
0x2e9: {  	v3 =	vld.idx.msk [tilespmem:v6+s10+$0x0], $0xffff  }
0x2ea: {  	[tilespmem:s25+$0x1C0] =	vst v2;
	v6 =	vld [tilespmem:s31+$0xFFFFFFD0]  }
0x2eb: {  	v10 =	vld.idx.msk [tilespmem:v1+s10+$0x0], $0xffff;
	[tilespmem:s25+$0x250] =	vst v8  }
0x2ec: {  	[tilespmem:s28+$0x380] =	vst v5;
	v4 =	vld.idx.msk [tilespmem:v4+s10+$0x0], $0xffff  }
0x2ed: {  	[tilespmem:s28+$0xFFFFFF80] =	vst v9;
	v9 =	vld [tilespmem:s31+$0x50]  }
0x2ee: {  	v5 =	vld [tilespmem:s26+$0x90]  }
0x2ef: {  	v8 =	vld [tilespmem:s26+$0xFFFFFF90];
	[tilespmem:s28+$0x180] =	vst v0;
	v0 =	vadd.s32 $0x10, v7  }
0x2f0: {  	[tilespmem:s28+$0xFFFFFD80] =	vst v3;
	v3 =	vld [tilespmem:s26+$0x10]  }
0x2f1: {  	v2 =	vld [tilespmem:s26+$0xFFFFFF10];
	_ =	sdelay $0x1  }
0x2f2: {  	[tilespmem:s25+$0x2D0] =	vst v4;
	v4 =	vld.idx.msk [tilespmem:v6+s10+$0x0], $0xffff  }
0x2f3: {  	v0 =	vld.idx.msk [tilespmem:v0+s10+$0x0], $0xffff  }
0x2f4: {  	[tilespmem:s25+$0xFFFFFC50] =	vst v10;
	v10 =	vadd.s32 $0x8, v6;
	v19 =	vld.idx.msk [tilespmem:v9+s10+$0x0], $0xffff  }
0x2f5: {  	v7 =	vadd.s32 $0x18, v7;
	v11 =	vld.idx.msk [tilespmem:v5+s10+$0x0], $0xffff  }
0x2f6: {  	v12 =	vadd.s32 $0x8, v1;
	v13 =	vld.idx.msk [tilespmem:v8+s10+$0x0], $0xffff  }
0x2f7: {  	v15 =	vadd.s32 $0x8, v5;
	v14 =	vld.idx.msk [tilespmem:v3+s10+$0x0], $0xffff  }
0x2f8: {  	v16 =	vadd.s32 $0x8, v8;
	[tilespmem:s25+$0xFFFFFE50] =	vst v4;
	v17 =	vld.idx.msk [tilespmem:v2+s10+$0x0], $0xffff  }
0x2f9: {  	v18 =	vadd.s32 $0x8, v3;
	[tilespmem:s25+$0x350] =	vst v0;
	v10 =	vld.idx.msk [tilespmem:v10+s10+$0x0], $0xffff  }
0x2fa: {  	v0 =	vadd.s32 $0x8, v2;
	v7 =	vld.idx.msk [tilespmem:v7+s10+$0x0], $0xffff;
	[tilespmem:s25+$0x50] =	vst v19  }
0x2fb: {  	[tilespmem:s28+$0x210] =	vst v11;
	v11 =	vld.idx.msk [tilespmem:v12+s10+$0x0], $0xffff  }
0x2fc: {  	[tilespmem:s28+$0xFFFFFE10] =	vst v13;
	v13 =	vadd.s32 $0x8, v9;
	v12 =	vld.idx.msk [tilespmem:v15+s10+$0x0], $0xffff  }
0x2fd: {  	v15 =	vld.idx.msk [tilespmem:v16+s10+$0x0], $0xffff;
	[tilespmem:s28+$0x10] =	vst v14;
	v16 =	vadd.s32 $0x10, v5  }
0x2fe: {  	[tilespmem:s28+$0xFFFFFC10] =	vst v17;
	v14 =	vld.idx.msk [tilespmem:v18+s10+$0x0], $0xffff;
	v17 =	vadd.s32 $0x10, v8  }
0x2ff: {  	v4 =	vadd.s32 $0x10, v3;
	v0 =	vld.idx.msk [tilespmem:v0+s10+$0x0], $0xffff;
	[tilespmem:s25+$0x3D0] =	vst v7  }
0x300: {  	v19 =	vadd.s32 $0x10, v1;
	v18 =	vld [tilespmem:s31+$0xE0];
	[tilespmem:s25+$0xFFFFFCD0] =	vst v11  }
0x301: {  	v7 =	vadd.s32 $0x10, v2;
	[tilespmem:s28+$0x290] =	vst v12;
	v12 =	vld.idx.msk [tilespmem:v13+s10+$0x0], $0xffff  }
0x302: {  	v13 =	vadd.s32 $0x10, v6;
	[tilespmem:s28+$0xFFFFFE90] =	vst v15;
	v15 =	vld.idx.msk [tilespmem:v16+s10+$0x0], $0xffff  }
0x303: {  	v16 =	vld.idx.msk [tilespmem:v17+s10+$0x0], $0xffff;
	[tilespmem:s28+$0x90] =	vst v14  }
0x304: {  	[tilespmem:s28+$0xFFFFFC90] =	vst v0;
	v0 =	vld.idx.msk [tilespmem:v4+s10+$0x0], $0xffff;
	v4 =	vadd.s32 $0x18, v5  }
0x305: {  	v5 =	vadd.s32 $0x18, v8;
	v8 =	vld.idx.msk [tilespmem:v19+s10+$0x0], $0xffff  }
0x306: {  	v3 =	vadd.s32 $0x18, v3;
	[tilespmem:s25+$0xFFFFFED0] =	vst v10;
	v7 =	vld.idx.msk [tilespmem:v7+s10+$0x0], $0xffff  }
0x307: {  	v11 =	vadd.s32 $0x10, v9;
	v10 =	vld.idx.msk [tilespmem:v13+s10+$0x0], $0xffff;
	[tilespmem:s25+$0xD0] =	vst v12  }
0x308: {  	v1 =	vadd.s32 $0x18, v1;
	[tilespmem:s28+$0x310] =	vst v15;
	v13 =	vld.idx.msk [tilespmem:v18+s10+$0x0], $0xffff  }
0x309: {  	v2 =	vadd.s32 $0x18, v2;
	[tilespmem:s28+$0xFFFFFF10] =	vst v16;
	v4 =	vld.idx.msk [tilespmem:v4+s10+$0x0], $0xffff  }
0x30a: {  	v6 =	vadd.s32 $0x18, v6;
	v5 =	vld.idx.msk [tilespmem:v5+s10+$0x0], $0xffff;
	[tilespmem:s28+$0x110] =	vst v0  }
0x30b: {  	v0 =	vadd.s32 $0x8, v18;
	[tilespmem:s25+$0xFFFFFD50] =	vst v8;
	v3 =	vld.idx.msk [tilespmem:v3+s10+$0x0], $0xffff  }
0x30c: {  	[tilespmem:s28+$0xFFFFFD10] =	vst v7;
	v7 =	vld.idx.msk [tilespmem:v11+s10+$0x0], $0xffff  }
0x30d: {  	v1 =	vld.idx.msk [tilespmem:v1+s10+$0x0], $0xffff  }
0x30e: {  	v2 =	vld.idx.msk [tilespmem:v2+s10+$0x0], $0xffff;
	[tilespmem:s25+$0xFFFFFF50] =	vst v10  }
0x30f: {  	[tilespmem:s25+$0x260] =	vst v13;
	v6 =	vld.idx.msk [tilespmem:v6+s10+$0x0], $0xffff  }
0x310: {  	[tilespmem:s28+$0x390] =	vst v4;
	v0 =	vld.idx.msk [tilespmem:v0+s10+$0x0], $0xffff  }
0x311: {  	v4 =	vadd.s32 $0x18, v9;
	[tilespmem:s28+$0xFFFFFF90] =	vst v5;
	v5 =	vld [tilespmem:s26+$0xA0]  }
0x312: {  	v8 =	vld [tilespmem:s26+$0xFFFFFFA0];
	[tilespmem:s28+$0x190] =	vst v3;
	v3 =	vadd.s32 $0x10, v18  }
0x313: {  	[tilespmem:s28+$0xFFFFFD90] =	vst v2;
	v2 =	vld [tilespmem:s26+$0x20]  }
0x314: {  	[tilespmem:s25+$0xFFFFFDD0] =	vst v1;
	v9 =	vld [tilespmem:s26+$0xFFFFFF20]  }
0x315: {  	[tilespmem:s25+$0x150] =	vst v7;
	v1 =	vld [tilespmem:s31+$0xFFFFFF60]  }
0x316: {  	v4 =	vld.idx.msk [tilespmem:v4+s10+$0x0], $0xffff;
	[tilespmem:s25+$0x2E0] =	vst v0  }
0x317: {  	[tilespmem:s25+$0xFFFFFFD0] =	vst v6;
	v0 =	vld.idx.msk [tilespmem:v3+s10+$0x0], $0xffff  }
0x318: {  	v7 =	vadd.s32 $0x18, v18;
	v15 =	vld [tilespmem:s31+$0xFFFFFFE0]  }
0x319: {  	v3 =	vld.idx.msk [tilespmem:v5+s10+$0x0], $0xffff  }
0x31a: {  	v12 =	vadd.s32 $0x8, v5;
	v10 =	vld.idx.msk [tilespmem:v8+s10+$0x0], $0xffff  }
0x31b: {  	v13 =	vadd.s32 $0x8, v8;
	v11 =	vld.idx.msk [tilespmem:v2+s10+$0x0], $0xffff  }
0x31c: {  	v14 =	vadd.s32 $0x8, v2;
	v6 =	vld.idx.msk [tilespmem:v9+s10+$0x0], $0xffff;
	[tilespmem:s25+$0x360] =	vst v0  }
0x31d: {  	[tilespmem:s25+$0x1D0] =	vst v4;
	v4 =	vld.idx.msk [tilespmem:v7+s10+$0x0], $0xffff  }
0x31e: {  	v0 =	vadd.s32 $0x8, v9;
	[tilespmem:s28+$0x220] =	vst v3;
	v3 =	vld [tilespmem:s31+$0x60]  }
0x31f: {  	[tilespmem:s28+$0xFFFFFE20] =	vst v10;
	v7 =	vld.idx.msk [tilespmem:v12+s10+$0x0], $0xffff  }
0x320: {  	v10 =	vld.idx.msk [tilespmem:v13+s10+$0x0], $0xffff;
	[tilespmem:s28+$0x20] =	vst v11  }
0x321: {  	v11 =	vadd.s32 $0x10, v5;
	[tilespmem:s28+$0xFFFFFC20] =	vst v6;
	v6 =	vld.idx.msk [tilespmem:v14+s10+$0x0], $0xffff  }
0x322: {  	v12 =	vadd.s32 $0x10, v8;
	v14 =	vld.idx.msk [tilespmem:v1+s10+$0x0], $0xffff  }
0x323: {  	v13 =	vadd.s32 $0x10, v2;
	v0 =	vld.idx.msk [tilespmem:v0+s10+$0x0], $0xffff;
	[tilespmem:s25+$0x3E0] =	vst v4  }
0x324: {  	v16 =	vld [tilespmem:s31+$0xF0]  }
0x325: {  	v4 =	vadd.s32 $0x10, v9;
	[tilespmem:s28+$0x2A0] =	vst v7;
	v7 =	vld.idx.msk [tilespmem:v15+s10+$0x0], $0xffff  }
0x326: {  	v17 =	vadd.s32 $0x8, v1;
	[tilespmem:s28+$0xFFFFFEA0] =	vst v10;
	v10 =	vld.idx.msk [tilespmem:v11+s10+$0x0], $0xffff  }
0x327: {  	v11 =	vld.idx.msk [tilespmem:v12+s10+$0x0], $0xffff;
	[tilespmem:s28+$0xA0] =	vst v6  }
0x328: {  	v5 =	vadd.s32 $0x18, v5;
	[tilespmem:s28+$0xFFFFFCA0] =	vst v0;
	v0 =	vld.idx.msk [tilespmem:v13+s10+$0x0], $0xffff  }
0x329: {  	v6 =	vadd.s32 $0x18, v8;
	v8 =	vld.idx.msk [tilespmem:v3+s10+$0x0], $0xffff  }
0x32a: {  	v2 =	vadd.s32 $0x18, v2;
	[tilespmem:s25+$0xFFFFFC60] =	vst v14;
	v4 =	vld.idx.msk [tilespmem:v4+s10+$0x0], $0xffff  }
0x32b: {  	v9 =	vadd.s32 $0x18, v9;
	v12 =	vld.idx.msk [tilespmem:v17+s10+$0x0], $0xffff  }
0x32c: {  	v13 =	vadd.s32 $0x8, v15;
	[tilespmem:s28+$0x320] =	vst v10;
	v10 =	vld.idx.msk [tilespmem:v16+s10+$0x0], $0xffff  }
0x32d: {  	v14 =	vadd.s32 $0x8, v3;
	[tilespmem:s28+$0xFFFFFF20] =	vst v11;
	v5 =	vld.idx.msk [tilespmem:v5+s10+$0x0], $0xffff  }
0x32e: {  	v6 =	vld.idx.msk [tilespmem:v6+s10+$0x0], $0xffff;
	[tilespmem:s28+$0x120] =	vst v0  }
0x32f: {  	[tilespmem:s28+$0xFFFFFD20] =	vst v4;
	v0 =	vld.idx.msk [tilespmem:v2+s10+$0x0], $0xffff  }
0x330: {  	[tilespmem:s25+$0xFFFFFE60] =	vst v7;
	v2 =	vld.idx.msk [tilespmem:v9+s10+$0x0], $0xffff  }
0x331: {  	[tilespmem:s25+$0x60] =	vst v8;
	v4 =	vld.idx.msk [tilespmem:v13+s10+$0x0], $0xffff  }
0x332: {  	v7 =	vadd.s32 $0x8, v16;
	v8 =	vld.idx.msk [tilespmem:v14+s10+$0x0], $0xffff;
	[tilespmem:s28+$0x3A0] =	vst v5  }
0x333: {  	v5 =	vadd.s32 $0x10, v1;
	[tilespmem:s28+$0xFFFFFFA0] =	vst v6;
	v6 =	vld [tilespmem:s26+$0xB0]  }
0x334: {  	v9 =	vadd.s32 $0x10, v15;
	v11 =	vld [tilespmem:s26+$0xFFFFFFB0];
	[tilespmem:s28+$0x1A0] =	vst v0  }
0x335: {  	v0 =	vadd.s32 $0x10, v3;
	[tilespmem:s28+$0xFFFFFDA0] =	vst v2;
	v2 =	vld [tilespmem:s26+$0x30]  }
0x336: {  	[tilespmem:s25+$0x270] =	vst v10;
	v10 =	vld [tilespmem:s26+$0xFFFFFF30]  }
0x337: {  	[tilespmem:s25+$0xFFFFFCE0] =	vst v12;
	v7 =	vld.idx.msk [tilespmem:v7+s10+$0x0], $0xffff  }
0x338: {  	[tilespmem:s25+$0xFFFFFEE0] =	vst v4;
	v4 =	vld.idx.msk [tilespmem:v5+s10+$0x0], $0xffff  }
0x339: {  	[tilespmem:s25+$0xE0] =	vst v8;
	v5 =	vld.idx.msk [tilespmem:v9+s10+$0x0], $0xffff  }
0x33a: {  	v1 =	vadd.s32 $0x18, v1;
	v0 =	vld.idx.msk [tilespmem:v0+s10+$0x0], $0xffff  }
0x33b: {  	v8 =	vadd.s32 $0x18, v15;
	v9 =	vld.idx.msk [tilespmem:v6+s10+$0x0], $0xffff  }
0x33c: {  	v13 =	vadd.s32 $0x8, v6;
	v12 =	vld.idx.msk [tilespmem:v11+s10+$0x0], $0xffff  }
0x33d: {  	v14 =	vadd.s32 $0x8, v11;
	v15 =	vld.idx.msk [tilespmem:v2+s10+$0x0], $0xffff;
	[tilespmem:s25+$0xFFFFFD60] =	vst v4  }
0x33e: {  	v17 =	vadd.s32 $0x8, v2;
	[tilespmem:s25+$0xFFFFFF60] =	vst v5;
	v4 =	vld.idx.msk [tilespmem:v10+s10+$0x0], $0xffff  }
0x33f: {  	v3 =	vadd.s32 $0x18, v3;
	v1 =	vld.idx.msk [tilespmem:v1+s10+$0x0], $0xffff;
	[tilespmem:s25+$0x160] =	vst v0  }
0x340: {  	v18 =	vadd.s32 $0x8, v10;
	v5 =	vld.idx.msk [tilespmem:v8+s10+$0x0], $0xffff;
	[tilespmem:s28+$0x230] =	vst v9  }
0x341: {  	[tilespmem:s28+$0xFFFFFE30] =	vst v12;
	v8 =	vld.idx.msk [tilespmem:v13+s10+$0x0], $0xffff  }
0x342: {  	v9 =	vld.idx.msk [tilespmem:v14+s10+$0x0], $0xffff;
	[tilespmem:s28+$0x30] =	vst v15  }
0x343: {  	v12 =	vadd.s32 $0x10, v6;
	[tilespmem:s28+$0xFFFFFC30] =	vst v4;
	v4 =	vld.idx.msk [tilespmem:v17+s10+$0x0], $0xffff  }
0x344: {  	v13 =	vadd.s32 $0x10, v11;
	[tilespmem:s25+$0xFFFFFDE0] =	vst v1;
	v1 =	vld.idx.msk [tilespmem:v3+s10+$0x0], $0xffff  }
0x345: {  	v14 =	vadd.s32 $0x10, v2;
	[tilespmem:s25+$0xFFFFFFE0] =	vst v5;
	v0 =	vld.idx.msk [tilespmem:v18+s10+$0x0], $0xffff  }
0x346: {  	v15 =	vld [tilespmem:s31+$0xFFFFFF70];
	[tilespmem:s28+$0x2B0] =	vst v8  }
0x347: {  	v3 =	vadd.s32 $0x10, v10;
	v5 =	vld [tilespmem:s31+$0xFFFFFFF0];
	[tilespmem:s28+$0xFFFFFEB0] =	vst v9  }
0x348: {  	v8 =	vadd.s32 $0x10, v16;
	v9 =	vld.idx.msk [tilespmem:v12+s10+$0x0], $0xffff;
	[tilespmem:s28+$0xB0] =	vst v4  }
0x349: {  	v12 =	vld.idx.msk [tilespmem:v13+s10+$0x0], $0xffff;
	[tilespmem:s25+$0x1E0] =	vst v1  }
0x34a: {  	v4 =	vadd.s32 $0x18, v6;
	[tilespmem:s28+$0xFFFFFCB0] =	vst v0;
	v0 =	vld.idx.msk [tilespmem:v14+s10+$0x0], $0xffff  }
0x34b: {  	v6 =	vadd.s32 $0x18, v11;
	v1 =	vadd.s32 $0x18, v2;
	v2 =	vld [tilespmem:s31+$0x70]  }
0x34c: {  	[tilespmem:s25+$0x2F0] =	vst v7;
	v3 =	vld.idx.msk [tilespmem:v3+s10+$0x0], $0xffff  }
0x34d: {  	v8 =	vld.idx.msk [tilespmem:v8+s10+$0x0], $0xffff  }
0x34e: {  	v7 =	vadd.s32 $0x18, v10;
	[tilespmem:s28+$0x330] =	vst v9;
	v9 =	vld.idx.msk [tilespmem:v15+s10+$0x0], $0xffff  }
0x34f: {  	[tilespmem:s28+$0xFFFFFF30] =	vst v12;
	v4 =	vld.idx.msk [tilespmem:v4+s10+$0x0], $0xffff  }
0x350: {  	v10 =	vadd.s32 $0x8, v15;
	v6 =	vld.idx.msk [tilespmem:v6+s10+$0x0], $0xffff;
	[tilespmem:s28+$0x130] =	vst v0  }
0x351: {  	v0 =	vld.idx.msk [tilespmem:v1+s10+$0x0], $0xffff  }
0x352: {  	[tilespmem:s28+$0xFFFFFD30] =	vst v3;
	v3 =	vld.idx.msk [tilespmem:v5+s10+$0x0], $0xffff  }
0x353: {  	v1 =	vld.idx.msk [tilespmem:v7+s10+$0x0], $0xffff  }
0x354: {  	[tilespmem:s25+$0xFFFFFC70] =	vst v9;
	v9 =	vld.idx.msk [tilespmem:v2+s10+$0x0], $0xffff  }
0x355: {  	v11 =	vadd.s32 $0x18, v16;
	[tilespmem:s28+$0x3B0] =	vst v4;
	v4 =	vld.idx.msk [tilespmem:v10+s10+$0x0], $0xffff  }
0x356: {  	v10 =	vadd.s32 $0x8, v5;
	[tilespmem:s28+$0xFFFFFFB0] =	vst v6;
	v7 =	vld [tilespmem:s26+$0xC0]  }
0x357: {  	v6 =	vadd.s32 $0x8, v2;
	v12 =	vld [tilespmem:s26+$0xFFFFFFC0];
	[tilespmem:s28+$0x1B0] =	vst v0  }
0x358: {  	v0 =	vadd.s32 $0x10, v15;
	[tilespmem:s28+$0xFFFFFDB0] =	vst v1;
	v17 =	vld [tilespmem:s26+$0x40]  }
0x359: {  	[tilespmem:s25+$0x370] =	vst v8;
	v18 =	vld [tilespmem:s26+$0xFFFFFF40]  }
0x35a: {  	[tilespmem:s25+$0xFFFFFE70] =	vst v3;
	v1 =	vld.idx.msk [tilespmem:v11+s10+$0x0], $0xffff  }
0x35b: {  	[tilespmem:s25+$0x70] =	vst v9;
	v3 =	vld.idx.msk [tilespmem:v10+s10+$0x0], $0xffff  }
0x35c: {  	[tilespmem:s25+$0xFFFFFCF0] =	vst v4;
	v4 =	vld.idx.msk [tilespmem:v6+s10+$0x0], $0xffff  }
0x35d: {  	v6 =	vadd.s32 $0x10, v5;
	v8 =	vld.idx.msk [tilespmem:v0+s10+$0x0], $0xffff  }
0x35e: {  	v9 =	vadd.s32 $0x10, v2;
	v11 =	vld.idx.msk [tilespmem:v7+s10+$0x0], $0xffff  }
0x35f: {  	v15 =	vadd.s32 $0x18, v15;
	v19 =	vld.idx.msk [tilespmem:v12+s10+$0x0], $0xffff  }
0x360: {  	v20 =	vadd.s32 $0x8, v7;
	[tilespmem:s25+$0x3F0] =	vst v1;
	v14 =	vld.idx.msk [tilespmem:v17+s10+$0x0], $0xffff  }
0x361: {  	[tilespmem:s25+$0xFFFFFEF0] =	vst v3;
	v16 =	vld.idx.msk [tilespmem:v18+s10+$0x0], $0xffff  }
0x362: {  	v0 =	vadd.s32 $0x18, v5;
	v13 =	vadd.s32 $0x8, v12;
	[tilespmem:s25+$0xF0] =	vst v4;
	v4 =	vld.idx.msk [tilespmem:v6+s10+$0x0], $0xffff  }
0x363: {  	v10 =	vadd.s32 $0x10, v12;
	v5 =	vadd.s32 $0x18, v12;
	v1 =	vadd.s32 $0x18, v2;
	[tilespmem:s25+$0xFFFFFD70] =	vst v8;
	v2 =	vld.idx.msk [tilespmem:v9+s10+$0x0], $0xffff  }
0x364: {  	v12 =	vadd.s32 $0x8, v17;
	v8 =	vadd.s32 $0x10, v17;
	v6 =	vadd.s32 $0x18, v17;
	v3 =	vld.idx.msk [tilespmem:v15+s10+$0x0], $0xffff;
	[tilespmem:s28+$0x240] =	vst v11  }
0x365: {  	s29 =	simm.s32 $0x6C00;
	s30 =	simm.s32 $0x4;
	s2 =	simm.s32 $0x1500;
	v9 =	vadd.s32 $0x18, v18;
	v15 =	vadd.s32 $0x8, v18;
	v11 =	vadd.s32 $0x10, v18;
	[tilespmem:s28+$0xFFFFFE40] =	vst v19;
	v17 =	vld.idx.msk [tilespmem:v20+s10+$0x0], $0xffff  }
.LBB2_5:
0x366: {  	v18 =	vld [tilespmem:s2+$0x80];
	s30 =	sadd.s32 $0x4, s30;
	[tilespmem:s28+$0x40] =	vst v14  }
0x367: {  	v14 =	vld [tilespmem:s2+$0xFFFFFF80];
	p0 =	slt.u32 s30, $0x1C;
	[tilespmem:s28+$0xFFFFFC40] =	vst v16;
	v16 =	vadd.s32 $0x10, v7  }
0x368: {  	v19 =	vld [tilespmem:s2+$0x0];
	[tilespmem:s25+$0xFFFFFF70] =	vst v4  }
0x369: {  	v4 =	vld [tilespmem:s2+$0xFFFFFF00];
	[tilespmem:s25+$0x170] =	vst v2  }
0x36a: {  	v2 =	vld.idx.msk [tilespmem:v15+s10+$0x0], $0xffff;
	[tilespmem:s25+$0xFFFFFDF0] =	vst v3  }
0x36b: {  	v3 =	vld.idx.msk [tilespmem:v13+s10+$0x0], $0xffff;
	[tilespmem:s28+$0x2C0] =	vst v17  }
0x36c: {  	v13 =	vadd.s32 $0x8, v14;
	v15 =	vadd.s32 $0x10, v14;
	v17 =	vadd.s32 $0x18, v14;
	v16 =	vld.idx.msk [tilespmem:v16+s10+$0x0], $0xffff  }
0x36d: {  	v20 =	vadd.s32 $0x8, v19;
	v21 =	vadd.s32 $0x10, v19;
	v22 =	vadd.s32 $0x18, v19;
	v12 =	vld.idx.msk [tilespmem:v12+s10+$0x0], $0xffff  }
0x36e: {  	v7 =	vadd.s32 $0x18, v7;
	v23 =	vadd.s32 $0x8, v4;
	v24 =	vadd.s32 $0x10, v4;
	v25 =	vld.idx.msk [tilespmem:v18+s10+$0x0], $0xffff  }
0x36f: {  	v26 =	vadd.s32 $0x18, v4;
	v14 =	vld.idx.msk [tilespmem:v14+s10+$0x0], $0xffff  }
0x370: {  	v27 =	vadd.s32 $0x8, v18;
	v19 =	vld.idx.msk [tilespmem:v19+s10+$0x0], $0xffff;
	[tilespmem:s28+$0xFFFFFCC0] =	vst v2  }
0x371: {  	v2 =	vld.idx.msk [tilespmem:v4+s10+$0x0], $0xffff;
	[tilespmem:s28+$0xFFFFFEC0] =	vst v3  }
0x372: {  	v3 =	vld.idx.msk [tilespmem:v11+s10+$0x0], $0xffff;
	[tilespmem:s28+$0x340] =	vst v16  }
0x373: {  	s28 =	sadd.s32 $0x800, s28;
	[tilespmem:s29+$0xC0] =	vst v12;
	v4 =	vld.idx.msk [tilespmem:v7+s10+$0x0], $0xffff  }
0x374: {  	[tilespmem:s28+$0x200] =	vst v25;
	v7 =	vld.idx.msk [tilespmem:v10+s10+$0x0], $0xffff  }
0x375: {  	[tilespmem:s28+$0xFFFFFE00] =	vst v14;
	v10 =	vld.idx.msk [tilespmem:v27+s10+$0x0], $0xffff  }
0x376: {  	v11 =	vld.idx.msk [tilespmem:v13+s10+$0x0], $0xffff;
	[tilespmem:s28+$0x0] =	vst v19  }
0x377: {  	v12 =	vadd.s32 $0x10, v18;
	[tilespmem:s28+$0xFFFFFC00] =	vst v2;
	v2 =	vld.idx.msk [tilespmem:v20+s10+$0x0], $0xffff  }
0x378: {  	v13 =	vld.idx.msk [tilespmem:v23+s10+$0x0], $0xffff;
	[tilespmem:s29+$0xFFFFFD40] =	vst v3  }
0x379: {  	v3 =	vld.idx.msk [tilespmem:v8+s10+$0x0], $0xffff;
	[tilespmem:s29+$0x3C0] =	vst v4  }
0x37a: {  	[tilespmem:s29+$0xFFFFFF40] =	vst v7;
	v4 =	vld [tilespmem:s26+$0xD0]  }
0x37b: {  	[tilespmem:s28+$0x280] =	vst v10;
	v7 =	vld.idx.msk [tilespmem:v9+s10+$0x0], $0xffff  }
0x37c: {  	[tilespmem:s28+$0xFFFFFE80] =	vst v11;
	v8 =	vld.idx.msk [tilespmem:v12+s10+$0x0], $0xffff  }
0x37d: {  	v9 =	vld.idx.msk [tilespmem:v15+s10+$0x0], $0xffff;
	[tilespmem:s28+$0x80] =	vst v2  }
0x37e: {  	v10 =	vadd.s32 $0x18, v18;
	[tilespmem:s28+$0xFFFFFC80] =	vst v13;
	v2 =	vld.idx.msk [tilespmem:v21+s10+$0x0], $0xffff  }
0x37f: {  	v11 =	vld.idx.msk [tilespmem:v24+s10+$0x0], $0xffff;
	[tilespmem:s29+$0x140] =	vst v3  }
0x380: {  	v3 =	vld.idx.msk [tilespmem:v5+s10+$0x0], $0xffff  }
0x381: {  	[tilespmem:s29+$0xFFFFFDC0] =	vst v7;
	v5 =	vld.idx.msk [tilespmem:v6+s10+$0x0], $0xffff  }
0x382: {  	[tilespmem:s28+$0x300] =	vst v8;
	v6 =	vld.idx.msk [tilespmem:v4+s10+$0x0], $0xffff  }
0x383: {  	[tilespmem:s28+$0xFFFFFF00] =	vst v9;
	v7 =	vld.idx.msk [tilespmem:v10+s10+$0x0], $0xffff  }
0x384: {  	v8 =	vld.idx.msk [tilespmem:v17+s10+$0x0], $0xffff;
	[tilespmem:s28+$0x100] =	vst v2;
	v2 =	vadd.s32 $0x8, v4  }
0x385: {  	[tilespmem:s28+$0xFFFFFD00] =	vst v11;
	v9 =	vld.idx.msk [tilespmem:v22+s10+$0x0], $0xffff  }
0x386: {  	v10 =	vld.idx.msk [tilespmem:v26+s10+$0x0], $0xffff;
	[tilespmem:s29+$0xFFFFFFC0] =	vst v3  }
0x387: {  	v3 =	vld [tilespmem:s26+$0xFFFFFF50];
	[tilespmem:s29+$0x1C0] =	vst v5  }
0x388: {  	v5 =	vld [tilespmem:s26+$0xFFFFFFD0];
	[tilespmem:s29+$0x250] =	vst v6  }
0x389: {  	[tilespmem:s28+$0x380] =	vst v7;
	v2 =	vld.idx.msk [tilespmem:v2+s10+$0x0], $0xffff  }
0x38a: {  	[tilespmem:s28+$0xFFFFFF80] =	vst v8;
	v6 =	vld [tilespmem:s2+$0x90]  }
0x38b: {  	v8 =	vadd.s32 $0x10, v4;
	v7 =	vld [tilespmem:s2+$0xFFFFFF90];
	[tilespmem:s28+$0x180] =	vst v9  }
0x38c: {  	[tilespmem:s28+$0xFFFFFD80] =	vst v10;
	v9 =	vld [tilespmem:s2+$0x10];
	v10 =	vadd.s32 $0x8, v3;
	v11 =	vadd.s32 $0x10, v3;
	v12 =	vadd.s32 $0x18, v3  }
0x38d: {  	v13 =	vld [tilespmem:s2+$0xFFFFFF10];
	v14 =	vadd.s32 $0x8, v5;
	v15 =	vadd.s32 $0x10, v5;
	v16 =	vadd.s32 $0x18, v5  }
0x38e: {  	v17 =	vld [tilespmem:s26+$0x50]  }
0x38f: {  	v3 =	vld.idx.msk [tilespmem:v3+s10+$0x0], $0xffff;
	[tilespmem:s29+$0x2D0] =	vst v2  }
0x390: {  	v2 =	vadd.s32 $0x8, v7;
	v18 =	vadd.s32 $0x10, v7;
	v19 =	vadd.s32 $0x18, v7;
	v8 =	vld.idx.msk [tilespmem:v8+s10+$0x0], $0xffff  }
0x391: {  	v20 =	vadd.s32 $0x8, v9;
	v21 =	vadd.s32 $0x10, v9;
	v22 =	vadd.s32 $0x18, v9;
	v5 =	vld.idx.msk [tilespmem:v5+s10+$0x0], $0xffff  }
0x392: {  	v4 =	vadd.s32 $0x18, v4;
	v23 =	vadd.s32 $0x8, v13;
	v24 =	vadd.s32 $0x10, v13;
	v25 =	vld.idx.msk [tilespmem:v6+s10+$0x0], $0xffff  }
0x393: {  	v26 =	vadd.s32 $0x18, v13;
	v7 =	vld.idx.msk [tilespmem:v7+s10+$0x0], $0xffff;
	v27 =	vadd.s32 $0x8, v17;
	v28 =	vadd.s32 $0x10, v17  }
0x394: {  	v29 =	vadd.s32 $0x8, v6;
	v30 =	vadd.s32 $0x18, v17;
	v9 =	vld.idx.msk [tilespmem:v9+s10+$0x0], $0xffff  }
0x395: {  	v13 =	vld.idx.msk [tilespmem:v13+s10+$0x0], $0xffff;
	[tilespmem:s29+$0xFFFFFC50] =	vst v3  }
0x396: {  	v3 =	vld.idx.msk [tilespmem:v17+s10+$0x0], $0xffff;
	[tilespmem:s29+$0x350] =	vst v8  }
0x397: {  	[tilespmem:s29+$0xFFFFFE50] =	vst v5;
	v4 =	vld.idx.msk [tilespmem:v4+s10+$0x0], $0xffff  }
0x398: {  	[tilespmem:s28+$0x210] =	vst v25;
	v5 =	vld.idx.msk [tilespmem:v10+s10+$0x0], $0xffff  }
0x399: {  	[tilespmem:s28+$0xFFFFFE10] =	vst v7;
	v7 =	vld.idx.msk [tilespmem:v29+s10+$0x0], $0xffff  }
0x39a: {  	v2 =	vld.idx.msk [tilespmem:v2+s10+$0x0], $0xffff;
	[tilespmem:s28+$0x10] =	vst v9  }
0x39b: {  	v9 =	vadd.s32 $0x10, v6;
	[tilespmem:s28+$0xFFFFFC10] =	vst v13;
	v8 =	vld.idx.msk [tilespmem:v20+s10+$0x0], $0xffff  }
0x39c: {  	v10 =	vld.idx.msk [tilespmem:v23+s10+$0x0], $0xffff;
	[tilespmem:s29+$0x50] =	vst v3  }
0x39d: {  	v3 =	vld.idx.msk [tilespmem:v14+s10+$0x0], $0xffff;
	[tilespmem:s29+$0x3D0] =	vst v4  }
0x39e: {  	[tilespmem:s29+$0xFFFFFCD0] =	vst v5;
	v4 =	vld [tilespmem:s26+$0xE0]  }
0x39f: {  	[tilespmem:s28+$0x290] =	vst v7;
	v5 =	vld.idx.msk [tilespmem:v27+s10+$0x0], $0xffff  }
0x3a0: {  	[tilespmem:s28+$0xFFFFFE90] =	vst v2;
	v2 =	vld.idx.msk [tilespmem:v9+s10+$0x0], $0xffff  }
0x3a1: {  	v7 =	vld.idx.msk [tilespmem:v18+s10+$0x0], $0xffff;
	[tilespmem:s28+$0x90] =	vst v8  }
0x3a2: {  	v6 =	vadd.s32 $0x18, v6;
	[tilespmem:s28+$0xFFFFFC90] =	vst v10;
	v8 =	vld.idx.msk [tilespmem:v21+s10+$0x0], $0xffff  }
0x3a3: {  	v9 =	vld.idx.msk [tilespmem:v24+s10+$0x0], $0xffff;
	[tilespmem:s29+$0xFFFFFED0] =	vst v3  }
0x3a4: {  	v3 =	vld.idx.msk [tilespmem:v11+s10+$0x0], $0xffff  }
0x3a5: {  	v10 =	vld.idx.msk [tilespmem:v15+s10+$0x0], $0xffff;
	[tilespmem:s29+$0xD0] =	vst v5  }
0x3a6: {  	[tilespmem:s28+$0x310] =	vst v2;
	v2 =	vld.idx.msk [tilespmem:v4+s10+$0x0], $0xffff  }
0x3a7: {  	[tilespmem:s28+$0xFFFFFF10] =	vst v7;
	v5 =	vld.idx.msk [tilespmem:v6+s10+$0x0], $0xffff  }
0x3a8: {  	v7 =	vadd.s32 $0x8, v4;
	v6 =	vld.idx.msk [tilespmem:v19+s10+$0x0], $0xffff;
	[tilespmem:s28+$0x110] =	vst v8  }
0x3a9: {  	[tilespmem:s28+$0xFFFFFD10] =	vst v9;
	v8 =	vld.idx.msk [tilespmem:v22+s10+$0x0], $0xffff  }
0x3aa: {  	v9 =	vld.idx.msk [tilespmem:v26+s10+$0x0], $0xffff;
	[tilespmem:s29+$0xFFFFFD50] =	vst v3  }
0x3ab: {  	[tilespmem:s29+$0xFFFFFF50] =	vst v10;
	v3 =	vld.idx.msk [tilespmem:v28+s10+$0x0], $0xffff  }
0x3ac: {  	v10 =	vld.idx.msk [tilespmem:v12+s10+$0x0], $0xffff;
	[tilespmem:s29+$0x260] =	vst v2  }
0x3ad: {  	[tilespmem:s28+$0x390] =	vst v5;
	v2 =	vld.idx.msk [tilespmem:v7+s10+$0x0], $0xffff  }
0x3ae: {  	[tilespmem:s28+$0xFFFFFF90] =	vst v6;
	v5 =	vld [tilespmem:s2+$0xA0]  }
0x3af: {  	v7 =	vadd.s32 $0x10, v4;
	v6 =	vld [tilespmem:s2+$0xFFFFFFA0];
	[tilespmem:s28+$0x190] =	vst v8  }
0x3b0: {  	[tilespmem:s28+$0xFFFFFD90] =	vst v9;
	v8 =	vld [tilespmem:s2+$0x20]  }
0x3b1: {  	v9 =	vld [tilespmem:s2+$0xFFFFFF20];
	[tilespmem:s29+$0x150] =	vst v3  }
0x3b2: {  	[tilespmem:s29+$0xFFFFFDD0] =	vst v10;
	v3 =	vld.idx.msk [tilespmem:v16+s10+$0x0], $0xffff  }
0x3b3: {  	v10 =	vld.idx.msk [tilespmem:v30+s10+$0x0], $0xffff;
	[tilespmem:s29+$0x2E0] =	vst v2  }
0x3b4: {  	v2 =	vadd.s32 $0x8, v6;
	v11 =	vadd.s32 $0x10, v6;
	v12 =	vadd.s32 $0x18, v6;
	v7 =	vld.idx.msk [tilespmem:v7+s10+$0x0], $0xffff  }
0x3b5: {  	v13 =	vadd.s32 $0x8, v8;
	v14 =	vadd.s32 $0x10, v8;
	v15 =	vadd.s32 $0x18, v8;
	v16 =	vld [tilespmem:s26+$0xFFFFFF60]  }
0x3b6: {  	v4 =	vadd.s32 $0x18, v4;
	v17 =	vadd.s32 $0x8, v9;
	v18 =	vadd.s32 $0x10, v9;
	v19 =	vld.idx.msk [tilespmem:v5+s10+$0x0], $0xffff  }
0x3b7: {  	v20 =	vadd.s32 $0x18, v9;
	v6 =	vld.idx.msk [tilespmem:v6+s10+$0x0], $0xffff  }
0x3b8: {  	v21 =	vadd.s32 $0x8, v5;
	v8 =	vld.idx.msk [tilespmem:v8+s10+$0x0], $0xffff;
	[tilespmem:s29+$0xFFFFFFD0] =	vst v3  }
0x3b9: {  	v3 =	vld.idx.msk [tilespmem:v9+s10+$0x0], $0xffff;
	[tilespmem:s29+$0x1D0] =	vst v10  }
0x3ba: {  	v9 =	vadd.s32 $0x8, v16;
	v10 =	vadd.s32 $0x10, v16;
	v22 =	vadd.s32 $0x18, v16;
	v23 =	vld [tilespmem:s26+$0xFFFFFFE0];
	[tilespmem:s29+$0x360] =	vst v7  }
0x3bb: {  	v4 =	vld.idx.msk [tilespmem:v4+s10+$0x0], $0xffff  }
0x3bc: {  	[tilespmem:s28+$0x220] =	vst v19;
	v7 =	vld [tilespmem:s26+$0x60]  }
0x3bd: {  	[tilespmem:s28+$0xFFFFFE20] =	vst v6;
	v6 =	vld.idx.msk [tilespmem:v21+s10+$0x0], $0xffff  }
0x3be: {  	v2 =	vld.idx.msk [tilespmem:v2+s10+$0x0], $0xffff;
	[tilespmem:s28+$0x20] =	vst v8  }
0x3bf: {  	v8 =	vadd.s32 $0x10, v5;
	[tilespmem:s28+$0xFFFFFC20] =	vst v3;
	v3 =	vld.idx.msk [tilespmem:v13+s10+$0x0], $0xffff;
	v13 =	vadd.s32 $0x8, v23;
	v19 =	vadd.s32 $0x10, v23  }
0x3c0: {  	v21 =	vadd.s32 $0x18, v23;
	v17 =	vld.idx.msk [tilespmem:v17+s10+$0x0], $0xffff  }
0x3c1: {  	v16 =	vld.idx.msk [tilespmem:v16+s10+$0x0], $0xffff;
	v24 =	vadd.s32 $0x8, v7;
	v25 =	vadd.s32 $0x10, v7;
	v26 =	vadd.s32 $0x18, v7;
	[tilespmem:s29+$0x3E0] =	vst v4  }
0x3c2: {  	v4 =	vld [tilespmem:s26+$0xF0]  }
0x3c3: {  	[tilespmem:s28+$0x2A0] =	vst v6;
	v6 =	vld.idx.msk [tilespmem:v23+s10+$0x0], $0xffff  }
0x3c4: {  	[tilespmem:s28+$0xFFFFFEA0] =	vst v2;
	v2 =	vld.idx.msk [tilespmem:v8+s10+$0x0], $0xffff  }
0x3c5: {  	v8 =	vld.idx.msk [tilespmem:v11+s10+$0x0], $0xffff;
	[tilespmem:s28+$0xA0] =	vst v3  }
0x3c6: {  	v5 =	vadd.s32 $0x18, v5;
	[tilespmem:s28+$0xFFFFFCA0] =	vst v17;
	v3 =	vld.idx.msk [tilespmem:v14+s10+$0x0], $0xffff  }
0x3c7: {  	v11 =	vld.idx.msk [tilespmem:v18+s10+$0x0], $0xffff;
	[tilespmem:s29+$0xFFFFFC60] =	vst v16  }
0x3c8: {  	v7 =	vld.idx.msk [tilespmem:v7+s10+$0x0], $0xffff  }
0x3c9: {  	v9 =	vld.idx.msk [tilespmem:v9+s10+$0x0], $0xffff;
	[tilespmem:s29+$0xFFFFFE60] =	vst v6  }
0x3ca: {  	[tilespmem:s28+$0x320] =	vst v2;
	v2 =	vld.idx.msk [tilespmem:v4+s10+$0x0], $0xffff  }
0x3cb: {  	[tilespmem:s28+$0xFFFFFF20] =	vst v8;
	v5 =	vld.idx.msk [tilespmem:v5+s10+$0x0], $0xffff  }
0x3cc: {  	v6 =	vld.idx.msk [tilespmem:v12+s10+$0x0], $0xffff;
	[tilespmem:s28+$0x120] =	vst v3;
	v3 =	vadd.s32 $0x8, v4  }
0x3cd: {  	[tilespmem:s28+$0xFFFFFD20] =	vst v11;
	v8 =	vld.idx.msk [tilespmem:v15+s10+$0x0], $0xffff  }
0x3ce: {  	v11 =	vld.idx.msk [tilespmem:v20+s10+$0x0], $0xffff;
	[tilespmem:s29+$0x60] =	vst v7  }
0x3cf: {  	[tilespmem:s29+$0xFFFFFCE0] =	vst v9;
	v7 =	vld.idx.msk [tilespmem:v13+s10+$0x0], $0xffff  }
0x3d0: {  	v9 =	vld.idx.msk [tilespmem:v24+s10+$0x0], $0xffff;
	[tilespmem:s29+$0x270] =	vst v2  }
0x3d1: {  	[tilespmem:s28+$0x3A0] =	vst v5;
	v2 =	vld.idx.msk [tilespmem:v3+s10+$0x0], $0xffff  }
0x3d2: {  	[tilespmem:s28+$0xFFFFFFA0] =	vst v6;
	v3 =	vld [tilespmem:s2+$0xB0]  }
0x3d3: {  	v6 =	vadd.s32 $0x10, v4;
	v5 =	vld [tilespmem:s2+$0xFFFFFFB0];
	[tilespmem:s28+$0x1A0] =	vst v8  }
0x3d4: {  	[tilespmem:s28+$0xFFFFFDA0] =	vst v11;
	v8 =	vld [tilespmem:s2+$0x30]  }
0x3d5: {  	v11 =	vld [tilespmem:s2+$0xFFFFFF30];
	[tilespmem:s29+$0xFFFFFEE0] =	vst v7  }
0x3d6: {  	v7 =	vld.idx.msk [tilespmem:v10+s10+$0x0], $0xffff;
	[tilespmem:s29+$0xE0] =	vst v9  }
0x3d7: {  	v9 =	vld.idx.msk [tilespmem:v19+s10+$0x0], $0xffff;
	[tilespmem:s29+$0x2F0] =	vst v2  }
0x3d8: {  	v2 =	vadd.s32 $0x8, v5;
	v10 =	vadd.s32 $0x10, v5;
	v12 =	vadd.s32 $0x18, v5;
	v6 =	vld.idx.msk [tilespmem:v6+s10+$0x0], $0xffff  }
0x3d9: {  	v13 =	vadd.s32 $0x8, v8;
	v14 =	vadd.s32 $0x10, v8;
	v15 =	vadd.s32 $0x18, v8;
	v16 =	vld.idx.msk [tilespmem:v25+s10+$0x0], $0xffff  }
0x3da: {  	v4 =	vadd.s32 $0x18, v4;
	v17 =	vadd.s32 $0x8, v11;
	v18 =	vadd.s32 $0x10, v11;
	v19 =	vld.idx.msk [tilespmem:v3+s10+$0x0], $0xffff  }
0x3db: {  	v20 =	vadd.s32 $0x18, v11;
	v5 =	vld.idx.msk [tilespmem:v5+s10+$0x0], $0xffff  }
0x3dc: {  	v23 =	vadd.s32 $0x8, v3;
	v8 =	vld.idx.msk [tilespmem:v8+s10+$0x0], $0xffff;
	[tilespmem:s29+$0xFFFFFD60] =	vst v7  }
0x3dd: {  	v7 =	vld.idx.msk [tilespmem:v11+s10+$0x0], $0xffff;
	[tilespmem:s29+$0xFFFFFF60] =	vst v9  }
0x3de: {  	v9 =	vld.idx.msk [tilespmem:v22+s10+$0x0], $0xffff;
	[tilespmem:s29+$0x370] =	vst v6  }
0x3df: {  	[tilespmem:s29+$0x160] =	vst v16;
	v4 =	vld.idx.msk [tilespmem:v4+s10+$0x0], $0xffff  }
0x3e0: {  	[tilespmem:s28+$0x230] =	vst v19;
	v6 =	vld.idx.msk [tilespmem:v21+s10+$0x0], $0xffff  }
0x3e1: {  	[tilespmem:s28+$0xFFFFFE30] =	vst v5;
	v5 =	vld.idx.msk [tilespmem:v23+s10+$0x0], $0xffff  }
0x3e2: {  	v2 =	vld.idx.msk [tilespmem:v2+s10+$0x0], $0xffff;
	[tilespmem:s28+$0x30] =	vst v8  }
0x3e3: {  	v8 =	vadd.s32 $0x10, v3;
	[tilespmem:s28+$0xFFFFFC30] =	vst v7;
	v7 =	vld.idx.msk [tilespmem:v13+s10+$0x0], $0xffff  }
0x3e4: {  	v11 =	vld.idx.msk [tilespmem:v17+s10+$0x0], $0xffff;
	[tilespmem:s29+$0xFFFFFDE0] =	vst v9  }
0x3e5: {  	v9 =	vld.idx.msk [tilespmem:v26+s10+$0x0], $0xffff;
	[tilespmem:s29+$0x3F0] =	vst v4  }
0x3e6: {  	v4 =	vld [tilespmem:s26+$0xFFFFFF70];
	[tilespmem:s29+$0xFFFFFFE0] =	vst v6  }
0x3e7: {  	[tilespmem:s28+$0x2B0] =	vst v5;
	v5 =	vld [tilespmem:s26+$0xFFFFFFF0]  }
0x3e8: {  	[tilespmem:s28+$0xFFFFFEB0] =	vst v2;
	v2 =	vld.idx.msk [tilespmem:v8+s10+$0x0], $0xffff  }
0x3e9: {  	v6 =	vld.idx.msk [tilespmem:v10+s10+$0x0], $0xffff;
	[tilespmem:s28+$0xB0] =	vst v7  }
0x3ea: {  	v3 =	vadd.s32 $0x18, v3;
	[tilespmem:s28+$0xFFFFFCB0] =	vst v11;
	v7 =	vld.idx.msk [tilespmem:v14+s10+$0x0], $0xffff  }
0x3eb: {  	v8 =	vld.idx.msk [tilespmem:v18+s10+$0x0], $0xffff;
	v10 =	vadd.s32 $0x8, v4;
	v11 =	vadd.s32 $0x10, v4;
	v17 =	vadd.s32 $0x18, v4;
	[tilespmem:s29+$0x1E0] =	vst v9  }
0x3ec: {  	v9 =	vadd.s32 $0x8, v5;
	v18 =	vadd.s32 $0x10, v5;
	v13 =	vadd.s32 $0x18, v5;
	v14 =	vld [tilespmem:s26+$0x70];
	s26 =	smov.u32 s2  }
0x3ed: {  	v16 =	vld.idx.msk [tilespmem:v0+s10+$0x0], $0xffff;
	v0 =	vmov v13  }
0x3ee: {  	[tilespmem:s28+$0x330] =	vst v2;
	v2 =	vld.idx.msk [tilespmem:v4+s10+$0x0], $0xffff  }
0x3ef: {  	[tilespmem:s28+$0xFFFFFF30] =	vst v6;
	v3 =	vld.idx.msk [tilespmem:v3+s10+$0x0], $0xffff  }
0x3f0: {  	v4 =	vld.idx.msk [tilespmem:v12+s10+$0x0], $0xffff;
	[tilespmem:s28+$0x130] =	vst v7  }
0x3f1: {  	[tilespmem:s28+$0xFFFFFD30] =	vst v8;
	v6 =	vld.idx.msk [tilespmem:v15+s10+$0x0], $0xffff;
	v8 =	vadd.s32 $0x8, v14;
	v19 =	vadd.s32 $0x10, v14;
	v15 =	vadd.s32 $0x18, v14  }
0x3f2: {  	v12 =	vld.idx.msk [tilespmem:v20+s10+$0x0], $0xffff  }
0x3f3: {  	v5 =	vld.idx.msk [tilespmem:v5+s10+$0x0], $0xffff;
	[tilespmem:s25+$0xFFFFFFF0] =	vst v16  }
0x3f4: {  	[tilespmem:s29+$0xFFFFFC70] =	vst v2;
	v2 =	vld.idx.msk [tilespmem:v14+s10+$0x0], $0xffff  }
0x3f5: {  	[tilespmem:s28+$0x3B0] =	vst v3;
	v3 =	vld.idx.msk [tilespmem:v10+s10+$0x0], $0xffff  }
0x3f6: {  	[tilespmem:s28+$0xFFFFFFB0] =	vst v4;
	v7 =	vld [tilespmem:s2+$0xC0]  }
0x3f7: {  	v4 =	vld [tilespmem:s2+$0xFFFFFFC0];
	[tilespmem:s28+$0x1B0] =	vst v6  }
0x3f8: {  	[tilespmem:s28+$0xFFFFFDB0] =	vst v12;
	v14 =	vld [tilespmem:s2+$0x40]  }
0x3f9: {  	v16 =	vld [tilespmem:s2+$0xFFFFFF40];
	[tilespmem:s29+$0xFFFFFE70] =	vst v5  }
0x3fa: {  	v20 =	vld.idx.msk [tilespmem:v9+s10+$0x0], $0xffff;
	[tilespmem:s29+$0x70] =	vst v2  }
0x3fb: {  	[tilespmem:s29+$0xFFFFFCF0] =	vst v3;
	v2 =	vld.idx.msk [tilespmem:v8+s10+$0x0], $0xffff  }
0x3fc: {  	v13 =	vadd.s32 $0x8, v4;
	v10 =	vadd.s32 $0x10, v4;
	v5 =	vadd.s32 $0x18, v4;
	v3 =	vld.idx.msk [tilespmem:v11+s10+$0x0], $0xffff  }
0x3fd: {  	v12 =	vadd.s32 $0x8, v14;
	v8 =	vadd.s32 $0x10, v14;
	v6 =	vadd.s32 $0x18, v14;
	v21 =	vld.idx.msk [tilespmem:v1+s10+$0x0], $0xffff;
	v1 =	vmovc v15  }
0x3fe: {  	v15 =	vadd.s32 $0x8, v16;
	v11 =	vadd.s32 $0x10, v16;
	v9 =	vadd.s32 $0x18, v16;
	v22 =	vld.idx.msk [tilespmem:v7+s10+$0x0], $0xffff  }
0x3ff: {  	v23 =	vld.idx.msk [tilespmem:v4+s10+$0x0], $0xffff  }
0x400: {  	v24 =	vadd.s32 $0x8, v7;
	v14 =	vld.idx.msk [tilespmem:v14+s10+$0x0], $0xffff;
	[tilespmem:s29+$0xFFFFFEF0] =	vst v20  }
.Ltmp1:
0x401: {  	v16 =	vld.idx.msk [tilespmem:v16+s10+$0x0], $0xffff;
	[tilespmem:s29+$0xF0] =	vst v2;
	(pc) =	sbr.rel @p0 .LBB2_5-.Ltmp1, $4  }
0x402: {  	[tilespmem:s29+$0xFFFFFD70] =	vst v3;
	v4 =	vld.idx.msk [tilespmem:v18+s10+$0x0], $0xffff  }
0x403: {  	v2 =	vld.idx.msk [tilespmem:v19+s10+$0x0], $0xffff;
	[tilespmem:s25+$0x1F0] =	vst v21;
	s25 =	smov.u32 s29;
	s29 =	smov.u32 s28  }
0x404: {  	[tilespmem:s28+$0x240] =	vst v22;
	v3 =	vld.idx.msk [tilespmem:v17+s10+$0x0], $0xffff  }
0x405: {  	s2 =	sadd.s32 $0x200, s2;
	[tilespmem:s28+$0xFFFFFE40] =	vst v23;
	v17 =	vld.idx.msk [tilespmem:v24+s10+$0x0], $0xffff  }
0x406: {  	_ =	sdelay $0x3  }
0x407: {  	v18 =	vadd.s32 $0x10, v7;
	[tilespmem:s28+$0xFFFFFC40] =	vst v16;
	v13 =	vld.idx.msk [tilespmem:v13+s10+$0x0], $0xffff  }
0x408: {  	[tilespmem:s28+$0x40] =	vst v14;
	v15 =	vld.idx.msk [tilespmem:v15+s10+$0x0], $0xffff  }
0x409: {  	v12 =	vld.idx.msk [tilespmem:v12+s10+$0x0], $0xffff;
	_ =	sdelay $0x1  }
0x40a: {  	[tilespmem:s28+$0x2C0] =	vst v17  }
0x40b: {  	v52 =	vld.idx.msk [tilespmem:v18+s10+$0x0], $0xffff;
	[tilespmem:s28+$0xFFFFFEC0] =	vst v13  }
0x40c: {  	v53 =	vadd.s32 $0x18, v7;
	[tilespmem:s28+$0xFFFFFCC0] =	vst v15;
	v10 =	vld.idx.msk [tilespmem:v10+s10+$0x0], $0xffff  }
0x40d: {  	[tilespmem:s29+$0xC0] =	vst v12;
	v11 =	vld.idx.msk [tilespmem:v11+s10+$0x0], $0xffff  }
0x40e: {  	v8 =	vld.idx.msk [tilespmem:v8+s10+$0x0], $0xffff;
	_ =	sdelay $0x1  }
0x40f: {  	[tilespmem:s28+$0x340] =	vst v52  }
0x410: {  	v7 =	vld.idx.msk [tilespmem:v53+s10+$0x0], $0xffff;
	[tilespmem:s29+$0xFFFFFF40] =	vst v10  }
0x411: {  	[tilespmem:s29+$0xFFFFFD40] =	vst v11;
	v5 =	vld.idx.msk [tilespmem:v5+s10+$0x0], $0xffff  }
0x412: {  	[tilespmem:s29+$0x140] =	vst v8;
	v9 =	vld.idx.msk [tilespmem:v9+s10+$0x0], $0xffff  }
0x413: {  	v6 =	vld.idx.msk [tilespmem:v6+s10+$0x0], $0xffff;
	_ =	sdelay $0x1  }
0x414: {  	[tilespmem:s29+$0x3C0] =	vst v7  }
0x415: {  	v7 =	vld [tilespmem:s26+$0xD0];
	[tilespmem:s29+$0xFFFFFFC0] =	vst v5  }
0x416: {  	[tilespmem:s29+$0xFFFFFDC0] =	vst v9;
	v55 =	vld [tilespmem:s26+$0xFFFFFFD0]  }
0x417: {  	[tilespmem:s29+$0x1C0] =	vst v6;
	v54 =	vld [tilespmem:s26+$0xFFFFFF50]  }
0x418: {  	v8 =	vld [tilespmem:s26+$0x50];
	_ =	sdelay $0x4  }
0x419: {  	v56 =	vld.idx.msk [tilespmem:v7+s10+$0x0], $0xffff  }
0x41a: {  	v57 =	vadd.s32 $0x8, v7;
	v13 =	vld.idx.msk [tilespmem:v55+s10+$0x0], $0xffff  }
0x41b: {  	v59 =	vadd.s32 $0x8, v55;
	v11 =	vld.idx.msk [tilespmem:v54+s10+$0x0], $0xffff  }
0x41c: {  	v58 =	vadd.s32 $0x8, v54;
	v60 =	vld.idx.msk [tilespmem:v8+s10+$0x0], $0xffff  }
0x41d: {  	v61 =	vadd.s32 $0x8, v8  }
0x41e: {  	[tilespmem:s29+$0x250] =	vst v56  }
0x41f: {  	v10 =	vld.idx.msk [tilespmem:v57+s10+$0x0], $0xffff;
	[tilespmem:s29+$0xFFFFFE50] =	vst v13  }
0x420: {  	v62 =	vadd.s32 $0x10, v7;
	[tilespmem:s29+$0xFFFFFC50] =	vst v11;
	v9 =	vld.idx.msk [tilespmem:v59+s10+$0x0], $0xffff  }
0x421: {  	v18 =	vadd.s32 $0x10, v55;
	[tilespmem:s29+$0x50] =	vst v60;
	v11 =	vld.idx.msk [tilespmem:v58+s10+$0x0], $0xffff  }
0x422: {  	v63 =	vadd.s32 $0x10, v54;
	v19 =	vld.idx.msk [tilespmem:v61+s10+$0x0], $0xffff  }
0x423: {  	v21 =	vadd.s32 $0x10, v8  }
0x424: {  	[tilespmem:s29+$0x2D0] =	vst v10  }
0x425: {  	v20 =	vld.idx.msk [tilespmem:v62+s10+$0x0], $0xffff;
	[tilespmem:s29+$0xFFFFFED0] =	vst v9  }
0x426: {  	v7 =	vadd.s32 $0x18, v7;
	[tilespmem:s29+$0xFFFFFCD0] =	vst v11;
	v23 =	vld.idx.msk [tilespmem:v18+s10+$0x0], $0xffff  }
0x427: {  	v6 =	vadd.s32 $0x18, v55;
	[tilespmem:s29+$0xD0] =	vst v19;
	v22 =	vld.idx.msk [tilespmem:v63+s10+$0x0], $0xffff  }
0x428: {  	v5 =	vadd.s32 $0x18, v54;
	v10 =	vld.idx.msk [tilespmem:v21+s10+$0x0], $0xffff  }
0x429: {  	v8 =	vadd.s32 $0x18, v8  }
0x42a: {  	[tilespmem:s29+$0x350] =	vst v20  }
0x42b: {  	v7 =	vld.idx.msk [tilespmem:v7+s10+$0x0], $0xffff;
	[tilespmem:s29+$0xFFFFFF50] =	vst v23  }
0x42c: {  	[tilespmem:s29+$0xFFFFFD50] =	vst v22;
	v6 =	vld.idx.msk [tilespmem:v6+s10+$0x0], $0xffff  }
0x42d: {  	[tilespmem:s29+$0x150] =	vst v10;
	v5 =	vld.idx.msk [tilespmem:v5+s10+$0x0], $0xffff  }
0x42e: {  	v24 =	vld.idx.msk [tilespmem:v8+s10+$0x0], $0xffff;
	_ =	sdelay $0x1  }
0x42f: {  	[tilespmem:s29+$0x3D0] =	vst v7  }
0x430: {  	v25 =	vld [tilespmem:s26+$0xE0];
	[tilespmem:s29+$0xFFFFFFD0] =	vst v6  }
0x431: {  	[tilespmem:s29+$0xFFFFFDD0] =	vst v5;
	v6 =	vld [tilespmem:s26+$0xFFFFFFE0]  }
0x432: {  	[tilespmem:s29+$0x1D0] =	vst v24;
	v5 =	vld [tilespmem:s26+$0xFFFFFF60]  }
0x433: {  	v7 =	vld [tilespmem:s26+$0x60];
	_ =	sdelay $0x4  }
0x434: {  	v26 =	vld.idx.msk [tilespmem:v25+s10+$0x0], $0xffff  }
0x435: {  	v27 =	vadd.s32 $0x8, v25;
	v30 =	vld.idx.msk [tilespmem:v6+s10+$0x0], $0xffff  }
0x436: {  	v31 =	vadd.s32 $0x8, v6;
	v28 =	vld.idx.msk [tilespmem:v5+s10+$0x0], $0xffff  }
0x437: {  	v29 =	vadd.s32 $0x8, v5;
	v32 =	vld.idx.msk [tilespmem:v7+s10+$0x0], $0xffff  }
0x438: {  	v33 =	vadd.s32 $0x8, v7  }
0x439: {  	[tilespmem:s29+$0x260] =	vst v26  }
0x43a: {  	v10 =	vld.idx.msk [tilespmem:v27+s10+$0x0], $0xffff;
	[tilespmem:s29+$0xFFFFFE60] =	vst v30  }
0x43b: {  	v34 =	vadd.s32 $0x10, v25;
	[tilespmem:s29+$0xFFFFFC60] =	vst v28;
	v9 =	vld.idx.msk [tilespmem:v31+s10+$0x0], $0xffff  }
0x43c: {  	v36 =	vadd.s32 $0x10, v6;
	[tilespmem:s29+$0x60] =	vst v32;
	v11 =	vld.idx.msk [tilespmem:v29+s10+$0x0], $0xffff  }
0x43d: {  	v35 =	vadd.s32 $0x10, v5;
	v37 =	vld.idx.msk [tilespmem:v33+s10+$0x0], $0xffff  }
0x43e: {  	v39 =	vadd.s32 $0x10, v7  }
0x43f: {  	[tilespmem:s29+$0x2E0] =	vst v10  }
0x440: {  	v38 =	vld.idx.msk [tilespmem:v34+s10+$0x0], $0xffff;
	[tilespmem:s29+$0xFFFFFEE0] =	vst v9  }
0x441: {  	v8 =	vadd.s32 $0x18, v25;
	[tilespmem:s29+$0xFFFFFCE0] =	vst v11;
	v10 =	vld.idx.msk [tilespmem:v36+s10+$0x0], $0xffff  }
0x442: {  	v6 =	vadd.s32 $0x18, v6;
	[tilespmem:s29+$0xE0] =	vst v37;
	v40 =	vld.idx.msk [tilespmem:v35+s10+$0x0], $0xffff  }
0x443: {  	v5 =	vadd.s32 $0x18, v5;
	v41 =	vld.idx.msk [tilespmem:v39+s10+$0x0], $0xffff  }
0x444: {  	v7 =	vadd.s32 $0x18, v7  }
0x445: {  	[tilespmem:s29+$0x360] =	vst v38  }
0x446: {  	v8 =	vld.idx.msk [tilespmem:v8+s10+$0x0], $0xffff;
	[tilespmem:s29+$0xFFFFFF60] =	vst v10  }
0x447: {  	[tilespmem:s29+$0xFFFFFD60] =	vst v40;
	v6 =	vld.idx.msk [tilespmem:v6+s10+$0x0], $0xffff  }
0x448: {  	[tilespmem:s29+$0x160] =	vst v41;
	v5 =	vld.idx.msk [tilespmem:v5+s10+$0x0], $0xffff  }
0x449: {  	v7 =	vld.idx.msk [tilespmem:v7+s10+$0x0], $0xffff;
	_ =	sdelay $0x1  }
0x44a: {  	[tilespmem:s29+$0x3E0] =	vst v8  }
0x44b: {  	v8 =	vld [tilespmem:s26+$0xF0];
	[tilespmem:s29+$0xFFFFFFE0] =	vst v6  }
0x44c: {  	[tilespmem:s29+$0xFFFFFDE0] =	vst v5;
	v6 =	vld [tilespmem:s26+$0xFFFFFFF0]  }
0x44d: {  	[tilespmem:s29+$0x1E0] =	vst v7;
	v5 =	vld [tilespmem:s26+$0xFFFFFF70]  }
0x44e: {  	v7 =	vld [tilespmem:s26+$0x70];
	_ =	sdelay $0x4  }
0x44f: {  	v42 =	vld.idx.msk [tilespmem:v8+s10+$0x0], $0xffff  }
0x450: {  	v43 =	vadd.s32 $0x8, v8;
	v46 =	vld.idx.msk [tilespmem:v6+s10+$0x0], $0xffff  }
0x451: {  	v47 =	vadd.s32 $0x8, v6;
	v44 =	vld.idx.msk [tilespmem:v5+s10+$0x0], $0xffff  }
0x452: {  	v45 =	vadd.s32 $0x8, v5;
	v48 =	vld.idx.msk [tilespmem:v7+s10+$0x0], $0xffff  }
0x453: {  	v49 =	vadd.s32 $0x8, v7  }
0x454: {  	[tilespmem:s29+$0x270] =	vst v42  }
0x455: {  	v10 =	vld.idx.msk [tilespmem:v43+s10+$0x0], $0xffff;
	[tilespmem:s29+$0xFFFFFE70] =	vst v46  }
0x456: {  	v50 =	vadd.s32 $0x10, v8;
	[tilespmem:s29+$0xFFFFFC70] =	vst v44;
	v9 =	vld.idx.msk [tilespmem:v47+s10+$0x0], $0xffff  }
0x457: {  	v52 =	vadd.s32 $0x10, v6;
	[tilespmem:s29+$0x70] =	vst v48;
	v11 =	vld.idx.msk [tilespmem:v45+s10+$0x0], $0xffff  }
0x458: {  	v51 =	vadd.s32 $0x10, v5;
	v53 =	vld.idx.msk [tilespmem:v49+s10+$0x0], $0xffff  }
0x459: {  	[tilespmem:s25+$0xFFFFFF70] =	vst v4;
	v55 =	vadd.s32 $0x10, v7  }
0x45a: {  	[tilespmem:s29+$0x2F0] =	vst v10  }
0x45b: {  	v54 =	vld.idx.msk [tilespmem:v50+s10+$0x0], $0xffff;
	[tilespmem:s29+$0xFFFFFEF0] =	vst v9  }
0x45c: {  	v56 =	vadd.s32 $0x18, v8;
	[tilespmem:s29+$0xFFFFFCF0] =	vst v11;
	v9 =	vld.idx.msk [tilespmem:v52+s10+$0x0], $0xffff  }
0x45d: {  	v6 =	vadd.s32 $0x18, v6;
	[tilespmem:s29+$0xF0] =	vst v53;
	v57 =	vld.idx.msk [tilespmem:v51+s10+$0x0], $0xffff  }
0x45e: {  	[tilespmem:s25+$0x170] =	vst v2;
	v5 =	vadd.s32 $0x18, v5;
	v58 =	vld.idx.msk [tilespmem:v55+s10+$0x0], $0xffff  }
0x45f: {  	v0 =	vld.idx.msk [tilespmem:v0+s10+$0x0], $0xffff;
	[tilespmem:s25+$0xFFFFFDF0] =	vst v3;
	v60 =	vadd.s32 $0x18, v7  }
0x460: {  	v1 =	vld.idx.msk [tilespmem:v1+s10+$0x0], $0xffff;
	[tilespmem:s29+$0x370] =	vst v54  }
0x461: {  	v59 =	vld.idx.msk [tilespmem:v56+s10+$0x0], $0xffff;
	[tilespmem:s29+$0xFFFFFF70] =	vst v9  }
0x462: {  	[tilespmem:s29+$0xFFFFFD70] =	vst v57;
	v62 =	vld.idx.msk [tilespmem:v6+s10+$0x0], $0xffff  }
0x463: {  	[tilespmem:s29+$0x170] =	vst v58;
	v61 =	vld.idx.msk [tilespmem:v5+s10+$0x0], $0xffff  }
0x464: {  	s22 =	sadd.s32 $0x1, s22;
	[tilespmem:s25+$0xFFFFFFF0] =	vst v0;
	v63 =	vld.idx.msk [tilespmem:v60+s10+$0x0], $0xffff  }
0x465: {  	p0 =	sne.s32 s22, $0xC;
	[tilespmem:s25+$0x1F0] =	vst v1  }
.Ltmp2:
0x466: {  	s2 =	sshll.u32 s24, $0x10;
	s23 =	sshll.u32 s23, $0xE;
	[tilespmem:s29+$0x3F0] =	vst v59;
	(pc) =	sbr.rel @p0 .LBB2_2-.Ltmp2, $4  }
0x467: {  	s2 =	sor.u32 s23, s2;
	[tilespmem:s29+$0xFFFFFFF0] =	vst v62  }
0x468: {  	s2 =	sshrl.u32 s2, $0x3;
	[tilespmem:s29+$0xFFFFFDF0] =	vst v61  }
0x469: {  	s2 =	sadd.s32 s3, s2;
	[tilespmem:s29+$0x1F0] =	vst v63  }
0x46a: {  	[hbm4b:s2+s4] =	stream.linear.scatter [tilespmem:s18], [sflag:$0x4], $0x4000, $0x38;
	[tilespmem:$0xA080] =	vst v63  }
0x46b: {  	_ =	swait.ge [sflag:s15], $0x1000  }
0x46c: {  	[sflag:s15] =	ssyncset.done $0x0  }
0x46d: {  	[sflag:s15] =	ssyncadd.s32 $0xFFFFF000  }
0x46e: {  	_ =	swait.ge [sflag:s19], $0x4000  }
0x46f: {  	[sflag:s19] =	ssyncset.done $0x0  }
0x470: {  	s2 =	simm.s32 $0x100;
	[sflag:s19] =	ssyncadd.s32 $0xFFFFC000  }
0x471: {  	v0 =	vld [tilespmem:s2+$0x80];
	_ =	sdelay $0x2  }
0x472: {  	v1 =	vld [tilespmem:s2+$0xFFFFFF80]  }
0x473: {  	v3 =	vld [tilespmem:s2+$0xFFFFFF00]  }
0x474: {  	v2 =	vld [tilespmem:s2+$0x0];
	_ =	sdelay $0x2  }
0x475: {  	v4 =	vld.idx.msk [tilespmem:v0+s10+$0x0], $0xffff  }
0x476: {  	v5 =	vadd.s32 $0x8, v0;
	_ =	sdelay $0x1  }
0x477: {  	v6 =	vld.idx.msk [tilespmem:v1+s10+$0x0], $0xffff  }
0x478: {  	s22 =	simm.s32 $0x2400;
	v7 =	vadd.s32 $0x8, v1;
	v10 =	vld.idx.msk [tilespmem:v3+s10+$0x0], $0xffff  }
0x479: {  	v8 =	vld.idx.msk [tilespmem:v2+s10+$0x0], $0xffff;
	[tilespmem:s22+$0x200] =	vst v4;
	v4 =	vadd.s32 $0x8, v3  }
0x47a: {  	v9 =	vadd.s32 $0x8, v2;
	v5 =	vld.idx.msk [tilespmem:v5+s10+$0x0], $0xffff  }
0x47b: {  	v11 =	vadd.s32 $0x10, v0  }
0x47c: {  	[tilespmem:s22+$0xFFFFFE00] =	vst v6  }
0x47d: {  	[tilespmem:s22+$0xFFFFFC00] =	vst v10;
	v6 =	vld.idx.msk [tilespmem:v7+s10+$0x0], $0xffff  }
0x47e: {  	[tilespmem:s22+$0x0] =	vst v8;
	v7 =	vadd.s32 $0x10, v1;
	v4 =	vld.idx.msk [tilespmem:v4+s10+$0x0], $0xffff  }
0x47f: {  	v8 =	vld.idx.msk [tilespmem:v9+s10+$0x0], $0xffff;
	[tilespmem:s22+$0x280] =	vst v5;
	v5 =	vadd.s32 $0x10, v3  }
0x480: {  	v9 =	vadd.s32 $0x10, v2;
	v10 =	vld.idx.msk [tilespmem:v11+s10+$0x0], $0xffff  }
0x481: {  	v0 =	vadd.s32 $0x18, v0  }
0x482: {  	[tilespmem:s22+$0xFFFFFE80] =	vst v6  }
0x483: {  	v6 =	vld.idx.msk [tilespmem:v7+s10+$0x0], $0xffff;
	[tilespmem:s22+$0xFFFFFC80] =	vst v4  }
0x484: {  	v1 =	vadd.s32 $0x18, v1;
	[tilespmem:s22+$0x80] =	vst v8;
	v5 =	vld.idx.msk [tilespmem:v5+s10+$0x0], $0xffff  }
0x485: {  	v3 =	vadd.s32 $0x18, v3;
	v4 =	vld.idx.msk [tilespmem:v9+s10+$0x0], $0xffff;
	[tilespmem:s22+$0x300] =	vst v10  }
0x486: {  	v2 =	vadd.s32 $0x18, v2;
	v0 =	vld.idx.msk [tilespmem:v0+s10+$0x0], $0xffff;
	_ =	sdelay $0x1  }
0x487: {  	[tilespmem:s22+$0xFFFFFF00] =	vst v6  }
0x488: {  	v1 =	vld.idx.msk [tilespmem:v1+s10+$0x0], $0xffff;
	[tilespmem:s22+$0xFFFFFD00] =	vst v5  }
0x489: {  	[tilespmem:s22+$0x100] =	vst v4;
	v3 =	vld.idx.msk [tilespmem:v3+s10+$0x0], $0xffff  }
0x48a: {  	v2 =	vld.idx.msk [tilespmem:v2+s10+$0x0], $0xffff;
	[tilespmem:s22+$0x380] =	vst v0  }
0x48b: {  	v0 =	vld [tilespmem:s2+$0x90];
	_ =	sdelay $0x1  }
0x48c: {  	[tilespmem:s22+$0xFFFFFF80] =	vst v1  }
0x48d: {  	v1 =	vld [tilespmem:s2+$0xFFFFFF90];
	[tilespmem:s22+$0xFFFFFD80] =	vst v3  }
0x48e: {  	[tilespmem:s22+$0x180] =	vst v2;
	v3 =	vld [tilespmem:s2+$0xFFFFFF10]  }
0x48f: {  	v2 =	vld [tilespmem:s2+$0x10];
	_ =	sdelay $0x2  }
0x490: {  	v4 =	vld.idx.msk [tilespmem:v0+s10+$0x0], $0xffff  }
0x491: {  	v5 =	vadd.s32 $0x8, v0;
	_ =	sdelay $0x1  }
0x492: {  	v6 =	vld.idx.msk [tilespmem:v1+s10+$0x0], $0xffff  }
0x493: {  	v7 =	vadd.s32 $0x8, v1;
	v10 =	vld.idx.msk [tilespmem:v3+s10+$0x0], $0xffff  }
0x494: {  	v8 =	vld.idx.msk [tilespmem:v2+s10+$0x0], $0xffff;
	[tilespmem:s22+$0x210] =	vst v4;
	v4 =	vadd.s32 $0x8, v3  }
0x495: {  	v9 =	vadd.s32 $0x8, v2;
	v5 =	vld.idx.msk [tilespmem:v5+s10+$0x0], $0xffff  }
0x496: {  	v11 =	vadd.s32 $0x10, v0  }
0x497: {  	[tilespmem:s22+$0xFFFFFE10] =	vst v6  }
0x498: {  	v6 =	vld.idx.msk [tilespmem:v7+s10+$0x0], $0xffff;
	[tilespmem:s22+$0xFFFFFC10] =	vst v10  }
0x499: {  	v7 =	vadd.s32 $0x10, v1;
	[tilespmem:s22+$0x10] =	vst v8;
	v4 =	vld.idx.msk [tilespmem:v4+s10+$0x0], $0xffff  }
0x49a: {  	v8 =	vld.idx.msk [tilespmem:v9+s10+$0x0], $0xffff;
	[tilespmem:s22+$0x290] =	vst v5;
	v5 =	vadd.s32 $0x10, v3  }
0x49b: {  	v9 =	vadd.s32 $0x10, v2;
	v10 =	vld.idx.msk [tilespmem:v11+s10+$0x0], $0xffff  }
0x49c: {  	v0 =	vadd.s32 $0x18, v0  }
0x49d: {  	[tilespmem:s22+$0xFFFFFE90] =	vst v6  }
0x49e: {  	v6 =	vld.idx.msk [tilespmem:v7+s10+$0x0], $0xffff;
	[tilespmem:s22+$0xFFFFFC90] =	vst v4  }
0x49f: {  	v1 =	vadd.s32 $0x18, v1;
	[tilespmem:s22+$0x90] =	vst v8;
	v5 =	vld.idx.msk [tilespmem:v5+s10+$0x0], $0xffff  }
0x4a0: {  	v3 =	vadd.s32 $0x18, v3;
	v4 =	vld.idx.msk [tilespmem:v9+s10+$0x0], $0xffff;
	[tilespmem:s22+$0x310] =	vst v10  }
0x4a1: {  	v2 =	vadd.s32 $0x18, v2;
	v0 =	vld.idx.msk [tilespmem:v0+s10+$0x0], $0xffff;
	_ =	sdelay $0x1  }
0x4a2: {  	[tilespmem:s22+$0xFFFFFF10] =	vst v6  }
0x4a3: {  	v1 =	vld.idx.msk [tilespmem:v1+s10+$0x0], $0xffff;
	[tilespmem:s22+$0xFFFFFD10] =	vst v5  }
0x4a4: {  	[tilespmem:s22+$0x110] =	vst v4;
	v3 =	vld.idx.msk [tilespmem:v3+s10+$0x0], $0xffff  }
0x4a5: {  	v2 =	vld.idx.msk [tilespmem:v2+s10+$0x0], $0xffff;
	[tilespmem:s22+$0x390] =	vst v0  }
0x4a6: {  	v0 =	vld [tilespmem:s2+$0xA0];
	_ =	sdelay $0x1  }
0x4a7: {  	[tilespmem:s22+$0xFFFFFF90] =	vst v1  }
0x4a8: {  	v1 =	vld [tilespmem:s2+$0xFFFFFFA0];
	[tilespmem:s22+$0xFFFFFD90] =	vst v3  }
0x4a9: {  	[tilespmem:s22+$0x190] =	vst v2;
	v3 =	vld [tilespmem:s2+$0xFFFFFF20]  }
0x4aa: {  	v2 =	vld [tilespmem:s2+$0x20];
	_ =	sdelay $0x2  }
0x4ab: {  	v4 =	vld.idx.msk [tilespmem:v0+s10+$0x0], $0xffff  }
0x4ac: {  	v5 =	vadd.s32 $0x8, v0;
	_ =	sdelay $0x1  }
0x4ad: {  	v6 =	vld.idx.msk [tilespmem:v1+s10+$0x0], $0xffff  }
0x4ae: {  	v7 =	vadd.s32 $0x8, v1;
	v10 =	vld.idx.msk [tilespmem:v3+s10+$0x0], $0xffff  }
0x4af: {  	v8 =	vld.idx.msk [tilespmem:v2+s10+$0x0], $0xffff;
	[tilespmem:s22+$0x220] =	vst v4;
	v4 =	vadd.s32 $0x8, v3  }
0x4b0: {  	v9 =	vadd.s32 $0x8, v2;
	v5 =	vld.idx.msk [tilespmem:v5+s10+$0x0], $0xffff  }
0x4b1: {  	v11 =	vadd.s32 $0x10, v0  }
0x4b2: {  	[tilespmem:s22+$0xFFFFFE20] =	vst v6  }
0x4b3: {  	v6 =	vld.idx.msk [tilespmem:v7+s10+$0x0], $0xffff;
	[tilespmem:s22+$0xFFFFFC20] =	vst v10  }
0x4b4: {  	v7 =	vadd.s32 $0x10, v1;
	[tilespmem:s22+$0x20] =	vst v8;
	v4 =	vld.idx.msk [tilespmem:v4+s10+$0x0], $0xffff  }
0x4b5: {  	v8 =	vld.idx.msk [tilespmem:v9+s10+$0x0], $0xffff;
	[tilespmem:s22+$0x2A0] =	vst v5;
	v5 =	vadd.s32 $0x10, v3  }
0x4b6: {  	v9 =	vadd.s32 $0x10, v2;
	v10 =	vld.idx.msk [tilespmem:v11+s10+$0x0], $0xffff  }
0x4b7: {  	v0 =	vadd.s32 $0x18, v0  }
0x4b8: {  	[tilespmem:s22+$0xFFFFFEA0] =	vst v6  }
0x4b9: {  	v6 =	vld.idx.msk [tilespmem:v7+s10+$0x0], $0xffff;
	[tilespmem:s22+$0xFFFFFCA0] =	vst v4  }
0x4ba: {  	v1 =	vadd.s32 $0x18, v1;
	[tilespmem:s22+$0xA0] =	vst v8;
	v5 =	vld.idx.msk [tilespmem:v5+s10+$0x0], $0xffff  }
0x4bb: {  	v3 =	vadd.s32 $0x18, v3;
	v4 =	vld.idx.msk [tilespmem:v9+s10+$0x0], $0xffff;
	[tilespmem:s22+$0x320] =	vst v10  }
0x4bc: {  	v2 =	vadd.s32 $0x18, v2;
	v0 =	vld.idx.msk [tilespmem:v0+s10+$0x0], $0xffff;
	_ =	sdelay $0x1  }
0x4bd: {  	[tilespmem:s22+$0xFFFFFF20] =	vst v6  }
0x4be: {  	v1 =	vld.idx.msk [tilespmem:v1+s10+$0x0], $0xffff;
	[tilespmem:s22+$0xFFFFFD20] =	vst v5  }
0x4bf: {  	[tilespmem:s22+$0x120] =	vst v4;
	v3 =	vld.idx.msk [tilespmem:v3+s10+$0x0], $0xffff  }
0x4c0: {  	v2 =	vld.idx.msk [tilespmem:v2+s10+$0x0], $0xffff;
	[tilespmem:s22+$0x3A0] =	vst v0  }
0x4c1: {  	v0 =	vld [tilespmem:s2+$0xB0];
	_ =	sdelay $0x1  }
0x4c2: {  	[tilespmem:s22+$0xFFFFFFA0] =	vst v1  }
0x4c3: {  	v1 =	vld [tilespmem:s2+$0xFFFFFFB0];
	[tilespmem:s22+$0xFFFFFDA0] =	vst v3  }
0x4c4: {  	[tilespmem:s22+$0x1A0] =	vst v2;
	v3 =	vld [tilespmem:s2+$0xFFFFFF30]  }
0x4c5: {  	v2 =	vld [tilespmem:s2+$0x30];
	_ =	sdelay $0x2  }
0x4c6: {  	v4 =	vld.idx.msk [tilespmem:v0+s10+$0x0], $0xffff  }
0x4c7: {  	v5 =	vadd.s32 $0x8, v0;
	_ =	sdelay $0x1  }
0x4c8: {  	v6 =	vld.idx.msk [tilespmem:v1+s10+$0x0], $0xffff  }
0x4c9: {  	v7 =	vadd.s32 $0x8, v1;
	v10 =	vld.idx.msk [tilespmem:v3+s10+$0x0], $0xffff  }
0x4ca: {  	v8 =	vld.idx.msk [tilespmem:v2+s10+$0x0], $0xffff;
	[tilespmem:s22+$0x230] =	vst v4;
	v4 =	vadd.s32 $0x8, v3  }
0x4cb: {  	v9 =	vadd.s32 $0x8, v2;
	v5 =	vld.idx.msk [tilespmem:v5+s10+$0x0], $0xffff  }
0x4cc: {  	v11 =	vadd.s32 $0x10, v0  }
0x4cd: {  	[tilespmem:s22+$0xFFFFFE30] =	vst v6  }
0x4ce: {  	v6 =	vld.idx.msk [tilespmem:v7+s10+$0x0], $0xffff;
	[tilespmem:s22+$0xFFFFFC30] =	vst v10  }
0x4cf: {  	v7 =	vadd.s32 $0x10, v1;
	[tilespmem:s22+$0x30] =	vst v8;
	v4 =	vld.idx.msk [tilespmem:v4+s10+$0x0], $0xffff  }
0x4d0: {  	v8 =	vld.idx.msk [tilespmem:v9+s10+$0x0], $0xffff;
	[tilespmem:s22+$0x2B0] =	vst v5;
	v5 =	vadd.s32 $0x10, v3  }
0x4d1: {  	v9 =	vadd.s32 $0x10, v2;
	v10 =	vld.idx.msk [tilespmem:v11+s10+$0x0], $0xffff  }
0x4d2: {  	v0 =	vadd.s32 $0x18, v0  }
0x4d3: {  	[tilespmem:s22+$0xFFFFFEB0] =	vst v6  }
0x4d4: {  	v6 =	vld.idx.msk [tilespmem:v7+s10+$0x0], $0xffff;
	[tilespmem:s22+$0xFFFFFCB0] =	vst v4  }
0x4d5: {  	v1 =	vadd.s32 $0x18, v1;
	[tilespmem:s22+$0xB0] =	vst v8;
	v5 =	vld.idx.msk [tilespmem:v5+s10+$0x0], $0xffff  }
0x4d6: {  	v3 =	vadd.s32 $0x18, v3;
	v4 =	vld.idx.msk [tilespmem:v9+s10+$0x0], $0xffff;
	[tilespmem:s22+$0x330] =	vst v10  }
0x4d7: {  	v2 =	vadd.s32 $0x18, v2;
	v0 =	vld.idx.msk [tilespmem:v0+s10+$0x0], $0xffff;
	_ =	sdelay $0x1  }
0x4d8: {  	[tilespmem:s22+$0xFFFFFF30] =	vst v6  }
0x4d9: {  	v1 =	vld.idx.msk [tilespmem:v1+s10+$0x0], $0xffff;
	[tilespmem:s22+$0xFFFFFD30] =	vst v5  }
0x4da: {  	[tilespmem:s22+$0x130] =	vst v4;
	v3 =	vld.idx.msk [tilespmem:v3+s10+$0x0], $0xffff  }
0x4db: {  	v2 =	vld.idx.msk [tilespmem:v2+s10+$0x0], $0xffff;
	[tilespmem:s22+$0x3B0] =	vst v0  }
0x4dc: {  	v0 =	vld [tilespmem:s2+$0xC0];
	_ =	sdelay $0x2  }
0x4dd: {  	[tilespmem:s22+$0xFFFFFDB0] =	vst v3  }
0x4de: {  	[tilespmem:s22+$0xFFFFFFB0] =	vst v1;
	v3 =	vld [tilespmem:s2+$0xFFFFFF40]  }
0x4df: {  	v1 =	vld [tilespmem:s2+$0xFFFFFFC0];
	[tilespmem:s22+$0x1B0] =	vst v2  }
0x4e0: {  	s23 =	simm.s32 $0x300;
	v2 =	vld [tilespmem:s2+$0x40]  }
0x4e1: {  	v11 =	vld [tilespmem:s23+$0xFFFFFF80]  }
0x4e2: {  	v4 =	vld.idx.msk [tilespmem:v0+s10+$0x0], $0xffff;
	_ =	sdelay $0x1  }
0x4e3: {  	v14 =	vld [tilespmem:s23+$0x0];
	v5 =	vadd.s32 $0x8, v0  }
0x4e4: {  	v10 =	vld [tilespmem:s23+$0x80]  }
0x4e5: {  	v8 =	vld.idx.msk [tilespmem:v3+s10+$0x0], $0xffff  }
0x4e6: {  	v6 =	vld.idx.msk [tilespmem:v1+s10+$0x0], $0xffff;
	[tilespmem:s22+$0x240] =	vst v4;
	v4 =	vadd.s32 $0x8, v3  }
0x4e7: {  	v9 =	vadd.s32 $0x8, v1;
	v7 =	vld.idx.msk [tilespmem:v2+s10+$0x0], $0xffff  }
0x4e8: {  	v13 =	vadd.s32 $0x8, v2;
	v5 =	vld.idx.msk [tilespmem:v5+s10+$0x0], $0xffff  }
0x4e9: {  	v15 =	vld.idx.msk [tilespmem:v11+s10+$0x0], $0xffff;
	v12 =	vadd.s32 $0x10, v0  }
0x4ea: {  	[tilespmem:s22+$0xFFFFFC40] =	vst v8;
	v8 =	vld [tilespmem:s23+$0xFFFFFF00]  }
0x4eb: {  	[tilespmem:s22+$0xFFFFFE40] =	vst v6;
	v4 =	vld.idx.msk [tilespmem:v4+s10+$0x0], $0xffff  }
0x4ec: {  	v6 =	vld.idx.msk [tilespmem:v9+s10+$0x0], $0xffff;
	[tilespmem:s22+$0x40] =	vst v7;
	v7 =	vadd.s32 $0x10, v3  }
0x4ed: {  	v9 =	vld.idx.msk [tilespmem:v13+s10+$0x0], $0xffff;
	[tilespmem:s22+$0x2C0] =	vst v5  }
0x4ee: {  	v18 =	vadd.s32 $0x8, v11;
	v5 =	vld.idx.msk [tilespmem:v12+s10+$0x0], $0xffff  }
0x4ef: {  	v13 =	vadd.s32 $0x10, v1;
	v12 =	vld.idx.msk [tilespmem:v10+s10+$0x0], $0xffff  }
0x4f0: {  	s24 =	simm.s32 $0x2C00;
	v16 =	vld.idx.msk [tilespmem:v14+s10+$0x0], $0xffff;
	v0 =	vadd.s32 $0x18, v0;
	[tilespmem:s22+$0xFFFFFCC0] =	vst v4  }
0x4f1: {  	v17 =	vadd.s32 $0x8, v10;
	[tilespmem:s24+$0xFFFFFE00] =	vst v15;
	v7 =	vld.idx.msk [tilespmem:v7+s10+$0x0], $0xffff  }
0x4f2: {  	v19 =	vadd.s32 $0x8, v14;
	[tilespmem:s22+$0xFFFFFEC0] =	vst v6;
	v4 =	vld.idx.msk [tilespmem:v8+s10+$0x0], $0xffff  }
0x4f3: {  	v15 =	vld.idx.msk [tilespmem:v18+s10+$0x0], $0xffff;
	v3 =	vadd.s32 $0x18, v3;
	[tilespmem:s22+$0x340] =	vst v5  }
0x4f4: {  	v5 =	vadd.s32 $0x8, v8;
	[tilespmem:s24+$0x200] =	vst v12;
	v12 =	vld.idx.msk [tilespmem:v13+s10+$0x0], $0xffff  }
0x4f5: {  	[tilespmem:s24+$0x0] =	vst v16;
	v1 =	vadd.s32 $0x18, v1;
	v0 =	vld.idx.msk [tilespmem:v0+s10+$0x0], $0xffff  }
0x4f6: {  	v13 =	vld.idx.msk [tilespmem:v17+s10+$0x0], $0xffff;
	[tilespmem:s22+$0xFFFFFD40] =	vst v7  }
0x4f7: {  	v6 =	vadd.s32 $0x10, v2;
	[tilespmem:s24+$0xFFFFFC00] =	vst v4;
	v4 =	vld.idx.msk [tilespmem:v19+s10+$0x0], $0xffff  }
0x4f8: {  	[tilespmem:s22+$0xC0] =	vst v9;
	v17 =	vadd.s32 $0x10, v11;
	v3 =	vld.idx.msk [tilespmem:v3+s10+$0x0], $0xffff  }
0x4f9: {  	v16 =	vadd.s32 $0x10, v10;
	[tilespmem:s22+$0xFFFFFF40] =	vst v12;
	v5 =	vld.idx.msk [tilespmem:v5+s10+$0x0], $0xffff  }
0x4fa: {  	v9 =	vadd.s32 $0x10, v14;
	[tilespmem:s22+$0x3C0] =	vst v0;
	v1 =	vld.idx.msk [tilespmem:v1+s10+$0x0], $0xffff  }
0x4fb: {  	[tilespmem:s24+$0xFFFFFE80] =	vst v15;
	v7 =	vld [tilespmem:s2+$0xD0]  }
0x4fc: {  	v6 =	vld.idx.msk [tilespmem:v6+s10+$0x0], $0xffff;
	v0 =	vadd.s32 $0x10, v8;
	[tilespmem:s24+$0x280] =	vst v13  }
0x4fd: {  	v2 =	vadd.s32 $0x18, v2;
	v15 =	vld.idx.msk [tilespmem:v17+s10+$0x0], $0xffff;
	[tilespmem:s24+$0x80] =	vst v4  }
0x4fe: {  	v13 =	vld.idx.msk [tilespmem:v16+s10+$0x0], $0xffff;
	[tilespmem:s22+$0xFFFFFDC0] =	vst v3  }
0x4ff: {  	[tilespmem:s24+$0xFFFFFC80] =	vst v5;
	v4 =	vld.idx.msk [tilespmem:v9+s10+$0x0], $0xffff;
	v5 =	vadd.s32 $0x18, v10  }
0x500: {  	v9 =	vadd.s32 $0x18, v11;
	[tilespmem:s22+$0xFFFFFFC0] =	vst v1;
	v1 =	vld [tilespmem:s2+$0xFFFFFF50]  }
0x501: {  	[tilespmem:s22+$0x140] =	vst v6;
	v10 =	vadd.s32 $0x18, v14;
	v0 =	vld.idx.msk [tilespmem:v0+s10+$0x0], $0xffff  }
0x502: {  	v6 =	vadd.s32 $0x18, v8;
	v2 =	vld.idx.msk [tilespmem:v2+s10+$0x0], $0xffff  }
0x503: {  	[tilespmem:s24+$0x300] =	vst v13;
	v8 =	vld.idx.msk [tilespmem:v7+s10+$0x0], $0xffff  }
0x504: {  	[tilespmem:s24+$0xFFFFFF00] =	vst v15;
	v5 =	vld.idx.msk [tilespmem:v5+s10+$0x0], $0xffff  }
0x505: {  	v9 =	vld.idx.msk [tilespmem:v9+s10+$0x0], $0xffff;
	[tilespmem:s24+$0x100] =	vst v4;
	v4 =	vadd.s32 $0x8, v7  }
0x506: {  	[tilespmem:s24+$0xFFFFFD00] =	vst v0;
	v0 =	vld.idx.msk [tilespmem:v10+s10+$0x0], $0xffff  }
0x507: {  	v3 =	vld.idx.msk [tilespmem:v6+s10+$0x0], $0xffff  }
0x508: {  	[tilespmem:s22+$0x1C0] =	vst v2;
	v6 =	vld [tilespmem:s2+$0xFFFFFFD0]  }
0x509: {  	v10 =	vld.idx.msk [tilespmem:v1+s10+$0x0], $0xffff;
	[tilespmem:s22+$0x250] =	vst v8  }
0x50a: {  	[tilespmem:s24+$0x380] =	vst v5;
	v4 =	vld.idx.msk [tilespmem:v4+s10+$0x0], $0xffff  }
0x50b: {  	[tilespmem:s24+$0xFFFFFF80] =	vst v9;
	v9 =	vld [tilespmem:s2+$0x50]  }
0x50c: {  	v5 =	vld [tilespmem:s23+$0x90]  }
0x50d: {  	v8 =	vld [tilespmem:s23+$0xFFFFFF90];
	[tilespmem:s24+$0x180] =	vst v0;
	v0 =	vadd.s32 $0x10, v7  }
0x50e: {  	[tilespmem:s24+$0xFFFFFD80] =	vst v3;
	v3 =	vld [tilespmem:s23+$0x10]  }
0x50f: {  	v2 =	vld [tilespmem:s23+$0xFFFFFF10];
	_ =	sdelay $0x1  }
0x510: {  	[tilespmem:s22+$0x2D0] =	vst v4;
	v4 =	vld.idx.msk [tilespmem:v6+s10+$0x0], $0xffff  }
0x511: {  	v0 =	vld.idx.msk [tilespmem:v0+s10+$0x0], $0xffff  }
0x512: {  	[tilespmem:s22+$0xFFFFFC50] =	vst v10;
	v10 =	vadd.s32 $0x8, v6;
	v19 =	vld.idx.msk [tilespmem:v9+s10+$0x0], $0xffff  }
0x513: {  	v7 =	vadd.s32 $0x18, v7;
	v11 =	vld.idx.msk [tilespmem:v5+s10+$0x0], $0xffff  }
0x514: {  	v12 =	vadd.s32 $0x8, v1;
	v13 =	vld.idx.msk [tilespmem:v8+s10+$0x0], $0xffff  }
0x515: {  	v15 =	vadd.s32 $0x8, v5;
	v14 =	vld.idx.msk [tilespmem:v3+s10+$0x0], $0xffff  }
0x516: {  	v16 =	vadd.s32 $0x8, v8;
	[tilespmem:s22+$0xFFFFFE50] =	vst v4;
	v17 =	vld.idx.msk [tilespmem:v2+s10+$0x0], $0xffff  }
0x517: {  	v18 =	vadd.s32 $0x8, v3;
	[tilespmem:s22+$0x350] =	vst v0;
	v10 =	vld.idx.msk [tilespmem:v10+s10+$0x0], $0xffff  }
0x518: {  	v0 =	vadd.s32 $0x8, v2;
	v7 =	vld.idx.msk [tilespmem:v7+s10+$0x0], $0xffff;
	[tilespmem:s22+$0x50] =	vst v19  }
0x519: {  	[tilespmem:s24+$0x210] =	vst v11;
	v11 =	vld.idx.msk [tilespmem:v12+s10+$0x0], $0xffff  }
0x51a: {  	[tilespmem:s24+$0xFFFFFE10] =	vst v13;
	v13 =	vadd.s32 $0x8, v9;
	v12 =	vld.idx.msk [tilespmem:v15+s10+$0x0], $0xffff  }
0x51b: {  	v15 =	vld.idx.msk [tilespmem:v16+s10+$0x0], $0xffff;
	[tilespmem:s24+$0x10] =	vst v14;
	v16 =	vadd.s32 $0x10, v5  }
0x51c: {  	[tilespmem:s24+$0xFFFFFC10] =	vst v17;
	v14 =	vld.idx.msk [tilespmem:v18+s10+$0x0], $0xffff;
	v17 =	vadd.s32 $0x10, v8  }
0x51d: {  	v4 =	vadd.s32 $0x10, v3;
	v0 =	vld.idx.msk [tilespmem:v0+s10+$0x0], $0xffff;
	[tilespmem:s22+$0x3D0] =	vst v7  }
0x51e: {  	v19 =	vadd.s32 $0x10, v1;
	v18 =	vld [tilespmem:s2+$0xE0];
	[tilespmem:s22+$0xFFFFFCD0] =	vst v11  }
0x51f: {  	v7 =	vadd.s32 $0x10, v2;
	[tilespmem:s24+$0x290] =	vst v12;
	v12 =	vld.idx.msk [tilespmem:v13+s10+$0x0], $0xffff  }
0x520: {  	v13 =	vadd.s32 $0x10, v6;
	[tilespmem:s24+$0xFFFFFE90] =	vst v15;
	v15 =	vld.idx.msk [tilespmem:v16+s10+$0x0], $0xffff  }
0x521: {  	v16 =	vld.idx.msk [tilespmem:v17+s10+$0x0], $0xffff;
	[tilespmem:s24+$0x90] =	vst v14  }
0x522: {  	[tilespmem:s24+$0xFFFFFC90] =	vst v0;
	v0 =	vld.idx.msk [tilespmem:v4+s10+$0x0], $0xffff;
	v4 =	vadd.s32 $0x18, v5  }
0x523: {  	v5 =	vadd.s32 $0x18, v8;
	v8 =	vld.idx.msk [tilespmem:v19+s10+$0x0], $0xffff  }
0x524: {  	v3 =	vadd.s32 $0x18, v3;
	[tilespmem:s22+$0xFFFFFED0] =	vst v10;
	v7 =	vld.idx.msk [tilespmem:v7+s10+$0x0], $0xffff  }
0x525: {  	v11 =	vadd.s32 $0x10, v9;
	v10 =	vld.idx.msk [tilespmem:v13+s10+$0x0], $0xffff;
	[tilespmem:s22+$0xD0] =	vst v12  }
0x526: {  	v1 =	vadd.s32 $0x18, v1;
	[tilespmem:s24+$0x310] =	vst v15;
	v13 =	vld.idx.msk [tilespmem:v18+s10+$0x0], $0xffff  }
0x527: {  	v2 =	vadd.s32 $0x18, v2;
	[tilespmem:s24+$0xFFFFFF10] =	vst v16;
	v4 =	vld.idx.msk [tilespmem:v4+s10+$0x0], $0xffff  }
0x528: {  	v6 =	vadd.s32 $0x18, v6;
	v5 =	vld.idx.msk [tilespmem:v5+s10+$0x0], $0xffff;
	[tilespmem:s24+$0x110] =	vst v0  }
0x529: {  	v0 =	vadd.s32 $0x8, v18;
	[tilespmem:s22+$0xFFFFFD50] =	vst v8;
	v3 =	vld.idx.msk [tilespmem:v3+s10+$0x0], $0xffff  }
0x52a: {  	[tilespmem:s24+$0xFFFFFD10] =	vst v7;
	v7 =	vld.idx.msk [tilespmem:v11+s10+$0x0], $0xffff  }
0x52b: {  	v1 =	vld.idx.msk [tilespmem:v1+s10+$0x0], $0xffff  }
0x52c: {  	v2 =	vld.idx.msk [tilespmem:v2+s10+$0x0], $0xffff;
	[tilespmem:s22+$0xFFFFFF50] =	vst v10  }
0x52d: {  	[tilespmem:s22+$0x260] =	vst v13;
	v6 =	vld.idx.msk [tilespmem:v6+s10+$0x0], $0xffff  }
0x52e: {  	[tilespmem:s24+$0x390] =	vst v4;
	v0 =	vld.idx.msk [tilespmem:v0+s10+$0x0], $0xffff  }
0x52f: {  	v4 =	vadd.s32 $0x18, v9;
	[tilespmem:s24+$0xFFFFFF90] =	vst v5;
	v5 =	vld [tilespmem:s23+$0xA0]  }
0x530: {  	v8 =	vld [tilespmem:s23+$0xFFFFFFA0];
	[tilespmem:s24+$0x190] =	vst v3;
	v3 =	vadd.s32 $0x10, v18  }
0x531: {  	[tilespmem:s24+$0xFFFFFD90] =	vst v2;
	v2 =	vld [tilespmem:s23+$0x20]  }
0x532: {  	[tilespmem:s22+$0xFFFFFDD0] =	vst v1;
	v9 =	vld [tilespmem:s23+$0xFFFFFF20]  }
0x533: {  	[tilespmem:s22+$0x150] =	vst v7;
	v1 =	vld [tilespmem:s2+$0xFFFFFF60]  }
0x534: {  	v4 =	vld.idx.msk [tilespmem:v4+s10+$0x0], $0xffff;
	[tilespmem:s22+$0x2E0] =	vst v0  }
0x535: {  	[tilespmem:s22+$0xFFFFFFD0] =	vst v6;
	v0 =	vld.idx.msk [tilespmem:v3+s10+$0x0], $0xffff  }
0x536: {  	v7 =	vadd.s32 $0x18, v18;
	v15 =	vld [tilespmem:s2+$0xFFFFFFE0]  }
0x537: {  	v3 =	vld.idx.msk [tilespmem:v5+s10+$0x0], $0xffff  }
0x538: {  	v12 =	vadd.s32 $0x8, v5;
	v10 =	vld.idx.msk [tilespmem:v8+s10+$0x0], $0xffff  }
0x539: {  	v13 =	vadd.s32 $0x8, v8;
	v11 =	vld.idx.msk [tilespmem:v2+s10+$0x0], $0xffff  }
0x53a: {  	v14 =	vadd.s32 $0x8, v2;
	v6 =	vld.idx.msk [tilespmem:v9+s10+$0x0], $0xffff;
	[tilespmem:s22+$0x360] =	vst v0  }
0x53b: {  	[tilespmem:s22+$0x1D0] =	vst v4;
	v4 =	vld.idx.msk [tilespmem:v7+s10+$0x0], $0xffff  }
0x53c: {  	v0 =	vadd.s32 $0x8, v9;
	[tilespmem:s24+$0x220] =	vst v3;
	v3 =	vld [tilespmem:s2+$0x60]  }
0x53d: {  	[tilespmem:s24+$0xFFFFFE20] =	vst v10;
	v7 =	vld.idx.msk [tilespmem:v12+s10+$0x0], $0xffff  }
0x53e: {  	v10 =	vld.idx.msk [tilespmem:v13+s10+$0x0], $0xffff;
	[tilespmem:s24+$0x20] =	vst v11  }
0x53f: {  	v11 =	vadd.s32 $0x10, v5;
	[tilespmem:s24+$0xFFFFFC20] =	vst v6;
	v6 =	vld.idx.msk [tilespmem:v14+s10+$0x0], $0xffff  }
0x540: {  	v12 =	vadd.s32 $0x10, v8;
	v14 =	vld.idx.msk [tilespmem:v1+s10+$0x0], $0xffff  }
0x541: {  	v13 =	vadd.s32 $0x10, v2;
	v0 =	vld.idx.msk [tilespmem:v0+s10+$0x0], $0xffff;
	[tilespmem:s22+$0x3E0] =	vst v4  }
0x542: {  	v16 =	vld [tilespmem:s2+$0xF0]  }
0x543: {  	v4 =	vadd.s32 $0x10, v9;
	[tilespmem:s24+$0x2A0] =	vst v7;
	v7 =	vld.idx.msk [tilespmem:v15+s10+$0x0], $0xffff  }
0x544: {  	v17 =	vadd.s32 $0x8, v1;
	[tilespmem:s24+$0xFFFFFEA0] =	vst v10;
	v10 =	vld.idx.msk [tilespmem:v11+s10+$0x0], $0xffff  }
0x545: {  	v11 =	vld.idx.msk [tilespmem:v12+s10+$0x0], $0xffff;
	[tilespmem:s24+$0xA0] =	vst v6  }
0x546: {  	v5 =	vadd.s32 $0x18, v5;
	[tilespmem:s24+$0xFFFFFCA0] =	vst v0;
	v0 =	vld.idx.msk [tilespmem:v13+s10+$0x0], $0xffff  }
0x547: {  	v6 =	vadd.s32 $0x18, v8;
	v8 =	vld.idx.msk [tilespmem:v3+s10+$0x0], $0xffff  }
0x548: {  	v2 =	vadd.s32 $0x18, v2;
	[tilespmem:s22+$0xFFFFFC60] =	vst v14;
	v4 =	vld.idx.msk [tilespmem:v4+s10+$0x0], $0xffff  }
0x549: {  	v9 =	vadd.s32 $0x18, v9;
	v12 =	vld.idx.msk [tilespmem:v17+s10+$0x0], $0xffff  }
0x54a: {  	v13 =	vadd.s32 $0x8, v15;
	[tilespmem:s24+$0x320] =	vst v10;
	v10 =	vld.idx.msk [tilespmem:v16+s10+$0x0], $0xffff  }
0x54b: {  	v14 =	vadd.s32 $0x8, v3;
	[tilespmem:s24+$0xFFFFFF20] =	vst v11;
	v5 =	vld.idx.msk [tilespmem:v5+s10+$0x0], $0xffff  }
0x54c: {  	v6 =	vld.idx.msk [tilespmem:v6+s10+$0x0], $0xffff;
	[tilespmem:s24+$0x120] =	vst v0  }
0x54d: {  	[tilespmem:s24+$0xFFFFFD20] =	vst v4;
	v0 =	vld.idx.msk [tilespmem:v2+s10+$0x0], $0xffff  }
0x54e: {  	[tilespmem:s22+$0xFFFFFE60] =	vst v7;
	v2 =	vld.idx.msk [tilespmem:v9+s10+$0x0], $0xffff  }
0x54f: {  	[tilespmem:s22+$0x60] =	vst v8;
	v4 =	vld.idx.msk [tilespmem:v13+s10+$0x0], $0xffff  }
0x550: {  	v7 =	vadd.s32 $0x8, v16;
	v8 =	vld.idx.msk [tilespmem:v14+s10+$0x0], $0xffff;
	[tilespmem:s24+$0x3A0] =	vst v5  }
0x551: {  	v5 =	vadd.s32 $0x10, v1;
	[tilespmem:s24+$0xFFFFFFA0] =	vst v6;
	v6 =	vld [tilespmem:s23+$0xB0]  }
0x552: {  	v9 =	vadd.s32 $0x10, v15;
	v11 =	vld [tilespmem:s23+$0xFFFFFFB0];
	[tilespmem:s24+$0x1A0] =	vst v0  }
0x553: {  	v0 =	vadd.s32 $0x10, v3;
	[tilespmem:s24+$0xFFFFFDA0] =	vst v2;
	v2 =	vld [tilespmem:s23+$0x30]  }
0x554: {  	[tilespmem:s22+$0x270] =	vst v10;
	v10 =	vld [tilespmem:s23+$0xFFFFFF30]  }
0x555: {  	[tilespmem:s22+$0xFFFFFCE0] =	vst v12;
	v7 =	vld.idx.msk [tilespmem:v7+s10+$0x0], $0xffff  }
0x556: {  	[tilespmem:s22+$0xFFFFFEE0] =	vst v4;
	v4 =	vld.idx.msk [tilespmem:v5+s10+$0x0], $0xffff  }
0x557: {  	[tilespmem:s22+$0xE0] =	vst v8;
	v5 =	vld.idx.msk [tilespmem:v9+s10+$0x0], $0xffff  }
0x558: {  	v1 =	vadd.s32 $0x18, v1;
	v0 =	vld.idx.msk [tilespmem:v0+s10+$0x0], $0xffff  }
0x559: {  	v8 =	vadd.s32 $0x18, v15;
	v9 =	vld.idx.msk [tilespmem:v6+s10+$0x0], $0xffff  }
0x55a: {  	v13 =	vadd.s32 $0x8, v6;
	v12 =	vld.idx.msk [tilespmem:v11+s10+$0x0], $0xffff  }
0x55b: {  	v14 =	vadd.s32 $0x8, v11;
	v15 =	vld.idx.msk [tilespmem:v2+s10+$0x0], $0xffff;
	[tilespmem:s22+$0xFFFFFD60] =	vst v4  }
0x55c: {  	v17 =	vadd.s32 $0x8, v2;
	[tilespmem:s22+$0xFFFFFF60] =	vst v5;
	v4 =	vld.idx.msk [tilespmem:v10+s10+$0x0], $0xffff  }
0x55d: {  	v3 =	vadd.s32 $0x18, v3;
	v1 =	vld.idx.msk [tilespmem:v1+s10+$0x0], $0xffff;
	[tilespmem:s22+$0x160] =	vst v0  }
0x55e: {  	v18 =	vadd.s32 $0x8, v10;
	v5 =	vld.idx.msk [tilespmem:v8+s10+$0x0], $0xffff;
	[tilespmem:s24+$0x230] =	vst v9  }
0x55f: {  	[tilespmem:s24+$0xFFFFFE30] =	vst v12;
	v8 =	vld.idx.msk [tilespmem:v13+s10+$0x0], $0xffff  }
0x560: {  	v9 =	vld.idx.msk [tilespmem:v14+s10+$0x0], $0xffff;
	[tilespmem:s24+$0x30] =	vst v15  }
0x561: {  	v12 =	vadd.s32 $0x10, v6;
	[tilespmem:s24+$0xFFFFFC30] =	vst v4;
	v4 =	vld.idx.msk [tilespmem:v17+s10+$0x0], $0xffff  }
0x562: {  	v13 =	vadd.s32 $0x10, v11;
	[tilespmem:s22+$0xFFFFFDE0] =	vst v1;
	v1 =	vld.idx.msk [tilespmem:v3+s10+$0x0], $0xffff  }
0x563: {  	v14 =	vadd.s32 $0x10, v2;
	[tilespmem:s22+$0xFFFFFFE0] =	vst v5;
	v0 =	vld.idx.msk [tilespmem:v18+s10+$0x0], $0xffff  }
0x564: {  	v15 =	vld [tilespmem:s2+$0xFFFFFF70];
	[tilespmem:s24+$0x2B0] =	vst v8  }
0x565: {  	v3 =	vadd.s32 $0x10, v10;
	v5 =	vld [tilespmem:s2+$0xFFFFFFF0];
	[tilespmem:s24+$0xFFFFFEB0] =	vst v9  }
0x566: {  	v8 =	vadd.s32 $0x10, v16;
	v9 =	vld.idx.msk [tilespmem:v12+s10+$0x0], $0xffff;
	[tilespmem:s24+$0xB0] =	vst v4  }
0x567: {  	v12 =	vld.idx.msk [tilespmem:v13+s10+$0x0], $0xffff;
	[tilespmem:s22+$0x1E0] =	vst v1  }
0x568: {  	v4 =	vadd.s32 $0x18, v6;
	[tilespmem:s24+$0xFFFFFCB0] =	vst v0;
	v0 =	vld.idx.msk [tilespmem:v14+s10+$0x0], $0xffff  }
0x569: {  	v6 =	vadd.s32 $0x18, v11;
	v1 =	vadd.s32 $0x18, v2;
	v2 =	vld [tilespmem:s2+$0x70]  }
0x56a: {  	[tilespmem:s22+$0x2F0] =	vst v7;
	v3 =	vld.idx.msk [tilespmem:v3+s10+$0x0], $0xffff  }
0x56b: {  	v8 =	vld.idx.msk [tilespmem:v8+s10+$0x0], $0xffff  }
0x56c: {  	v7 =	vadd.s32 $0x18, v10;
	[tilespmem:s24+$0x330] =	vst v9;
	v9 =	vld.idx.msk [tilespmem:v15+s10+$0x0], $0xffff  }
0x56d: {  	[tilespmem:s24+$0xFFFFFF30] =	vst v12;
	v4 =	vld.idx.msk [tilespmem:v4+s10+$0x0], $0xffff  }
0x56e: {  	v10 =	vadd.s32 $0x8, v15;
	v6 =	vld.idx.msk [tilespmem:v6+s10+$0x0], $0xffff;
	[tilespmem:s24+$0x130] =	vst v0  }
0x56f: {  	v0 =	vld.idx.msk [tilespmem:v1+s10+$0x0], $0xffff  }
0x570: {  	[tilespmem:s24+$0xFFFFFD30] =	vst v3;
	v3 =	vld.idx.msk [tilespmem:v5+s10+$0x0], $0xffff  }
0x571: {  	v1 =	vld.idx.msk [tilespmem:v7+s10+$0x0], $0xffff  }
0x572: {  	[tilespmem:s22+$0xFFFFFC70] =	vst v9;
	v9 =	vld.idx.msk [tilespmem:v2+s10+$0x0], $0xffff  }
0x573: {  	v11 =	vadd.s32 $0x18, v16;
	[tilespmem:s24+$0x3B0] =	vst v4;
	v4 =	vld.idx.msk [tilespmem:v10+s10+$0x0], $0xffff  }
0x574: {  	v10 =	vadd.s32 $0x8, v5;
	[tilespmem:s24+$0xFFFFFFB0] =	vst v6;
	v7 =	vld [tilespmem:s23+$0xC0]  }
0x575: {  	v6 =	vadd.s32 $0x8, v2;
	v12 =	vld [tilespmem:s23+$0xFFFFFFC0];
	[tilespmem:s24+$0x1B0] =	vst v0  }
0x576: {  	v0 =	vadd.s32 $0x10, v15;
	[tilespmem:s24+$0xFFFFFDB0] =	vst v1;
	v17 =	vld [tilespmem:s23+$0x40]  }
0x577: {  	[tilespmem:s22+$0x370] =	vst v8;
	v18 =	vld [tilespmem:s23+$0xFFFFFF40]  }
0x578: {  	[tilespmem:s22+$0xFFFFFE70] =	vst v3;
	v1 =	vld.idx.msk [tilespmem:v11+s10+$0x0], $0xffff  }
0x579: {  	[tilespmem:s22+$0x70] =	vst v9;
	v3 =	vld.idx.msk [tilespmem:v10+s10+$0x0], $0xffff  }
0x57a: {  	[tilespmem:s22+$0xFFFFFCF0] =	vst v4;
	v4 =	vld.idx.msk [tilespmem:v6+s10+$0x0], $0xffff  }
0x57b: {  	v6 =	vadd.s32 $0x10, v5;
	v8 =	vld.idx.msk [tilespmem:v0+s10+$0x0], $0xffff  }
0x57c: {  	v9 =	vadd.s32 $0x10, v2;
	v11 =	vld.idx.msk [tilespmem:v7+s10+$0x0], $0xffff  }
0x57d: {  	v15 =	vadd.s32 $0x18, v15;
	v19 =	vld.idx.msk [tilespmem:v12+s10+$0x0], $0xffff  }
0x57e: {  	v20 =	vadd.s32 $0x8, v7;
	[tilespmem:s22+$0x3F0] =	vst v1;
	v14 =	vld.idx.msk [tilespmem:v17+s10+$0x0], $0xffff  }
0x57f: {  	[tilespmem:s22+$0xFFFFFEF0] =	vst v3;
	v16 =	vld.idx.msk [tilespmem:v18+s10+$0x0], $0xffff  }
0x580: {  	v0 =	vadd.s32 $0x18, v5;
	v13 =	vadd.s32 $0x8, v12;
	[tilespmem:s22+$0xF0] =	vst v4;
	v4 =	vld.idx.msk [tilespmem:v6+s10+$0x0], $0xffff  }
0x581: {  	v10 =	vadd.s32 $0x10, v12;
	v5 =	vadd.s32 $0x18, v12;
	v1 =	vadd.s32 $0x18, v2;
	[tilespmem:s22+$0xFFFFFD70] =	vst v8;
	v2 =	vld.idx.msk [tilespmem:v9+s10+$0x0], $0xffff  }
0x582: {  	v12 =	vadd.s32 $0x8, v17;
	v8 =	vadd.s32 $0x10, v17;
	v6 =	vadd.s32 $0x18, v17;
	v3 =	vld.idx.msk [tilespmem:v15+s10+$0x0], $0xffff;
	[tilespmem:s24+$0x240] =	vst v11  }
0x583: {  	s26 =	simm.s32 $0x4;
	s25 =	simm.s32 $0x2C00;
	s2 =	simm.s32 $0x500;
	v9 =	vadd.s32 $0x18, v18;
	v15 =	vadd.s32 $0x8, v18;
	v11 =	vadd.s32 $0x10, v18;
	[tilespmem:s24+$0xFFFFFE40] =	vst v19;
	v17 =	vld.idx.msk [tilespmem:v20+s10+$0x0], $0xffff  }
.LBB2_8:
0x584: {  	v18 =	vld [tilespmem:s2+$0x80];
	s26 =	sadd.s32 $0x4, s26;
	[tilespmem:s24+$0x40] =	vst v14  }
0x585: {  	v14 =	vld [tilespmem:s2+$0xFFFFFF80];
	p0 =	slt.u32 s26, $0x1C;
	[tilespmem:s24+$0xFFFFFC40] =	vst v16;
	v16 =	vadd.s32 $0x10, v7  }
0x586: {  	v19 =	vld [tilespmem:s2+$0x0];
	[tilespmem:s22+$0xFFFFFF70] =	vst v4  }
0x587: {  	v4 =	vld [tilespmem:s2+$0xFFFFFF00];
	[tilespmem:s22+$0x170] =	vst v2  }
0x588: {  	v2 =	vld.idx.msk [tilespmem:v15+s10+$0x0], $0xffff;
	[tilespmem:s22+$0xFFFFFDF0] =	vst v3  }
0x589: {  	v3 =	vld.idx.msk [tilespmem:v13+s10+$0x0], $0xffff;
	[tilespmem:s24+$0x2C0] =	vst v17  }
0x58a: {  	v13 =	vadd.s32 $0x8, v14;
	v15 =	vadd.s32 $0x10, v14;
	v17 =	vadd.s32 $0x18, v14;
	v16 =	vld.idx.msk [tilespmem:v16+s10+$0x0], $0xffff  }
0x58b: {  	v20 =	vadd.s32 $0x8, v19;
	v21 =	vadd.s32 $0x10, v19;
	v22 =	vadd.s32 $0x18, v19;
	v12 =	vld.idx.msk [tilespmem:v12+s10+$0x0], $0xffff  }
0x58c: {  	v7 =	vadd.s32 $0x18, v7;
	v23 =	vadd.s32 $0x8, v4;
	v24 =	vadd.s32 $0x10, v4;
	v25 =	vld.idx.msk [tilespmem:v18+s10+$0x0], $0xffff  }
0x58d: {  	v26 =	vadd.s32 $0x18, v4;
	v14 =	vld.idx.msk [tilespmem:v14+s10+$0x0], $0xffff  }
0x58e: {  	v27 =	vadd.s32 $0x8, v18;
	v19 =	vld.idx.msk [tilespmem:v19+s10+$0x0], $0xffff;
	[tilespmem:s24+$0xFFFFFCC0] =	vst v2  }
0x58f: {  	v2 =	vld.idx.msk [tilespmem:v4+s10+$0x0], $0xffff;
	[tilespmem:s24+$0xFFFFFEC0] =	vst v3  }
0x590: {  	v3 =	vld.idx.msk [tilespmem:v11+s10+$0x0], $0xffff;
	[tilespmem:s24+$0x340] =	vst v16  }
0x591: {  	s24 =	sadd.s32 $0x800, s24;
	[tilespmem:s25+$0xC0] =	vst v12;
	v4 =	vld.idx.msk [tilespmem:v7+s10+$0x0], $0xffff  }
0x592: {  	[tilespmem:s24+$0x200] =	vst v25;
	v7 =	vld.idx.msk [tilespmem:v10+s10+$0x0], $0xffff  }
0x593: {  	[tilespmem:s24+$0xFFFFFE00] =	vst v14;
	v10 =	vld.idx.msk [tilespmem:v27+s10+$0x0], $0xffff  }
0x594: {  	v11 =	vld.idx.msk [tilespmem:v13+s10+$0x0], $0xffff;
	[tilespmem:s24+$0x0] =	vst v19  }
0x595: {  	v12 =	vadd.s32 $0x10, v18;
	[tilespmem:s24+$0xFFFFFC00] =	vst v2;
	v2 =	vld.idx.msk [tilespmem:v20+s10+$0x0], $0xffff  }
0x596: {  	v13 =	vld.idx.msk [tilespmem:v23+s10+$0x0], $0xffff;
	[tilespmem:s25+$0xFFFFFD40] =	vst v3  }
0x597: {  	v3 =	vld.idx.msk [tilespmem:v8+s10+$0x0], $0xffff;
	[tilespmem:s25+$0x3C0] =	vst v4  }
0x598: {  	[tilespmem:s25+$0xFFFFFF40] =	vst v7;
	v4 =	vld [tilespmem:s23+$0xD0]  }
0x599: {  	[tilespmem:s24+$0x280] =	vst v10;
	v7 =	vld.idx.msk [tilespmem:v9+s10+$0x0], $0xffff  }
0x59a: {  	[tilespmem:s24+$0xFFFFFE80] =	vst v11;
	v8 =	vld.idx.msk [tilespmem:v12+s10+$0x0], $0xffff  }
0x59b: {  	v9 =	vld.idx.msk [tilespmem:v15+s10+$0x0], $0xffff;
	[tilespmem:s24+$0x80] =	vst v2  }
0x59c: {  	v10 =	vadd.s32 $0x18, v18;
	[tilespmem:s24+$0xFFFFFC80] =	vst v13;
	v2 =	vld.idx.msk [tilespmem:v21+s10+$0x0], $0xffff  }
0x59d: {  	v11 =	vld.idx.msk [tilespmem:v24+s10+$0x0], $0xffff;
	[tilespmem:s25+$0x140] =	vst v3  }
0x59e: {  	v3 =	vld.idx.msk [tilespmem:v5+s10+$0x0], $0xffff  }
0x59f: {  	[tilespmem:s25+$0xFFFFFDC0] =	vst v7;
	v5 =	vld.idx.msk [tilespmem:v6+s10+$0x0], $0xffff  }
0x5a0: {  	[tilespmem:s24+$0x300] =	vst v8;
	v6 =	vld.idx.msk [tilespmem:v4+s10+$0x0], $0xffff  }
0x5a1: {  	[tilespmem:s24+$0xFFFFFF00] =	vst v9;
	v7 =	vld.idx.msk [tilespmem:v10+s10+$0x0], $0xffff  }
0x5a2: {  	v8 =	vld.idx.msk [tilespmem:v17+s10+$0x0], $0xffff;
	[tilespmem:s24+$0x100] =	vst v2;
	v2 =	vadd.s32 $0x8, v4  }
0x5a3: {  	[tilespmem:s24+$0xFFFFFD00] =	vst v11;
	v9 =	vld.idx.msk [tilespmem:v22+s10+$0x0], $0xffff  }
0x5a4: {  	v10 =	vld.idx.msk [tilespmem:v26+s10+$0x0], $0xffff;
	[tilespmem:s25+$0xFFFFFFC0] =	vst v3  }
0x5a5: {  	v3 =	vld [tilespmem:s23+$0xFFFFFF50];
	[tilespmem:s25+$0x1C0] =	vst v5  }
0x5a6: {  	v5 =	vld [tilespmem:s23+$0xFFFFFFD0];
	[tilespmem:s25+$0x250] =	vst v6  }
0x5a7: {  	[tilespmem:s24+$0x380] =	vst v7;
	v2 =	vld.idx.msk [tilespmem:v2+s10+$0x0], $0xffff  }
0x5a8: {  	[tilespmem:s24+$0xFFFFFF80] =	vst v8;
	v6 =	vld [tilespmem:s2+$0x90]  }
0x5a9: {  	v8 =	vadd.s32 $0x10, v4;
	v7 =	vld [tilespmem:s2+$0xFFFFFF90];
	[tilespmem:s24+$0x180] =	vst v9  }
0x5aa: {  	[tilespmem:s24+$0xFFFFFD80] =	vst v10;
	v9 =	vld [tilespmem:s2+$0x10];
	v10 =	vadd.s32 $0x8, v3;
	v11 =	vadd.s32 $0x10, v3;
	v12 =	vadd.s32 $0x18, v3  }
0x5ab: {  	v13 =	vld [tilespmem:s2+$0xFFFFFF10];
	v14 =	vadd.s32 $0x8, v5;
	v15 =	vadd.s32 $0x10, v5;
	v16 =	vadd.s32 $0x18, v5  }
0x5ac: {  	v17 =	vld [tilespmem:s23+$0x50]  }
0x5ad: {  	v3 =	vld.idx.msk [tilespmem:v3+s10+$0x0], $0xffff;
	[tilespmem:s25+$0x2D0] =	vst v2  }
0x5ae: {  	v2 =	vadd.s32 $0x8, v7;
	v18 =	vadd.s32 $0x10, v7;
	v19 =	vadd.s32 $0x18, v7;
	v8 =	vld.idx.msk [tilespmem:v8+s10+$0x0], $0xffff  }
0x5af: {  	v20 =	vadd.s32 $0x8, v9;
	v21 =	vadd.s32 $0x10, v9;
	v22 =	vadd.s32 $0x18, v9;
	v5 =	vld.idx.msk [tilespmem:v5+s10+$0x0], $0xffff  }
0x5b0: {  	v4 =	vadd.s32 $0x18, v4;
	v23 =	vadd.s32 $0x8, v13;
	v24 =	vadd.s32 $0x10, v13;
	v25 =	vld.idx.msk [tilespmem:v6+s10+$0x0], $0xffff  }
0x5b1: {  	v26 =	vadd.s32 $0x18, v13;
	v7 =	vld.idx.msk [tilespmem:v7+s10+$0x0], $0xffff;
	v27 =	vadd.s32 $0x8, v17;
	v28 =	vadd.s32 $0x10, v17  }
0x5b2: {  	v29 =	vadd.s32 $0x8, v6;
	v30 =	vadd.s32 $0x18, v17;
	v9 =	vld.idx.msk [tilespmem:v9+s10+$0x0], $0xffff  }
0x5b3: {  	v13 =	vld.idx.msk [tilespmem:v13+s10+$0x0], $0xffff;
	[tilespmem:s25+$0xFFFFFC50] =	vst v3  }
0x5b4: {  	v3 =	vld.idx.msk [tilespmem:v17+s10+$0x0], $0xffff;
	[tilespmem:s25+$0x350] =	vst v8  }
0x5b5: {  	[tilespmem:s25+$0xFFFFFE50] =	vst v5;
	v4 =	vld.idx.msk [tilespmem:v4+s10+$0x0], $0xffff  }
0x5b6: {  	[tilespmem:s24+$0x210] =	vst v25;
	v5 =	vld.idx.msk [tilespmem:v10+s10+$0x0], $0xffff  }
0x5b7: {  	[tilespmem:s24+$0xFFFFFE10] =	vst v7;
	v7 =	vld.idx.msk [tilespmem:v29+s10+$0x0], $0xffff  }
0x5b8: {  	v2 =	vld.idx.msk [tilespmem:v2+s10+$0x0], $0xffff;
	[tilespmem:s24+$0x10] =	vst v9  }
0x5b9: {  	v9 =	vadd.s32 $0x10, v6;
	[tilespmem:s24+$0xFFFFFC10] =	vst v13;
	v8 =	vld.idx.msk [tilespmem:v20+s10+$0x0], $0xffff  }
0x5ba: {  	v10 =	vld.idx.msk [tilespmem:v23+s10+$0x0], $0xffff;
	[tilespmem:s25+$0x50] =	vst v3  }
0x5bb: {  	v3 =	vld.idx.msk [tilespmem:v14+s10+$0x0], $0xffff;
	[tilespmem:s25+$0x3D0] =	vst v4  }
0x5bc: {  	[tilespmem:s25+$0xFFFFFCD0] =	vst v5;
	v4 =	vld [tilespmem:s23+$0xE0]  }
0x5bd: {  	[tilespmem:s24+$0x290] =	vst v7;
	v5 =	vld.idx.msk [tilespmem:v27+s10+$0x0], $0xffff  }
0x5be: {  	[tilespmem:s24+$0xFFFFFE90] =	vst v2;
	v2 =	vld.idx.msk [tilespmem:v9+s10+$0x0], $0xffff  }
0x5bf: {  	v7 =	vld.idx.msk [tilespmem:v18+s10+$0x0], $0xffff;
	[tilespmem:s24+$0x90] =	vst v8  }
0x5c0: {  	v6 =	vadd.s32 $0x18, v6;
	[tilespmem:s24+$0xFFFFFC90] =	vst v10;
	v8 =	vld.idx.msk [tilespmem:v21+s10+$0x0], $0xffff  }
0x5c1: {  	v9 =	vld.idx.msk [tilespmem:v24+s10+$0x0], $0xffff;
	[tilespmem:s25+$0xFFFFFED0] =	vst v3  }
0x5c2: {  	v3 =	vld.idx.msk [tilespmem:v11+s10+$0x0], $0xffff  }
0x5c3: {  	v10 =	vld.idx.msk [tilespmem:v15+s10+$0x0], $0xffff;
	[tilespmem:s25+$0xD0] =	vst v5  }
0x5c4: {  	[tilespmem:s24+$0x310] =	vst v2;
	v2 =	vld.idx.msk [tilespmem:v4+s10+$0x0], $0xffff  }
0x5c5: {  	[tilespmem:s24+$0xFFFFFF10] =	vst v7;
	v5 =	vld.idx.msk [tilespmem:v6+s10+$0x0], $0xffff  }
0x5c6: {  	v7 =	vadd.s32 $0x8, v4;
	v6 =	vld.idx.msk [tilespmem:v19+s10+$0x0], $0xffff;
	[tilespmem:s24+$0x110] =	vst v8  }
0x5c7: {  	[tilespmem:s24+$0xFFFFFD10] =	vst v9;
	v8 =	vld.idx.msk [tilespmem:v22+s10+$0x0], $0xffff  }
0x5c8: {  	v9 =	vld.idx.msk [tilespmem:v26+s10+$0x0], $0xffff;
	[tilespmem:s25+$0xFFFFFD50] =	vst v3  }
0x5c9: {  	[tilespmem:s25+$0xFFFFFF50] =	vst v10;
	v3 =	vld.idx.msk [tilespmem:v28+s10+$0x0], $0xffff  }
0x5ca: {  	v10 =	vld.idx.msk [tilespmem:v12+s10+$0x0], $0xffff;
	[tilespmem:s25+$0x260] =	vst v2  }
0x5cb: {  	[tilespmem:s24+$0x390] =	vst v5;
	v2 =	vld.idx.msk [tilespmem:v7+s10+$0x0], $0xffff  }
0x5cc: {  	[tilespmem:s24+$0xFFFFFF90] =	vst v6;
	v5 =	vld [tilespmem:s2+$0xA0]  }
0x5cd: {  	v7 =	vadd.s32 $0x10, v4;
	v6 =	vld [tilespmem:s2+$0xFFFFFFA0];
	[tilespmem:s24+$0x190] =	vst v8  }
0x5ce: {  	[tilespmem:s24+$0xFFFFFD90] =	vst v9;
	v8 =	vld [tilespmem:s2+$0x20]  }
0x5cf: {  	v9 =	vld [tilespmem:s2+$0xFFFFFF20];
	[tilespmem:s25+$0x150] =	vst v3  }
0x5d0: {  	[tilespmem:s25+$0xFFFFFDD0] =	vst v10;
	v3 =	vld.idx.msk [tilespmem:v16+s10+$0x0], $0xffff  }
0x5d1: {  	v10 =	vld.idx.msk [tilespmem:v30+s10+$0x0], $0xffff;
	[tilespmem:s25+$0x2E0] =	vst v2  }
0x5d2: {  	v2 =	vadd.s32 $0x8, v6;
	v11 =	vadd.s32 $0x10, v6;
	v12 =	vadd.s32 $0x18, v6;
	v7 =	vld.idx.msk [tilespmem:v7+s10+$0x0], $0xffff  }
0x5d3: {  	v13 =	vadd.s32 $0x8, v8;
	v14 =	vadd.s32 $0x10, v8;
	v15 =	vadd.s32 $0x18, v8;
	v16 =	vld [tilespmem:s23+$0xFFFFFF60]  }
0x5d4: {  	v4 =	vadd.s32 $0x18, v4;
	v17 =	vadd.s32 $0x8, v9;
	v18 =	vadd.s32 $0x10, v9;
	v19 =	vld.idx.msk [tilespmem:v5+s10+$0x0], $0xffff  }
0x5d5: {  	v20 =	vadd.s32 $0x18, v9;
	v6 =	vld.idx.msk [tilespmem:v6+s10+$0x0], $0xffff  }
0x5d6: {  	v21 =	vadd.s32 $0x8, v5;
	v8 =	vld.idx.msk [tilespmem:v8+s10+$0x0], $0xffff;
	[tilespmem:s25+$0xFFFFFFD0] =	vst v3  }
0x5d7: {  	v3 =	vld.idx.msk [tilespmem:v9+s10+$0x0], $0xffff;
	[tilespmem:s25+$0x1D0] =	vst v10  }
0x5d8: {  	v9 =	vadd.s32 $0x8, v16;
	v10 =	vadd.s32 $0x10, v16;
	v22 =	vadd.s32 $0x18, v16;
	v23 =	vld [tilespmem:s23+$0xFFFFFFE0];
	[tilespmem:s25+$0x360] =	vst v7  }
0x5d9: {  	v4 =	vld.idx.msk [tilespmem:v4+s10+$0x0], $0xffff  }
0x5da: {  	[tilespmem:s24+$0x220] =	vst v19;
	v7 =	vld [tilespmem:s23+$0x60]  }
0x5db: {  	[tilespmem:s24+$0xFFFFFE20] =	vst v6;
	v6 =	vld.idx.msk [tilespmem:v21+s10+$0x0], $0xffff  }
0x5dc: {  	v2 =	vld.idx.msk [tilespmem:v2+s10+$0x0], $0xffff;
	[tilespmem:s24+$0x20] =	vst v8  }
0x5dd: {  	v8 =	vadd.s32 $0x10, v5;
	[tilespmem:s24+$0xFFFFFC20] =	vst v3;
	v3 =	vld.idx.msk [tilespmem:v13+s10+$0x0], $0xffff;
	v13 =	vadd.s32 $0x8, v23;
	v19 =	vadd.s32 $0x10, v23  }
0x5de: {  	v21 =	vadd.s32 $0x18, v23;
	v17 =	vld.idx.msk [tilespmem:v17+s10+$0x0], $0xffff  }
0x5df: {  	v16 =	vld.idx.msk [tilespmem:v16+s10+$0x0], $0xffff;
	v24 =	vadd.s32 $0x8, v7;
	v25 =	vadd.s32 $0x10, v7;
	v26 =	vadd.s32 $0x18, v7;
	[tilespmem:s25+$0x3E0] =	vst v4  }
0x5e0: {  	v4 =	vld [tilespmem:s23+$0xF0]  }
0x5e1: {  	[tilespmem:s24+$0x2A0] =	vst v6;
	v6 =	vld.idx.msk [tilespmem:v23+s10+$0x0], $0xffff  }
0x5e2: {  	[tilespmem:s24+$0xFFFFFEA0] =	vst v2;
	v2 =	vld.idx.msk [tilespmem:v8+s10+$0x0], $0xffff  }
0x5e3: {  	v8 =	vld.idx.msk [tilespmem:v11+s10+$0x0], $0xffff;
	[tilespmem:s24+$0xA0] =	vst v3  }
0x5e4: {  	v5 =	vadd.s32 $0x18, v5;
	[tilespmem:s24+$0xFFFFFCA0] =	vst v17;
	v3 =	vld.idx.msk [tilespmem:v14+s10+$0x0], $0xffff  }
0x5e5: {  	v11 =	vld.idx.msk [tilespmem:v18+s10+$0x0], $0xffff;
	[tilespmem:s25+$0xFFFFFC60] =	vst v16  }
0x5e6: {  	v7 =	vld.idx.msk [tilespmem:v7+s10+$0x0], $0xffff  }
0x5e7: {  	v9 =	vld.idx.msk [tilespmem:v9+s10+$0x0], $0xffff;
	[tilespmem:s25+$0xFFFFFE60] =	vst v6  }
0x5e8: {  	[tilespmem:s24+$0x320] =	vst v2;
	v2 =	vld.idx.msk [tilespmem:v4+s10+$0x0], $0xffff  }
0x5e9: {  	[tilespmem:s24+$0xFFFFFF20] =	vst v8;
	v5 =	vld.idx.msk [tilespmem:v5+s10+$0x0], $0xffff  }
0x5ea: {  	v6 =	vld.idx.msk [tilespmem:v12+s10+$0x0], $0xffff;
	[tilespmem:s24+$0x120] =	vst v3;
	v3 =	vadd.s32 $0x8, v4  }
0x5eb: {  	[tilespmem:s24+$0xFFFFFD20] =	vst v11;
	v8 =	vld.idx.msk [tilespmem:v15+s10+$0x0], $0xffff  }
0x5ec: {  	v11 =	vld.idx.msk [tilespmem:v20+s10+$0x0], $0xffff;
	[tilespmem:s25+$0x60] =	vst v7  }
0x5ed: {  	[tilespmem:s25+$0xFFFFFCE0] =	vst v9;
	v7 =	vld.idx.msk [tilespmem:v13+s10+$0x0], $0xffff  }
0x5ee: {  	v9 =	vld.idx.msk [tilespmem:v24+s10+$0x0], $0xffff;
	[tilespmem:s25+$0x270] =	vst v2  }
0x5ef: {  	[tilespmem:s24+$0x3A0] =	vst v5;
	v2 =	vld.idx.msk [tilespmem:v3+s10+$0x0], $0xffff  }
0x5f0: {  	[tilespmem:s24+$0xFFFFFFA0] =	vst v6;
	v3 =	vld [tilespmem:s2+$0xB0]  }
0x5f1: {  	v6 =	vadd.s32 $0x10, v4;
	v5 =	vld [tilespmem:s2+$0xFFFFFFB0];
	[tilespmem:s24+$0x1A0] =	vst v8  }
0x5f2: {  	[tilespmem:s24+$0xFFFFFDA0] =	vst v11;
	v8 =	vld [tilespmem:s2+$0x30]  }
0x5f3: {  	v11 =	vld [tilespmem:s2+$0xFFFFFF30];
	[tilespmem:s25+$0xFFFFFEE0] =	vst v7  }
0x5f4: {  	v7 =	vld.idx.msk [tilespmem:v10+s10+$0x0], $0xffff;
	[tilespmem:s25+$0xE0] =	vst v9  }
0x5f5: {  	v9 =	vld.idx.msk [tilespmem:v19+s10+$0x0], $0xffff;
	[tilespmem:s25+$0x2F0] =	vst v2  }
0x5f6: {  	v2 =	vadd.s32 $0x8, v5;
	v10 =	vadd.s32 $0x10, v5;
	v12 =	vadd.s32 $0x18, v5;
	v6 =	vld.idx.msk [tilespmem:v6+s10+$0x0], $0xffff  }
0x5f7: {  	v13 =	vadd.s32 $0x8, v8;
	v14 =	vadd.s32 $0x10, v8;
	v15 =	vadd.s32 $0x18, v8;
	v16 =	vld.idx.msk [tilespmem:v25+s10+$0x0], $0xffff  }
0x5f8: {  	v4 =	vadd.s32 $0x18, v4;
	v17 =	vadd.s32 $0x8, v11;
	v18 =	vadd.s32 $0x10, v11;
	v19 =	vld.idx.msk [tilespmem:v3+s10+$0x0], $0xffff  }
0x5f9: {  	v20 =	vadd.s32 $0x18, v11;
	v5 =	vld.idx.msk [tilespmem:v5+s10+$0x0], $0xffff  }
0x5fa: {  	v23 =	vadd.s32 $0x8, v3;
	v8 =	vld.idx.msk [tilespmem:v8+s10+$0x0], $0xffff;
	[tilespmem:s25+$0xFFFFFD60] =	vst v7  }
0x5fb: {  	v7 =	vld.idx.msk [tilespmem:v11+s10+$0x0], $0xffff;
	[tilespmem:s25+$0xFFFFFF60] =	vst v9  }
0x5fc: {  	v9 =	vld.idx.msk [tilespmem:v22+s10+$0x0], $0xffff;
	[tilespmem:s25+$0x370] =	vst v6  }
0x5fd: {  	[tilespmem:s25+$0x160] =	vst v16;
	v4 =	vld.idx.msk [tilespmem:v4+s10+$0x0], $0xffff  }
0x5fe: {  	[tilespmem:s24+$0x230] =	vst v19;
	v6 =	vld.idx.msk [tilespmem:v21+s10+$0x0], $0xffff  }
0x5ff: {  	[tilespmem:s24+$0xFFFFFE30] =	vst v5;
	v5 =	vld.idx.msk [tilespmem:v23+s10+$0x0], $0xffff  }
0x600: {  	v2 =	vld.idx.msk [tilespmem:v2+s10+$0x0], $0xffff;
	[tilespmem:s24+$0x30] =	vst v8  }
0x601: {  	v8 =	vadd.s32 $0x10, v3;
	[tilespmem:s24+$0xFFFFFC30] =	vst v7;
	v7 =	vld.idx.msk [tilespmem:v13+s10+$0x0], $0xffff  }
0x602: {  	v11 =	vld.idx.msk [tilespmem:v17+s10+$0x0], $0xffff;
	[tilespmem:s25+$0xFFFFFDE0] =	vst v9  }
0x603: {  	v9 =	vld.idx.msk [tilespmem:v26+s10+$0x0], $0xffff;
	[tilespmem:s25+$0x3F0] =	vst v4  }
0x604: {  	v4 =	vld [tilespmem:s23+$0xFFFFFF70];
	[tilespmem:s25+$0xFFFFFFE0] =	vst v6  }
0x605: {  	[tilespmem:s24+$0x2B0] =	vst v5;
	v5 =	vld [tilespmem:s23+$0xFFFFFFF0]  }
0x606: {  	[tilespmem:s24+$0xFFFFFEB0] =	vst v2;
	v2 =	vld.idx.msk [tilespmem:v8+s10+$0x0], $0xffff  }
0x607: {  	v6 =	vld.idx.msk [tilespmem:v10+s10+$0x0], $0xffff;
	[tilespmem:s24+$0xB0] =	vst v7  }
0x608: {  	v3 =	vadd.s32 $0x18, v3;
	[tilespmem:s24+$0xFFFFFCB0] =	vst v11;
	v7 =	vld.idx.msk [tilespmem:v14+s10+$0x0], $0xffff  }
0x609: {  	v8 =	vld.idx.msk [tilespmem:v18+s10+$0x0], $0xffff;
	v10 =	vadd.s32 $0x8, v4;
	v11 =	vadd.s32 $0x10, v4;
	v17 =	vadd.s32 $0x18, v4;
	[tilespmem:s25+$0x1E0] =	vst v9  }
0x60a: {  	v9 =	vadd.s32 $0x8, v5;
	v18 =	vadd.s32 $0x10, v5;
	v13 =	vadd.s32 $0x18, v5;
	v14 =	vld [tilespmem:s23+$0x70];
	s23 =	smov.u32 s2  }
0x60b: {  	v16 =	vld.idx.msk [tilespmem:v0+s10+$0x0], $0xffff;
	v0 =	vmov v13  }
0x60c: {  	[tilespmem:s24+$0x330] =	vst v2;
	v2 =	vld.idx.msk [tilespmem:v4+s10+$0x0], $0xffff  }
0x60d: {  	[tilespmem:s24+$0xFFFFFF30] =	vst v6;
	v3 =	vld.idx.msk [tilespmem:v3+s10+$0x0], $0xffff  }
0x60e: {  	v4 =	vld.idx.msk [tilespmem:v12+s10+$0x0], $0xffff;
	[tilespmem:s24+$0x130] =	vst v7  }
0x60f: {  	[tilespmem:s24+$0xFFFFFD30] =	vst v8;
	v6 =	vld.idx.msk [tilespmem:v15+s10+$0x0], $0xffff;
	v8 =	vadd.s32 $0x8, v14;
	v19 =	vadd.s32 $0x10, v14;
	v15 =	vadd.s32 $0x18, v14  }
0x610: {  	v12 =	vld.idx.msk [tilespmem:v20+s10+$0x0], $0xffff  }
0x611: {  	v5 =	vld.idx.msk [tilespmem:v5+s10+$0x0], $0xffff;
	[tilespmem:s22+$0xFFFFFFF0] =	vst v16  }
0x612: {  	[tilespmem:s25+$0xFFFFFC70] =	vst v2;
	v2 =	vld.idx.msk [tilespmem:v14+s10+$0x0], $0xffff  }
0x613: {  	[tilespmem:s24+$0x3B0] =	vst v3;
	v3 =	vld.idx.msk [tilespmem:v10+s10+$0x0], $0xffff  }
0x614: {  	[tilespmem:s24+$0xFFFFFFB0] =	vst v4;
	v7 =	vld [tilespmem:s2+$0xC0]  }
0x615: {  	v4 =	vld [tilespmem:s2+$0xFFFFFFC0];
	[tilespmem:s24+$0x1B0] =	vst v6  }
0x616: {  	[tilespmem:s24+$0xFFFFFDB0] =	vst v12;
	v14 =	vld [tilespmem:s2+$0x40]  }
0x617: {  	v16 =	vld [tilespmem:s2+$0xFFFFFF40];
	[tilespmem:s25+$0xFFFFFE70] =	vst v5  }
0x618: {  	v20 =	vld.idx.msk [tilespmem:v9+s10+$0x0], $0xffff;
	[tilespmem:s25+$0x70] =	vst v2  }
0x619: {  	[tilespmem:s25+$0xFFFFFCF0] =	vst v3;
	v2 =	vld.idx.msk [tilespmem:v8+s10+$0x0], $0xffff  }
0x61a: {  	v13 =	vadd.s32 $0x8, v4;
	v10 =	vadd.s32 $0x10, v4;
	v5 =	vadd.s32 $0x18, v4;
	v3 =	vld.idx.msk [tilespmem:v11+s10+$0x0], $0xffff  }
0x61b: {  	v12 =	vadd.s32 $0x8, v14;
	v8 =	vadd.s32 $0x10, v14;
	v6 =	vadd.s32 $0x18, v14;
	v21 =	vld.idx.msk [tilespmem:v1+s10+$0x0], $0xffff;
	v1 =	vmovc v15  }
0x61c: {  	v15 =	vadd.s32 $0x8, v16;
	v11 =	vadd.s32 $0x10, v16;
	v9 =	vadd.s32 $0x18, v16;
	v22 =	vld.idx.msk [tilespmem:v7+s10+$0x0], $0xffff  }
0x61d: {  	v23 =	vld.idx.msk [tilespmem:v4+s10+$0x0], $0xffff  }
0x61e: {  	v24 =	vadd.s32 $0x8, v7;
	v14 =	vld.idx.msk [tilespmem:v14+s10+$0x0], $0xffff;
	[tilespmem:s25+$0xFFFFFEF0] =	vst v20  }
.Ltmp3:
0x61f: {  	v16 =	vld.idx.msk [tilespmem:v16+s10+$0x0], $0xffff;
	[tilespmem:s25+$0xF0] =	vst v2;
	(pc) =	sbr.rel @p0 .LBB2_8-.Ltmp3, $4  }
0x620: {  	[tilespmem:s25+$0xFFFFFD70] =	vst v3;
	v4 =	vld.idx.msk [tilespmem:v18+s10+$0x0], $0xffff  }
0x621: {  	v2 =	vld.idx.msk [tilespmem:v19+s10+$0x0], $0xffff;
	[tilespmem:s22+$0x1F0] =	vst v21;
	s22 =	smov.u32 s25;
	s25 =	smov.u32 s24  }
0x622: {  	[tilespmem:s24+$0x240] =	vst v22;
	v3 =	vld.idx.msk [tilespmem:v17+s10+$0x0], $0xffff  }
0x623: {  	s2 =	sadd.s32 $0x200, s2;
	[tilespmem:s24+$0xFFFFFE40] =	vst v23;
	v17 =	vld.idx.msk [tilespmem:v24+s10+$0x0], $0xffff  }
0x624: {  	_ =	sdelay $0x3  }
0x625: {  	v18 =	vadd.s32 $0x10, v7;
	[tilespmem:s24+$0xFFFFFC40] =	vst v16;
	v13 =	vld.idx.msk [tilespmem:v13+s10+$0x0], $0xffff  }
0x626: {  	[tilespmem:s24+$0x40] =	vst v14;
	v15 =	vld.idx.msk [tilespmem:v15+s10+$0x0], $0xffff  }
0x627: {  	v12 =	vld.idx.msk [tilespmem:v12+s10+$0x0], $0xffff;
	_ =	sdelay $0x1  }
0x628: {  	[tilespmem:s24+$0x2C0] =	vst v17  }
0x629: {  	v52 =	vld.idx.msk [tilespmem:v18+s10+$0x0], $0xffff;
	[tilespmem:s24+$0xFFFFFEC0] =	vst v13  }
0x62a: {  	v53 =	vadd.s32 $0x18, v7;
	[tilespmem:s24+$0xFFFFFCC0] =	vst v15;
	v10 =	vld.idx.msk [tilespmem:v10+s10+$0x0], $0xffff  }
0x62b: {  	[tilespmem:s25+$0xC0] =	vst v12;
	v11 =	vld.idx.msk [tilespmem:v11+s10+$0x0], $0xffff  }
0x62c: {  	v8 =	vld.idx.msk [tilespmem:v8+s10+$0x0], $0xffff;
	_ =	sdelay $0x1  }
0x62d: {  	[tilespmem:s24+$0x340] =	vst v52  }
0x62e: {  	v7 =	vld.idx.msk [tilespmem:v53+s10+$0x0], $0xffff;
	[tilespmem:s25+$0xFFFFFF40] =	vst v10  }
0x62f: {  	[tilespmem:s25+$0xFFFFFD40] =	vst v11;
	v5 =	vld.idx.msk [tilespmem:v5+s10+$0x0], $0xffff  }
0x630: {  	[tilespmem:s25+$0x140] =	vst v8;
	v9 =	vld.idx.msk [tilespmem:v9+s10+$0x0], $0xffff  }
0x631: {  	v6 =	vld.idx.msk [tilespmem:v6+s10+$0x0], $0xffff;
	_ =	sdelay $0x1  }
0x632: {  	[tilespmem:s25+$0x3C0] =	vst v7  }
0x633: {  	v7 =	vld [tilespmem:s23+$0xD0];
	[tilespmem:s25+$0xFFFFFFC0] =	vst v5  }
0x634: {  	[tilespmem:s25+$0xFFFFFDC0] =	vst v9;
	v55 =	vld [tilespmem:s23+$0xFFFFFFD0]  }
0x635: {  	[tilespmem:s25+$0x1C0] =	vst v6;
	v54 =	vld [tilespmem:s23+$0xFFFFFF50]  }
0x636: {  	v8 =	vld [tilespmem:s23+$0x50];
	_ =	sdelay $0x4  }
0x637: {  	v56 =	vld.idx.msk [tilespmem:v7+s10+$0x0], $0xffff  }
0x638: {  	v57 =	vadd.s32 $0x8, v7;
	v13 =	vld.idx.msk [tilespmem:v55+s10+$0x0], $0xffff  }
0x639: {  	v59 =	vadd.s32 $0x8, v55;
	v11 =	vld.idx.msk [tilespmem:v54+s10+$0x0], $0xffff  }
0x63a: {  	v58 =	vadd.s32 $0x8, v54;
	v60 =	vld.idx.msk [tilespmem:v8+s10+$0x0], $0xffff  }
0x63b: {  	v61 =	vadd.s32 $0x8, v8  }
0x63c: {  	[tilespmem:s25+$0x250] =	vst v56  }
0x63d: {  	v10 =	vld.idx.msk [tilespmem:v57+s10+$0x0], $0xffff;
	[tilespmem:s25+$0xFFFFFE50] =	vst v13  }
0x63e: {  	v62 =	vadd.s32 $0x10, v7;
	[tilespmem:s25+$0xFFFFFC50] =	vst v11;
	v9 =	vld.idx.msk [tilespmem:v59+s10+$0x0], $0xffff  }
0x63f: {  	v18 =	vadd.s32 $0x10, v55;
	[tilespmem:s25+$0x50] =	vst v60;
	v11 =	vld.idx.msk [tilespmem:v58+s10+$0x0], $0xffff  }
0x640: {  	v63 =	vadd.s32 $0x10, v54;
	v19 =	vld.idx.msk [tilespmem:v61+s10+$0x0], $0xffff  }
0x641: {  	v21 =	vadd.s32 $0x10, v8  }
0x642: {  	[tilespmem:s25+$0x2D0] =	vst v10  }
0x643: {  	v20 =	vld.idx.msk [tilespmem:v62+s10+$0x0], $0xffff;
	[tilespmem:s25+$0xFFFFFED0] =	vst v9  }
0x644: {  	v7 =	vadd.s32 $0x18, v7;
	[tilespmem:s25+$0xFFFFFCD0] =	vst v11;
	v23 =	vld.idx.msk [tilespmem:v18+s10+$0x0], $0xffff  }
0x645: {  	v6 =	vadd.s32 $0x18, v55;
	[tilespmem:s25+$0xD0] =	vst v19;
	v22 =	vld.idx.msk [tilespmem:v63+s10+$0x0], $0xffff  }
0x646: {  	v5 =	vadd.s32 $0x18, v54;
	v10 =	vld.idx.msk [tilespmem:v21+s10+$0x0], $0xffff  }
0x647: {  	v8 =	vadd.s32 $0x18, v8  }
0x648: {  	[tilespmem:s25+$0x350] =	vst v20  }
0x649: {  	v7 =	vld.idx.msk [tilespmem:v7+s10+$0x0], $0xffff;
	[tilespmem:s25+$0xFFFFFF50] =	vst v23  }
0x64a: {  	[tilespmem:s25+$0xFFFFFD50] =	vst v22;
	v6 =	vld.idx.msk [tilespmem:v6+s10+$0x0], $0xffff  }
0x64b: {  	[tilespmem:s25+$0x150] =	vst v10;
	v5 =	vld.idx.msk [tilespmem:v5+s10+$0x0], $0xffff  }
0x64c: {  	v24 =	vld.idx.msk [tilespmem:v8+s10+$0x0], $0xffff;
	_ =	sdelay $0x1  }
0x64d: {  	[tilespmem:s25+$0x3D0] =	vst v7  }
0x64e: {  	v25 =	vld [tilespmem:s23+$0xE0];
	[tilespmem:s25+$0xFFFFFFD0] =	vst v6  }
0x64f: {  	[tilespmem:s25+$0xFFFFFDD0] =	vst v5;
	v6 =	vld [tilespmem:s23+$0xFFFFFFE0]  }
0x650: {  	[tilespmem:s25+$0x1D0] =	vst v24;
	v5 =	vld [tilespmem:s23+$0xFFFFFF60]  }
0x651: {  	v7 =	vld [tilespmem:s23+$0x60];
	_ =	sdelay $0x4  }
0x652: {  	v26 =	vld.idx.msk [tilespmem:v25+s10+$0x0], $0xffff  }
0x653: {  	v27 =	vadd.s32 $0x8, v25;
	v30 =	vld.idx.msk [tilespmem:v6+s10+$0x0], $0xffff  }
0x654: {  	v31 =	vadd.s32 $0x8, v6;
	v28 =	vld.idx.msk [tilespmem:v5+s10+$0x0], $0xffff  }
0x655: {  	v29 =	vadd.s32 $0x8, v5;
	v32 =	vld.idx.msk [tilespmem:v7+s10+$0x0], $0xffff  }
0x656: {  	v33 =	vadd.s32 $0x8, v7  }
0x657: {  	[tilespmem:s25+$0x260] =	vst v26  }
0x658: {  	v10 =	vld.idx.msk [tilespmem:v27+s10+$0x0], $0xffff;
	[tilespmem:s25+$0xFFFFFE60] =	vst v30  }
0x659: {  	v34 =	vadd.s32 $0x10, v25;
	[tilespmem:s25+$0xFFFFFC60] =	vst v28;
	v9 =	vld.idx.msk [tilespmem:v31+s10+$0x0], $0xffff  }
0x65a: {  	v36 =	vadd.s32 $0x10, v6;
	[tilespmem:s25+$0x60] =	vst v32;
	v11 =	vld.idx.msk [tilespmem:v29+s10+$0x0], $0xffff  }
0x65b: {  	v35 =	vadd.s32 $0x10, v5;
	v37 =	vld.idx.msk [tilespmem:v33+s10+$0x0], $0xffff  }
0x65c: {  	v39 =	vadd.s32 $0x10, v7  }
0x65d: {  	[tilespmem:s25+$0x2E0] =	vst v10  }
0x65e: {  	v38 =	vld.idx.msk [tilespmem:v34+s10+$0x0], $0xffff;
	[tilespmem:s25+$0xFFFFFEE0] =	vst v9  }
0x65f: {  	v8 =	vadd.s32 $0x18, v25;
	[tilespmem:s25+$0xFFFFFCE0] =	vst v11;
	v10 =	vld.idx.msk [tilespmem:v36+s10+$0x0], $0xffff  }
0x660: {  	v6 =	vadd.s32 $0x18, v6;
	[tilespmem:s25+$0xE0] =	vst v37;
	v40 =	vld.idx.msk [tilespmem:v35+s10+$0x0], $0xffff  }
0x661: {  	v5 =	vadd.s32 $0x18, v5;
	v41 =	vld.idx.msk [tilespmem:v39+s10+$0x0], $0xffff  }
0x662: {  	v7 =	vadd.s32 $0x18, v7  }
0x663: {  	[tilespmem:s25+$0x360] =	vst v38  }
0x664: {  	v8 =	vld.idx.msk [tilespmem:v8+s10+$0x0], $0xffff;
	[tilespmem:s25+$0xFFFFFF60] =	vst v10  }
0x665: {  	[tilespmem:s25+$0xFFFFFD60] =	vst v40;
	v6 =	vld.idx.msk [tilespmem:v6+s10+$0x0], $0xffff  }
0x666: {  	[tilespmem:s25+$0x160] =	vst v41;
	v5 =	vld.idx.msk [tilespmem:v5+s10+$0x0], $0xffff  }
0x667: {  	v7 =	vld.idx.msk [tilespmem:v7+s10+$0x0], $0xffff;
	_ =	sdelay $0x1  }
0x668: {  	[tilespmem:s25+$0x3E0] =	vst v8  }
0x669: {  	v8 =	vld [tilespmem:s23+$0xF0];
	[tilespmem:s25+$0xFFFFFFE0] =	vst v6  }
0x66a: {  	[tilespmem:s25+$0xFFFFFDE0] =	vst v5;
	v6 =	vld [tilespmem:s23+$0xFFFFFFF0]  }
0x66b: {  	[tilespmem:s25+$0x1E0] =	vst v7;
	v5 =	vld [tilespmem:s23+$0xFFFFFF70]  }
0x66c: {  	v7 =	vld [tilespmem:s23+$0x70];
	_ =	sdelay $0x4  }
0x66d: {  	v42 =	vld.idx.msk [tilespmem:v8+s10+$0x0], $0xffff  }
0x66e: {  	v43 =	vadd.s32 $0x8, v8;
	v46 =	vld.idx.msk [tilespmem:v6+s10+$0x0], $0xffff  }
0x66f: {  	v47 =	vadd.s32 $0x8, v6;
	v44 =	vld.idx.msk [tilespmem:v5+s10+$0x0], $0xffff  }
0x670: {  	v45 =	vadd.s32 $0x8, v5;
	v48 =	vld.idx.msk [tilespmem:v7+s10+$0x0], $0xffff  }
0x671: {  	v49 =	vadd.s32 $0x8, v7  }
0x672: {  	[tilespmem:s25+$0x270] =	vst v42  }
0x673: {  	v10 =	vld.idx.msk [tilespmem:v43+s10+$0x0], $0xffff;
	[tilespmem:s25+$0xFFFFFE70] =	vst v46  }
0x674: {  	v50 =	vadd.s32 $0x10, v8;
	[tilespmem:s25+$0xFFFFFC70] =	vst v44;
	v9 =	vld.idx.msk [tilespmem:v47+s10+$0x0], $0xffff  }
0x675: {  	v52 =	vadd.s32 $0x10, v6;
	[tilespmem:s25+$0x70] =	vst v48;
	v11 =	vld.idx.msk [tilespmem:v45+s10+$0x0], $0xffff  }
0x676: {  	v51 =	vadd.s32 $0x10, v5;
	v53 =	vld.idx.msk [tilespmem:v49+s10+$0x0], $0xffff  }
0x677: {  	[tilespmem:s22+$0xFFFFFF70] =	vst v4;
	v55 =	vadd.s32 $0x10, v7  }
0x678: {  	[tilespmem:s25+$0x2F0] =	vst v10  }
0x679: {  	v54 =	vld.idx.msk [tilespmem:v50+s10+$0x0], $0xffff;
	[tilespmem:s25+$0xFFFFFEF0] =	vst v9  }
0x67a: {  	v56 =	vadd.s32 $0x18, v8;
	[tilespmem:s25+$0xFFFFFCF0] =	vst v11;
	v9 =	vld.idx.msk [tilespmem:v52+s10+$0x0], $0xffff  }
0x67b: {  	v6 =	vadd.s32 $0x18, v6;
	[tilespmem:s25+$0xF0] =	vst v53;
	v57 =	vld.idx.msk [tilespmem:v51+s10+$0x0], $0xffff  }
0x67c: {  	[tilespmem:s22+$0x170] =	vst v2;
	v5 =	vadd.s32 $0x18, v5;
	v58 =	vld.idx.msk [tilespmem:v55+s10+$0x0], $0xffff  }
0x67d: {  	v0 =	vld.idx.msk [tilespmem:v0+s10+$0x0], $0xffff;
	[tilespmem:s22+$0xFFFFFDF0] =	vst v3;
	v60 =	vadd.s32 $0x18, v7  }
0x67e: {  	v1 =	vld.idx.msk [tilespmem:v1+s10+$0x0], $0xffff;
	[tilespmem:s25+$0x370] =	vst v54  }
0x67f: {  	v59 =	vld.idx.msk [tilespmem:v56+s10+$0x0], $0xffff;
	[tilespmem:s25+$0xFFFFFF70] =	vst v9  }
0x680: {  	[tilespmem:s25+$0xFFFFFD70] =	vst v57;
	v62 =	vld.idx.msk [tilespmem:v6+s10+$0x0], $0xffff  }
0x681: {  	[tilespmem:s25+$0x170] =	vst v58;
	v61 =	vld.idx.msk [tilespmem:v5+s10+$0x0], $0xffff  }
0x682: {  	[tilespmem:s22+$0xFFFFFFF0] =	vst v0;
	v63 =	vld.idx.msk [tilespmem:v60+s10+$0x0], $0xffff  }
0x683: {  	[tilespmem:s22+$0x1F0] =	vst v1  }
0x684: {  	[tilespmem:s25+$0x3F0] =	vst v59  }
0x685: {  	[tilespmem:s25+$0xFFFFFFF0] =	vst v62  }
0x686: {  	[tilespmem:s25+$0xFFFFFDF0] =	vst v61  }
0x687: {  	s21 =	sadd.s32 $0x1, s21;
	[tilespmem:s25+$0x1F0] =	vst v63  }
0x688: {  	[hbm4b:s8+s4] =	stream.linear.scatter [tilespmem:s16], [sflag:$0x3], $0x4000, $0x38;
	[tilespmem:$0xA080] =	vst v63  }
0x689: {  	p0 =	sne.s32 s21, s9;
	_ =	swait.ge [sflag:s20], $0x4000  }
.Ltmp4:
0x68a: {  	[sflag:s20] =	ssyncset.done $0x0;
	(pc) =	sbr.rel @p0 .LBB2_1-.Ltmp4, $4  }
0x68b: {  	[sflag:s20] =	ssyncadd.s32 $0xFFFFC000  }
0x68c: {  	_ =	swait.ge [sflag:s19], $0x4000  }
0x68d: {  	[sflag:s19] =	ssyncset.done $0x0  }
0x68e: {  	[sflag:s19] =	ssyncadd.s32 $0xFFFFC000  }
0x68f: {  	_ =	sfence.sel $0x180000  }
0x690: {  	[bflag:$0x0] =	sbarrier.arrive $0xFFFF  }
0x691: {  	_ =	strace $0x90000047  }
0x692: {  	[bflag:$0x2] =	sbarrier.arrive $0xFFFF  }
0x693: {  	p0 =	sne.s32 s0, $0x0;
	s0 =	rddreg [dreg:$0x3]  }
0x694: {  	s0 =	sadd.s32 @!p0 $0x100000, s0  }
0x695: {  	[sflag:s0] =	ssyncadd.tile.s32 @!p0 $0x1;
	_ =	shalt  }
.Lfunc_end2:
_tile_overlayer_lowered:
.L_overlay_start_2:
0x696: {  	(tag) =	ssettag $0x2  }
0x697: {  	s0 =	rddreg [dreg:$0x0];
	s2 =	stileid.u32  }
0x698: {  	s1 =	rddreg [dreg:$0x1];
	p0 =	sne.s32 s2, $0x0  }
0x699: {  	s3 =	rddreg [dreg:$0x2];
	[bflag:$0x3] =	sbarrier.arrive $0xFFFF;
	s2 =	simm.s32 @!p0 $0x1C05  }
0x69a: {  	[timem:s3], [sflag:s2] =	dma.local @!p0 [hbm:s0], s1  }
0x69b: {  	s0 =	simm.s32 @!p0 $0x5  }
0x69c: {  	_ =	swait.ge @!p0 [sflag:s0], s1  }
0x69d: {  	s1 =	ssub.s32 @!p0 $0x0, s1;
	[sflag:s0] =	ssyncset.done @!p0 $0x0  }
0x69e: {  	[sflag:s0] =	ssyncadd.s32 @!p0 s1  }
0x69f: {  	[bflag:$0x3] =	sbarrier.arrive $0xFFFF  }
0x6a0: {  	_ =	shalt  }

</sc_bundles>
